<compile_context>
chip_gen: v7x
topology: tpu7x:2x2x1
jax: 0.10.2.dev20260603
libtpu: 0.0.44.dev20260713+nightly
codegen_flags: <defaults>
</compile_context>

<pallas_src>
import functools

import jax
import jax.numpy as jnp
from jax import lax
from jax.experimental import pallas as pl
from jax.experimental.pallas import tpu as pltpu
from jax.experimental.pallas import tpu_sc as plsc

N = 10000
E = 320000
D = 128
C = 10

NC = 2
NS = 16
NW = NC * NS
EPT = E // NW
CH = 40
NCHUNK = EPT // CH
NBUF = 5
NGROUP = NCHUNK // NBUF
NP = 10240
ZROWS = 64
RPS = NP // NS


GSZ = NBUF * CH


def _stage(ei_hbm, sidx, didx, isem, wid, g):
    p = lax.rem(g, 3)
    base = wid * EPT + g * GSZ
    ds = [pltpu.make_async_copy(ei_hbm.at[pl.ds(base, GSZ)],
                                sidx.at[pl.ds(p * GSZ, GSZ)], isem.at[p])]
    for j in range(NBUF):
        ds.append(pltpu.make_async_copy(
            ei_hbm.at[pl.ds(E + base + j * CH, CH)], didx.at[p, j],
            isem.at[p]))
    return ds


def _agg_body(h_hbm, ei_hbm, out_hbm, sidx, didx, rows, zbuf, agg,
              gsem, isem):
    cid = lax.axis_index("c")
    sid = lax.axis_index("s")
    wid = cid * NS + sid

    base0 = wid * EPT
    pltpu.sync_copy(ei_hbm.at[pl.ds(base0, GSZ)], sidx.at[pl.ds(0, GSZ)])
    for j in range(NBUF):
        pltpu.sync_copy(ei_hbm.at[pl.ds(E + base0 + j * CH, CH)],
                        didx.at[0, j])
    for d in _stage(ei_hbm, sidx, didx, isem, wid, 1):
        d.start()

    for j in range(NBUF):
        pltpu.async_copy(h_hbm.at[sidx.at[pl.ds(j * CH, CH)]],
                         rows.at[j], gsem.at[j])

    def zrow(i, carry):
        for q in range(D // 16):
            zbuf[i, pl.ds(q * 16, 16)] = jnp.zeros((16,), jnp.float32)
        return carry

    lax.fori_loop(0, ZROWS, zrow, 0)
    for k in range(RPS // ZROWS):
        pltpu.sync_copy(zbuf, agg.at[pl.ds(sid * RPS + k * ZROWS, ZROWS)])
    plsc.subcore_barrier()

    def group(g, carry):
        p = lax.rem(g, 3)
        pn = lax.rem(g + 1, 3)

        @pl.when(g + 1 < NGROUP)
        def _():
            for d in _stage(ei_hbm, sidx, didx, isem, wid, g + 1):
                d.wait()

        @pl.when(g + 2 < NGROUP)
        def _():
            for d in _stage(ei_hbm, sidx, didx, isem, wid, g + 2):
                d.start()

        for j in range(NBUF):
            pltpu.make_async_copy(
                h_hbm.at[sidx.at[pl.ds(p * GSZ + j * CH, CH)]], rows.at[j],
                gsem.at[j]).wait()
            pltpu.sync_copy(rows.at[j], agg.at[didx.at[p, j]], add=True)

            @pl.when(g + 1 < NGROUP)
            def _():
                pltpu.async_copy(
                    h_hbm.at[sidx.at[pl.ds(pn * GSZ + j * CH, CH)]],
                    rows.at[j], gsem.at[j])
        return carry

    lax.fori_loop(0, NGROUP, group, 0)
    plsc.subcore_barrier()

    pltpu.sync_copy(agg.at[pl.ds(sid * RPS, RPS)],
                    out_hbm.at[cid, pl.ds(sid * RPS, RPS)])


_sc_aggregate = functools.partial(
    pl.kernel,
    mesh=plsc.VectorSubcoreMesh(core_axis_name="c", subcore_axis_name="s"),
    out_type=jax.ShapeDtypeStruct((NC, NP, D), jnp.float32),
    scratch_types=[
        pltpu.VMEM((3 * GSZ,), jnp.int32),
        pltpu.VMEM((3, NBUF, CH), jnp.int32),
        pltpu.VMEM((NBUF, CH, D), jnp.float32),
        pltpu.VMEM((ZROWS, D), jnp.float32),
        pltpu.VMEM_SHARED((NP, D), jnp.float32),
        pltpu.SemaphoreType.DMA((NBUF,)),
        pltpu.SemaphoreType.DMA((3,)),
    ],
)(_agg_body)


BR = 1000


def _tc_layer_body(p_ref, w_ref, b_ref, o_ref):
    a = p_ref[0] + p_ref[1]
    o_ref[...] = jnp.maximum(
        jnp.dot(a, w_ref[...], preferred_element_type=jnp.float32) + b_ref[...],
        0.0,
    )


def _tc_head_body(p_ref, w2_ref, b2_ref, wh_ref, bh_ref, wo_ref, bo_ref, o_ref):
    a = p_ref[0] + p_ref[1]
    h = jnp.maximum(
        jnp.dot(a, w2_ref[...], preferred_element_type=jnp.float32) + b2_ref[...],
        0.0,
    )
    h2 = jnp.maximum(
        jnp.dot(h, wh_ref[...], preferred_element_type=jnp.float32) + bh_ref[...],
        0.0,
    )
    o_ref[...] = (
        jnp.dot(h2, wo_ref[...], preferred_element_type=jnp.float32) + bo_ref[...]
    )


def _tc_layer(p, w, b):
    return pl.pallas_call(
        _tc_layer_body,
        grid=(N // BR,),
        in_specs=[
            pl.BlockSpec((NC, BR, D), lambda i: (0, i, 0)),
            pl.BlockSpec((D, D), lambda i: (0, 0)),
            pl.BlockSpec((1, D), lambda i: (0, 0)),
        ],
        out_specs=pl.BlockSpec((BR, D), lambda i: (i, 0)),
        out_shape=jax.ShapeDtypeStruct((N, D), jnp.float32),
    )(p, w, b.reshape(1, D))


def _tc_head(p, w2, b2, wh, bh, wo, bo):
    return pl.pallas_call(
        _tc_head_body,
        grid=(N // BR,),
        in_specs=[
            pl.BlockSpec((NC, BR, D), lambda i: (0, i, 0)),
            pl.BlockSpec((D, D), lambda i: (0, 0)),
            pl.BlockSpec((1, D), lambda i: (0, 0)),
            pl.BlockSpec((D, D), lambda i: (0, 0)),
            pl.BlockSpec((1, D), lambda i: (0, 0)),
            pl.BlockSpec((D, C), lambda i: (0, 0)),
            pl.BlockSpec((1, C), lambda i: (0, 0)),
        ],
        out_specs=pl.BlockSpec((BR, C), lambda i: (i, 0)),
        out_shape=jax.ShapeDtypeStruct((N, C), jnp.float32),
    )(p, w2, b2.reshape(1, D), wh, bh.reshape(1, D), wo, bo.reshape(1, C))


def kernel(x, edge_index, W1, b1, W2, b2, Wh, bh, Wo, bo):
    ei = edge_index.reshape(2 * E)
    p1 = _sc_aggregate(x, ei)
    h1 = _tc_layer(p1, W1, b1)
    p2 = _sc_aggregate(h1, ei)
    return _tc_head(p2, W2, b2, Wh, bh, Wo, bo)

# --- scband reference (transcript-rebuilt; emitter-appended) ---
"""Pipeline reference for scband-account-classification-2723009266053 (READ-ONLY COPY).

The authoritative reference and input builder live on the scoring server;
editing this copy changes nothing except your own understanding.
"""

import jax, jax.numpy as jnp
import numpy as np

N = 10000
E = 320000
D = 128
C = 10


def setup_inputs(seed: int = 0) -> dict:
    key = jax.random.key(seed)
    ks = jax.random.split(key, 12)
    x = jax.random.normal(ks[0], (N, D), dtype=jnp.float32)
    edge_index = jax.random.randint(ks[1], (2, E), 0, N, dtype=jnp.int32)
    s = 1.0 / np.sqrt(D)
    W1 = jax.random.normal(ks[2], (D, D), dtype=jnp.float32) * s
    b1 = jnp.zeros((D,), dtype=jnp.float32)
    W2 = jax.random.normal(ks[3], (D, D), dtype=jnp.float32) * s
    b2 = jnp.zeros((D,), dtype=jnp.float32)
    Wh = jax.random.normal(ks[4], (D, D), dtype=jnp.float32) * s
    bh = jnp.zeros((D,), dtype=jnp.float32)
    Wo = jax.random.normal(ks[5], (D, C), dtype=jnp.float32) * s
    bo = jnp.zeros((C,), dtype=jnp.float32)
    return {"x": x, "edge_index": edge_index, "W1": W1, "b1": b1, "W2": W2, "b2": b2, "Wh": Wh, "bh": bh, "Wo": Wo, "bo": bo}


def reference(x, edge_index, W1, b1, W2, b2, Wh, bh, Wo, bo):
    # GraphConvolutionalNN: num_layers=2 message-passing layers
    src = edge_index[0]
    dst = edge_index[1]
    h = x
    for W, b in ((W1, b1), (W2, b2)):
        msgs = jnp.take(h, src, axis=0)                      # gather neighbor features
        agg = jax.ops.segment_sum(msgs, dst, num_segments=N)  # scatter-add to dst nodes
        h = jax.nn.relu(agg @ W + b)
    # TransferLearning head: MLP classifier on graph embeddings
    h2 = jax.nn.relu(h @ Wh + bh)
    out = h2 @ Wo + bo
    return out

if __name__ == "__main__":
    import jax
    _d = setup_inputs()
    print(jax.jit(kernel)(*tuple(_d.values())))

</pallas_src>

<mosaic_0001>
#map = affine_map<(d0, d1) -> (0, 0)>
#map1 = affine_map<(d0, d1) -> (0)>
#map2 = affine_map<(d0, d1) -> (0, 0, 0)>
module attributes {stable_mosaic.version = 14 : i64} {
  func.func @_agg_body(%arg0: i32, %arg1: i32, %arg2: memref<10000x128xf32, #tpu.memory_space<hbm>>, %arg3: memref<640000xi32, #tpu.memory_space<hbm>>, %arg4: memref<2x10240x128xf32, #tpu.memory_space<hbm>>, %arg5: memref<600xi32, #tpu.memory_space<vmem>>, %arg6: memref<3x5x40xi32, #tpu.memory_space<vmem>>, %arg7: memref<5x40x128xf32, #tpu.memory_space<vmem>>, %arg8: memref<64x128xf32, #tpu.memory_space<vmem>>, %arg9: memref<10240x128xf32, #tpu.memory_space<vmem_shared>>, %arg10: memref<5x!tpu.dma_semaphore, #tpu.memory_space<semaphore_mem>>, %arg11: memref<3x!tpu.dma_semaphore, #tpu.memory_space<semaphore_mem>>) attributes {dimension_semantics = [#tpu.dimension_semantics<core_parallel>, #tpu.dimension_semantics<subcore_parallel>], iteration_bounds = array<i64: 2, 16>, scalar_prefetch = 0 : i64, scratch_operands = 7 : i64, tpu.core_type = #tpu.core_type<sc_vector_subcore>, window_params = [{transform_indices = #map}, {transform_indices = #map1}, {transform_indices = #map2}]} {
    %mul3A = arith.constant 16 : i32
    %mul3A_0 = arith.muli %arg0, %mul3A : i32
    %add3A = arith.addi %mul3A_0, %arg1 : i32
    %mul3A_1 = arith.constant 10000 : i32
    %mul3A_2 = arith.muli %add3A, %mul3A_1 : i32
    "tpu.region"() ({
      %run_scoped3A_241 = tpu.sem_alloc : memref<!tpu.dma_semaphore, #tpu.memory_space<semaphore_mem>>
      %dma_start3A_242 = arith.constant 0 : i32
      %dma_start3A_243 = tpu.memref_slice %arg5[%dma_start3A_242] : memref<600xi32, #tpu.memory_space<vmem>> -> memref<200xi32, #tpu.memory_space<vmem>>
      %dma_start3A_244 = tpu.memref_slice %arg3[%mul3A_2] : memref<640000xi32, #tpu.memory_space<hbm>> -> memref<200xi32, #tpu.memory_space<hbm>>
      %dma_start3A_245 = arith.constant 0 : i32
      %dma_start3A_246 = tpu.memref_slice %arg5[%dma_start3A_245] : memref<600xi32, #tpu.memory_space<vmem>> -> memref<200xi32, #tpu.memory_space<vmem>>
      %dma_start3A_247 = tpu.memref_slice %arg3[%mul3A_2] : memref<640000xi32, #tpu.memory_space<hbm>> -> memref<200xi32, #tpu.memory_space<hbm>>
      tpu.enqueue_dma source(%dma_start3A_247 : memref<200xi32, #tpu.memory_space<hbm>>) target(%dma_start3A_246 : memref<200xi32, #tpu.memory_space<vmem>>) target_semaphore(%run_scoped3A_241 : memref<!tpu.dma_semaphore, #tpu.memory_space<semaphore_mem>>)
      %dma_wait3A = arith.constant 0 : i32
      %dma_wait3A_248 = tpu.memref_slice %arg5[%dma_wait3A] : memref<600xi32, #tpu.memory_space<vmem>> -> memref<200xi32, #tpu.memory_space<vmem>>
      %dma_wait3A_249 = tpu.memref_slice %arg3[%mul3A_2] : memref<640000xi32, #tpu.memory_space<hbm>> -> memref<200xi32, #tpu.memory_space<hbm>>
      %dma_wait3A_250 = arith.constant 0 : i32
      %dma_wait3A_251 = tpu.memref_slice %arg5[%dma_wait3A_250] : memref<600xi32, #tpu.memory_space<vmem>> -> memref<200xi32, #tpu.memory_space<vmem>>
      %dma_wait3A_252 = tpu.memref_slice %arg3[%mul3A_2] : memref<640000xi32, #tpu.memory_space<hbm>> -> memref<200xi32, #tpu.memory_space<hbm>>
      tpu.wait_dma2 semaphore(%run_scoped3A_241 : memref<!tpu.dma_semaphore, #tpu.memory_space<semaphore_mem>>) src(%dma_wait3A_252 : memref<200xi32, #tpu.memory_space<hbm>>) dst(%dma_wait3A_251 : memref<200xi32, #tpu.memory_space<vmem>>)
      tpu.yield
    }) : () -> ()
    %add3A_3 = arith.constant 320000 : i32
    %add3A_4 = arith.addi %add3A_3, %mul3A_2 : i32
    %add3A_5 = arith.constant 0 : i32
    %add3A_6 = arith.addi %add3A_4, %add3A_5 : i32
    %run_scoped3A = arith.constant 0 : i32
    %run_scoped3A_7 = arith.constant 0 : i32
    "tpu.region"() ({
      %run_scoped3A_241 = tpu.sem_alloc : memref<!tpu.dma_semaphore, #tpu.memory_space<semaphore_mem>>
      %dma_start3A_242 = arith.constant 0 : i32
      %dma_start3A_243 = tpu.memref_slice %arg6[%run_scoped3A, %run_scoped3A_7, %dma_start3A_242] : memref<3x5x40xi32, #tpu.memory_space<vmem>> -> memref<1x1x40xi32, #tpu.memory_space<vmem>>
      %dma_start3A_244 = tpu.memref_squeeze %dma_start3A_243 : memref<1x1x40xi32, #tpu.memory_space<vmem>> -> memref<40xi32, #tpu.memory_space<vmem>>
      %dma_start3A_245 = tpu.memref_slice %arg3[%add3A_6] : memref<640000xi32, #tpu.memory_space<hbm>> -> memref<40xi32, #tpu.memory_space<hbm>>
      %dma_start3A_246 = arith.constant 0 : i32
      %dma_start3A_247 = tpu.memref_slice %arg6[%run_scoped3A, %run_scoped3A_7, %dma_start3A_246] : memref<3x5x40xi32, #tpu.memory_space<vmem>> -> memref<1x1x40xi32, #tpu.memory_space<vmem>>
      %dma_start3A_248 = tpu.memref_squeeze %dma_start3A_247 : memref<1x1x40xi32, #tpu.memory_space<vmem>> -> memref<40xi32, #tpu.memory_space<vmem>>
      %dma_start3A_249 = tpu.memref_slice %arg3[%add3A_6] : memref<640000xi32, #tpu.memory_space<hbm>> -> memref<40xi32, #tpu.memory_space<hbm>>
      tpu.enqueue_dma source(%dma_start3A_249 : memref<40xi32, #tpu.memory_space<hbm>>) target(%dma_start3A_248 : memref<40xi32, #tpu.memory_space<vmem>>) target_semaphore(%run_scoped3A_241 : memref<!tpu.dma_semaphore, #tpu.memory_space<semaphore_mem>>)
      %dma_wait3A = arith.constant 0 : i32
      %dma_wait3A_250 = tpu.memref_slice %arg6[%run_scoped3A, %run_scoped3A_7, %dma_wait3A] : memref<3x5x40xi32, #tpu.memory_space<vmem>> -> memref<1x1x40xi32, #tpu.memory_space<vmem>>
      %dma_wait3A_251 = tpu.memref_squeeze %dma_wait3A_250 : memref<1x1x40xi32, #tpu.memory_space<vmem>> -> memref<40xi32, #tpu.memory_space<vmem>>
      %dma_wait3A_252 = tpu.memref_slice %arg3[%add3A_6] : memref<640000xi32, #tpu.memory_space<hbm>> -> memref<40xi32, #tpu.memory_space<hbm>>
      %dma_wait3A_253 = arith.constant 0 : i32
      %dma_wait3A_254 = tpu.memref_slice %arg6[%run_scoped3A, %run_scoped3A_7, %dma_wait3A_253] : memref<3x5x40xi32, #tpu.memory_space<vmem>> -> memref<1x1x40xi32, #tpu.memory_space<vmem>>
      %dma_wait3A_255 = tpu.memref_squeeze %dma_wait3A_254 : memref<1x1x40xi32, #tpu.memory_space<vmem>> -> memref<40xi32, #tpu.memory_space<vmem>>
      %dma_wait3A_256 = tpu.memref_slice %arg3[%add3A_6] : memref<640000xi32, #tpu.memory_space<hbm>> -> memref<40xi32, #tpu.memory_space<hbm>>
      tpu.wait_dma2 semaphore(%run_scoped3A_241 : memref<!tpu.dma_semaphore, #tpu.memory_space<semaphore_mem>>) src(%dma_wait3A_256 : memref<40xi32, #tpu.memory_space<hbm>>) dst(%dma_wait3A_255 : memref<40xi32, #tpu.memory_space<vmem>>)
      tpu.yield
    }) : () -> ()
    %add3A_8 = arith.constant 320000 : i32
    %add3A_9 = arith.addi %add3A_8, %mul3A_2 : i32
    %add3A_10 = arith.constant 40 : i32
    %add3A_11 = arith.addi %add3A_9, %add3A_10 : i32
    %run_scoped3A_12 = arith.constant 0 : i32
    %run_scoped3A_13 = arith.constant 1 : i32
    "tpu.region"() ({
      %run_scoped3A_241 = tpu.sem_alloc : memref<!tpu.dma_semaphore, #tpu.memory_space<semaphore_mem>>
      %dma_start3A_242 = arith.constant 0 : i32
      %dma_start3A_243 = tpu.memref_slice %arg6[%run_scoped3A_12, %run_scoped3A_13, %dma_start3A_242] : memref<3x5x40xi32, #tpu.memory_space<vmem>> -> memref<1x1x40xi32, #tpu.memory_space<vmem>>
      %dma_start3A_244 = tpu.memref_squeeze %dma_start3A_243 : memref<1x1x40xi32, #tpu.memory_space<vmem>> -> memref<40xi32, #tpu.memory_space<vmem>>
      %dma_start3A_245 = tpu.memref_slice %arg3[%add3A_11] : memref<640000xi32, #tpu.memory_space<hbm>> -> memref<40xi32, #tpu.memory_space<hbm>>
      %dma_start3A_246 = arith.constant 0 : i32
      %dma_start3A_247 = tpu.memref_slice %arg6[%run_scoped3A_12, %run_scoped3A_13, %dma_start3A_246] : memref<3x5x40xi32, #tpu.memory_space<vmem>> -> memref<1x1x40xi32, #tpu.memory_space<vmem>>
      %dma_start3A_248 = tpu.memref_squeeze %dma_start3A_247 : memref<1x1x40xi32, #tpu.memory_space<vmem>> -> memref<40xi32, #tpu.memory_space<vmem>>
      %dma_start3A_249 = tpu.memref_slice %arg3[%add3A_11] : memref<640000xi32, #tpu.memory_space<hbm>> -> memref<40xi32, #tpu.memory_space<hbm>>
      tpu.enqueue_dma source(%dma_start3A_249 : memref<40xi32, #tpu.memory_space<hbm>>) target(%dma_start3A_248 : memref<40xi32, #tpu.memory_space<vmem>>) target_semaphore(%run_scoped3A_241 : memref<!tpu.dma_semaphore, #tpu.memory_space<semaphore_mem>>)
      %dma_wait3A = arith.constant 0 : i32
      %dma_wait3A_250 = tpu.memref_slice %arg6[%run_scoped3A_12, %run_scoped3A_13, %dma_wait3A] : memref<3x5x40xi32, #tpu.memory_space<vmem>> -> memref<1x1x40xi32, #tpu.memory_space<vmem>>
      %dma_wait3A_251 = tpu.memref_squeeze %dma_wait3A_250 : memref<1x1x40xi32, #tpu.memory_space<vmem>> -> memref<40xi32, #tpu.memory_space<vmem>>
      %dma_wait3A_252 = tpu.memref_slice %arg3[%add3A_11] : memref<640000xi32, #tpu.memory_space<hbm>> -> memref<40xi32, #tpu.memory_space<hbm>>
      %dma_wait3A_253 = arith.constant 0 : i32
      %dma_wait3A_254 = tpu.memref_slice %arg6[%run_scoped3A_12, %run_scoped3A_13, %dma_wait3A_253] : memref<3x5x40xi32, #tpu.memory_space<vmem>> -> memref<1x1x40xi32, #tpu.memory_space<vmem>>
      %dma_wait3A_255 = tpu.memref_squeeze %dma_wait3A_254 : memref<1x1x40xi32, #tpu.memory_space<vmem>> -> memref<40xi32, #tpu.memory_space<vmem>>
      %dma_wait3A_256 = tpu.memref_slice %arg3[%add3A_11] : memref<640000xi32, #tpu.memory_space<hbm>> -> memref<40xi32, #tpu.memory_space<hbm>>
      tpu.wait_dma2 semaphore(%run_scoped3A_241 : memref<!tpu.dma_semaphore, #tpu.memory_space<semaphore_mem>>) src(%dma_wait3A_256 : memref<40xi32, #tpu.memory_space<hbm>>) dst(%dma_wait3A_255 : memref<40xi32, #tpu.memory_space<vmem>>)
      tpu.yield
    }) : () -> ()
    %add3A_14 = arith.constant 320000 : i32
    %add3A_15 = arith.addi %add3A_14, %mul3A_2 : i32
    %add3A_16 = arith.constant 80 : i32
    %add3A_17 = arith.addi %add3A_15, %add3A_16 : i32
    %run_scoped3A_18 = arith.constant 0 : i32
    %run_scoped3A_19 = arith.constant 2 : i32
    "tpu.region"() ({
      %run_scoped3A_241 = tpu.sem_alloc : memref<!tpu.dma_semaphore, #tpu.memory_space<semaphore_mem>>
      %dma_start3A_242 = arith.constant 0 : i32
      %dma_start3A_243 = tpu.memref_slice %arg6[%run_scoped3A_18, %run_scoped3A_19, %dma_start3A_242] : memref<3x5x40xi32, #tpu.memory_space<vmem>> -> memref<1x1x40xi32, #tpu.memory_space<vmem>>
      %dma_start3A_244 = tpu.memref_squeeze %dma_start3A_243 : memref<1x1x40xi32, #tpu.memory_space<vmem>> -> memref<40xi32, #tpu.memory_space<vmem>>
      %dma_start3A_245 = tpu.memref_slice %arg3[%add3A_17] : memref<640000xi32, #tpu.memory_space<hbm>> -> memref<40xi32, #tpu.memory_space<hbm>>
      %dma_start3A_246 = arith.constant 0 : i32
      %dma_start3A_247 = tpu.memref_slice %arg6[%run_scoped3A_18, %run_scoped3A_19, %dma_start3A_246] : memref<3x5x40xi32, #tpu.memory_space<vmem>> -> memref<1x1x40xi32, #tpu.memory_space<vmem>>
      %dma_start3A_248 = tpu.memref_squeeze %dma_start3A_247 : memref<1x1x40xi32, #tpu.memory_space<vmem>> -> memref<40xi32, #tpu.memory_space<vmem>>
      %dma_start3A_249 = tpu.memref_slice %arg3[%add3A_17] : memref<640000xi32, #tpu.memory_space<hbm>> -> memref<40xi32, #tpu.memory_space<hbm>>
      tpu.enqueue_dma source(%dma_start3A_249 : memref<40xi32, #tpu.memory_space<hbm>>) target(%dma_start3A_248 : memref<40xi32, #tpu.memory_space<vmem>>) target_semaphore(%run_scoped3A_241 : memref<!tpu.dma_semaphore, #tpu.memory_space<semaphore_mem>>)
      %dma_wait3A = arith.constant 0 : i32
      %dma_wait3A_250 = tpu.memref_slice %arg6[%run_scoped3A_18, %run_scoped3A_19, %dma_wait3A] : memref<3x5x40xi32, #tpu.memory_space<vmem>> -> memref<1x1x40xi32, #tpu.memory_space<vmem>>
      %dma_wait3A_251 = tpu.memref_squeeze %dma_wait3A_250 : memref<1x1x40xi32, #tpu.memory_space<vmem>> -> memref<40xi32, #tpu.memory_space<vmem>>
      %dma_wait3A_252 = tpu.memref_slice %arg3[%add3A_17] : memref<640000xi32, #tpu.memory_space<hbm>> -> memref<40xi32, #tpu.memory_space<hbm>>
      %dma_wait3A_253 = arith.constant 0 : i32
      %dma_wait3A_254 = tpu.memref_slice %arg6[%run_scoped3A_18, %run_scoped3A_19, %dma_wait3A_253] : memref<3x5x40xi32, #tpu.memory_space<vmem>> -> memref<1x1x40xi32, #tpu.memory_space<vmem>>
      %dma_wait3A_255 = tpu.memref_squeeze %dma_wait3A_254 : memref<1x1x40xi32, #tpu.memory_space<vmem>> -> memref<40xi32, #tpu.memory_space<vmem>>
      %dma_wait3A_256 = tpu.memref_slice %arg3[%add3A_17] : memref<640000xi32, #tpu.memory_space<hbm>> -> memref<40xi32, #tpu.memory_space<hbm>>
      tpu.wait_dma2 semaphore(%run_scoped3A_241 : memref<!tpu.dma_semaphore, #tpu.memory_space<semaphore_mem>>) src(%dma_wait3A_256 : memref<40xi32, #tpu.memory_space<hbm>>) dst(%dma_wait3A_255 : memref<40xi32, #tpu.memory_space<vmem>>)
      tpu.yield
    }) : () -> ()
    %add3A_20 = arith.constant 320000 : i32
    %add3A_21 = arith.addi %add3A_20, %mul3A_2 : i32
    %add3A_22 = arith.constant 120 : i32
    %add3A_23 = arith.addi %add3A_21, %add3A_22 : i32
    %run_scoped3A_24 = arith.constant 0 : i32
    %run_scoped3A_25 = arith.constant 3 : i32
    "tpu.region"() ({
      %run_scoped3A_241 = tpu.sem_alloc : memref<!tpu.dma_semaphore, #tpu.memory_space<semaphore_mem>>
      %dma_start3A_242 = arith.constant 0 : i32
      %dma_start3A_243 = tpu.memref_slice %arg6[%run_scoped3A_24, %run_scoped3A_25, %dma_start3A_242] : memref<3x5x40xi32, #tpu.memory_space<vmem>> -> memref<1x1x40xi32, #tpu.memory_space<vmem>>
      %dma_start3A_244 = tpu.memref_squeeze %dma_start3A_243 : memref<1x1x40xi32, #tpu.memory_space<vmem>> -> memref<40xi32, #tpu.memory_space<vmem>>
      %dma_start3A_245 = tpu.memref_slice %arg3[%add3A_23] : memref<640000xi32, #tpu.memory_space<hbm>> -> memref<40xi32, #tpu.memory_space<hbm>>
      %dma_start3A_246 = arith.constant 0 : i32
      %dma_start3A_247 = tpu.memref_slice %arg6[%run_scoped3A_24, %run_scoped3A_25, %dma_start3A_246] : memref<3x5x40xi32, #tpu.memory_space<vmem>> -> memref<1x1x40xi32, #tpu.memory_space<vmem>>
      %dma_start3A_248 = tpu.memref_squeeze %dma_start3A_247 : memref<1x1x40xi32, #tpu.memory_space<vmem>> -> memref<40xi32, #tpu.memory_space<vmem>>
      %dma_start3A_249 = tpu.memref_slice %arg3[%add3A_23] : memref<640000xi32, #tpu.memory_space<hbm>> -> memref<40xi32, #tpu.memory_space<hbm>>
      tpu.enqueue_dma source(%dma_start3A_249 : memref<40xi32, #tpu.memory_space<hbm>>) target(%dma_start3A_248 : memref<40xi32, #tpu.memory_space<vmem>>) target_semaphore(%run_scoped3A_241 : memref<!tpu.dma_semaphore, #tpu.memory_space<semaphore_mem>>)
      %dma_wait3A = arith.constant 0 : i32
      %dma_wait3A_250 = tpu.memref_slice %arg6[%run_scoped3A_24, %run_scoped3A_25, %dma_wait3A] : memref<3x5x40xi32, #tpu.memory_space<vmem>> -> memref<1x1x40xi32, #tpu.memory_space<vmem>>
      %dma_wait3A_251 = tpu.memref_squeeze %dma_wait3A_250 : memref<1x1x40xi32, #tpu.memory_space<vmem>> -> memref<40xi32, #tpu.memory_space<vmem>>
      %dma_wait3A_252 = tpu.memref_slice %arg3[%add3A_23] : memref<640000xi32, #tpu.memory_space<hbm>> -> memref<40xi32, #tpu.memory_space<hbm>>
      %dma_wait3A_253 = arith.constant 0 : i32
      %dma_wait3A_254 = tpu.memref_slice %arg6[%run_scoped3A_24, %run_scoped3A_25, %dma_wait3A_253] : memref<3x5x40xi32, #tpu.memory_space<vmem>> -> memref<1x1x40xi32, #tpu.memory_space<vmem>>
      %dma_wait3A_255 = tpu.memref_squeeze %dma_wait3A_254 : memref<1x1x40xi32, #tpu.memory_space<vmem>> -> memref<40xi32, #tpu.memory_space<vmem>>
      %dma_wait3A_256 = tpu.memref_slice %arg3[%add3A_23] : memref<640000xi32, #tpu.memory_space<hbm>> -> memref<40xi32, #tpu.memory_space<hbm>>
      tpu.wait_dma2 semaphore(%run_scoped3A_241 : memref<!tpu.dma_semaphore, #tpu.memory_space<semaphore_mem>>) src(%dma_wait3A_256 : memref<40xi32, #tpu.memory_space<hbm>>) dst(%dma_wait3A_255 : memref<40xi32, #tpu.memory_space<vmem>>)
      tpu.yield
    }) : () -> ()
    %add3A_26 = arith.constant 320000 : i32
    %add3A_27 = arith.addi %add3A_26, %mul3A_2 : i32
    %add3A_28 = arith.constant 160 : i32
    %add3A_29 = arith.addi %add3A_27, %add3A_28 : i32
    %run_scoped3A_30 = arith.constant 0 : i32
    %run_scoped3A_31 = arith.constant 4 : i32
    "tpu.region"() ({
      %run_scoped3A_241 = tpu.sem_alloc : memref<!tpu.dma_semaphore, #tpu.memory_space<semaphore_mem>>
      %dma_start3A_242 = arith.constant 0 : i32
      %dma_start3A_243 = tpu.memref_slice %arg6[%run_scoped3A_30, %run_scoped3A_31, %dma_start3A_242] : memref<3x5x40xi32, #tpu.memory_space<vmem>> -> memref<1x1x40xi32, #tpu.memory_space<vmem>>
      %dma_start3A_244 = tpu.memref_squeeze %dma_start3A_243 : memref<1x1x40xi32, #tpu.memory_space<vmem>> -> memref<40xi32, #tpu.memory_space<vmem>>
      %dma_start3A_245 = tpu.memref_slice %arg3[%add3A_29] : memref<640000xi32, #tpu.memory_space<hbm>> -> memref<40xi32, #tpu.memory_space<hbm>>
      %dma_start3A_246 = arith.constant 0 : i32
      %dma_start3A_247 = tpu.memref_slice %arg6[%run_scoped3A_30, %run_scoped3A_31, %dma_start3A_246] : memref<3x5x40xi32, #tpu.memory_space<vmem>> -> memref<1x1x40xi32, #tpu.memory_space<vmem>>
      %dma_start3A_248 = tpu.memref_squeeze %dma_start3A_247 : memref<1x1x40xi32, #tpu.memory_space<vmem>> -> memref<40xi32, #tpu.memory_space<vmem>>
      %dma_start3A_249 = tpu.memref_slice %arg3[%add3A_29] : memref<640000xi32, #tpu.memory_space<hbm>> -> memref<40xi32, #tpu.memory_space<hbm>>
      tpu.enqueue_dma source(%dma_start3A_249 : memref<40xi32, #tpu.memory_space<hbm>>) target(%dma_start3A_248 : memref<40xi32, #tpu.memory_space<vmem>>) target_semaphore(%run_scoped3A_241 : memref<!tpu.dma_semaphore, #tpu.memory_space<semaphore_mem>>)
      %dma_wait3A = arith.constant 0 : i32
      %dma_wait3A_250 = tpu.memref_slice %arg6[%run_scoped3A_30, %run_scoped3A_31, %dma_wait3A] : memref<3x5x40xi32, #tpu.memory_space<vmem>> -> memref<1x1x40xi32, #tpu.memory_space<vmem>>
      %dma_wait3A_251 = tpu.memref_squeeze %dma_wait3A_250 : memref<1x1x40xi32, #tpu.memory_space<vmem>> -> memref<40xi32, #tpu.memory_space<vmem>>
      %dma_wait3A_252 = tpu.memref_slice %arg3[%add3A_29] : memref<640000xi32, #tpu.memory_space<hbm>> -> memref<40xi32, #tpu.memory_space<hbm>>
      %dma_wait3A_253 = arith.constant 0 : i32
      %dma_wait3A_254 = tpu.memref_slice %arg6[%run_scoped3A_30, %run_scoped3A_31, %dma_wait3A_253] : memref<3x5x40xi32, #tpu.memory_space<vmem>> -> memref<1x1x40xi32, #tpu.memory_space<vmem>>
      %dma_wait3A_255 = tpu.memref_squeeze %dma_wait3A_254 : memref<1x1x40xi32, #tpu.memory_space<vmem>> -> memref<40xi32, #tpu.memory_space<vmem>>
      %dma_wait3A_256 = tpu.memref_slice %arg3[%add3A_29] : memref<640000xi32, #tpu.memory_space<hbm>> -> memref<40xi32, #tpu.memory_space<hbm>>
      tpu.wait_dma2 semaphore(%run_scoped3A_241 : memref<!tpu.dma_semaphore, #tpu.memory_space<semaphore_mem>>) src(%dma_wait3A_256 : memref<40xi32, #tpu.memory_space<hbm>>) dst(%dma_wait3A_255 : memref<40xi32, #tpu.memory_space<vmem>>)
      tpu.yield
    }) : () -> ()
    %rem3A = arith.constant 1 : i32
    %rem3A_32 = arith.constant 3 : i32
    %rem3A_33 = arith.remsi %rem3A, %rem3A_32 : i32
    %mul3A_34 = arith.constant 10000 : i32
    %mul3A_35 = arith.muli %add3A, %mul3A_34 : i32
    %add3A_36 = arith.constant 200 : i32
    %add3A_37 = arith.addi %mul3A_35, %add3A_36 : i32
    %mul3A_38 = arith.constant 200 : i32
    %mul3A_39 = arith.muli %rem3A_33, %mul3A_38 : i32
    %add3A_40 = arith.constant 320000 : i32
    %add3A_41 = arith.addi %add3A_40, %add3A_37 : i32
    %add3A_42 = arith.constant 0 : i32
    %add3A_43 = arith.addi %add3A_41, %add3A_42 : i32
    %add3A_44 = arith.constant 320000 : i32
    %add3A_45 = arith.addi %add3A_44, %add3A_37 : i32
    %add3A_46 = arith.constant 40 : i32
    %add3A_47 = arith.addi %add3A_45, %add3A_46 : i32
    %add3A_48 = arith.constant 320000 : i32
    %add3A_49 = arith.addi %add3A_48, %add3A_37 : i32
    %add3A_50 = arith.constant 80 : i32
    %add3A_51 = arith.addi %add3A_49, %add3A_50 : i32
    %add3A_52 = arith.constant 320000 : i32
    %add3A_53 = arith.addi %add3A_52, %add3A_37 : i32
    %add3A_54 = arith.constant 120 : i32
    %add3A_55 = arith.addi %add3A_53, %add3A_54 : i32
    %add3A_56 = arith.constant 320000 : i32
    %add3A_57 = arith.addi %add3A_56, %add3A_37 : i32
    %add3A_58 = arith.constant 160 : i32
    %add3A_59 = arith.addi %add3A_57, %add3A_58 : i32
    %dma_start3A = tpu.memref_slice %arg5[%mul3A_39] : memref<600xi32, #tpu.memory_space<vmem>> -> memref<200xi32, #tpu.memory_space<vmem>>
    %dma_start3A_60 = tpu.memref_slice %arg3[%add3A_37] : memref<640000xi32, #tpu.memory_space<hbm>> -> memref<200xi32, #tpu.memory_space<hbm>>
    %dma_start3A_61 = tpu.memref_slice %arg11[%rem3A_33] : memref<3x!tpu.dma_semaphore, #tpu.memory_space<semaphore_mem>> -> memref<1x!tpu.dma_semaphore, #tpu.memory_space<semaphore_mem>>
    %dma_start3A_62 = tpu.memref_squeeze %dma_start3A_61 : memref<1x!tpu.dma_semaphore, #tpu.memory_space<semaphore_mem>> -> memref<!tpu.dma_semaphore, #tpu.memory_space<semaphore_mem>>
    %dma_start3A_63 = tpu.memref_slice %arg5[%mul3A_39] : memref<600xi32, #tpu.memory_space<vmem>> -> memref<200xi32, #tpu.memory_space<vmem>>
    %dma_start3A_64 = tpu.memref_slice %arg3[%add3A_37] : memref<640000xi32, #tpu.memory_space<hbm>> -> memref<200xi32, #tpu.memory_space<hbm>>
    tpu.enqueue_dma source(%dma_start3A_64 : memref<200xi32, #tpu.memory_space<hbm>>) target(%dma_start3A_63 : memref<200xi32, #tpu.memory_space<vmem>>) target_semaphore(%dma_start3A_62 : memref<!tpu.dma_semaphore, #tpu.memory_space<semaphore_mem>>)
    %dma_start3A_65 = arith.constant 0 : i32
    %dma_start3A_66 = arith.constant 0 : i32
    %dma_start3A_67 = tpu.memref_slice %arg6[%rem3A_33, %dma_start3A_65, %dma_start3A_66] : memref<3x5x40xi32, #tpu.memory_space<vmem>> -> memref<1x1x40xi32, #tpu.memory_space<vmem>>
    %dma_start3A_68 = tpu.memref_squeeze %dma_start3A_67 : memref<1x1x40xi32, #tpu.memory_space<vmem>> -> memref<40xi32, #tpu.memory_space<vmem>>
    %dma_start3A_69 = tpu.memref_slice %arg3[%add3A_43] : memref<640000xi32, #tpu.memory_space<hbm>> -> memref<40xi32, #tpu.memory_space<hbm>>
    %dma_start3A_70 = tpu.memref_slice %arg11[%rem3A_33] : memref<3x!tpu.dma_semaphore, #tpu.memory_space<semaphore_mem>> -> memref<1x!tpu.dma_semaphore, #tpu.memory_space<semaphore_mem>>
    %dma_start3A_71 = tpu.memref_squeeze %dma_start3A_70 : memref<1x!tpu.dma_semaphore, #tpu.memory_space<semaphore_mem>> -> memref<!tpu.dma_semaphore, #tpu.memory_space<semaphore_mem>>
    %dma_start3A_72 = arith.constant 0 : i32
    %dma_start3A_73 = tpu.memref_slice %arg6[%rem3A_33, %dma_start3A_65, %dma_start3A_72] : memref<3x5x40xi32, #tpu.memory_space<vmem>> -> memref<1x1x40xi32, #tpu.memory_space<vmem>>
    %dma_start3A_74 = tpu.memref_squeeze %dma_start3A_73 : memref<1x1x40xi32, #tpu.memory_space<vmem>> -> memref<40xi32, #tpu.memory_space<vmem>>
    %dma_start3A_75 = tpu.memref_slice %arg3[%add3A_43] : memref<640000xi32, #tpu.memory_space<hbm>> -> memref<40xi32, #tpu.memory_space<hbm>>
    tpu.enqueue_dma source(%dma_start3A_75 : memref<40xi32, #tpu.memory_space<hbm>>) target(%dma_start3A_74 : memref<40xi32, #tpu.memory_space<vmem>>) target_semaphore(%dma_start3A_71 : memref<!tpu.dma_semaphore, #tpu.memory_space<semaphore_mem>>)
    %dma_start3A_76 = arith.constant 1 : i32
    %dma_start3A_77 = arith.constant 0 : i32
    %dma_start3A_78 = tpu.memref_slice %arg6[%rem3A_33, %dma_start3A_76, %dma_start3A_77] : memref<3x5x40xi32, #tpu.memory_space<vmem>> -> memref<1x1x40xi32, #tpu.memory_space<vmem>>
    %dma_start3A_79 = tpu.memref_squeeze %dma_start3A_78 : memref<1x1x40xi32, #tpu.memory_space<vmem>> -> memref<40xi32, #tpu.memory_space<vmem>>
    %dma_start3A_80 = tpu.memref_slice %arg3[%add3A_47] : memref<640000xi32, #tpu.memory_space<hbm>> -> memref<40xi32, #tpu.memory_space<hbm>>
    %dma_start3A_81 = tpu.memref_slice %arg11[%rem3A_33] : memref<3x!tpu.dma_semaphore, #tpu.memory_space<semaphore_mem>> -> memref<1x!tpu.dma_semaphore, #tpu.memory_space<semaphore_mem>>
    %dma_start3A_82 = tpu.memref_squeeze %dma_start3A_81 : memref<1x!tpu.dma_semaphore, #tpu.memory_space<semaphore_mem>> -> memref<!tpu.dma_semaphore, #tpu.memory_space<semaphore_mem>>
    %dma_start3A_83 = arith.constant 0 : i32
    %dma_start3A_84 = tpu.memref_slice %arg6[%rem3A_33, %dma_start3A_76, %dma_start3A_83] : memref<3x5x40xi32, #tpu.memory_space<vmem>> -> memref<1x1x40xi32, #tpu.memory_space<vmem>>
    %dma_start3A_85 = tpu.memref_squeeze %dma_start3A_84 : memref<1x1x40xi32, #tpu.memory_space<vmem>> -> memref<40xi32, #tpu.memory_space<vmem>>
    %dma_start3A_86 = tpu.memref_slice %arg3[%add3A_47] : memref<640000xi32, #tpu.memory_space<hbm>> -> memref<40xi32, #tpu.memory_space<hbm>>
    tpu.enqueue_dma source(%dma_start3A_86 : memref<40xi32, #tpu.memory_space<hbm>>) target(%dma_start3A_85 : memref<40xi32, #tpu.memory_space<vmem>>) target_semaphore(%dma_start3A_82 : memref<!tpu.dma_semaphore, #tpu.memory_space<semaphore_mem>>)
    %dma_start3A_87 = arith.constant 2 : i32
    %dma_start3A_88 = arith.constant 0 : i32
    %dma_start3A_89 = tpu.memref_slice %arg6[%rem3A_33, %dma_start3A_87, %dma_start3A_88] : memref<3x5x40xi32, #tpu.memory_space<vmem>> -> memref<1x1x40xi32, #tpu.memory_space<vmem>>
    %dma_start3A_90 = tpu.memref_squeeze %dma_start3A_89 : memref<1x1x40xi32, #tpu.memory_space<vmem>> -> memref<40xi32, #tpu.memory_space<vmem>>
    %dma_start3A_91 = tpu.memref_slice %arg3[%add3A_51] : memref<640000xi32, #tpu.memory_space<hbm>> -> memref<40xi32, #tpu.memory_space<hbm>>
    %dma_start3A_92 = tpu.memref_slice %arg11[%rem3A_33] : memref<3x!tpu.dma_semaphore, #tpu.memory_space<semaphore_mem>> -> memref<1x!tpu.dma_semaphore, #tpu.memory_space<semaphore_mem>>
    %dma_start3A_93 = tpu.memref_squeeze %dma_start3A_92 : memref<1x!tpu.dma_semaphore, #tpu.memory_space<semaphore_mem>> -> memref<!tpu.dma_semaphore, #tpu.memory_space<semaphore_mem>>
    %dma_start3A_94 = arith.constant 0 : i32
    %dma_start3A_95 = tpu.memref_slice %arg6[%rem3A_33, %dma_start3A_87, %dma_start3A_94] : memref<3x5x40xi32, #tpu.memory_space<vmem>> -> memref<1x1x40xi32, #tpu.memory_space<vmem>>
    %dma_start3A_96 = tpu.memref_squeeze %dma_start3A_95 : memref<1x1x40xi32, #tpu.memory_space<vmem>> -> memref<40xi32, #tpu.memory_space<vmem>>
    %dma_start3A_97 = tpu.memref_slice %arg3[%add3A_51] : memref<640000xi32, #tpu.memory_space<hbm>> -> memref<40xi32, #tpu.memory_space<hbm>>
    tpu.enqueue_dma source(%dma_start3A_97 : memref<40xi32, #tpu.memory_space<hbm>>) target(%dma_start3A_96 : memref<40xi32, #tpu.memory_space<vmem>>) target_semaphore(%dma_start3A_93 : memref<!tpu.dma_semaphore, #tpu.memory_space<semaphore_mem>>)
    %dma_start3A_98 = arith.constant 3 : i32
    %dma_start3A_99 = arith.constant 0 : i32
    %dma_start3A_100 = tpu.memref_slice %arg6[%rem3A_33, %dma_start3A_98, %dma_start3A_99] : memref<3x5x40xi32, #tpu.memory_space<vmem>> -> memref<1x1x40xi32, #tpu.memory_space<vmem>>
    %dma_start3A_101 = tpu.memref_squeeze %dma_start3A_100 : memref<1x1x40xi32, #tpu.memory_space<vmem>> -> memref<40xi32, #tpu.memory_space<vmem>>
    %dma_start3A_102 = tpu.memref_slice %arg3[%add3A_55] : memref<640000xi32, #tpu.memory_space<hbm>> -> memref<40xi32, #tpu.memory_space<hbm>>
    %dma_start3A_103 = tpu.memref_slice %arg11[%rem3A_33] : memref<3x!tpu.dma_semaphore, #tpu.memory_space<semaphore_mem>> -> memref<1x!tpu.dma_semaphore, #tpu.memory_space<semaphore_mem>>
    %dma_start3A_104 = tpu.memref_squeeze %dma_start3A_103 : memref<1x!tpu.dma_semaphore, #tpu.memory_space<semaphore_mem>> -> memref<!tpu.dma_semaphore, #tpu.memory_space<semaphore_mem>>
    %dma_start3A_105 = arith.constant 0 : i32
    %dma_start3A_106 = tpu.memref_slice %arg6[%rem3A_33, %dma_start3A_98, %dma_start3A_105] : memref<3x5x40xi32, #tpu.memory_space<vmem>> -> memref<1x1x40xi32, #tpu.memory_space<vmem>>
    %dma_start3A_107 = tpu.memref_squeeze %dma_start3A_106 : memref<1x1x40xi32, #tpu.memory_space<vmem>> -> memref<40xi32, #tpu.memory_space<vmem>>
    %dma_start3A_108 = tpu.memref_slice %arg3[%add3A_55] : memref<640000xi32, #tpu.memory_space<hbm>> -> memref<40xi32, #tpu.memory_space<hbm>>
    tpu.enqueue_dma source(%dma_start3A_108 : memref<40xi32, #tpu.memory_space<hbm>>) target(%dma_start3A_107 : memref<40xi32, #tpu.memory_space<vmem>>) target_semaphore(%dma_start3A_104 : memref<!tpu.dma_semaphore, #tpu.memory_space<semaphore_mem>>)
    %dma_start3A_109 = arith.constant 4 : i32
    %dma_start3A_110 = arith.constant 0 : i32
    %dma_start3A_111 = tpu.memref_slice %arg6[%rem3A_33, %dma_start3A_109, %dma_start3A_110] : memref<3x5x40xi32, #tpu.memory_space<vmem>> -> memref<1x1x40xi32, #tpu.memory_space<vmem>>
    %dma_start3A_112 = tpu.memref_squeeze %dma_start3A_111 : memref<1x1x40xi32, #tpu.memory_space<vmem>> -> memref<40xi32, #tpu.memory_space<vmem>>
    %dma_start3A_113 = tpu.memref_slice %arg3[%add3A_59] : memref<640000xi32, #tpu.memory_space<hbm>> -> memref<40xi32, #tpu.memory_space<hbm>>
    %dma_start3A_114 = tpu.memref_slice %arg11[%rem3A_33] : memref<3x!tpu.dma_semaphore, #tpu.memory_space<semaphore_mem>> -> memref<1x!tpu.dma_semaphore, #tpu.memory_space<semaphore_mem>>
    %dma_start3A_115 = tpu.memref_squeeze %dma_start3A_114 : memref<1x!tpu.dma_semaphore, #tpu.memory_space<semaphore_mem>> -> memref<!tpu.dma_semaphore, #tpu.memory_space<semaphore_mem>>
    %dma_start3A_116 = arith.constant 0 : i32
    %dma_start3A_117 = tpu.memref_slice %arg6[%rem3A_33, %dma_start3A_109, %dma_start3A_116] : memref<3x5x40xi32, #tpu.memory_space<vmem>> -> memref<1x1x40xi32, #tpu.memory_space<vmem>>
    %dma_start3A_118 = tpu.memref_squeeze %dma_start3A_117 : memref<1x1x40xi32, #tpu.memory_space<vmem>> -> memref<40xi32, #tpu.memory_space<vmem>>
    %dma_start3A_119 = tpu.memref_slice %arg3[%add3A_59] : memref<640000xi32, #tpu.memory_space<hbm>> -> memref<40xi32, #tpu.memory_space<hbm>>
    tpu.enqueue_dma source(%dma_start3A_119 : memref<40xi32, #tpu.memory_space<hbm>>) target(%dma_start3A_118 : memref<40xi32, #tpu.memory_space<vmem>>) target_semaphore(%dma_start3A_115 : memref<!tpu.dma_semaphore, #tpu.memory_space<semaphore_mem>>)
    %dma_start3A_120 = arith.constant 0 : i32
    %dma_start3A_121 = arith.constant 0 : i32
    %dma_start3A_122 = arith.constant 0 : i32
    %dma_start3A_123 = arith.constant 0 : i32
    %dma_start3A_124 = tpu.memref_slice %arg7[%dma_start3A_120, %dma_start3A_122, %dma_start3A_123] : memref<5x40x128xf32, #tpu.memory_space<vmem>> -> memref<1x40x128xf32, #tpu.memory_space<vmem>>
    %dma_start3A_125 = tpu.memref_squeeze %dma_start3A_124 : memref<1x40x128xf32, #tpu.memory_space<vmem>> -> memref<40x128xf32, #tpu.memory_space<vmem>>
    %dma_start3A_126 = arith.constant 0 : i32
    %dma_start3A_127 = tpu.memref_slice %arg5[%dma_start3A_126] : memref<600xi32, #tpu.memory_space<vmem>> -> memref<40xi32, #tpu.memory_space<vmem>>
    %dma_start3A_128 = arith.constant 0 : i32
    %dma_start3A_129 = arith.constant 0 : i32
    %dma_start3A_130 = tpu.memref_slice %arg2[%dma_start3A_128, %dma_start3A_129] : memref<10000x128xf32, #tpu.memory_space<hbm>> -> memref<10000x128xf32, #tpu.memory_space<hbm>>
    %dma_start3A_131 = tpu.memref_slice %arg10[%dma_start3A_121] : memref<5x!tpu.dma_semaphore, #tpu.memory_space<semaphore_mem>> -> memref<1x!tpu.dma_semaphore, #tpu.memory_space<semaphore_mem>>
    %dma_start3A_132 = tpu.memref_squeeze %dma_start3A_131 : memref<1x!tpu.dma_semaphore, #tpu.memory_space<semaphore_mem>> -> memref<!tpu.dma_semaphore, #tpu.memory_space<semaphore_mem>>
    tpu.enqueue_indirect_dma source(%dma_start3A_130 : memref<10000x128xf32, #tpu.memory_space<hbm>>) target(%dma_start3A_125 : memref<40x128xf32, #tpu.memory_space<vmem>>) offsets(%dma_start3A_127 : memref<40xi32, #tpu.memory_space<vmem>>) semaphore(%dma_start3A_132 : memref<!tpu.dma_semaphore, #tpu.memory_space<semaphore_mem>>)
    %dma_start3A_133 = arith.constant 1 : i32
    %dma_start3A_134 = arith.constant 1 : i32
    %dma_start3A_135 = arith.constant 0 : i32
    %dma_start3A_136 = arith.constant 0 : i32
    %dma_start3A_137 = tpu.memref_slice %arg7[%dma_start3A_133, %dma_start3A_135, %dma_start3A_136] : memref<5x40x128xf32, #tpu.memory_space<vmem>> -> memref<1x40x128xf32, #tpu.memory_space<vmem>>
    %dma_start3A_138 = tpu.memref_squeeze %dma_start3A_137 : memref<1x40x128xf32, #tpu.memory_space<vmem>> -> memref<40x128xf32, #tpu.memory_space<vmem>>
    %dma_start3A_139 = arith.constant 40 : i32
    %dma_start3A_140 = tpu.memref_slice %arg5[%dma_start3A_139] : memref<600xi32, #tpu.memory_space<vmem>> -> memref<40xi32, #tpu.memory_space<vmem>>
    %dma_start3A_141 = arith.constant 0 : i32
    %dma_start3A_142 = arith.constant 0 : i32
    %dma_start3A_143 = tpu.memref_slice %arg2[%dma_start3A_141, %dma_start3A_142] : memref<10000x128xf32, #tpu.memory_space<hbm>> -> memref<10000x128xf32, #tpu.memory_space<hbm>>
    %dma_start3A_144 = tpu.memref_slice %arg10[%dma_start3A_134] : memref<5x!tpu.dma_semaphore, #tpu.memory_space<semaphore_mem>> -> memref<1x!tpu.dma_semaphore, #tpu.memory_space<semaphore_mem>>
    %dma_start3A_145 = tpu.memref_squeeze %dma_start3A_144 : memref<1x!tpu.dma_semaphore, #tpu.memory_space<semaphore_mem>> -> memref<!tpu.dma_semaphore, #tpu.memory_space<semaphore_mem>>
    tpu.enqueue_indirect_dma source(%dma_start3A_143 : memref<10000x128xf32, #tpu.memory_space<hbm>>) target(%dma_start3A_138 : memref<40x128xf32, #tpu.memory_space<vmem>>) offsets(%dma_start3A_140 : memref<40xi32, #tpu.memory_space<vmem>>) semaphore(%dma_start3A_145 : memref<!tpu.dma_semaphore, #tpu.memory_space<semaphore_mem>>)
    %dma_start3A_146 = arith.constant 2 : i32
    %dma_start3A_147 = arith.constant 2 : i32
    %dma_start3A_148 = arith.constant 0 : i32
    %dma_start3A_149 = arith.constant 0 : i32
    %dma_start3A_150 = tpu.memref_slice %arg7[%dma_start3A_146, %dma_start3A_148, %dma_start3A_149] : memref<5x40x128xf32, #tpu.memory_space<vmem>> -> memref<1x40x128xf32, #tpu.memory_space<vmem>>
    %dma_start3A_151 = tpu.memref_squeeze %dma_start3A_150 : memref<1x40x128xf32, #tpu.memory_space<vmem>> -> memref<40x128xf32, #tpu.memory_space<vmem>>
    %dma_start3A_152 = arith.constant 80 : i32
    %dma_start3A_153 = tpu.memref_slice %arg5[%dma_start3A_152] : memref<600xi32, #tpu.memory_space<vmem>> -> memref<40xi32, #tpu.memory_space<vmem>>
    %dma_start3A_154 = arith.constant 0 : i32
    %dma_start3A_155 = arith.constant 0 : i32
    %dma_start3A_156 = tpu.memref_slice %arg2[%dma_start3A_154, %dma_start3A_155] : memref<10000x128xf32, #tpu.memory_space<hbm>> -> memref<10000x128xf32, #tpu.memory_space<hbm>>
    %dma_start3A_157 = tpu.memref_slice %arg10[%dma_start3A_147] : memref<5x!tpu.dma_semaphore, #tpu.memory_space<semaphore_mem>> -> memref<1x!tpu.dma_semaphore, #tpu.memory_space<semaphore_mem>>
    %dma_start3A_158 = tpu.memref_squeeze %dma_start3A_157 : memref<1x!tpu.dma_semaphore, #tpu.memory_space<semaphore_mem>> -> memref<!tpu.dma_semaphore, #tpu.memory_space<semaphore_mem>>
    tpu.enqueue_indirect_dma source(%dma_start3A_156 : memref<10000x128xf32, #tpu.memory_space<hbm>>) target(%dma_start3A_151 : memref<40x128xf32, #tpu.memory_space<vmem>>) offsets(%dma_start3A_153 : memref<40xi32, #tpu.memory_space<vmem>>) semaphore(%dma_start3A_158 : memref<!tpu.dma_semaphore, #tpu.memory_space<semaphore_mem>>)
    %dma_start3A_159 = arith.constant 3 : i32
    %dma_start3A_160 = arith.constant 3 : i32
    %dma_start3A_161 = arith.constant 0 : i32
    %dma_start3A_162 = arith.constant 0 : i32
    %dma_start3A_163 = tpu.memref_slice %arg7[%dma_start3A_159, %dma_start3A_161, %dma_start3A_162] : memref<5x40x128xf32, #tpu.memory_space<vmem>> -> memref<1x40x128xf32, #tpu.memory_space<vmem>>
    %dma_start3A_164 = tpu.memref_squeeze %dma_start3A_163 : memref<1x40x128xf32, #tpu.memory_space<vmem>> -> memref<40x128xf32, #tpu.memory_space<vmem>>
    %dma_start3A_165 = arith.constant 120 : i32
    %dma_start3A_166 = tpu.memref_slice %arg5[%dma_start3A_165] : memref<600xi32, #tpu.memory_space<vmem>> -> memref<40xi32, #tpu.memory_space<vmem>>
    %dma_start3A_167 = arith.constant 0 : i32
    %dma_start3A_168 = arith.constant 0 : i32
    %dma_start3A_169 = tpu.memref_slice %arg2[%dma_start3A_167, %dma_start3A_168] : memref<10000x128xf32, #tpu.memory_space<hbm>> -> memref<10000x128xf32, #tpu.memory_space<hbm>>
    %dma_start3A_170 = tpu.memref_slice %arg10[%dma_start3A_160] : memref<5x!tpu.dma_semaphore, #tpu.memory_space<semaphore_mem>> -> memref<1x!tpu.dma_semaphore, #tpu.memory_space<semaphore_mem>>
    %dma_start3A_171 = tpu.memref_squeeze %dma_start3A_170 : memref<1x!tpu.dma_semaphore, #tpu.memory_space<semaphore_mem>> -> memref<!tpu.dma_semaphore, #tpu.memory_space<semaphore_mem>>
    tpu.enqueue_indirect_dma source(%dma_start3A_169 : memref<10000x128xf32, #tpu.memory_space<hbm>>) target(%dma_start3A_164 : memref<40x128xf32, #tpu.memory_space<vmem>>) offsets(%dma_start3A_166 : memref<40xi32, #tpu.memory_space<vmem>>) semaphore(%dma_start3A_171 : memref<!tpu.dma_semaphore, #tpu.memory_space<semaphore_mem>>)
    %dma_start3A_172 = arith.constant 4 : i32
    %dma_start3A_173 = arith.constant 4 : i32
    %dma_start3A_174 = arith.constant 0 : i32
    %dma_start3A_175 = arith.constant 0 : i32
    %dma_start3A_176 = tpu.memref_slice %arg7[%dma_start3A_172, %dma_start3A_174, %dma_start3A_175] : memref<5x40x128xf32, #tpu.memory_space<vmem>> -> memref<1x40x128xf32, #tpu.memory_space<vmem>>
    %dma_start3A_177 = tpu.memref_squeeze %dma_start3A_176 : memref<1x40x128xf32, #tpu.memory_space<vmem>> -> memref<40x128xf32, #tpu.memory_space<vmem>>
    %dma_start3A_178 = arith.constant 160 : i32
    %dma_start3A_179 = tpu.memref_slice %arg5[%dma_start3A_178] : memref<600xi32, #tpu.memory_space<vmem>> -> memref<40xi32, #tpu.memory_space<vmem>>
    %dma_start3A_180 = arith.constant 0 : i32
    %dma_start3A_181 = arith.constant 0 : i32
    %dma_start3A_182 = tpu.memref_slice %arg2[%dma_start3A_180, %dma_start3A_181] : memref<10000x128xf32, #tpu.memory_space<hbm>> -> memref<10000x128xf32, #tpu.memory_space<hbm>>
    %dma_start3A_183 = tpu.memref_slice %arg10[%dma_start3A_173] : memref<5x!tpu.dma_semaphore, #tpu.memory_space<semaphore_mem>> -> memref<1x!tpu.dma_semaphore, #tpu.memory_space<semaphore_mem>>
    %dma_start3A_184 = tpu.memref_squeeze %dma_start3A_183 : memref<1x!tpu.dma_semaphore, #tpu.memory_space<semaphore_mem>> -> memref<!tpu.dma_semaphore, #tpu.memory_space<semaphore_mem>>
    tpu.enqueue_indirect_dma source(%dma_start3A_182 : memref<10000x128xf32, #tpu.memory_space<hbm>>) target(%dma_start3A_177 : memref<40x128xf32, #tpu.memory_space<vmem>>) offsets(%dma_start3A_179 : memref<40xi32, #tpu.memory_space<vmem>>) semaphore(%dma_start3A_184 : memref<!tpu.dma_semaphore, #tpu.memory_space<semaphore_mem>>)
    %scan3A = arith.constant 0 : i32
    %scan3A_185 = arith.constant 0 : i32
    %scan3A_186 = arith.constant 64 : i32
    %scan3A_187 = arith.addi %scan3A_185, %scan3A_186 : i32
    %scan3A_188 = arith.constant 1 : i32
    scf.for %scan3A_241 = %scan3A_185 to %scan3A_187 step %scan3A_188  : i32 {
      %broadcast_in_dim3A = arith.constant 0.000000e+00 : f32
      %broadcast_in_dim3A_242 = vector.broadcast %broadcast_in_dim3A : f32 to vector<16xf32>
      %swap3A = arith.index_cast %scan3A_241 : i32 to index
      %swap3A_243 = arith.constant 0 : index
      %swap3A_244 = tpu.vector_load %arg8[%swap3A, %swap3A_243] {strides = array<i32>} : memref<64x128xf32, #tpu.memory_space<vmem>>, vector<1x16xf32>,
      %swap3A_245 = vector.shape_cast %swap3A_244 : vector<1x16xf32> to vector<16xf32>
      %swap3A_246 = vector.shape_cast %broadcast_in_dim3A_242 : vector<16xf32> to vector<1x16xf32>
      tpu.vector_store %arg8[%swap3A, %swap3A_243], %swap3A_246 {strides = array<i32>} : memref<64x128xf32, #tpu.memory_space<vmem>>, vector<1x16xf32>,
      %broadcast_in_dim3A_247 = arith.constant 0.000000e+00 : f32
      %broadcast_in_dim3A_248 = vector.broadcast %broadcast_in_dim3A_247 : f32 to vector<16xf32>
      %swap3A_249 = arith.index_cast %scan3A_241 : i32 to index
      %swap3A_250 = arith.constant 16 : index
      %swap3A_251 = tpu.vector_load %arg8[%swap3A_249, %swap3A_250] {strides = array<i32>} : memref<64x128xf32, #tpu.memory_space<vmem>>, vector<1x16xf32>,
      %swap3A_252 = vector.shape_cast %swap3A_251 : vector<1x16xf32> to vector<16xf32>
      %swap3A_253 = vector.shape_cast %broadcast_in_dim3A_248 : vector<16xf32> to vector<1x16xf32>
      tpu.vector_store %arg8[%swap3A_249, %swap3A_250], %swap3A_253 {strides = array<i32>} : memref<64x128xf32, #tpu.memory_space<vmem>>, vector<1x16xf32>,
      %broadcast_in_dim3A_254 = arith.constant 0.000000e+00 : f32
      %broadcast_in_dim3A_255 = vector.broadcast %broadcast_in_dim3A_254 : f32 to vector<16xf32>
      %swap3A_256 = arith.index_cast %scan3A_241 : i32 to index
      %swap3A_257 = arith.constant 32 : index
      %swap3A_258 = tpu.vector_load %arg8[%swap3A_256, %swap3A_257] {strides = array<i32>} : memref<64x128xf32, #tpu.memory_space<vmem>>, vector<1x16xf32>,
      %swap3A_259 = vector.shape_cast %swap3A_258 : vector<1x16xf32> to vector<16xf32>
      %swap3A_260 = vector.shape_cast %broadcast_in_dim3A_255 : vector<16xf32> to vector<1x16xf32>
      tpu.vector_store %arg8[%swap3A_256, %swap3A_257], %swap3A_260 {strides = array<i32>} : memref<64x128xf32, #tpu.memory_space<vmem>>, vector<1x16xf32>,
      %broadcast_in_dim3A_261 = arith.constant 0.000000e+00 : f32
      %broadcast_in_dim3A_262 = vector.broadcast %broadcast_in_dim3A_261 : f32 to vector<16xf32>
      %swap3A_263 = arith.index_cast %scan3A_241 : i32 to index
      %swap3A_264 = arith.constant 48 : index
      %swap3A_265 = tpu.vector_load %arg8[%swap3A_263, %swap3A_264] {strides = array<i32>} : memref<64x128xf32, #tpu.memory_space<vmem>>, vector<1x16xf32>,
      %swap3A_266 = vector.shape_cast %swap3A_265 : vector<1x16xf32> to vector<16xf32>
      %swap3A_267 = vector.shape_cast %broadcast_in_dim3A_262 : vector<16xf32> to vector<1x16xf32>
      tpu.vector_store %arg8[%swap3A_263, %swap3A_264], %swap3A_267 {strides = array<i32>} : memref<64x128xf32, #tpu.memory_space<vmem>>, vector<1x16xf32>,
      %broadcast_in_dim3A_268 = arith.constant 0.000000e+00 : f32
      %broadcast_in_dim3A_269 = vector.broadcast %broadcast_in_dim3A_268 : f32 to vector<16xf32>
      %swap3A_270 = arith.index_cast %scan3A_241 : i32 to index
      %swap3A_271 = arith.constant 64 : index
      %swap3A_272 = tpu.vector_load %arg8[%swap3A_270, %swap3A_271] {strides = array<i32>} : memref<64x128xf32, #tpu.memory_space<vmem>>, vector<1x16xf32>,
      %swap3A_273 = vector.shape_cast %swap3A_272 : vector<1x16xf32> to vector<16xf32>
      %swap3A_274 = vector.shape_cast %broadcast_in_dim3A_269 : vector<16xf32> to vector<1x16xf32>
      tpu.vector_store %arg8[%swap3A_270, %swap3A_271], %swap3A_274 {strides = array<i32>} : memref<64x128xf32, #tpu.memory_space<vmem>>, vector<1x16xf32>,
      %broadcast_in_dim3A_275 = arith.constant 0.000000e+00 : f32
      %broadcast_in_dim3A_276 = vector.broadcast %broadcast_in_dim3A_275 : f32 to vector<16xf32>
      %swap3A_277 = arith.index_cast %scan3A_241 : i32 to index
      %swap3A_278 = arith.constant 80 : index
      %swap3A_279 = tpu.vector_load %arg8[%swap3A_277, %swap3A_278] {strides = array<i32>} : memref<64x128xf32, #tpu.memory_space<vmem>>, vector<1x16xf32>,
      %swap3A_280 = vector.shape_cast %swap3A_279 : vector<1x16xf32> to vector<16xf32>
      %swap3A_281 = vector.shape_cast %broadcast_in_dim3A_276 : vector<16xf32> to vector<1x16xf32>
      tpu.vector_store %arg8[%swap3A_277, %swap3A_278], %swap3A_281 {strides = array<i32>} : memref<64x128xf32, #tpu.memory_space<vmem>>, vector<1x16xf32>,
      %broadcast_in_dim3A_282 = arith.constant 0.000000e+00 : f32
      %broadcast_in_dim3A_283 = vector.broadcast %broadcast_in_dim3A_282 : f32 to vector<16xf32>
      %swap3A_284 = arith.index_cast %scan3A_241 : i32 to index
      %swap3A_285 = arith.constant 96 : index
      %swap3A_286 = tpu.vector_load %arg8[%swap3A_284, %swap3A_285] {strides = array<i32>} : memref<64x128xf32, #tpu.memory_space<vmem>>, vector<1x16xf32>,
      %swap3A_287 = vector.shape_cast %swap3A_286 : vector<1x16xf32> to vector<16xf32>
      %swap3A_288 = vector.shape_cast %broadcast_in_dim3A_283 : vector<16xf32> to vector<1x16xf32>
      tpu.vector_store %arg8[%swap3A_284, %swap3A_285], %swap3A_288 {strides = array<i32>} : memref<64x128xf32, #tpu.memory_space<vmem>>, vector<1x16xf32>,
      %broadcast_in_dim3A_289 = arith.constant 0.000000e+00 : f32
      %broadcast_in_dim3A_290 = vector.broadcast %broadcast_in_dim3A_289 : f32 to vector<16xf32>
      %swap3A_291 = arith.index_cast %scan3A_241 : i32 to index
      %swap3A_292 = arith.constant 112 : index
      %swap3A_293 = tpu.vector_load %arg8[%swap3A_291, %swap3A_292] {strides = array<i32>} : memref<64x128xf32, #tpu.memory_space<vmem>>, vector<1x16xf32>,
      %swap3A_294 = vector.shape_cast %swap3A_293 : vector<1x16xf32> to vector<16xf32>
      %swap3A_295 = vector.shape_cast %broadcast_in_dim3A_290 : vector<16xf32> to vector<1x16xf32>
      tpu.vector_store %arg8[%swap3A_291, %swap3A_292], %swap3A_295 {strides = array<i32>} : memref<64x128xf32, #tpu.memory_space<vmem>>, vector<1x16xf32>,
    }
    %scan3A_189 = arith.constant 64 : i32
    %mul3A_190 = arith.constant 640 : i32
    %mul3A_191 = arith.muli %arg1, %mul3A_190 : i32
    %add3A_192 = arith.constant 0 : i32
    %add3A_193 = arith.addi %mul3A_191, %add3A_192 : i32
    "tpu.region"() ({
      %run_scoped3A_241 = tpu.sem_alloc : memref<!tpu.dma_semaphore, #tpu.memory_space<semaphore_mem>>
      %dma_start3A_242 = arith.constant 0 : i32
      %dma_start3A_243 = tpu.memref_slice %arg9[%add3A_193, %dma_start3A_242] : memref<10240x128xf32, #tpu.memory_space<vmem_shared>> -> memref<64x128xf32, #tpu.memory_space<vmem_shared>>
      %dma_start3A_244 = arith.constant 0 : i32
      %dma_start3A_245 = tpu.memref_slice %arg9[%add3A_193, %dma_start3A_244] : memref<10240x128xf32, #tpu.memory_space<vmem_shared>> -> memref<64x128xf32, #tpu.memory_space<vmem_shared>>
      tpu.enqueue_dma source(%arg8 : memref<64x128xf32, #tpu.memory_space<vmem>>) target(%dma_start3A_245 : memref<64x128xf32, #tpu.memory_space<vmem_shared>>) target_semaphore(%run_scoped3A_241 : memref<!tpu.dma_semaphore, #tpu.memory_space<semaphore_mem>>)
      %dma_wait3A = arith.constant 0 : i32
      %dma_wait3A_246 = tpu.memref_slice %arg9[%add3A_193, %dma_wait3A] : memref<10240x128xf32, #tpu.memory_space<vmem_shared>> -> memref<64x128xf32, #tpu.memory_space<vmem_shared>>
      %dma_wait3A_247 = arith.constant 0 : i32
      %dma_wait3A_248 = tpu.memref_slice %arg9[%add3A_193, %dma_wait3A_247] : memref<10240x128xf32, #tpu.memory_space<vmem_shared>> -> memref<64x128xf32, #tpu.memory_space<vmem_shared>>
      tpu.wait_dma2 semaphore(%run_scoped3A_241 : memref<!tpu.dma_semaphore, #tpu.memory_space<semaphore_mem>>) src(%arg8 : memref<64x128xf32, #tpu.memory_space<vmem>>) dst(%dma_wait3A_248 : memref<64x128xf32, #tpu.memory_space<vmem_shared>>)
      tpu.yield
    }) : () -> ()
    %mul3A_194 = arith.constant 640 : i32
    %mul3A_195 = arith.muli %arg1, %mul3A_194 : i32
    %add3A_196 = arith.constant 64 : i32
    %add3A_197 = arith.addi %mul3A_195, %add3A_196 : i32
    "tpu.region"() ({
      %run_scoped3A_241 = tpu.sem_alloc : memref<!tpu.dma_semaphore, #tpu.memory_space<semaphore_mem>>
      %dma_start3A_242 = arith.constant 0 : i32
      %dma_start3A_243 = tpu.memref_slice %arg9[%add3A_197, %dma_start3A_242] : memref<10240x128xf32, #tpu.memory_space<vmem_shared>> -> memref<64x128xf32, #tpu.memory_space<vmem_shared>>
      %dma_start3A_244 = arith.constant 0 : i32
      %dma_start3A_245 = tpu.memref_slice %arg9[%add3A_197, %dma_start3A_244] : memref<10240x128xf32, #tpu.memory_space<vmem_shared>> -> memref<64x128xf32, #tpu.memory_space<vmem_shared>>
      tpu.enqueue_dma source(%arg8 : memref<64x128xf32, #tpu.memory_space<vmem>>) target(%dma_start3A_245 : memref<64x128xf32, #tpu.memory_space<vmem_shared>>) target_semaphore(%run_scoped3A_241 : memref<!tpu.dma_semaphore, #tpu.memory_space<semaphore_mem>>)
      %dma_wait3A = arith.constant 0 : i32
      %dma_wait3A_246 = tpu.memref_slice %arg9[%add3A_197, %dma_wait3A] : memref<10240x128xf32, #tpu.memory_space<vmem_shared>> -> memref<64x128xf32, #tpu.memory_space<vmem_shared>>
      %dma_wait3A_247 = arith.constant 0 : i32
      %dma_wait3A_248 = tpu.memref_slice %arg9[%add3A_197, %dma_wait3A_247] : memref<10240x128xf32, #tpu.memory_space<vmem_shared>> -> memref<64x128xf32, #tpu.memory_space<vmem_shared>>
      tpu.wait_dma2 semaphore(%run_scoped3A_241 : memref<!tpu.dma_semaphore, #tpu.memory_space<semaphore_mem>>) src(%arg8 : memref<64x128xf32, #tpu.memory_space<vmem>>) dst(%dma_wait3A_248 : memref<64x128xf32, #tpu.memory_space<vmem_shared>>)
      tpu.yield
    }) : () -> ()
    %mul3A_198 = arith.constant 640 : i32
    %mul3A_199 = arith.muli %arg1, %mul3A_198 : i32
    %add3A_200 = arith.constant 128 : i32
    %add3A_201 = arith.addi %mul3A_199, %add3A_200 : i32
    "tpu.region"() ({
      %run_scoped3A_241 = tpu.sem_alloc : memref<!tpu.dma_semaphore, #tpu.memory_space<semaphore_mem>>
      %dma_start3A_242 = arith.constant 0 : i32
      %dma_start3A_243 = tpu.memref_slice %arg9[%add3A_201, %dma_start3A_242] : memref<10240x128xf32, #tpu.memory_space<vmem_shared>> -> memref<64x128xf32, #tpu.memory_space<vmem_shared>>
      %dma_start3A_244 = arith.constant 0 : i32
      %dma_start3A_245 = tpu.memref_slice %arg9[%add3A_201, %dma_start3A_244] : memref<10240x128xf32, #tpu.memory_space<vmem_shared>> -> memref<64x128xf32, #tpu.memory_space<vmem_shared>>
      tpu.enqueue_dma source(%arg8 : memref<64x128xf32, #tpu.memory_space<vmem>>) target(%dma_start3A_245 : memref<64x128xf32, #tpu.memory_space<vmem_shared>>) target_semaphore(%run_scoped3A_241 : memref<!tpu.dma_semaphore, #tpu.memory_space<semaphore_mem>>)
      %dma_wait3A = arith.constant 0 : i32
      %dma_wait3A_246 = tpu.memref_slice %arg9[%add3A_201, %dma_wait3A] : memref<10240x128xf32, #tpu.memory_space<vmem_shared>> -> memref<64x128xf32, #tpu.memory_space<vmem_shared>>
      %dma_wait3A_247 = arith.constant 0 : i32
      %dma_wait3A_248 = tpu.memref_slice %arg9[%add3A_201, %dma_wait3A_247] : memref<10240x128xf32, #tpu.memory_space<vmem_shared>> -> memref<64x128xf32, #tpu.memory_space<vmem_shared>>
      tpu.wait_dma2 semaphore(%run_scoped3A_241 : memref<!tpu.dma_semaphore, #tpu.memory_space<semaphore_mem>>) src(%arg8 : memref<64x128xf32, #tpu.memory_space<vmem>>) dst(%dma_wait3A_248 : memref<64x128xf32, #tpu.memory_space<vmem_shared>>)
      tpu.yield
    }) : () -> ()
    %mul3A_202 = arith.constant 640 : i32
    %mul3A_203 = arith.muli %arg1, %mul3A_202 : i32
    %add3A_204 = arith.constant 192 : i32
    %add3A_205 = arith.addi %mul3A_203, %add3A_204 : i32
    "tpu.region"() ({
      %run_scoped3A_241 = tpu.sem_alloc : memref<!tpu.dma_semaphore, #tpu.memory_space<semaphore_mem>>
      %dma_start3A_242 = arith.constant 0 : i32
      %dma_start3A_243 = tpu.memref_slice %arg9[%add3A_205, %dma_start3A_242] : memref<10240x128xf32, #tpu.memory_space<vmem_shared>> -> memref<64x128xf32, #tpu.memory_space<vmem_shared>>
      %dma_start3A_244 = arith.constant 0 : i32
      %dma_start3A_245 = tpu.memref_slice %arg9[%add3A_205, %dma_start3A_244] : memref<10240x128xf32, #tpu.memory_space<vmem_shared>> -> memref<64x128xf32, #tpu.memory_space<vmem_shared>>
      tpu.enqueue_dma source(%arg8 : memref<64x128xf32, #tpu.memory_space<vmem>>) target(%dma_start3A_245 : memref<64x128xf32, #tpu.memory_space<vmem_shared>>) target_semaphore(%run_scoped3A_241 : memref<!tpu.dma_semaphore, #tpu.memory_space<semaphore_mem>>)
      %dma_wait3A = arith.constant 0 : i32
      %dma_wait3A_246 = tpu.memref_slice %arg9[%add3A_205, %dma_wait3A] : memref<10240x128xf32, #tpu.memory_space<vmem_shared>> -> memref<64x128xf32, #tpu.memory_space<vmem_shared>>
      %dma_wait3A_247 = arith.constant 0 : i32
      %dma_wait3A_248 = tpu.memref_slice %arg9[%add3A_205, %dma_wait3A_247] : memref<10240x128xf32, #tpu.memory_space<vmem_shared>> -> memref<64x128xf32, #tpu.memory_space<vmem_shared>>
      tpu.wait_dma2 semaphore(%run_scoped3A_241 : memref<!tpu.dma_semaphore, #tpu.memory_space<semaphore_mem>>) src(%arg8 : memref<64x128xf32, #tpu.memory_space<vmem>>) dst(%dma_wait3A_248 : memref<64x128xf32, #tpu.memory_space<vmem_shared>>)
      tpu.yield
    }) : () -> ()
    %mul3A_206 = arith.constant 640 : i32
    %mul3A_207 = arith.muli %arg1, %mul3A_206 : i32
    %add3A_208 = arith.constant 256 : i32
    %add3A_209 = arith.addi %mul3A_207, %add3A_208 : i32
    "tpu.region"() ({
      %run_scoped3A_241 = tpu.sem_alloc : memref<!tpu.dma_semaphore, #tpu.memory_space<semaphore_mem>>
      %dma_start3A_242 = arith.constant 0 : i32
      %dma_start3A_243 = tpu.memref_slice %arg9[%add3A_209, %dma_start3A_242] : memref<10240x128xf32, #tpu.memory_space<vmem_shared>> -> memref<64x128xf32, #tpu.memory_space<vmem_shared>>
      %dma_start3A_244 = arith.constant 0 : i32
      %dma_start3A_245 = tpu.memref_slice %arg9[%add3A_209, %dma_start3A_244] : memref<10240x128xf32, #tpu.memory_space<vmem_shared>> -> memref<64x128xf32, #tpu.memory_space<vmem_shared>>
      tpu.enqueue_dma source(%arg8 : memref<64x128xf32, #tpu.memory_space<vmem>>) target(%dma_start3A_245 : memref<64x128xf32, #tpu.memory_space<vmem_shared>>) target_semaphore(%run_scoped3A_241 : memref<!tpu.dma_semaphore, #tpu.memory_space<semaphore_mem>>)
      %dma_wait3A = arith.constant 0 : i32
      %dma_wait3A_246 = tpu.memref_slice %arg9[%add3A_209, %dma_wait3A] : memref<10240x128xf32, #tpu.memory_space<vmem_shared>> -> memref<64x128xf32, #tpu.memory_space<vmem_shared>>
      %dma_wait3A_247 = arith.constant 0 : i32
      %dma_wait3A_248 = tpu.memref_slice %arg9[%add3A_209, %dma_wait3A_247] : memref<10240x128xf32, #tpu.memory_space<vmem_shared>> -> memref<64x128xf32, #tpu.memory_space<vmem_shared>>
      tpu.wait_dma2 semaphore(%run_scoped3A_241 : memref<!tpu.dma_semaphore, #tpu.memory_space<semaphore_mem>>) src(%arg8 : memref<64x128xf32, #tpu.memory_space<vmem>>) dst(%dma_wait3A_248 : memref<64x128xf32, #tpu.memory_space<vmem_shared>>)
      tpu.yield
    }) : () -> ()
    %mul3A_210 = arith.constant 640 : i32
    %mul3A_211 = arith.muli %arg1, %mul3A_210 : i32
    %add3A_212 = arith.constant 320 : i32
    %add3A_213 = arith.addi %mul3A_211, %add3A_212 : i32
    "tpu.region"() ({
      %run_scoped3A_241 = tpu.sem_alloc : memref<!tpu.dma_semaphore, #tpu.memory_space<semaphore_mem>>
      %dma_start3A_242 = arith.constant 0 : i32
      %dma_start3A_243 = tpu.memref_slice %arg9[%add3A_213, %dma_start3A_242] : memref<10240x128xf32, #tpu.memory_space<vmem_shared>> -> memref<64x128xf32, #tpu.memory_space<vmem_shared>>
      %dma_start3A_244 = arith.constant 0 : i32
      %dma_start3A_245 = tpu.memref_slice %arg9[%add3A_213, %dma_start3A_244] : memref<10240x128xf32, #tpu.memory_space<vmem_shared>> -> memref<64x128xf32, #tpu.memory_space<vmem_shared>>
      tpu.enqueue_dma source(%arg8 : memref<64x128xf32, #tpu.memory_space<vmem>>) target(%dma_start3A_245 : memref<64x128xf32, #tpu.memory_space<vmem_shared>>) target_semaphore(%run_scoped3A_241 : memref<!tpu.dma_semaphore, #tpu.memory_space<semaphore_mem>>)
      %dma_wait3A = arith.constant 0 : i32
      %dma_wait3A_246 = tpu.memref_slice %arg9[%add3A_213, %dma_wait3A] : memref<10240x128xf32, #tpu.memory_space<vmem_shared>> -> memref<64x128xf32, #tpu.memory_space<vmem_shared>>
      %dma_wait3A_247 = arith.constant 0 : i32
      %dma_wait3A_248 = tpu.memref_slice %arg9[%add3A_213, %dma_wait3A_247] : memref<10240x128xf32, #tpu.memory_space<vmem_shared>> -> memref<64x128xf32, #tpu.memory_space<vmem_shared>>
      tpu.wait_dma2 semaphore(%run_scoped3A_241 : memref<!tpu.dma_semaphore, #tpu.memory_space<semaphore_mem>>) src(%arg8 : memref<64x128xf32, #tpu.memory_space<vmem>>) dst(%dma_wait3A_248 : memref<64x128xf32, #tpu.memory_space<vmem_shared>>)
      tpu.yield
    }) : () -> ()
    %mul3A_214 = arith.constant 640 : i32
    %mul3A_215 = arith.muli %arg1, %mul3A_214 : i32
    %add3A_216 = arith.constant 384 : i32
    %add3A_217 = arith.addi %mul3A_215, %add3A_216 : i32
    "tpu.region"() ({
      %run_scoped3A_241 = tpu.sem_alloc : memref<!tpu.dma_semaphore, #tpu.memory_space<semaphore_mem>>
      %dma_start3A_242 = arith.constant 0 : i32
      %dma_start3A_243 = tpu.memref_slice %arg9[%add3A_217, %dma_start3A_242] : memref<10240x128xf32, #tpu.memory_space<vmem_shared>> -> memref<64x128xf32, #tpu.memory_space<vmem_shared>>
      %dma_start3A_244 = arith.constant 0 : i32
      %dma_start3A_245 = tpu.memref_slice %arg9[%add3A_217, %dma_start3A_244] : memref<10240x128xf32, #tpu.memory_space<vmem_shared>> -> memref<64x128xf32, #tpu.memory_space<vmem_shared>>
      tpu.enqueue_dma source(%arg8 : memref<64x128xf32, #tpu.memory_space<vmem>>) target(%dma_start3A_245 : memref<64x128xf32, #tpu.memory_space<vmem_shared>>) target_semaphore(%run_scoped3A_241 : memref<!tpu.dma_semaphore, #tpu.memory_space<semaphore_mem>>)
      %dma_wait3A = arith.constant 0 : i32
      %dma_wait3A_246 = tpu.memref_slice %arg9[%add3A_217, %dma_wait3A] : memref<10240x128xf32, #tpu.memory_space<vmem_shared>> -> memref<64x128xf32, #tpu.memory_space<vmem_shared>>
      %dma_wait3A_247 = arith.constant 0 : i32
      %dma_wait3A_248 = tpu.memref_slice %arg9[%add3A_217, %dma_wait3A_247] : memref<10240x128xf32, #tpu.memory_space<vmem_shared>> -> memref<64x128xf32, #tpu.memory_space<vmem_shared>>
      tpu.wait_dma2 semaphore(%run_scoped3A_241 : memref<!tpu.dma_semaphore, #tpu.memory_space<semaphore_mem>>) src(%arg8 : memref<64x128xf32, #tpu.memory_space<vmem>>) dst(%dma_wait3A_248 : memref<64x128xf32, #tpu.memory_space<vmem_shared>>)
      tpu.yield
    }) : () -> ()
    %mul3A_218 = arith.constant 640 : i32
    %mul3A_219 = arith.muli %arg1, %mul3A_218 : i32
    %add3A_220 = arith.constant 448 : i32
    %add3A_221 = arith.addi %mul3A_219, %add3A_220 : i32
    "tpu.region"() ({
      %run_scoped3A_241 = tpu.sem_alloc : memref<!tpu.dma_semaphore, #tpu.memory_space<semaphore_mem>>
      %dma_start3A_242 = arith.constant 0 : i32
      %dma_start3A_243 = tpu.memref_slice %arg9[%add3A_221, %dma_start3A_242] : memref<10240x128xf32, #tpu.memory_space<vmem_shared>> -> memref<64x128xf32, #tpu.memory_space<vmem_shared>>
      %dma_start3A_244 = arith.constant 0 : i32
      %dma_start3A_245 = tpu.memref_slice %arg9[%add3A_221, %dma_start3A_244] : memref<10240x128xf32, #tpu.memory_space<vmem_shared>> -> memref<64x128xf32, #tpu.memory_space<vmem_shared>>
      tpu.enqueue_dma source(%arg8 : memref<64x128xf32, #tpu.memory_space<vmem>>) target(%dma_start3A_245 : memref<64x128xf32, #tpu.memory_space<vmem_shared>>) target_semaphore(%run_scoped3A_241 : memref<!tpu.dma_semaphore, #tpu.memory_space<semaphore_mem>>)
      %dma_wait3A = arith.constant 0 : i32
      %dma_wait3A_246 = tpu.memref_slice %arg9[%add3A_221, %dma_wait3A] : memref<10240x128xf32, #tpu.memory_space<vmem_shared>> -> memref<64x128xf32, #tpu.memory_space<vmem_shared>>
      %dma_wait3A_247 = arith.constant 0 : i32
      %dma_wait3A_248 = tpu.memref_slice %arg9[%add3A_221, %dma_wait3A_247] : memref<10240x128xf32, #tpu.memory_space<vmem_shared>> -> memref<64x128xf32, #tpu.memory_space<vmem_shared>>
      tpu.wait_dma2 semaphore(%run_scoped3A_241 : memref<!tpu.dma_semaphore, #tpu.memory_space<semaphore_mem>>) src(%arg8 : memref<64x128xf32, #tpu.memory_space<vmem>>) dst(%dma_wait3A_248 : memref<64x128xf32, #tpu.memory_space<vmem_shared>>)
      tpu.yield
    }) : () -> ()
    %mul3A_222 = arith.constant 640 : i32
    %mul3A_223 = arith.muli %arg1, %mul3A_222 : i32
    %add3A_224 = arith.constant 512 : i32
    %add3A_225 = arith.addi %mul3A_223, %add3A_224 : i32
    "tpu.region"() ({
      %run_scoped3A_241 = tpu.sem_alloc : memref<!tpu.dma_semaphore, #tpu.memory_space<semaphore_mem>>
      %dma_start3A_242 = arith.constant 0 : i32
      %dma_start3A_243 = tpu.memref_slice %arg9[%add3A_225, %dma_start3A_242] : memref<10240x128xf32, #tpu.memory_space<vmem_shared>> -> memref<64x128xf32, #tpu.memory_space<vmem_shared>>
      %dma_start3A_244 = arith.constant 0 : i32
      %dma_start3A_245 = tpu.memref_slice %arg9[%add3A_225, %dma_start3A_244] : memref<10240x128xf32, #tpu.memory_space<vmem_shared>> -> memref<64x128xf32, #tpu.memory_space<vmem_shared>>
      tpu.enqueue_dma source(%arg8 : memref<64x128xf32, #tpu.memory_space<vmem>>) target(%dma_start3A_245 : memref<64x128xf32, #tpu.memory_space<vmem_shared>>) target_semaphore(%run_scoped3A_241 : memref<!tpu.dma_semaphore, #tpu.memory_space<semaphore_mem>>)
      %dma_wait3A = arith.constant 0 : i32
      %dma_wait3A_246 = tpu.memref_slice %arg9[%add3A_225, %dma_wait3A] : memref<10240x128xf32, #tpu.memory_space<vmem_shared>> -> memref<64x128xf32, #tpu.memory_space<vmem_shared>>
      %dma_wait3A_247 = arith.constant 0 : i32
      %dma_wait3A_248 = tpu.memref_slice %arg9[%add3A_225, %dma_wait3A_247] : memref<10240x128xf32, #tpu.memory_space<vmem_shared>> -> memref<64x128xf32, #tpu.memory_space<vmem_shared>>
      tpu.wait_dma2 semaphore(%run_scoped3A_241 : memref<!tpu.dma_semaphore, #tpu.memory_space<semaphore_mem>>) src(%arg8 : memref<64x128xf32, #tpu.memory_space<vmem>>) dst(%dma_wait3A_248 : memref<64x128xf32, #tpu.memory_space<vmem_shared>>)
      tpu.yield
    }) : () -> ()
    %mul3A_226 = arith.constant 640 : i32
    %mul3A_227 = arith.muli %arg1, %mul3A_226 : i32
    %add3A_228 = arith.constant 576 : i32
    %add3A_229 = arith.addi %mul3A_227, %add3A_228 : i32
    "tpu.region"() ({
      %run_scoped3A_241 = tpu.sem_alloc : memref<!tpu.dma_semaphore, #tpu.memory_space<semaphore_mem>>
      %dma_start3A_242 = arith.constant 0 : i32
      %dma_start3A_243 = tpu.memref_slice %arg9[%add3A_229, %dma_start3A_242] : memref<10240x128xf32, #tpu.memory_space<vmem_shared>> -> memref<64x128xf32, #tpu.memory_space<vmem_shared>>
      %dma_start3A_244 = arith.constant 0 : i32
      %dma_start3A_245 = tpu.memref_slice %arg9[%add3A_229, %dma_start3A_244] : memref<10240x128xf32, #tpu.memory_space<vmem_shared>> -> memref<64x128xf32, #tpu.memory_space<vmem_shared>>
      tpu.enqueue_dma source(%arg8 : memref<64x128xf32, #tpu.memory_space<vmem>>) target(%dma_start3A_245 : memref<64x128xf32, #tpu.memory_space<vmem_shared>>) target_semaphore(%run_scoped3A_241 : memref<!tpu.dma_semaphore, #tpu.memory_space<semaphore_mem>>)
      %dma_wait3A = arith.constant 0 : i32
      %dma_wait3A_246 = tpu.memref_slice %arg9[%add3A_229, %dma_wait3A] : memref<10240x128xf32, #tpu.memory_space<vmem_shared>> -> memref<64x128xf32, #tpu.memory_space<vmem_shared>>
      %dma_wait3A_247 = arith.constant 0 : i32
      %dma_wait3A_248 = tpu.memref_slice %arg9[%add3A_229, %dma_wait3A_247] : memref<10240x128xf32, #tpu.memory_space<vmem_shared>> -> memref<64x128xf32, #tpu.memory_space<vmem_shared>>
      tpu.wait_dma2 semaphore(%run_scoped3A_241 : memref<!tpu.dma_semaphore, #tpu.memory_space<semaphore_mem>>) src(%arg8 : memref<64x128xf32, #tpu.memory_space<vmem>>) dst(%dma_wait3A_248 : memref<64x128xf32, #tpu.memory_space<vmem_shared>>)
      tpu.yield
    }) : () -> ()
    %barrier3A = arith.constant 0 : index
    tpu.barrier barrier_id(%barrier3A)
    %scan3A_230 = arith.constant 0 : i32
    %scan3A_231 = arith.constant 0 : i32
    %scan3A_232 = arith.constant 50 : i32
    %scan3A_233 = arith.addi %scan3A_231, %scan3A_232 : i32
    %scan3A_234 = arith.constant 1 : i32
    scf.for %scan3A_241 = %scan3A_231 to %scan3A_233 step %scan3A_234  : i32 {
      %rem3A_242 = arith.constant 3 : i32
      %rem3A_243 = arith.remsi %scan3A_241, %rem3A_242 : i32
      %add3A_244 = arith.constant 1 : i32
      %add3A_245 = arith.addi %scan3A_241, %add3A_244 : i32
      %rem3A_246 = arith.constant 3 : i32
      %rem3A_247 = arith.remsi %add3A_245, %rem3A_246 : i32
      %add3A_248 = arith.constant 1 : i32
      %add3A_249 = arith.addi %scan3A_241, %add3A_248 : i32
      %lt3A = arith.constant 50 : i32
      %lt3A_250 = arith.cmpi slt, %add3A_249, %lt3A : i32
      %convert_element_type3A = arith.extui %lt3A_250 : i1 to i32
      %cond3A = arith.constant 0 : i32
      %cond3A_251 = arith.cmpi ne, %convert_element_type3A, %cond3A : i32
      scf.if %cond3A_251 {
        %add3A_383 = arith.constant 1 : i32
        %add3A_384 = arith.addi %scan3A_241, %add3A_383 : i32
        %rem3A_385 = arith.constant 3 : i32
        %rem3A_386 = arith.remsi %add3A_384, %rem3A_385 : i32
        %mul3A_387 = arith.constant 10000 : i32
        %mul3A_388 = arith.muli %add3A, %mul3A_387 : i32
        %mul3A_389 = arith.constant 200 : i32
        %mul3A_390 = arith.muli %add3A_384, %mul3A_389 : i32
        %add3A_391 = arith.addi %mul3A_388, %mul3A_390 : i32
        %mul3A_392 = arith.constant 200 : i32
        %mul3A_393 = arith.muli %rem3A_386, %mul3A_392 : i32
        %add3A_394 = arith.constant 320000 : i32
        %add3A_395 = arith.addi %add3A_394, %add3A_391 : i32
        %add3A_396 = arith.constant 0 : i32
        %add3A_397 = arith.addi %add3A_395, %add3A_396 : i32
        %add3A_398 = arith.constant 320000 : i32
        %add3A_399 = arith.addi %add3A_398, %add3A_391 : i32
        %add3A_400 = arith.constant 40 : i32
        %add3A_401 = arith.addi %add3A_399, %add3A_400 : i32
        %add3A_402 = arith.constant 320000 : i32
        %add3A_403 = arith.addi %add3A_402, %add3A_391 : i32
        %add3A_404 = arith.constant 80 : i32
        %add3A_405 = arith.addi %add3A_403, %add3A_404 : i32
        %add3A_406 = arith.constant 320000 : i32
        %add3A_407 = arith.addi %add3A_406, %add3A_391 : i32
        %add3A_408 = arith.constant 120 : i32
        %add3A_409 = arith.addi %add3A_407, %add3A_408 : i32
        %add3A_410 = arith.constant 320000 : i32
        %add3A_411 = arith.addi %add3A_410, %add3A_391 : i32
        %add3A_412 = arith.constant 160 : i32
        %add3A_413 = arith.addi %add3A_411, %add3A_412 : i32
        %dma_wait3A_414 = tpu.memref_slice %arg5[%mul3A_393] : memref<600xi32, #tpu.memory_space<vmem>> -> memref<200xi32, #tpu.memory_space<vmem>>
        %dma_wait3A_415 = tpu.memref_slice %arg3[%add3A_391] : memref<640000xi32, #tpu.memory_space<hbm>> -> memref<200xi32, #tpu.memory_space<hbm>>
        %dma_wait3A_416 = tpu.memref_slice %arg11[%rem3A_386] : memref<3x!tpu.dma_semaphore, #tpu.memory_space<semaphore_mem>> -> memref<1x!tpu.dma_semaphore, #tpu.memory_space<semaphore_mem>>
        %dma_wait3A_417 = tpu.memref_squeeze %dma_wait3A_416 : memref<1x!tpu.dma_semaphore, #tpu.memory_space<semaphore_mem>> -> memref<!tpu.dma_semaphore, #tpu.memory_space<semaphore_mem>>
        %dma_wait3A_418 = tpu.memref_slice %arg5[%mul3A_393] : memref<600xi32, #tpu.memory_space<vmem>> -> memref<200xi32, #tpu.memory_space<vmem>>
        %dma_wait3A_419 = tpu.memref_slice %arg3[%add3A_391] : memref<640000xi32, #tpu.memory_space<hbm>> -> memref<200xi32, #tpu.memory_space<hbm>>
        tpu.wait_dma2 semaphore(%dma_wait3A_417 : memref<!tpu.dma_semaphore, #tpu.memory_space<semaphore_mem>>) src(%dma_wait3A_419 : memref<200xi32, #tpu.memory_space<hbm>>) dst(%dma_wait3A_418 : memref<200xi32, #tpu.memory_space<vmem>>)
        %dma_wait3A_420 = arith.constant 0 : i32
        %dma_wait3A_421 = arith.constant 0 : i32
        %dma_wait3A_422 = tpu.memref_slice %arg6[%rem3A_386, %dma_wait3A_420, %dma_wait3A_421] : memref<3x5x40xi32, #tpu.memory_space<vmem>> -> memref<1x1x40xi32, #tpu.memory_space<vmem>>
        %dma_wait3A_423 = tpu.memref_squeeze %dma_wait3A_422 : memref<1x1x40xi32, #tpu.memory_space<vmem>> -> memref<40xi32, #tpu.memory_space<vmem>>
        %dma_wait3A_424 = tpu.memref_slice %arg3[%add3A_397] : memref<640000xi32, #tpu.memory_space<hbm>> -> memref<40xi32, #tpu.memory_space<hbm>>
        %dma_wait3A_425 = tpu.memref_slice %arg11[%rem3A_386] : memref<3x!tpu.dma_semaphore, #tpu.memory_space<semaphore_mem>> -> memref<1x!tpu.dma_semaphore, #tpu.memory_space<semaphore_mem>>
        %dma_wait3A_426 = tpu.memref_squeeze %dma_wait3A_425 : memref<1x!tpu.dma_semaphore, #tpu.memory_space<semaphore_mem>> -> memref<!tpu.dma_semaphore, #tpu.memory_space<semaphore_mem>>
        %dma_wait3A_427 = arith.constant 0 : i32
        %dma_wait3A_428 = tpu.memref_slice %arg6[%rem3A_386, %dma_wait3A_420, %dma_wait3A_427] : memref<3x5x40xi32, #tpu.memory_space<vmem>> -> memref<1x1x40xi32, #tpu.memory_space<vmem>>
        %dma_wait3A_429 = tpu.memref_squeeze %dma_wait3A_428 : memref<1x1x40xi32, #tpu.memory_space<vmem>> -> memref<40xi32, #tpu.memory_space<vmem>>
        %dma_wait3A_430 = tpu.memref_slice %arg3[%add3A_397] : memref<640000xi32, #tpu.memory_space<hbm>> -> memref<40xi32, #tpu.memory_space<hbm>>
        tpu.wait_dma2 semaphore(%dma_wait3A_426 : memref<!tpu.dma_semaphore, #tpu.memory_space<semaphore_mem>>) src(%dma_wait3A_430 : memref<40xi32, #tpu.memory_space<hbm>>) dst(%dma_wait3A_429 : memref<40xi32, #tpu.memory_space<vmem>>)
        %dma_wait3A_431 = arith.constant 1 : i32
        %dma_wait3A_432 = arith.constant 0 : i32
        %dma_wait3A_433 = tpu.memref_slice %arg6[%rem3A_386, %dma_wait3A_431, %dma_wait3A_432] : memref<3x5x40xi32, #tpu.memory_space<vmem>> -> memref<1x1x40xi32, #tpu.memory_space<vmem>>
        %dma_wait3A_434 = tpu.memref_squeeze %dma_wait3A_433 : memref<1x1x40xi32, #tpu.memory_space<vmem>> -> memref<40xi32, #tpu.memory_space<vmem>>
        %dma_wait3A_435 = tpu.memref_slice %arg3[%add3A_401] : memref<640000xi32, #tpu.memory_space<hbm>> -> memref<40xi32, #tpu.memory_space<hbm>>
        %dma_wait3A_436 = tpu.memref_slice %arg11[%rem3A_386] : memref<3x!tpu.dma_semaphore, #tpu.memory_space<semaphore_mem>> -> memref<1x!tpu.dma_semaphore, #tpu.memory_space<semaphore_mem>>
        %dma_wait3A_437 = tpu.memref_squeeze %dma_wait3A_436 : memref<1x!tpu.dma_semaphore, #tpu.memory_space<semaphore_mem>> -> memref<!tpu.dma_semaphore, #tpu.memory_space<semaphore_mem>>
        %dma_wait3A_438 = arith.constant 0 : i32
        %dma_wait3A_439 = tpu.memref_slice %arg6[%rem3A_386, %dma_wait3A_431, %dma_wait3A_438] : memref<3x5x40xi32, #tpu.memory_space<vmem>> -> memref<1x1x40xi32, #tpu.memory_space<vmem>>
        %dma_wait3A_440 = tpu.memref_squeeze %dma_wait3A_439 : memref<1x1x40xi32, #tpu.memory_space<vmem>> -> memref<40xi32, #tpu.memory_space<vmem>>
        %dma_wait3A_441 = tpu.memref_slice %arg3[%add3A_401] : memref<640000xi32, #tpu.memory_space<hbm>> -> memref<40xi32, #tpu.memory_space<hbm>>
        tpu.wait_dma2 semaphore(%dma_wait3A_437 : memref<!tpu.dma_semaphore, #tpu.memory_space<semaphore_mem>>) src(%dma_wait3A_441 : memref<40xi32, #tpu.memory_space<hbm>>) dst(%dma_wait3A_440 : memref<40xi32, #tpu.memory_space<vmem>>)
        %dma_wait3A_442 = arith.constant 2 : i32
        %dma_wait3A_443 = arith.constant 0 : i32
        %dma_wait3A_444 = tpu.memref_slice %arg6[%rem3A_386, %dma_wait3A_442, %dma_wait3A_443] : memref<3x5x40xi32, #tpu.memory_space<vmem>> -> memref<1x1x40xi32, #tpu.memory_space<vmem>>
        %dma_wait3A_445 = tpu.memref_squeeze %dma_wait3A_444 : memref<1x1x40xi32, #tpu.memory_space<vmem>> -> memref<40xi32, #tpu.memory_space<vmem>>
        %dma_wait3A_446 = tpu.memref_slice %arg3[%add3A_405] : memref<640000xi32, #tpu.memory_space<hbm>> -> memref<40xi32, #tpu.memory_space<hbm>>
        %dma_wait3A_447 = tpu.memref_slice %arg11[%rem3A_386] : memref<3x!tpu.dma_semaphore, #tpu.memory_space<semaphore_mem>> -> memref<1x!tpu.dma_semaphore, #tpu.memory_space<semaphore_mem>>
        %dma_wait3A_448 = tpu.memref_squeeze %dma_wait3A_447 : memref<1x!tpu.dma_semaphore, #tpu.memory_space<semaphore_mem>> -> memref<!tpu.dma_semaphore, #tpu.memory_space<semaphore_mem>>
        %dma_wait3A_449 = arith.constant 0 : i32
        %dma_wait3A_450 = tpu.memref_slice %arg6[%rem3A_386, %dma_wait3A_442, %dma_wait3A_449] : memref<3x5x40xi32, #tpu.memory_space<vmem>> -> memref<1x1x40xi32, #tpu.memory_space<vmem>>
        %dma_wait3A_451 = tpu.memref_squeeze %dma_wait3A_450 : memref<1x1x40xi32, #tpu.memory_space<vmem>> -> memref<40xi32, #tpu.memory_space<vmem>>
        %dma_wait3A_452 = tpu.memref_slice %arg3[%add3A_405] : memref<640000xi32, #tpu.memory_space<hbm>> -> memref<40xi32, #tpu.memory_space<hbm>>
        tpu.wait_dma2 semaphore(%dma_wait3A_448 : memref<!tpu.dma_semaphore, #tpu.memory_space<semaphore_mem>>) src(%dma_wait3A_452 : memref<40xi32, #tpu.memory_space<hbm>>) dst(%dma_wait3A_451 : memref<40xi32, #tpu.memory_space<vmem>>)
        %dma_wait3A_453 = arith.constant 3 : i32
        %dma_wait3A_454 = arith.constant 0 : i32
        %dma_wait3A_455 = tpu.memref_slice %arg6[%rem3A_386, %dma_wait3A_453, %dma_wait3A_454] : memref<3x5x40xi32, #tpu.memory_space<vmem>> -> memref<1x1x40xi32, #tpu.memory_space<vmem>>
        %dma_wait3A_456 = tpu.memref_squeeze %dma_wait3A_455 : memref<1x1x40xi32, #tpu.memory_space<vmem>> -> memref<40xi32, #tpu.memory_space<vmem>>
        %dma_wait3A_457 = tpu.memref_slice %arg3[%add3A_409] : memref<640000xi32, #tpu.memory_space<hbm>> -> memref<40xi32, #tpu.memory_space<hbm>>
        %dma_wait3A_458 = tpu.memref_slice %arg11[%rem3A_386] : memref<3x!tpu.dma_semaphore, #tpu.memory_space<semaphore_mem>> -> memref<1x!tpu.dma_semaphore, #tpu.memory_space<semaphore_mem>>
        %dma_wait3A_459 = tpu.memref_squeeze %dma_wait3A_458 : memref<1x!tpu.dma_semaphore, #tpu.memory_space<semaphore_mem>> -> memref<!tpu.dma_semaphore, #tpu.memory_space<semaphore_mem>>
        %dma_wait3A_460 = arith.constant 0 : i32
        %dma_wait3A_461 = tpu.memref_slice %arg6[%rem3A_386, %dma_wait3A_453, %dma_wait3A_460] : memref<3x5x40xi32, #tpu.memory_space<vmem>> -> memref<1x1x40xi32, #tpu.memory_space<vmem>>
        %dma_wait3A_462 = tpu.memref_squeeze %dma_wait3A_461 : memref<1x1x40xi32, #tpu.memory_space<vmem>> -> memref<40xi32, #tpu.memory_space<vmem>>
        %dma_wait3A_463 = tpu.memref_slice %arg3[%add3A_409] : memref<640000xi32, #tpu.memory_space<hbm>> -> memref<40xi32, #tpu.memory_space<hbm>>
        tpu.wait_dma2 semaphore(%dma_wait3A_459 : memref<!tpu.dma_semaphore, #tpu.memory_space<semaphore_mem>>) src(%dma_wait3A_463 : memref<40xi32, #tpu.memory_space<hbm>>) dst(%dma_wait3A_462 : memref<40xi32, #tpu.memory_space<vmem>>)
        %dma_wait3A_464 = arith.constant 4 : i32
        %dma_wait3A_465 = arith.constant 0 : i32
        %dma_wait3A_466 = tpu.memref_slice %arg6[%rem3A_386, %dma_wait3A_464, %dma_wait3A_465] : memref<3x5x40xi32, #tpu.memory_space<vmem>> -> memref<1x1x40xi32, #tpu.memory_space<vmem>>
        %dma_wait3A_467 = tpu.memref_squeeze %dma_wait3A_466 : memref<1x1x40xi32, #tpu.memory_space<vmem>> -> memref<40xi32, #tpu.memory_space<vmem>>
        %dma_wait3A_468 = tpu.memref_slice %arg3[%add3A_413] : memref<640000xi32, #tpu.memory_space<hbm>> -> memref<40xi32, #tpu.memory_space<hbm>>
        %dma_wait3A_469 = tpu.memref_slice %arg11[%rem3A_386] : memref<3x!tpu.dma_semaphore, #tpu.memory_space<semaphore_mem>> -> memref<1x!tpu.dma_semaphore, #tpu.memory_space<semaphore_mem>>
        %dma_wait3A_470 = tpu.memref_squeeze %dma_wait3A_469 : memref<1x!tpu.dma_semaphore, #tpu.memory_space<semaphore_mem>> -> memref<!tpu.dma_semaphore, #tpu.memory_space<semaphore_mem>>
        %dma_wait3A_471 = arith.constant 0 : i32
        %dma_wait3A_472 = tpu.memref_slice %arg6[%rem3A_386, %dma_wait3A_464, %dma_wait3A_471] : memref<3x5x40xi32, #tpu.memory_space<vmem>> -> memref<1x1x40xi32, #tpu.memory_space<vmem>>
        %dma_wait3A_473 = tpu.memref_squeeze %dma_wait3A_472 : memref<1x1x40xi32, #tpu.memory_space<vmem>> -> memref<40xi32, #tpu.memory_space<vmem>>
        %dma_wait3A_474 = tpu.memref_slice %arg3[%add3A_413] : memref<640000xi32, #tpu.memory_space<hbm>> -> memref<40xi32, #tpu.memory_space<hbm>>
        tpu.wait_dma2 semaphore(%dma_wait3A_470 : memref<!tpu.dma_semaphore, #tpu.memory_space<semaphore_mem>>) src(%dma_wait3A_474 : memref<40xi32, #tpu.memory_space<hbm>>) dst(%dma_wait3A_473 : memref<40xi32, #tpu.memory_space<vmem>>)
      } else {
      }
      %add3A_252 = arith.constant 2 : i32
      %add3A_253 = arith.addi %scan3A_241, %add3A_252 : i32
      %lt3A_254 = arith.constant 50 : i32
      %lt3A_255 = arith.cmpi slt, %add3A_253, %lt3A_254 : i32
      %convert_element_type3A_256 = arith.extui %lt3A_255 : i1 to i32
      %cond3A_257 = arith.constant 0 : i32
      %cond3A_258 = arith.cmpi ne, %convert_element_type3A_256, %cond3A_257 : i32
      scf.if %cond3A_258 {
        %add3A_383 = arith.constant 2 : i32
        %add3A_384 = arith.addi %scan3A_241, %add3A_383 : i32
        %rem3A_385 = arith.constant 3 : i32
        %rem3A_386 = arith.remsi %add3A_384, %rem3A_385 : i32
        %mul3A_387 = arith.constant 10000 : i32
        %mul3A_388 = arith.muli %add3A, %mul3A_387 : i32
        %mul3A_389 = arith.constant 200 : i32
        %mul3A_390 = arith.muli %add3A_384, %mul3A_389 : i32
        %add3A_391 = arith.addi %mul3A_388, %mul3A_390 : i32
        %mul3A_392 = arith.constant 200 : i32
        %mul3A_393 = arith.muli %rem3A_386, %mul3A_392 : i32
        %add3A_394 = arith.constant 320000 : i32
        %add3A_395 = arith.addi %add3A_394, %add3A_391 : i32
        %add3A_396 = arith.constant 0 : i32
        %add3A_397 = arith.addi %add3A_395, %add3A_396 : i32
        %add3A_398 = arith.constant 320000 : i32
        %add3A_399 = arith.addi %add3A_398, %add3A_391 : i32
        %add3A_400 = arith.constant 40 : i32
        %add3A_401 = arith.addi %add3A_399, %add3A_400 : i32
        %add3A_402 = arith.constant 320000 : i32
        %add3A_403 = arith.addi %add3A_402, %add3A_391 : i32
        %add3A_404 = arith.constant 80 : i32
        %add3A_405 = arith.addi %add3A_403, %add3A_404 : i32
        %add3A_406 = arith.constant 320000 : i32
        %add3A_407 = arith.addi %add3A_406, %add3A_391 : i32
        %add3A_408 = arith.constant 120 : i32
        %add3A_409 = arith.addi %add3A_407, %add3A_408 : i32
        %add3A_410 = arith.constant 320000 : i32
        %add3A_411 = arith.addi %add3A_410, %add3A_391 : i32
        %add3A_412 = arith.constant 160 : i32
        %add3A_413 = arith.addi %add3A_411, %add3A_412 : i32
        %dma_start3A_414 = tpu.memref_slice %arg5[%mul3A_393] : memref<600xi32, #tpu.memory_space<vmem>> -> memref<200xi32, #tpu.memory_space<vmem>>
        %dma_start3A_415 = tpu.memref_slice %arg3[%add3A_391] : memref<640000xi32, #tpu.memory_space<hbm>> -> memref<200xi32, #tpu.memory_space<hbm>>
        %dma_start3A_416 = tpu.memref_slice %arg11[%rem3A_386] : memref<3x!tpu.dma_semaphore, #tpu.memory_space<semaphore_mem>> -> memref<1x!tpu.dma_semaphore, #tpu.memory_space<semaphore_mem>>
        %dma_start3A_417 = tpu.memref_squeeze %dma_start3A_416 : memref<1x!tpu.dma_semaphore, #tpu.memory_space<semaphore_mem>> -> memref<!tpu.dma_semaphore, #tpu.memory_space<semaphore_mem>>
        %dma_start3A_418 = tpu.memref_slice %arg5[%mul3A_393] : memref<600xi32, #tpu.memory_space<vmem>> -> memref<200xi32, #tpu.memory_space<vmem>>
        %dma_start3A_419 = tpu.memref_slice %arg3[%add3A_391] : memref<640000xi32, #tpu.memory_space<hbm>> -> memref<200xi32, #tpu.memory_space<hbm>>
        tpu.enqueue_dma source(%dma_start3A_419 : memref<200xi32, #tpu.memory_space<hbm>>) target(%dma_start3A_418 : memref<200xi32, #tpu.memory_space<vmem>>) target_semaphore(%dma_start3A_417 : memref<!tpu.dma_semaphore, #tpu.memory_space<semaphore_mem>>)
        %dma_start3A_420 = arith.constant 0 : i32
        %dma_start3A_421 = arith.constant 0 : i32
        %dma_start3A_422 = tpu.memref_slice %arg6[%rem3A_386, %dma_start3A_420, %dma_start3A_421] : memref<3x5x40xi32, #tpu.memory_space<vmem>> -> memref<1x1x40xi32, #tpu.memory_space<vmem>>
        %dma_start3A_423 = tpu.memref_squeeze %dma_start3A_422 : memref<1x1x40xi32, #tpu.memory_space<vmem>> -> memref<40xi32, #tpu.memory_space<vmem>>
        %dma_start3A_424 = tpu.memref_slice %arg3[%add3A_397] : memref<640000xi32, #tpu.memory_space<hbm>> -> memref<40xi32, #tpu.memory_space<hbm>>
        %dma_start3A_425 = tpu.memref_slice %arg11[%rem3A_386] : memref<3x!tpu.dma_semaphore, #tpu.memory_space<semaphore_mem>> -> memref<1x!tpu.dma_semaphore, #tpu.memory_space<semaphore_mem>>
        %dma_start3A_426 = tpu.memref_squeeze %dma_start3A_425 : memref<1x!tpu.dma_semaphore, #tpu.memory_space<semaphore_mem>> -> memref<!tpu.dma_semaphore, #tpu.memory_space<semaphore_mem>>
        %dma_start3A_427 = arith.constant 0 : i32
        %dma_start3A_428 = tpu.memref_slice %arg6[%rem3A_386, %dma_start3A_420, %dma_start3A_427] : memref<3x5x40xi32, #tpu.memory_space<vmem>> -> memref<1x1x40xi32, #tpu.memory_space<vmem>>
        %dma_start3A_429 = tpu.memref_squeeze %dma_start3A_428 : memref<1x1x40xi32, #tpu.memory_space<vmem>> -> memref<40xi32, #tpu.memory_space<vmem>>
        %dma_start3A_430 = tpu.memref_slice %arg3[%add3A_397] : memref<640000xi32, #tpu.memory_space<hbm>> -> memref<40xi32, #tpu.memory_space<hbm>>
        tpu.enqueue_dma source(%dma_start3A_430 : memref<40xi32, #tpu.memory_space<hbm>>) target(%dma_start3A_429 : memref<40xi32, #tpu.memory_space<vmem>>) target_semaphore(%dma_start3A_426 : memref<!tpu.dma_semaphore, #tpu.memory_space<semaphore_mem>>)
        %dma_start3A_431 = arith.constant 1 : i32
        %dma_start3A_432 = arith.constant 0 : i32
        %dma_start3A_433 = tpu.memref_slice %arg6[%rem3A_386, %dma_start3A_431, %dma_start3A_432] : memref<3x5x40xi32, #tpu.memory_space<vmem>> -> memref<1x1x40xi32, #tpu.memory_space<vmem>>
        %dma_start3A_434 = tpu.memref_squeeze %dma_start3A_433 : memref<1x1x40xi32, #tpu.memory_space<vmem>> -> memref<40xi32, #tpu.memory_space<vmem>>
        %dma_start3A_435 = tpu.memref_slice %arg3[%add3A_401] : memref<640000xi32, #tpu.memory_space<hbm>> -> memref<40xi32, #tpu.memory_space<hbm>>
        %dma_start3A_436 = tpu.memref_slice %arg11[%rem3A_386] : memref<3x!tpu.dma_semaphore, #tpu.memory_space<semaphore_mem>> -> memref<1x!tpu.dma_semaphore, #tpu.memory_space<semaphore_mem>>
        %dma_start3A_437 = tpu.memref_squeeze %dma_start3A_436 : memref<1x!tpu.dma_semaphore, #tpu.memory_space<semaphore_mem>> -> memref<!tpu.dma_semaphore, #tpu.memory_space<semaphore_mem>>
        %dma_start3A_438 = arith.constant 0 : i32
        %dma_start3A_439 = tpu.memref_slice %arg6[%rem3A_386, %dma_start3A_431, %dma_start3A_438] : memref<3x5x40xi32, #tpu.memory_space<vmem>> -> memref<1x1x40xi32, #tpu.memory_space<vmem>>
        %dma_start3A_440 = tpu.memref_squeeze %dma_start3A_439 : memref<1x1x40xi32, #tpu.memory_space<vmem>> -> memref<40xi32, #tpu.memory_space<vmem>>
        %dma_start3A_441 = tpu.memref_slice %arg3[%add3A_401] : memref<640000xi32, #tpu.memory_space<hbm>> -> memref<40xi32, #tpu.memory_space<hbm>>
        tpu.enqueue_dma source(%dma_start3A_441 : memref<40xi32, #tpu.memory_space<hbm>>) target(%dma_start3A_440 : memref<40xi32, #tpu.memory_space<vmem>>) target_semaphore(%dma_start3A_437 : memref<!tpu.dma_semaphore, #tpu.memory_space<semaphore_mem>>)
        %dma_start3A_442 = arith.constant 2 : i32
        %dma_start3A_443 = arith.constant 0 : i32
        %dma_start3A_444 = tpu.memref_slice %arg6[%rem3A_386, %dma_start3A_442, %dma_start3A_443] : memref<3x5x40xi32, #tpu.memory_space<vmem>> -> memref<1x1x40xi32, #tpu.memory_space<vmem>>
        %dma_start3A_445 = tpu.memref_squeeze %dma_start3A_444 : memref<1x1x40xi32, #tpu.memory_space<vmem>> -> memref<40xi32, #tpu.memory_space<vmem>>
        %dma_start3A_446 = tpu.memref_slice %arg3[%add3A_405] : memref<640000xi32, #tpu.memory_space<hbm>> -> memref<40xi32, #tpu.memory_space<hbm>>
        %dma_start3A_447 = tpu.memref_slice %arg11[%rem3A_386] : memref<3x!tpu.dma_semaphore, #tpu.memory_space<semaphore_mem>> -> memref<1x!tpu.dma_semaphore, #tpu.memory_space<semaphore_mem>>
        %dma_start3A_448 = tpu.memref_squeeze %dma_start3A_447 : memref<1x!tpu.dma_semaphore, #tpu.memory_space<semaphore_mem>> -> memref<!tpu.dma_semaphore, #tpu.memory_space<semaphore_mem>>
        %dma_start3A_449 = arith.constant 0 : i32
        %dma_start3A_450 = tpu.memref_slice %arg6[%rem3A_386, %dma_start3A_442, %dma_start3A_449] : memref<3x5x40xi32, #tpu.memory_space<vmem>> -> memref<1x1x40xi32, #tpu.memory_space<vmem>>
        %dma_start3A_451 = tpu.memref_squeeze %dma_start3A_450 : memref<1x1x40xi32, #tpu.memory_space<vmem>> -> memref<40xi32, #tpu.memory_space<vmem>>
        %dma_start3A_452 = tpu.memref_slice %arg3[%add3A_405] : memref<640000xi32, #tpu.memory_space<hbm>> -> memref<40xi32, #tpu.memory_space<hbm>>
        tpu.enqueue_dma source(%dma_start3A_452 : memref<40xi32, #tpu.memory_space<hbm>>) target(%dma_start3A_451 : memref<40xi32, #tpu.memory_space<vmem>>) target_semaphore(%dma_start3A_448 : memref<!tpu.dma_semaphore, #tpu.memory_space<semaphore_mem>>)
        %dma_start3A_453 = arith.constant 3 : i32
        %dma_start3A_454 = arith.constant 0 : i32
        %dma_start3A_455 = tpu.memref_slice %arg6[%rem3A_386, %dma_start3A_453, %dma_start3A_454] : memref<3x5x40xi32, #tpu.memory_space<vmem>> -> memref<1x1x40xi32, #tpu.memory_space<vmem>>
        %dma_start3A_456 = tpu.memref_squeeze %dma_start3A_455 : memref<1x1x40xi32, #tpu.memory_space<vmem>> -> memref<40xi32, #tpu.memory_space<vmem>>
        %dma_start3A_457 = tpu.memref_slice %arg3[%add3A_409] : memref<640000xi32, #tpu.memory_space<hbm>> -> memref<40xi32, #tpu.memory_space<hbm>>
        %dma_start3A_458 = tpu.memref_slice %arg11[%rem3A_386] : memref<3x!tpu.dma_semaphore, #tpu.memory_space<semaphore_mem>> -> memref<1x!tpu.dma_semaphore, #tpu.memory_space<semaphore_mem>>
        %dma_start3A_459 = tpu.memref_squeeze %dma_start3A_458 : memref<1x!tpu.dma_semaphore, #tpu.memory_space<semaphore_mem>> -> memref<!tpu.dma_semaphore, #tpu.memory_space<semaphore_mem>>
        %dma_start3A_460 = arith.constant 0 : i32
        %dma_start3A_461 = tpu.memref_slice %arg6[%rem3A_386, %dma_start3A_453, %dma_start3A_460] : memref<3x5x40xi32, #tpu.memory_space<vmem>> -> memref<1x1x40xi32, #tpu.memory_space<vmem>>
        %dma_start3A_462 = tpu.memref_squeeze %dma_start3A_461 : memref<1x1x40xi32, #tpu.memory_space<vmem>> -> memref<40xi32, #tpu.memory_space<vmem>>
        %dma_start3A_463 = tpu.memref_slice %arg3[%add3A_409] : memref<640000xi32, #tpu.memory_space<hbm>> -> memref<40xi32, #tpu.memory_space<hbm>>
        tpu.enqueue_dma source(%dma_start3A_463 : memref<40xi32, #tpu.memory_space<hbm>>) target(%dma_start3A_462 : memref<40xi32, #tpu.memory_space<vmem>>) target_semaphore(%dma_start3A_459 : memref<!tpu.dma_semaphore, #tpu.memory_space<semaphore_mem>>)
        %dma_start3A_464 = arith.constant 4 : i32
        %dma_start3A_465 = arith.constant 0 : i32
        %dma_start3A_466 = tpu.memref_slice %arg6[%rem3A_386, %dma_start3A_464, %dma_start3A_465] : memref<3x5x40xi32, #tpu.memory_space<vmem>> -> memref<1x1x40xi32, #tpu.memory_space<vmem>>
        %dma_start3A_467 = tpu.memref_squeeze %dma_start3A_466 : memref<1x1x40xi32, #tpu.memory_space<vmem>> -> memref<40xi32, #tpu.memory_space<vmem>>
        %dma_start3A_468 = tpu.memref_slice %arg3[%add3A_413] : memref<640000xi32, #tpu.memory_space<hbm>> -> memref<40xi32, #tpu.memory_space<hbm>>
        %dma_start3A_469 = tpu.memref_slice %arg11[%rem3A_386] : memref<3x!tpu.dma_semaphore, #tpu.memory_space<semaphore_mem>> -> memref<1x!tpu.dma_semaphore, #tpu.memory_space<semaphore_mem>>
        %dma_start3A_470 = tpu.memref_squeeze %dma_start3A_469 : memref<1x!tpu.dma_semaphore, #tpu.memory_space<semaphore_mem>> -> memref<!tpu.dma_semaphore, #tpu.memory_space<semaphore_mem>>
        %dma_start3A_471 = arith.constant 0 : i32
        %dma_start3A_472 = tpu.memref_slice %arg6[%rem3A_386, %dma_start3A_464, %dma_start3A_471] : memref<3x5x40xi32, #tpu.memory_space<vmem>> -> memref<1x1x40xi32, #tpu.memory_space<vmem>>
        %dma_start3A_473 = tpu.memref_squeeze %dma_start3A_472 : memref<1x1x40xi32, #tpu.memory_space<vmem>> -> memref<40xi32, #tpu.memory_space<vmem>>
        %dma_start3A_474 = tpu.memref_slice %arg3[%add3A_413] : memref<640000xi32, #tpu.memory_space<hbm>> -> memref<40xi32, #tpu.memory_space<hbm>>
        tpu.enqueue_dma source(%dma_start3A_474 : memref<40xi32, #tpu.memory_space<hbm>>) target(%dma_start3A_473 : memref<40xi32, #tpu.memory_space<vmem>>) target_semaphore(%dma_start3A_470 : memref<!tpu.dma_semaphore, #tpu.memory_space<semaphore_mem>>)
      } else {
      }
      %mul3A_259 = arith.constant 200 : i32
      %mul3A_260 = arith.muli %rem3A_243, %mul3A_259 : i32
      %add3A_261 = arith.constant 0 : i32
      %add3A_262 = arith.addi %mul3A_260, %add3A_261 : i32
      %dma_wait3A = arith.constant 0 : i32
      %dma_wait3A_263 = arith.constant 0 : i32
      %dma_wait3A_264 = arith.constant 0 : i32
      %dma_wait3A_265 = arith.constant 0 : i32
      %dma_wait3A_266 = tpu.memref_slice %arg7[%dma_wait3A, %dma_wait3A_264, %dma_wait3A_265] : memref<5x40x128xf32, #tpu.memory_space<vmem>> -> memref<1x40x128xf32, #tpu.memory_space<vmem>>
      %dma_wait3A_267 = tpu.memref_squeeze %dma_wait3A_266 : memref<1x40x128xf32, #tpu.memory_space<vmem>> -> memref<40x128xf32, #tpu.memory_space<vmem>>
      %dma_wait3A_268 = tpu.memref_slice %arg5[%add3A_262] : memref<600xi32, #tpu.memory_space<vmem>> -> memref<40xi32, #tpu.memory_space<vmem>>
      %dma_wait3A_269 = arith.constant 0 : i32
      %dma_wait3A_270 = arith.constant 0 : i32
      %dma_wait3A_271 = tpu.memref_slice %arg2[%dma_wait3A_269, %dma_wait3A_270] : memref<10000x128xf32, #tpu.memory_space<hbm>> -> memref<10000x128xf32, #tpu.memory_space<hbm>>
      %dma_wait3A_272 = tpu.memref_slice %arg10[%dma_wait3A_263] : memref<5x!tpu.dma_semaphore, #tpu.memory_space<semaphore_mem>> -> memref<1x!tpu.dma_semaphore, #tpu.memory_space<semaphore_mem>>
      %dma_wait3A_273 = tpu.memref_squeeze %dma_wait3A_272 : memref<1x!tpu.dma_semaphore, #tpu.memory_space<semaphore_mem>> -> memref<!tpu.dma_semaphore, #tpu.memory_space<semaphore_mem>>
      tpu.wait_indirect_dma semaphore(%dma_wait3A_273 : memref<!tpu.dma_semaphore, #tpu.memory_space<semaphore_mem>>) src(%dma_wait3A_271 : memref<10000x128xf32, #tpu.memory_space<hbm>>) dst(%dma_wait3A_267 : memref<40x128xf32, #tpu.memory_space<vmem>>)
      %run_scoped3A_274 = arith.constant 0 : i32
      %run_scoped3A_275 = arith.constant 0 : i32
      "tpu.region"() ({
        %run_scoped3A_383 = tpu.sem_alloc : memref<!tpu.dma_semaphore, #tpu.memory_space<semaphore_mem>>
        %dma_start3A_384 = arith.constant 0 : i32
        %dma_start3A_385 = arith.constant 0 : i32
        %dma_start3A_386 = tpu.memref_slice %arg7[%run_scoped3A_274, %dma_start3A_384, %dma_start3A_385] : memref<5x40x128xf32, #tpu.memory_space<vmem>> -> memref<1x40x128xf32, #tpu.memory_space<vmem>>
        %dma_start3A_387 = tpu.memref_squeeze %dma_start3A_386 : memref<1x40x128xf32, #tpu.memory_space<vmem>> -> memref<40x128xf32, #tpu.memory_space<vmem>>
        %dma_start3A_388 = arith.constant 0 : i32
        %dma_start3A_389 = tpu.memref_slice %arg6[%rem3A_243, %run_scoped3A_275, %dma_start3A_388] : memref<3x5x40xi32, #tpu.memory_space<vmem>> -> memref<1x1x40xi32, #tpu.memory_space<vmem>>
        %dma_start3A_390 = tpu.memref_squeeze %dma_start3A_389 : memref<1x1x40xi32, #tpu.memory_space<vmem>> -> memref<40xi32, #tpu.memory_space<vmem>>
        %dma_start3A_391 = arith.constant 0 : i32
        %dma_start3A_392 = arith.constant 0 : i32
        %dma_start3A_393 = tpu.memref_slice %arg9[%dma_start3A_391, %dma_start3A_392] : memref<10240x128xf32, #tpu.memory_space<vmem_shared>> -> memref<10240x128xf32, #tpu.memory_space<vmem_shared>>
        tpu.enqueue_indirect_dma source(%dma_start3A_387 : memref<40x128xf32, #tpu.memory_space<vmem>>) target(%dma_start3A_393 : memref<10240x128xf32, #tpu.memory_space<vmem_shared>>) offsets(%dma_start3A_390 : memref<40xi32, #tpu.memory_space<vmem>>) semaphore(%run_scoped3A_383 : memref<!tpu.dma_semaphore, #tpu.memory_space<semaphore_mem>>) {add = true}
        %dma_wait3A_394 = arith.constant 0 : i32
        %dma_wait3A_395 = arith.constant 0 : i32
        %dma_wait3A_396 = tpu.memref_slice %arg7[%run_scoped3A_274, %dma_wait3A_394, %dma_wait3A_395] : memref<5x40x128xf32, #tpu.memory_space<vmem>> -> memref<1x40x128xf32, #tpu.memory_space<vmem>>
        %dma_wait3A_397 = tpu.memref_squeeze %dma_wait3A_396 : memref<1x40x128xf32, #tpu.memory_space<vmem>> -> memref<40x128xf32, #tpu.memory_space<vmem>>
        %dma_wait3A_398 = arith.constant 0 : i32
        %dma_wait3A_399 = tpu.memref_slice %arg6[%rem3A_243, %run_scoped3A_275, %dma_wait3A_398] : memref<3x5x40xi32, #tpu.memory_space<vmem>> -> memref<1x1x40xi32, #tpu.memory_space<vmem>>
        %dma_wait3A_400 = tpu.memref_squeeze %dma_wait3A_399 : memref<1x1x40xi32, #tpu.memory_space<vmem>> -> memref<40xi32, #tpu.memory_space<vmem>>
        %dma_wait3A_401 = arith.constant 0 : i32
        %dma_wait3A_402 = arith.constant 0 : i32
        %dma_wait3A_403 = tpu.memref_slice %arg9[%dma_wait3A_401, %dma_wait3A_402] : memref<10240x128xf32, #tpu.memory_space<vmem_shared>> -> memref<10240x128xf32, #tpu.memory_space<vmem_shared>>
        tpu.wait_indirect_dma semaphore(%run_scoped3A_383 : memref<!tpu.dma_semaphore, #tpu.memory_space<semaphore_mem>>) src(%dma_wait3A_397 : memref<40x128xf32, #tpu.memory_space<vmem>>) dst(%dma_wait3A_403 : memref<10240x128xf32, #tpu.memory_space<vmem_shared>>)
        tpu.yield
      }) : () -> ()
      %add3A_276 = arith.constant 1 : i32
      %add3A_277 = arith.addi %scan3A_241, %add3A_276 : i32
      %lt3A_278 = arith.constant 50 : i32
      %lt3A_279 = arith.cmpi slt, %add3A_277, %lt3A_278 : i32
      %convert_element_type3A_280 = arith.extui %lt3A_279 : i1 to i32
      %cond3A_281 = arith.constant 0 : i32
      %cond3A_282 = arith.cmpi ne, %convert_element_type3A_280, %cond3A_281 : i32
      scf.if %cond3A_282 {
        %mul3A_383 = arith.constant 200 : i32
        %mul3A_384 = arith.muli %rem3A_247, %mul3A_383 : i32
        %add3A_385 = arith.constant 0 : i32
        %add3A_386 = arith.addi %mul3A_384, %add3A_385 : i32
        %dma_start3A_387 = arith.constant 0 : i32
        %dma_start3A_388 = arith.constant 0 : i32
        %dma_start3A_389 = arith.constant 0 : i32
        %dma_start3A_390 = arith.constant 0 : i32
        %dma_start3A_391 = tpu.memref_slice %arg7[%dma_start3A_387, %dma_start3A_389, %dma_start3A_390] : memref<5x40x128xf32, #tpu.memory_space<vmem>> -> memref<1x40x128xf32, #tpu.memory_space<vmem>>
        %dma_start3A_392 = tpu.memref_squeeze %dma_start3A_391 : memref<1x40x128xf32, #tpu.memory_space<vmem>> -> memref<40x128xf32, #tpu.memory_space<vmem>>
        %dma_start3A_393 = tpu.memref_slice %arg5[%add3A_386] : memref<600xi32, #tpu.memory_space<vmem>> -> memref<40xi32, #tpu.memory_space<vmem>>
        %dma_start3A_394 = arith.constant 0 : i32
        %dma_start3A_395 = arith.constant 0 : i32
        %dma_start3A_396 = tpu.memref_slice %arg2[%dma_start3A_394, %dma_start3A_395] : memref<10000x128xf32, #tpu.memory_space<hbm>> -> memref<10000x128xf32, #tpu.memory_space<hbm>>
        %dma_start3A_397 = tpu.memref_slice %arg10[%dma_start3A_388] : memref<5x!tpu.dma_semaphore, #tpu.memory_space<semaphore_mem>> -> memref<1x!tpu.dma_semaphore, #tpu.memory_space<semaphore_mem>>
        %dma_start3A_398 = tpu.memref_squeeze %dma_start3A_397 : memref<1x!tpu.dma_semaphore, #tpu.memory_space<semaphore_mem>> -> memref<!tpu.dma_semaphore, #tpu.memory_space<semaphore_mem>>
        tpu.enqueue_indirect_dma source(%dma_start3A_396 : memref<10000x128xf32, #tpu.memory_space<hbm>>) target(%dma_start3A_392 : memref<40x128xf32, #tpu.memory_space<vmem>>) offsets(%dma_start3A_393 : memref<40xi32, #tpu.memory_space<vmem>>) semaphore(%dma_start3A_398 : memref<!tpu.dma_semaphore, #tpu.memory_space<semaphore_mem>>)
      } else {
      }
      %mul3A_283 = arith.constant 200 : i32
      %mul3A_284 = arith.muli %rem3A_243, %mul3A_283 : i32
      %add3A_285 = arith.constant 40 : i32
      %add3A_286 = arith.addi %mul3A_284, %add3A_285 : i32
      %dma_wait3A_287 = arith.constant 1 : i32
      %dma_wait3A_288 = arith.constant 1 : i32
      %dma_wait3A_289 = arith.constant 0 : i32
      %dma_wait3A_290 = arith.constant 0 : i32
      %dma_wait3A_291 = tpu.memref_slice %arg7[%dma_wait3A_287, %dma_wait3A_289, %dma_wait3A_290] : memref<5x40x128xf32, #tpu.memory_space<vmem>> -> memref<1x40x128xf32, #tpu.memory_space<vmem>>
      %dma_wait3A_292 = tpu.memref_squeeze %dma_wait3A_291 : memref<1x40x128xf32, #tpu.memory_space<vmem>> -> memref<40x128xf32, #tpu.memory_space<vmem>>
      %dma_wait3A_293 = tpu.memref_slice %arg5[%add3A_286] : memref<600xi32, #tpu.memory_space<vmem>> -> memref<40xi32, #tpu.memory_space<vmem>>
      %dma_wait3A_294 = arith.constant 0 : i32
      %dma_wait3A_295 = arith.constant 0 : i32
      %dma_wait3A_296 = tpu.memref_slice %arg2[%dma_wait3A_294, %dma_wait3A_295] : memref<10000x128xf32, #tpu.memory_space<hbm>> -> memref<10000x128xf32, #tpu.memory_space<hbm>>
      %dma_wait3A_297 = tpu.memref_slice %arg10[%dma_wait3A_288] : memref<5x!tpu.dma_semaphore, #tpu.memory_space<semaphore_mem>> -> memref<1x!tpu.dma_semaphore, #tpu.memory_space<semaphore_mem>>
      %dma_wait3A_298 = tpu.memref_squeeze %dma_wait3A_297 : memref<1x!tpu.dma_semaphore, #tpu.memory_space<semaphore_mem>> -> memref<!tpu.dma_semaphore, #tpu.memory_space<semaphore_mem>>
      tpu.wait_indirect_dma semaphore(%dma_wait3A_298 : memref<!tpu.dma_semaphore, #tpu.memory_space<semaphore_mem>>) src(%dma_wait3A_296 : memref<10000x128xf32, #tpu.memory_space<hbm>>) dst(%dma_wait3A_292 : memref<40x128xf32, #tpu.memory_space<vmem>>)
      %run_scoped3A_299 = arith.constant 1 : i32
      %run_scoped3A_300 = arith.constant 1 : i32
      "tpu.region"() ({
        %run_scoped3A_383 = tpu.sem_alloc : memref<!tpu.dma_semaphore, #tpu.memory_space<semaphore_mem>>
        %dma_start3A_384 = arith.constant 0 : i32
        %dma_start3A_385 = arith.constant 0 : i32
        %dma_start3A_386 = tpu.memref_slice %arg7[%run_scoped3A_299, %dma_start3A_384, %dma_start3A_385] : memref<5x40x128xf32, #tpu.memory_space<vmem>> -> memref<1x40x128xf32, #tpu.memory_space<vmem>>
        %dma_start3A_387 = tpu.memref_squeeze %dma_start3A_386 : memref<1x40x128xf32, #tpu.memory_space<vmem>> -> memref<40x128xf32, #tpu.memory_space<vmem>>
        %dma_start3A_388 = arith.constant 0 : i32
        %dma_start3A_389 = tpu.memref_slice %arg6[%rem3A_243, %run_scoped3A_300, %dma_start3A_388] : memref<3x5x40xi32, #tpu.memory_space<vmem>> -> memref<1x1x40xi32, #tpu.memory_space<vmem>>
        %dma_start3A_390 = tpu.memref_squeeze %dma_start3A_389 : memref<1x1x40xi32, #tpu.memory_space<vmem>> -> memref<40xi32, #tpu.memory_space<vmem>>
        %dma_start3A_391 = arith.constant 0 : i32
        %dma_start3A_392 = arith.constant 0 : i32
        %dma_start3A_393 = tpu.memref_slice %arg9[%dma_start3A_391, %dma_start3A_392] : memref<10240x128xf32, #tpu.memory_space<vmem_shared>> -> memref<10240x128xf32, #tpu.memory_space<vmem_shared>>
        tpu.enqueue_indirect_dma source(%dma_start3A_387 : memref<40x128xf32, #tpu.memory_space<vmem>>) target(%dma_start3A_393 : memref<10240x128xf32, #tpu.memory_space<vmem_shared>>) offsets(%dma_start3A_390 : memref<40xi32, #tpu.memory_space<vmem>>) semaphore(%run_scoped3A_383 : memref<!tpu.dma_semaphore, #tpu.memory_space<semaphore_mem>>) {add = true}
        %dma_wait3A_394 = arith.constant 0 : i32
        %dma_wait3A_395 = arith.constant 0 : i32
        %dma_wait3A_396 = tpu.memref_slice %arg7[%run_scoped3A_299, %dma_wait3A_394, %dma_wait3A_395] : memref<5x40x128xf32, #tpu.memory_space<vmem>> -> memref<1x40x128xf32, #tpu.memory_space<vmem>>
        %dma_wait3A_397 = tpu.memref_squeeze %dma_wait3A_396 : memref<1x40x128xf32, #tpu.memory_space<vmem>> -> memref<40x128xf32, #tpu.memory_space<vmem>>
        %dma_wait3A_398 = arith.constant 0 : i32
        %dma_wait3A_399 = tpu.memref_slice %arg6[%rem3A_243, %run_scoped3A_300, %dma_wait3A_398] : memref<3x5x40xi32, #tpu.memory_space<vmem>> -> memref<1x1x40xi32, #tpu.memory_space<vmem>>
        %dma_wait3A_400 = tpu.memref_squeeze %dma_wait3A_399 : memref<1x1x40xi32, #tpu.memory_space<vmem>> -> memref<40xi32, #tpu.memory_space<vmem>>
        %dma_wait3A_401 = arith.constant 0 : i32
        %dma_wait3A_402 = arith.constant 0 : i32
        %dma_wait3A_403 = tpu.memref_slice %arg9[%dma_wait3A_401, %dma_wait3A_402] : memref<10240x128xf32, #tpu.memory_space<vmem_shared>> -> memref<10240x128xf32, #tpu.memory_space<vmem_shared>>
        tpu.wait_indirect_dma semaphore(%run_scoped3A_383 : memref<!tpu.dma_semaphore, #tpu.memory_space<semaphore_mem>>) src(%dma_wait3A_397 : memref<40x128xf32, #tpu.memory_space<vmem>>) dst(%dma_wait3A_403 : memref<10240x128xf32, #tpu.memory_space<vmem_shared>>)
        tpu.yield
      }) : () -> ()
      %add3A_301 = arith.constant 1 : i32
      %add3A_302 = arith.addi %scan3A_241, %add3A_301 : i32
      %lt3A_303 = arith.constant 50 : i32
      %lt3A_304 = arith.cmpi slt, %add3A_302, %lt3A_303 : i32
      %convert_element_type3A_305 = arith.extui %lt3A_304 : i1 to i32
      %cond3A_306 = arith.constant 0 : i32
      %cond3A_307 = arith.cmpi ne, %convert_element_type3A_305, %cond3A_306 : i32
      scf.if %cond3A_307 {
        %mul3A_383 = arith.constant 200 : i32
        %mul3A_384 = arith.muli %rem3A_247, %mul3A_383 : i32
        %add3A_385 = arith.constant 40 : i32
        %add3A_386 = arith.addi %mul3A_384, %add3A_385 : i32
        %dma_start3A_387 = arith.constant 1 : i32
        %dma_start3A_388 = arith.constant 1 : i32
        %dma_start3A_389 = arith.constant 0 : i32
        %dma_start3A_390 = arith.constant 0 : i32
        %dma_start3A_391 = tpu.memref_slice %arg7[%dma_start3A_387, %dma_start3A_389, %dma_start3A_390] : memref<5x40x128xf32, #tpu.memory_space<vmem>> -> memref<1x40x128xf32, #tpu.memory_space<vmem>>
        %dma_start3A_392 = tpu.memref_squeeze %dma_start3A_391 : memref<1x40x128xf32, #tpu.memory_space<vmem>> -> memref<40x128xf32, #tpu.memory_space<vmem>>
        %dma_start3A_393 = tpu.memref_slice %arg5[%add3A_386] : memref<600xi32, #tpu.memory_space<vmem>> -> memref<40xi32, #tpu.memory_space<vmem>>
        %dma_start3A_394 = arith.constant 0 : i32
        %dma_start3A_395 = arith.constant 0 : i32
        %dma_start3A_396 = tpu.memref_slice %arg2[%dma_start3A_394, %dma_start3A_395] : memref<10000x128xf32, #tpu.memory_space<hbm>> -> memref<10000x128xf32, #tpu.memory_space<hbm>>
        %dma_start3A_397 = tpu.memref_slice %arg10[%dma_start3A_388] : memref<5x!tpu.dma_semaphore, #tpu.memory_space<semaphore_mem>> -> memref<1x!tpu.dma_semaphore, #tpu.memory_space<semaphore_mem>>
        %dma_start3A_398 = tpu.memref_squeeze %dma_start3A_397 : memref<1x!tpu.dma_semaphore, #tpu.memory_space<semaphore_mem>> -> memref<!tpu.dma_semaphore, #tpu.memory_space<semaphore_mem>>
        tpu.enqueue_indirect_dma source(%dma_start3A_396 : memref<10000x128xf32, #tpu.memory_space<hbm>>) target(%dma_start3A_392 : memref<40x128xf32, #tpu.memory_space<vmem>>) offsets(%dma_start3A_393 : memref<40xi32, #tpu.memory_space<vmem>>) semaphore(%dma_start3A_398 : memref<!tpu.dma_semaphore, #tpu.memory_space<semaphore_mem>>)
      } else {
      }
      %mul3A_308 = arith.constant 200 : i32
      %mul3A_309 = arith.muli %rem3A_243, %mul3A_308 : i32
      %add3A_310 = arith.constant 80 : i32
      %add3A_311 = arith.addi %mul3A_309, %add3A_310 : i32
      %dma_wait3A_312 = arith.constant 2 : i32
      %dma_wait3A_313 = arith.constant 2 : i32
      %dma_wait3A_314 = arith.constant 0 : i32
      %dma_wait3A_315 = arith.constant 0 : i32
      %dma_wait3A_316 = tpu.memref_slice %arg7[%dma_wait3A_312, %dma_wait3A_314, %dma_wait3A_315] : memref<5x40x128xf32, #tpu.memory_space<vmem>> -> memref<1x40x128xf32, #tpu.memory_space<vmem>>
      %dma_wait3A_317 = tpu.memref_squeeze %dma_wait3A_316 : memref<1x40x128xf32, #tpu.memory_space<vmem>> -> memref<40x128xf32, #tpu.memory_space<vmem>>
      %dma_wait3A_318 = tpu.memref_slice %arg5[%add3A_311] : memref<600xi32, #tpu.memory_space<vmem>> -> memref<40xi32, #tpu.memory_space<vmem>>
      %dma_wait3A_319 = arith.constant 0 : i32
      %dma_wait3A_320 = arith.constant 0 : i32
      %dma_wait3A_321 = tpu.memref_slice %arg2[%dma_wait3A_319, %dma_wait3A_320] : memref<10000x128xf32, #tpu.memory_space<hbm>> -> memref<10000x128xf32, #tpu.memory_space<hbm>>
      %dma_wait3A_322 = tpu.memref_slice %arg10[%dma_wait3A_313] : memref<5x!tpu.dma_semaphore, #tpu.memory_space<semaphore_mem>> -> memref<1x!tpu.dma_semaphore, #tpu.memory_space<semaphore_mem>>
      %dma_wait3A_323 = tpu.memref_squeeze %dma_wait3A_322 : memref<1x!tpu.dma_semaphore, #tpu.memory_space<semaphore_mem>> -> memref<!tpu.dma_semaphore, #tpu.memory_space<semaphore_mem>>
      tpu.wait_indirect_dma semaphore(%dma_wait3A_323 : memref<!tpu.dma_semaphore, #tpu.memory_space<semaphore_mem>>) src(%dma_wait3A_321 : memref<10000x128xf32, #tpu.memory_space<hbm>>) dst(%dma_wait3A_317 : memref<40x128xf32, #tpu.memory_space<vmem>>)
      %run_scoped3A_324 = arith.constant 2 : i32
      %run_scoped3A_325 = arith.constant 2 : i32
      "tpu.region"() ({
        %run_scoped3A_383 = tpu.sem_alloc : memref<!tpu.dma_semaphore, #tpu.memory_space<semaphore_mem>>
        %dma_start3A_384 = arith.constant 0 : i32
        %dma_start3A_385 = arith.constant 0 : i32
        %dma_start3A_386 = tpu.memref_slice %arg7[%run_scoped3A_324, %dma_start3A_384, %dma_start3A_385] : memref<5x40x128xf32, #tpu.memory_space<vmem>> -> memref<1x40x128xf32, #tpu.memory_space<vmem>>
        %dma_start3A_387 = tpu.memref_squeeze %dma_start3A_386 : memref<1x40x128xf32, #tpu.memory_space<vmem>> -> memref<40x128xf32, #tpu.memory_space<vmem>>
        %dma_start3A_388 = arith.constant 0 : i32
        %dma_start3A_389 = tpu.memref_slice %arg6[%rem3A_243, %run_scoped3A_325, %dma_start3A_388] : memref<3x5x40xi32, #tpu.memory_space<vmem>> -> memref<1x1x40xi32, #tpu.memory_space<vmem>>
        %dma_start3A_390 = tpu.memref_squeeze %dma_start3A_389 : memref<1x1x40xi32, #tpu.memory_space<vmem>> -> memref<40xi32, #tpu.memory_space<vmem>>
        %dma_start3A_391 = arith.constant 0 : i32
        %dma_start3A_392 = arith.constant 0 : i32
        %dma_start3A_393 = tpu.memref_slice %arg9[%dma_start3A_391, %dma_start3A_392] : memref<10240x128xf32, #tpu.memory_space<vmem_shared>> -> memref<10240x128xf32, #tpu.memory_space<vmem_shared>>
        tpu.enqueue_indirect_dma source(%dma_start3A_387 : memref<40x128xf32, #tpu.memory_space<vmem>>) target(%dma_start3A_393 : memref<10240x128xf32, #tpu.memory_space<vmem_shared>>) offsets(%dma_start3A_390 : memref<40xi32, #tpu.memory_space<vmem>>) semaphore(%run_scoped3A_383 : memref<!tpu.dma_semaphore, #tpu.memory_space<semaphore_mem>>) {add = true}
        %dma_wait3A_394 = arith.constant 0 : i32
        %dma_wait3A_395 = arith.constant 0 : i32
        %dma_wait3A_396 = tpu.memref_slice %arg7[%run_scoped3A_324, %dma_wait3A_394, %dma_wait3A_395] : memref<5x40x128xf32, #tpu.memory_space<vmem>> -> memref<1x40x128xf32, #tpu.memory_space<vmem>>
        %dma_wait3A_397 = tpu.memref_squeeze %dma_wait3A_396 : memref<1x40x128xf32, #tpu.memory_space<vmem>> -> memref<40x128xf32, #tpu.memory_space<vmem>>
        %dma_wait3A_398 = arith.constant 0 : i32
        %dma_wait3A_399 = tpu.memref_slice %arg6[%rem3A_243, %run_scoped3A_325, %dma_wait3A_398] : memref<3x5x40xi32, #tpu.memory_space<vmem>> -> memref<1x1x40xi32, #tpu.memory_space<vmem>>
        %dma_wait3A_400 = tpu.memref_squeeze %dma_wait3A_399 : memref<1x1x40xi32, #tpu.memory_space<vmem>> -> memref<40xi32, #tpu.memory_space<vmem>>
        %dma_wait3A_401 = arith.constant 0 : i32
        %dma_wait3A_402 = arith.constant 0 : i32
        %dma_wait3A_403 = tpu.memref_slice %arg9[%dma_wait3A_401, %dma_wait3A_402] : memref<10240x128xf32, #tpu.memory_space<vmem_shared>> -> memref<10240x128xf32, #tpu.memory_space<vmem_shared>>
        tpu.wait_indirect_dma semaphore(%run_scoped3A_383 : memref<!tpu.dma_semaphore, #tpu.memory_space<semaphore_mem>>) src(%dma_wait3A_397 : memref<40x128xf32, #tpu.memory_space<vmem>>) dst(%dma_wait3A_403 : memref<10240x128xf32, #tpu.memory_space<vmem_shared>>)
        tpu.yield
      }) : () -> ()
      %add3A_326 = arith.constant 1 : i32
      %add3A_327 = arith.addi %scan3A_241, %add3A_326 : i32
      %lt3A_328 = arith.constant 50 : i32
      %lt3A_329 = arith.cmpi slt, %add3A_327, %lt3A_328 : i32
      %convert_element_type3A_330 = arith.extui %lt3A_329 : i1 to i32
      %cond3A_331 = arith.constant 0 : i32
      %cond3A_332 = arith.cmpi ne, %convert_element_type3A_330, %cond3A_331 : i32
      scf.if %cond3A_332 {
        %mul3A_383 = arith.constant 200 : i32
        %mul3A_384 = arith.muli %rem3A_247, %mul3A_383 : i32
        %add3A_385 = arith.constant 80 : i32
        %add3A_386 = arith.addi %mul3A_384, %add3A_385 : i32
        %dma_start3A_387 = arith.constant 2 : i32
        %dma_start3A_388 = arith.constant 2 : i32
        %dma_start3A_389 = arith.constant 0 : i32
        %dma_start3A_390 = arith.constant 0 : i32
        %dma_start3A_391 = tpu.memref_slice %arg7[%dma_start3A_387, %dma_start3A_389, %dma_start3A_390] : memref<5x40x128xf32, #tpu.memory_space<vmem>> -> memref<1x40x128xf32, #tpu.memory_space<vmem>>
        %dma_start3A_392 = tpu.memref_squeeze %dma_start3A_391 : memref<1x40x128xf32, #tpu.memory_space<vmem>> -> memref<40x128xf32, #tpu.memory_space<vmem>>
        %dma_start3A_393 = tpu.memref_slice %arg5[%add3A_386] : memref<600xi32, #tpu.memory_space<vmem>> -> memref<40xi32, #tpu.memory_space<vmem>>
        %dma_start3A_394 = arith.constant 0 : i32
        %dma_start3A_395 = arith.constant 0 : i32
        %dma_start3A_396 = tpu.memref_slice %arg2[%dma_start3A_394, %dma_start3A_395] : memref<10000x128xf32, #tpu.memory_space<hbm>> -> memref<10000x128xf32, #tpu.memory_space<hbm>>
        %dma_start3A_397 = tpu.memref_slice %arg10[%dma_start3A_388] : memref<5x!tpu.dma_semaphore, #tpu.memory_space<semaphore_mem>> -> memref<1x!tpu.dma_semaphore, #tpu.memory_space<semaphore_mem>>
        %dma_start3A_398 = tpu.memref_squeeze %dma_start3A_397 : memref<1x!tpu.dma_semaphore, #tpu.memory_space<semaphore_mem>> -> memref<!tpu.dma_semaphore, #tpu.memory_space<semaphore_mem>>
        tpu.enqueue_indirect_dma source(%dma_start3A_396 : memref<10000x128xf32, #tpu.memory_space<hbm>>) target(%dma_start3A_392 : memref<40x128xf32, #tpu.memory_space<vmem>>) offsets(%dma_start3A_393 : memref<40xi32, #tpu.memory_space<vmem>>) semaphore(%dma_start3A_398 : memref<!tpu.dma_semaphore, #tpu.memory_space<semaphore_mem>>)
      } else {
      }
      %mul3A_333 = arith.constant 200 : i32
      %mul3A_334 = arith.muli %rem3A_243, %mul3A_333 : i32
      %add3A_335 = arith.constant 120 : i32
      %add3A_336 = arith.addi %mul3A_334, %add3A_335 : i32
      %dma_wait3A_337 = arith.constant 3 : i32
      %dma_wait3A_338 = arith.constant 3 : i32
      %dma_wait3A_339 = arith.constant 0 : i32
      %dma_wait3A_340 = arith.constant 0 : i32
      %dma_wait3A_341 = tpu.memref_slice %arg7[%dma_wait3A_337, %dma_wait3A_339, %dma_wait3A_340] : memref<5x40x128xf32, #tpu.memory_space<vmem>> -> memref<1x40x128xf32, #tpu.memory_space<vmem>>
      %dma_wait3A_342 = tpu.memref_squeeze %dma_wait3A_341 : memref<1x40x128xf32, #tpu.memory_space<vmem>> -> memref<40x128xf32, #tpu.memory_space<vmem>>
      %dma_wait3A_343 = tpu.memref_slice %arg5[%add3A_336] : memref<600xi32, #tpu.memory_space<vmem>> -> memref<40xi32, #tpu.memory_space<vmem>>
      %dma_wait3A_344 = arith.constant 0 : i32
      %dma_wait3A_345 = arith.constant 0 : i32
      %dma_wait3A_346 = tpu.memref_slice %arg2[%dma_wait3A_344, %dma_wait3A_345] : memref<10000x128xf32, #tpu.memory_space<hbm>> -> memref<10000x128xf32, #tpu.memory_space<hbm>>
      %dma_wait3A_347 = tpu.memref_slice %arg10[%dma_wait3A_338] : memref<5x!tpu.dma_semaphore, #tpu.memory_space<semaphore_mem>> -> memref<1x!tpu.dma_semaphore, #tpu.memory_space<semaphore_mem>>
      %dma_wait3A_348 = tpu.memref_squeeze %dma_wait3A_347 : memref<1x!tpu.dma_semaphore, #tpu.memory_space<semaphore_mem>> -> memref<!tpu.dma_semaphore, #tpu.memory_space<semaphore_mem>>
      tpu.wait_indirect_dma semaphore(%dma_wait3A_348 : memref<!tpu.dma_semaphore, #tpu.memory_space<semaphore_mem>>) src(%dma_wait3A_346 : memref<10000x128xf32, #tpu.memory_space<hbm>>) dst(%dma_wait3A_342 : memref<40x128xf32, #tpu.memory_space<vmem>>)
      %run_scoped3A_349 = arith.constant 3 : i32
      %run_scoped3A_350 = arith.constant 3 : i32
      "tpu.region"() ({
        %run_scoped3A_383 = tpu.sem_alloc : memref<!tpu.dma_semaphore, #tpu.memory_space<semaphore_mem>>
        %dma_start3A_384 = arith.constant 0 : i32
        %dma_start3A_385 = arith.constant 0 : i32
        %dma_start3A_386 = tpu.memref_slice %arg7[%run_scoped3A_349, %dma_start3A_384, %dma_start3A_385] : memref<5x40x128xf32, #tpu.memory_space<vmem>> -> memref<1x40x128xf32, #tpu.memory_space<vmem>>
        %dma_start3A_387 = tpu.memref_squeeze %dma_start3A_386 : memref<1x40x128xf32, #tpu.memory_space<vmem>> -> memref<40x128xf32, #tpu.memory_space<vmem>>
        %dma_start3A_388 = arith.constant 0 : i32
        %dma_start3A_389 = tpu.memref_slice %arg6[%rem3A_243, %run_scoped3A_350, %dma_start3A_388] : memref<3x5x40xi32, #tpu.memory_space<vmem>> -> memref<1x1x40xi32, #tpu.memory_space<vmem>>
        %dma_start3A_390 = tpu.memref_squeeze %dma_start3A_389 : memref<1x1x40xi32, #tpu.memory_space<vmem>> -> memref<40xi32, #tpu.memory_space<vmem>>
        %dma_start3A_391 = arith.constant 0 : i32
        %dma_start3A_392 = arith.constant 0 : i32
        %dma_start3A_393 = tpu.memref_slice %arg9[%dma_start3A_391, %dma_start3A_392] : memref<10240x128xf32, #tpu.memory_space<vmem_shared>> -> memref<10240x128xf32, #tpu.memory_space<vmem_shared>>
        tpu.enqueue_indirect_dma source(%dma_start3A_387 : memref<40x128xf32, #tpu.memory_space<vmem>>) target(%dma_start3A_393 : memref<10240x128xf32, #tpu.memory_space<vmem_shared>>) offsets(%dma_start3A_390 : memref<40xi32, #tpu.memory_space<vmem>>) semaphore(%run_scoped3A_383 : memref<!tpu.dma_semaphore, #tpu.memory_space<semaphore_mem>>) {add = true}
        %dma_wait3A_394 = arith.constant 0 : i32
        %dma_wait3A_395 = arith.constant 0 : i32
        %dma_wait3A_396 = tpu.memref_slice %arg7[%run_scoped3A_349, %dma_wait3A_394, %dma_wait3A_395] : memref<5x40x128xf32, #tpu.memory_space<vmem>> -> memref<1x40x128xf32, #tpu.memory_space<vmem>>
        %dma_wait3A_397 = tpu.memref_squeeze %dma_wait3A_396 : memref<1x40x128xf32, #tpu.memory_space<vmem>> -> memref<40x128xf32, #tpu.memory_space<vmem>>
        %dma_wait3A_398 = arith.constant 0 : i32
        %dma_wait3A_399 = tpu.memref_slice %arg6[%rem3A_243, %run_scoped3A_350, %dma_wait3A_398] : memref<3x5x40xi32, #tpu.memory_space<vmem>> -> memref<1x1x40xi32, #tpu.memory_space<vmem>>
        %dma_wait3A_400 = tpu.memref_squeeze %dma_wait3A_399 : memref<1x1x40xi32, #tpu.memory_space<vmem>> -> memref<40xi32, #tpu.memory_space<vmem>>
        %dma_wait3A_401 = arith.constant 0 : i32
        %dma_wait3A_402 = arith.constant 0 : i32
        %dma_wait3A_403 = tpu.memref_slice %arg9[%dma_wait3A_401, %dma_wait3A_402] : memref<10240x128xf32, #tpu.memory_space<vmem_shared>> -> memref<10240x128xf32, #tpu.memory_space<vmem_shared>>
        tpu.wait_indirect_dma semaphore(%run_scoped3A_383 : memref<!tpu.dma_semaphore, #tpu.memory_space<semaphore_mem>>) src(%dma_wait3A_397 : memref<40x128xf32, #tpu.memory_space<vmem>>) dst(%dma_wait3A_403 : memref<10240x128xf32, #tpu.memory_space<vmem_shared>>)
        tpu.yield
      }) : () -> ()
      %add3A_351 = arith.constant 1 : i32
      %add3A_352 = arith.addi %scan3A_241, %add3A_351 : i32
      %lt3A_353 = arith.constant 50 : i32
      %lt3A_354 = arith.cmpi slt, %add3A_352, %lt3A_353 : i32
      %convert_element_type3A_355 = arith.extui %lt3A_354 : i1 to i32
      %cond3A_356 = arith.constant 0 : i32
      %cond3A_357 = arith.cmpi ne, %convert_element_type3A_355, %cond3A_356 : i32
      scf.if %cond3A_357 {
        %mul3A_383 = arith.constant 200 : i32
        %mul3A_384 = arith.muli %rem3A_247, %mul3A_383 : i32
        %add3A_385 = arith.constant 120 : i32
        %add3A_386 = arith.addi %mul3A_384, %add3A_385 : i32
        %dma_start3A_387 = arith.constant 3 : i32
        %dma_start3A_388 = arith.constant 3 : i32
        %dma_start3A_389 = arith.constant 0 : i32
        %dma_start3A_390 = arith.constant 0 : i32
        %dma_start3A_391 = tpu.memref_slice %arg7[%dma_start3A_387, %dma_start3A_389, %dma_start3A_390] : memref<5x40x128xf32, #tpu.memory_space<vmem>> -> memref<1x40x128xf32, #tpu.memory_space<vmem>>
        %dma_start3A_392 = tpu.memref_squeeze %dma_start3A_391 : memref<1x40x128xf32, #tpu.memory_space<vmem>> -> memref<40x128xf32, #tpu.memory_space<vmem>>
        %dma_start3A_393 = tpu.memref_slice %arg5[%add3A_386] : memref<600xi32, #tpu.memory_space<vmem>> -> memref<40xi32, #tpu.memory_space<vmem>>
        %dma_start3A_394 = arith.constant 0 : i32
        %dma_start3A_395 = arith.constant 0 : i32
        %dma_start3A_396 = tpu.memref_slice %arg2[%dma_start3A_394, %dma_start3A_395] : memref<10000x128xf32, #tpu.memory_space<hbm>> -> memref<10000x128xf32, #tpu.memory_space<hbm>>
        %dma_start3A_397 = tpu.memref_slice %arg10[%dma_start3A_388] : memref<5x!tpu.dma_semaphore, #tpu.memory_space<semaphore_mem>> -> memref<1x!tpu.dma_semaphore, #tpu.memory_space<semaphore_mem>>
        %dma_start3A_398 = tpu.memref_squeeze %dma_start3A_397 : memref<1x!tpu.dma_semaphore, #tpu.memory_space<semaphore_mem>> -> memref<!tpu.dma_semaphore, #tpu.memory_space<semaphore_mem>>
        tpu.enqueue_indirect_dma source(%dma_start3A_396 : memref<10000x128xf32, #tpu.memory_space<hbm>>) target(%dma_start3A_392 : memref<40x128xf32, #tpu.memory_space<vmem>>) offsets(%dma_start3A_393 : memref<40xi32, #tpu.memory_space<vmem>>) semaphore(%dma_start3A_398 : memref<!tpu.dma_semaphore, #tpu.memory_space<semaphore_mem>>)
      } else {
      }
      %mul3A_358 = arith.constant 200 : i32
      %mul3A_359 = arith.muli %rem3A_243, %mul3A_358 : i32
      %add3A_360 = arith.constant 160 : i32
      %add3A_361 = arith.addi %mul3A_359, %add3A_360 : i32
      %dma_wait3A_362 = arith.constant 4 : i32
      %dma_wait3A_363 = arith.constant 4 : i32
      %dma_wait3A_364 = arith.constant 0 : i32
      %dma_wait3A_365 = arith.constant 0 : i32
      %dma_wait3A_366 = tpu.memref_slice %arg7[%dma_wait3A_362, %dma_wait3A_364, %dma_wait3A_365] : memref<5x40x128xf32, #tpu.memory_space<vmem>> -> memref<1x40x128xf32, #tpu.memory_space<vmem>>
      %dma_wait3A_367 = tpu.memref_squeeze %dma_wait3A_366 : memref<1x40x128xf32, #tpu.memory_space<vmem>> -> memref<40x128xf32, #tpu.memory_space<vmem>>
      %dma_wait3A_368 = tpu.memref_slice %arg5[%add3A_361] : memref<600xi32, #tpu.memory_space<vmem>> -> memref<40xi32, #tpu.memory_space<vmem>>
      %dma_wait3A_369 = arith.constant 0 : i32
      %dma_wait3A_370 = arith.constant 0 : i32
      %dma_wait3A_371 = tpu.memref_slice %arg2[%dma_wait3A_369, %dma_wait3A_370] : memref<10000x128xf32, #tpu.memory_space<hbm>> -> memref<10000x128xf32, #tpu.memory_space<hbm>>
      %dma_wait3A_372 = tpu.memref_slice %arg10[%dma_wait3A_363] : memref<5x!tpu.dma_semaphore, #tpu.memory_space<semaphore_mem>> -> memref<1x!tpu.dma_semaphore, #tpu.memory_space<semaphore_mem>>
      %dma_wait3A_373 = tpu.memref_squeeze %dma_wait3A_372 : memref<1x!tpu.dma_semaphore, #tpu.memory_space<semaphore_mem>> -> memref<!tpu.dma_semaphore, #tpu.memory_space<semaphore_mem>>
      tpu.wait_indirect_dma semaphore(%dma_wait3A_373 : memref<!tpu.dma_semaphore, #tpu.memory_space<semaphore_mem>>) src(%dma_wait3A_371 : memref<10000x128xf32, #tpu.memory_space<hbm>>) dst(%dma_wait3A_367 : memref<40x128xf32, #tpu.memory_space<vmem>>)
      %run_scoped3A_374 = arith.constant 4 : i32
      %run_scoped3A_375 = arith.constant 4 : i32
      "tpu.region"() ({
        %run_scoped3A_383 = tpu.sem_alloc : memref<!tpu.dma_semaphore, #tpu.memory_space<semaphore_mem>>
        %dma_start3A_384 = arith.constant 0 : i32
        %dma_start3A_385 = arith.constant 0 : i32
        %dma_start3A_386 = tpu.memref_slice %arg7[%run_scoped3A_374, %dma_start3A_384, %dma_start3A_385] : memref<5x40x128xf32, #tpu.memory_space<vmem>> -> memref<1x40x128xf32, #tpu.memory_space<vmem>>
        %dma_start3A_387 = tpu.memref_squeeze %dma_start3A_386 : memref<1x40x128xf32, #tpu.memory_space<vmem>> -> memref<40x128xf32, #tpu.memory_space<vmem>>
        %dma_start3A_388 = arith.constant 0 : i32
        %dma_start3A_389 = tpu.memref_slice %arg6[%rem3A_243, %run_scoped3A_375, %dma_start3A_388] : memref<3x5x40xi32, #tpu.memory_space<vmem>> -> memref<1x1x40xi32, #tpu.memory_space<vmem>>
        %dma_start3A_390 = tpu.memref_squeeze %dma_start3A_389 : memref<1x1x40xi32, #tpu.memory_space<vmem>> -> memref<40xi32, #tpu.memory_space<vmem>>
        %dma_start3A_391 = arith.constant 0 : i32
        %dma_start3A_392 = arith.constant 0 : i32
        %dma_start3A_393 = tpu.memref_slice %arg9[%dma_start3A_391, %dma_start3A_392] : memref<10240x128xf32, #tpu.memory_space<vmem_shared>> -> memref<10240x128xf32, #tpu.memory_space<vmem_shared>>
        tpu.enqueue_indirect_dma source(%dma_start3A_387 : memref<40x128xf32, #tpu.memory_space<vmem>>) target(%dma_start3A_393 : memref<10240x128xf32, #tpu.memory_space<vmem_shared>>) offsets(%dma_start3A_390 : memref<40xi32, #tpu.memory_space<vmem>>) semaphore(%run_scoped3A_383 : memref<!tpu.dma_semaphore, #tpu.memory_space<semaphore_mem>>) {add = true}
        %dma_wait3A_394 = arith.constant 0 : i32
        %dma_wait3A_395 = arith.constant 0 : i32
        %dma_wait3A_396 = tpu.memref_slice %arg7[%run_scoped3A_374, %dma_wait3A_394, %dma_wait3A_395] : memref<5x40x128xf32, #tpu.memory_space<vmem>> -> memref<1x40x128xf32, #tpu.memory_space<vmem>>
        %dma_wait3A_397 = tpu.memref_squeeze %dma_wait3A_396 : memref<1x40x128xf32, #tpu.memory_space<vmem>> -> memref<40x128xf32, #tpu.memory_space<vmem>>
        %dma_wait3A_398 = arith.constant 0 : i32
        %dma_wait3A_399 = tpu.memref_slice %arg6[%rem3A_243, %run_scoped3A_375, %dma_wait3A_398] : memref<3x5x40xi32, #tpu.memory_space<vmem>> -> memref<1x1x40xi32, #tpu.memory_space<vmem>>
        %dma_wait3A_400 = tpu.memref_squeeze %dma_wait3A_399 : memref<1x1x40xi32, #tpu.memory_space<vmem>> -> memref<40xi32, #tpu.memory_space<vmem>>
        %dma_wait3A_401 = arith.constant 0 : i32
        %dma_wait3A_402 = arith.constant 0 : i32
        %dma_wait3A_403 = tpu.memref_slice %arg9[%dma_wait3A_401, %dma_wait3A_402] : memref<10240x128xf32, #tpu.memory_space<vmem_shared>> -> memref<10240x128xf32, #tpu.memory_space<vmem_shared>>
        tpu.wait_indirect_dma semaphore(%run_scoped3A_383 : memref<!tpu.dma_semaphore, #tpu.memory_space<semaphore_mem>>) src(%dma_wait3A_397 : memref<40x128xf32, #tpu.memory_space<vmem>>) dst(%dma_wait3A_403 : memref<10240x128xf32, #tpu.memory_space<vmem_shared>>)
        tpu.yield
      }) : () -> ()
      %add3A_376 = arith.constant 1 : i32
      %add3A_377 = arith.addi %scan3A_241, %add3A_376 : i32
      %lt3A_378 = arith.constant 50 : i32
      %lt3A_379 = arith.cmpi slt, %add3A_377, %lt3A_378 : i32
      %convert_element_type3A_380 = arith.extui %lt3A_379 : i1 to i32
      %cond3A_381 = arith.constant 0 : i32
      %cond3A_382 = arith.cmpi ne, %convert_element_type3A_380, %cond3A_381 : i32
      scf.if %cond3A_382 {
        %mul3A_383 = arith.constant 200 : i32
        %mul3A_384 = arith.muli %rem3A_247, %mul3A_383 : i32
        %add3A_385 = arith.constant 160 : i32
        %add3A_386 = arith.addi %mul3A_384, %add3A_385 : i32
        %dma_start3A_387 = arith.constant 4 : i32
        %dma_start3A_388 = arith.constant 4 : i32
        %dma_start3A_389 = arith.constant 0 : i32
        %dma_start3A_390 = arith.constant 0 : i32
        %dma_start3A_391 = tpu.memref_slice %arg7[%dma_start3A_387, %dma_start3A_389, %dma_start3A_390] : memref<5x40x128xf32, #tpu.memory_space<vmem>> -> memref<1x40x128xf32, #tpu.memory_space<vmem>>
        %dma_start3A_392 = tpu.memref_squeeze %dma_start3A_391 : memref<1x40x128xf32, #tpu.memory_space<vmem>> -> memref<40x128xf32, #tpu.memory_space<vmem>>
        %dma_start3A_393 = tpu.memref_slice %arg5[%add3A_386] : memref<600xi32, #tpu.memory_space<vmem>> -> memref<40xi32, #tpu.memory_space<vmem>>
        %dma_start3A_394 = arith.constant 0 : i32
        %dma_start3A_395 = arith.constant 0 : i32
        %dma_start3A_396 = tpu.memref_slice %arg2[%dma_start3A_394, %dma_start3A_395] : memref<10000x128xf32, #tpu.memory_space<hbm>> -> memref<10000x128xf32, #tpu.memory_space<hbm>>
        %dma_start3A_397 = tpu.memref_slice %arg10[%dma_start3A_388] : memref<5x!tpu.dma_semaphore, #tpu.memory_space<semaphore_mem>> -> memref<1x!tpu.dma_semaphore, #tpu.memory_space<semaphore_mem>>
        %dma_start3A_398 = tpu.memref_squeeze %dma_start3A_397 : memref<1x!tpu.dma_semaphore, #tpu.memory_space<semaphore_mem>> -> memref<!tpu.dma_semaphore, #tpu.memory_space<semaphore_mem>>
        tpu.enqueue_indirect_dma source(%dma_start3A_396 : memref<10000x128xf32, #tpu.memory_space<hbm>>) target(%dma_start3A_392 : memref<40x128xf32, #tpu.memory_space<vmem>>) offsets(%dma_start3A_393 : memref<40xi32, #tpu.memory_space<vmem>>) semaphore(%dma_start3A_398 : memref<!tpu.dma_semaphore, #tpu.memory_space<semaphore_mem>>)
      } else {
      }
    }
    %scan3A_235 = arith.constant 50 : i32
    %barrier3A_236 = arith.constant 0 : index
    tpu.barrier barrier_id(%barrier3A_236)
    %mul3A_237 = arith.constant 640 : i32
    %mul3A_238 = arith.muli %arg1, %mul3A_237 : i32
    %mul3A_239 = arith.constant 640 : i32
    %mul3A_240 = arith.muli %arg1, %mul3A_239 : i32
    "tpu.region"() ({
      %run_scoped3A_241 = tpu.sem_alloc : memref<!tpu.dma_semaphore, #tpu.memory_space<semaphore_mem>>
      %dma_start3A_242 = arith.constant 0 : i32
      %dma_start3A_243 = tpu.memref_slice %arg4[%arg0, %mul3A_240, %dma_start3A_242] : memref<2x10240x128xf32, #tpu.memory_space<hbm>> -> memref<1x640x128xf32, #tpu.memory_space<hbm>>
      %dma_start3A_244 = tpu.memref_squeeze %dma_start3A_243 : memref<1x640x128xf32, #tpu.memory_space<hbm>> -> memref<640x128xf32, #tpu.memory_space<hbm>>
      %dma_start3A_245 = arith.constant 0 : i32
      %dma_start3A_246 = tpu.memref_slice %arg9[%mul3A_238, %dma_start3A_245] : memref<10240x128xf32, #tpu.memory_space<vmem_shared>> -> memref<640x128xf32, #tpu.memory_space<vmem_shared>>
      tpu.enqueue_dma source(%dma_start3A_246 : memref<640x128xf32, #tpu.memory_space<vmem_shared>>) target(%dma_start3A_244 : memref<640x128xf32, #tpu.memory_space<hbm>>) target_semaphore(%run_scoped3A_241 : memref<!tpu.dma_semaphore, #tpu.memory_space<semaphore_mem>>)
      %dma_wait3A = arith.constant 0 : i32
      %dma_wait3A_247 = tpu.memref_slice %arg4[%arg0, %mul3A_240, %dma_wait3A] : memref<2x10240x128xf32, #tpu.memory_space<hbm>> -> memref<1x640x128xf32, #tpu.memory_space<hbm>>
      %dma_wait3A_248 = tpu.memref_squeeze %dma_wait3A_247 : memref<1x640x128xf32, #tpu.memory_space<hbm>> -> memref<640x128xf32, #tpu.memory_space<hbm>>
      %dma_wait3A_249 = arith.constant 0 : i32
      %dma_wait3A_250 = tpu.memref_slice %arg9[%mul3A_238, %dma_wait3A_249] : memref<10240x128xf32, #tpu.memory_space<vmem_shared>> -> memref<640x128xf32, #tpu.memory_space<vmem_shared>>
      tpu.wait_dma2 semaphore(%run_scoped3A_241 : memref<!tpu.dma_semaphore, #tpu.memory_space<semaphore_mem>>) src(%dma_wait3A_250 : memref<640x128xf32, #tpu.memory_space<vmem_shared>>) dst(%dma_wait3A_248 : memref<640x128xf32, #tpu.memory_space<hbm>>)
      tpu.yield
    }) : () -> ()
    return
  }
}

#map = affine_map<(d0, d1) -> (0, 0)>
#map1 = affine_map<(d0, d1) -> (0)>
#map2 = affine_map<(d0, d1) -> (0, 0, 0)>
module attributes {stable_mosaic.version = 14 : i64} {
  func.func @_agg_body(%arg0: i32, %arg1: i32, %arg2: memref<10000x128xf32, #tpu.memory_space<hbm>>, %arg3: memref<640000xi32, #tpu.memory_space<hbm>>, %arg4: memref<2x10240x128xf32, #tpu.memory_space<hbm>>, %arg5: memref<600xi32, #tpu.memory_space<vmem>>, %arg6: memref<3x5x40xi32, #tpu.memory_space<vmem>>, %arg7: memref<5x40x128xf32, #tpu.memory_space<vmem>>, %arg8: memref<64x128xf32, #tpu.memory_space<vmem>>, %arg9: memref<10240x128xf32, #tpu.memory_space<vmem_shared>>, %arg10: memref<5x!tpu.dma_semaphore, #tpu.memory_space<semaphore_mem>>, %arg11: memref<3x!tpu.dma_semaphore, #tpu.memory_space<semaphore_mem>>) attributes {dimension_semantics = [#tpu.dimension_semantics<core_parallel>, #tpu.dimension_semantics<subcore_parallel>], iteration_bounds = array<i64: 2, 16>, scalar_prefetch = 0 : i64, scratch_operands = 7 : i64, tpu.core_type = #tpu.core_type<sc_vector_subcore>, window_params = [{transform_indices = #map}, {transform_indices = #map1}, {transform_indices = #map2}]} {
    %mul3A = arith.constant 16 : i32
    %mul3A_0 = arith.muli %arg0, %mul3A : i32
    %add3A = arith.addi %mul3A_0, %arg1 : i32
    %mul3A_1 = arith.constant 10000 : i32
    %mul3A_2 = arith.muli %add3A, %mul3A_1 : i32
    "tpu.region"() ({
      %run_scoped3A_241 = tpu.sem_alloc : memref<!tpu.dma_semaphore, #tpu.memory_space<semaphore_mem>>
      %dma_start3A_242 = arith.constant 0 : i32
      %dma_start3A_243 = tpu.memref_slice %arg5[%dma_start3A_242] : memref<600xi32, #tpu.memory_space<vmem>> -> memref<200xi32, #tpu.memory_space<vmem>>
      %dma_start3A_244 = tpu.memref_slice %arg3[%mul3A_2] : memref<640000xi32, #tpu.memory_space<hbm>> -> memref<200xi32, #tpu.memory_space<hbm>>
      %dma_start3A_245 = arith.constant 0 : i32
      %dma_start3A_246 = tpu.memref_slice %arg5[%dma_start3A_245] : memref<600xi32, #tpu.memory_space<vmem>> -> memref<200xi32, #tpu.memory_space<vmem>>
      %dma_start3A_247 = tpu.memref_slice %arg3[%mul3A_2] : memref<640000xi32, #tpu.memory_space<hbm>> -> memref<200xi32, #tpu.memory_space<hbm>>
      tpu.enqueue_dma source(%dma_start3A_247 : memref<200xi32, #tpu.memory_space<hbm>>) target(%dma_start3A_246 : memref<200xi32, #tpu.memory_space<vmem>>) target_semaphore(%run_scoped3A_241 : memref<!tpu.dma_semaphore, #tpu.memory_space<semaphore_mem>>)
      %dma_wait3A = arith.constant 0 : i32
      %dma_wait3A_248 = tpu.memref_slice %arg5[%dma_wait3A] : memref<600xi32, #tpu.memory_space<vmem>> -> memref<200xi32, #tpu.memory_space<vmem>>
      %dma_wait3A_249 = tpu.memref_slice %arg3[%mul3A_2] : memref<640000xi32, #tpu.memory_space<hbm>> -> memref<200xi32, #tpu.memory_space<hbm>>
      %dma_wait3A_250 = arith.constant 0 : i32
      %dma_wait3A_251 = tpu.memref_slice %arg5[%dma_wait3A_250] : memref<600xi32, #tpu.memory_space<vmem>> -> memref<200xi32, #tpu.memory_space<vmem>>
      %dma_wait3A_252 = tpu.memref_slice %arg3[%mul3A_2] : memref<640000xi32, #tpu.memory_space<hbm>> -> memref<200xi32, #tpu.memory_space<hbm>>
      tpu.wait_dma2 semaphore(%run_scoped3A_241 : memref<!tpu.dma_semaphore, #tpu.memory_space<semaphore_mem>>) src(%dma_wait3A_252 : memref<200xi32, #tpu.memory_space<hbm>>) dst(%dma_wait3A_251 : memref<200xi32, #tpu.memory_space<vmem>>)
      tpu.yield
    }) : () -> ()
    %add3A_3 = arith.constant 320000 : i32
    %add3A_4 = arith.addi %add3A_3, %mul3A_2 : i32
    %add3A_5 = arith.constant 0 : i32
    %add3A_6 = arith.addi %add3A_4, %add3A_5 : i32
    %run_scoped3A = arith.constant 0 : i32
    %run_scoped3A_7 = arith.constant 0 : i32
    "tpu.region"() ({
      %run_scoped3A_241 = tpu.sem_alloc : memref<!tpu.dma_semaphore, #tpu.memory_space<semaphore_mem>>
      %dma_start3A_242 = arith.constant 0 : i32
      %dma_start3A_243 = tpu.memref_slice %arg6[%run_scoped3A, %run_scoped3A_7, %dma_start3A_242] : memref<3x5x40xi32, #tpu.memory_space<vmem>> -> memref<1x1x40xi32, #tpu.memory_space<vmem>>
      %dma_start3A_244 = tpu.memref_squeeze %dma_start3A_243 : memref<1x1x40xi32, #tpu.memory_space<vmem>> -> memref<40xi32, #tpu.memory_space<vmem>>
      %dma_start3A_245 = tpu.memref_slice %arg3[%add3A_6] : memref<640000xi32, #tpu.memory_space<hbm>> -> memref<40xi32, #tpu.memory_space<hbm>>
      %dma_start3A_246 = arith.constant 0 : i32
      %dma_start3A_247 = tpu.memref_slice %arg6[%run_scoped3A, %run_scoped3A_7, %dma_start3A_246] : memref<3x5x40xi32, #tpu.memory_space<vmem>> -> memref<1x1x40xi32, #tpu.memory_space<vmem>>
      %dma_start3A_248 = tpu.memref_squeeze %dma_start3A_247 : memref<1x1x40xi32, #tpu.memory_space<vmem>> -> memref<40xi32, #tpu.memory_space<vmem>>
      %dma_start3A_249 = tpu.memref_slice %arg3[%add3A_6] : memref<640000xi32, #tpu.memory_space<hbm>> -> memref<40xi32, #tpu.memory_space<hbm>>
      tpu.enqueue_dma source(%dma_start3A_249 : memref<40xi32, #tpu.memory_space<hbm>>) target(%dma_start3A_248 : memref<40xi32, #tpu.memory_space<vmem>>) target_semaphore(%run_scoped3A_241 : memref<!tpu.dma_semaphore, #tpu.memory_space<semaphore_mem>>)
      %dma_wait3A = arith.constant 0 : i32
      %dma_wait3A_250 = tpu.memref_slice %arg6[%run_scoped3A, %run_scoped3A_7, %dma_wait3A] : memref<3x5x40xi32, #tpu.memory_space<vmem>> -> memref<1x1x40xi32, #tpu.memory_space<vmem>>
      %dma_wait3A_251 = tpu.memref_squeeze %dma_wait3A_250 : memref<1x1x40xi32, #tpu.memory_space<vmem>> -> memref<40xi32, #tpu.memory_space<vmem>>
      %dma_wait3A_252 = tpu.memref_slice %arg3[%add3A_6] : memref<640000xi32, #tpu.memory_space<hbm>> -> memref<40xi32, #tpu.memory_space<hbm>>
      %dma_wait3A_253 = arith.constant 0 : i32
      %dma_wait3A_254 = tpu.memref_slice %arg6[%run_scoped3A, %run_scoped3A_7, %dma_wait3A_253] : memref<3x5x40xi32, #tpu.memory_space<vmem>> -> memref<1x1x40xi32, #tpu.memory_space<vmem>>
      %dma_wait3A_255 = tpu.memref_squeeze %dma_wait3A_254 : memref<1x1x40xi32, #tpu.memory_space<vmem>> -> memref<40xi32, #tpu.memory_space<vmem>>
      %dma_wait3A_256 = tpu.memref_slice %arg3[%add3A_6] : memref<640000xi32, #tpu.memory_space<hbm>> -> memref<40xi32, #tpu.memory_space<hbm>>
      tpu.wait_dma2 semaphore(%run_scoped3A_241 : memref<!tpu.dma_semaphore, #tpu.memory_space<semaphore_mem>>) src(%dma_wait3A_256 : memref<40xi32, #tpu.memory_space<hbm>>) dst(%dma_wait3A_255 : memref<40xi32, #tpu.memory_space<vmem>>)
      tpu.yield
    }) : () -> ()
    %add3A_8 = arith.constant 320000 : i32
    %add3A_9 = arith.addi %add3A_8, %mul3A_2 : i32
    %add3A_10 = arith.constant 40 : i32
    %add3A_11 = arith.addi %add3A_9, %add3A_10 : i32
    %run_scoped3A_12 = arith.constant 0 : i32
    %run_scoped3A_13 = arith.constant 1 : i32
    "tpu.region"() ({
      %run_scoped3A_241 = tpu.sem_alloc : memref<!tpu.dma_semaphore, #tpu.memory_space<semaphore_mem>>
      %dma_start3A_242 = arith.constant 0 : i32
      %dma_start3A_243 = tpu.memref_slice %arg6[%run_scoped3A_12, %run_scoped3A_13, %dma_start3A_242] : memref<3x5x40xi32, #tpu.memory_space<vmem>> -> memref<1x1x40xi32, #tpu.memory_space<vmem>>
      %dma_start3A_244 = tpu.memref_squeeze %dma_start3A_243 : memref<1x1x40xi32, #tpu.memory_space<vmem>> -> memref<40xi32, #tpu.memory_space<vmem>>
      %dma_start3A_245 = tpu.memref_slice %arg3[%add3A_11] : memref<640000xi32, #tpu.memory_space<hbm>> -> memref<40xi32, #tpu.memory_space<hbm>>
      %dma_start3A_246 = arith.constant 0 : i32
      %dma_start3A_247 = tpu.memref_slice %arg6[%run_scoped3A_12, %run_scoped3A_13, %dma_start3A_246] : memref<3x5x40xi32, #tpu.memory_space<vmem>> -> memref<1x1x40xi32, #tpu.memory_space<vmem>>
      %dma_start3A_248 = tpu.memref_squeeze %dma_start3A_247 : memref<1x1x40xi32, #tpu.memory_space<vmem>> -> memref<40xi32, #tpu.memory_space<vmem>>
      %dma_start3A_249 = tpu.memref_slice %arg3[%add3A_11] : memref<640000xi32, #tpu.memory_space<hbm>> -> memref<40xi32, #tpu.memory_space<hbm>>
      tpu.enqueue_dma source(%dma_start3A_249 : memref<40xi32, #tpu.memory_space<hbm>>) target(%dma_start3A_248 : memref<40xi32, #tpu.memory_space<vmem>>) target_semaphore(%run_scoped3A_241 : memref<!tpu.dma_semaphore, #tpu.memory_space<semaphore_mem>>)
      %dma_wait3A = arith.constant 0 : i32
      %dma_wait3A_250 = tpu.memref_slice %arg6[%run_scoped3A_12, %run_scoped3A_13, %dma_wait3A] : memref<3x5x40xi32, #tpu.memory_space<vmem>> -> memref<1x1x40xi32, #tpu.memory_space<vmem>>
      %dma_wait3A_251 = tpu.memref_squeeze %dma_wait3A_250 : memref<1x1x40xi32, #tpu.memory_space<vmem>> -> memref<40xi32, #tpu.memory_space<vmem>>
      %dma_wait3A_252 = tpu.memref_slice %arg3[%add3A_11] : memref<640000xi32, #tpu.memory_space<hbm>> -> memref<40xi32, #tpu.memory_space<hbm>>
      %dma_wait3A_253 = arith.constant 0 : i32
      %dma_wait3A_254 = tpu.memref_slice %arg6[%run_scoped3A_12, %run_scoped3A_13, %dma_wait3A_253] : memref<3x5x40xi32, #tpu.memory_space<vmem>> -> memref<1x1x40xi32, #tpu.memory_space<vmem>>
      %dma_wait3A_255 = tpu.memref_squeeze %dma_wait3A_254 : memref<1x1x40xi32, #tpu.memory_space<vmem>> -> memref<40xi32, #tpu.memory_space<vmem>>
      %dma_wait3A_256 = tpu.memref_slice %arg3[%add3A_11] : memref<640000xi32, #tpu.memory_space<hbm>> -> memref<40xi32, #tpu.memory_space<hbm>>
      tpu.wait_dma2 semaphore(%run_scoped3A_241 : memref<!tpu.dma_semaphore, #tpu.memory_space<semaphore_mem>>) src(%dma_wait3A_256 : memref<40xi32, #tpu.memory_space<hbm>>) dst(%dma_wait3A_255 : memref<40xi32, #tpu.memory_space<vmem>>)
      tpu.yield
    }) : () -> ()
    %add3A_14 = arith.constant 320000 : i32
    %add3A_15 = arith.addi %add3A_14, %mul3A_2 : i32
    %add3A_16 = arith.constant 80 : i32
    %add3A_17 = arith.addi %add3A_15, %add3A_16 : i32
    %run_scoped3A_18 = arith.constant 0 : i32
    %run_scoped3A_19 = arith.constant 2 : i32
    "tpu.region"() ({
      %run_scoped3A_241 = tpu.sem_alloc : memref<!tpu.dma_semaphore, #tpu.memory_space<semaphore_mem>>
      %dma_start3A_242 = arith.constant 0 : i32
      %dma_start3A_243 = tpu.memref_slice %arg6[%run_scoped3A_18, %run_scoped3A_19, %dma_start3A_242] : memref<3x5x40xi32, #tpu.memory_space<vmem>> -> memref<1x1x40xi32, #tpu.memory_space<vmem>>
      %dma_start3A_244 = tpu.memref_squeeze %dma_start3A_243 : memref<1x1x40xi32, #tpu.memory_space<vmem>> -> memref<40xi32, #tpu.memory_space<vmem>>
      %dma_start3A_245 = tpu.memref_slice %arg3[%add3A_17] : memref<640000xi32, #tpu.memory_space<hbm>> -> memref<40xi32, #tpu.memory_space<hbm>>
      %dma_start3A_246 = arith.constant 0 : i32
      %dma_start3A_247 = tpu.memref_slice %arg6[%run_scoped3A_18, %run_scoped3A_19, %dma_start3A_246] : memref<3x5x40xi32, #tpu.memory_space<vmem>> -> memref<1x1x40xi32, #tpu.memory_space<vmem>>
      %dma_start3A_248 = tpu.memref_squeeze %dma_start3A_247 : memref<1x1x40xi32, #tpu.memory_space<vmem>> -> memref<40xi32, #tpu.memory_space<vmem>>
      %dma_start3A_249 = tpu.memref_slice %arg3[%add3A_17] : memref<640000xi32, #tpu.memory_space<hbm>> -> memref<40xi32, #tpu.memory_space<hbm>>
      tpu.enqueue_dma source(%dma_start3A_249 : memref<40xi32, #tpu.memory_space<hbm>>) target(%dma_start3A_248 : memref<40xi32, #tpu.memory_space<vmem>>) target_semaphore(%run_scoped3A_241 : memref<!tpu.dma_semaphore, #tpu.memory_space<semaphore_mem>>)
      %dma_wait3A = arith.constant 0 : i32
      %dma_wait3A_250 = tpu.memref_slice %arg6[%run_scoped3A_18, %run_scoped3A_19, %dma_wait3A] : memref<3x5x40xi32, #tpu.memory_space<vmem>> -> memref<1x1x40xi32, #tpu.memory_space<vmem>>
      %dma_wait3A_251 = tpu.memref_squeeze %dma_wait3A_250 : memref<1x1x40xi32, #tpu.memory_space<vmem>> -> memref<40xi32, #tpu.memory_space<vmem>>
      %dma_wait3A_252 = tpu.memref_slice %arg3[%add3A_17] : memref<640000xi32, #tpu.memory_space<hbm>> -> memref<40xi32, #tpu.memory_space<hbm>>
      %dma_wait3A_253 = arith.constant 0 : i32
      %dma_wait3A_254 = tpu.memref_slice %arg6[%run_scoped3A_18, %run_scoped3A_19, %dma_wait3A_253] : memref<3x5x40xi32, #tpu.memory_space<vmem>> -> memref<1x1x40xi32, #tpu.memory_space<vmem>>
      %dma_wait3A_255 = tpu.memref_squeeze %dma_wait3A_254 : memref<1x1x40xi32, #tpu.memory_space<vmem>> -> memref<40xi32, #tpu.memory_space<vmem>>
      %dma_wait3A_256 = tpu.memref_slice %arg3[%add3A_17] : memref<640000xi32, #tpu.memory_space<hbm>> -> memref<40xi32, #tpu.memory_space<hbm>>
      tpu.wait_dma2 semaphore(%run_scoped3A_241 : memref<!tpu.dma_semaphore, #tpu.memory_space<semaphore_mem>>) src(%dma_wait3A_256 : memref<40xi32, #tpu.memory_space<hbm>>) dst(%dma_wait3A_255 : memref<40xi32, #tpu.memory_space<vmem>>)
      tpu.yield
    }) : () -> ()
    %add3A_20 = arith.constant 320000 : i32
    %add3A_21 = arith.addi %add3A_20, %mul3A_2 : i32
    %add3A_22 = arith.constant 120 : i32
    %add3A_23 = arith.addi %add3A_21, %add3A_22 : i32
    %run_scoped3A_24 = arith.constant 0 : i32
    %run_scoped3A_25 = arith.constant 3 : i32
    "tpu.region"() ({
      %run_scoped3A_241 = tpu.sem_alloc : memref<!tpu.dma_semaphore, #tpu.memory_space<semaphore_mem>>
      %dma_start3A_242 = arith.constant 0 : i32
      %dma_start3A_243 = tpu.memref_slice %arg6[%run_scoped3A_24, %run_scoped3A_25, %dma_start3A_242] : memref<3x5x40xi32, #tpu.memory_space<vmem>> -> memref<1x1x40xi32, #tpu.memory_space<vmem>>
      %dma_start3A_244 = tpu.memref_squeeze %dma_start3A_243 : memref<1x1x40xi32, #tpu.memory_space<vmem>> -> memref<40xi32, #tpu.memory_space<vmem>>
      %dma_start3A_245 = tpu.memref_slice %arg3[%add3A_23] : memref<640000xi32, #tpu.memory_space<hbm>> -> memref<40xi32, #tpu.memory_space<hbm>>
      %dma_start3A_246 = arith.constant 0 : i32
      %dma_start3A_247 = tpu.memref_slice %arg6[%run_scoped3A_24, %run_scoped3A_25, %dma_start3A_246] : memref<3x5x40xi32, #tpu.memory_space<vmem>> -> memref<1x1x40xi32, #tpu.memory_space<vmem>>
      %dma_start3A_248 = tpu.memref_squeeze %dma_start3A_247 : memref<1x1x40xi32, #tpu.memory_space<vmem>> -> memref<40xi32, #tpu.memory_space<vmem>>
      %dma_start3A_249 = tpu.memref_slice %arg3[%add3A_23] : memref<640000xi32, #tpu.memory_space<hbm>> -> memref<40xi32, #tpu.memory_space<hbm>>
      tpu.enqueue_dma source(%dma_start3A_249 : memref<40xi32, #tpu.memory_space<hbm>>) target(%dma_start3A_248 : memref<40xi32, #tpu.memory_space<vmem>>) target_semaphore(%run_scoped3A_241 : memref<!tpu.dma_semaphore, #tpu.memory_space<semaphore_mem>>)
      %dma_wait3A = arith.constant 0 : i32
      %dma_wait3A_250 = tpu.memref_slice %arg6[%run_scoped3A_24, %run_scoped3A_25, %dma_wait3A] : memref<3x5x40xi32, #tpu.memory_space<vmem>> -> memref<1x1x40xi32, #tpu.memory_space<vmem>>
      %dma_wait3A_251 = tpu.memref_squeeze %dma_wait3A_250 : memref<1x1x40xi32, #tpu.memory_space<vmem>> -> memref<40xi32, #tpu.memory_space<vmem>>
      %dma_wait3A_252 = tpu.memref_slice %arg3[%add3A_23] : memref<640000xi32, #tpu.memory_space<hbm>> -> memref<40xi32, #tpu.memory_space<hbm>>
      %dma_wait3A_253 = arith.constant 0 : i32
      %dma_wait3A_254 = tpu.memref_slice %arg6[%run_scoped3A_24, %run_scoped3A_25, %dma_wait3A_253] : memref<3x5x40xi32, #tpu.memory_space<vmem>> -> memref<1x1x40xi32, #tpu.memory_space<vmem>>
      %dma_wait3A_255 = tpu.memref_squeeze %dma_wait3A_254 : memref<1x1x40xi32, #tpu.memory_space<vmem>> -> memref<40xi32, #tpu.memory_space<vmem>>
      %dma_wait3A_256 = tpu.memref_slice %arg3[%add3A_23] : memref<640000xi32, #tpu.memory_space<hbm>> -> memref<40xi32, #tpu.memory_space<hbm>>
      tpu.wait_dma2 semaphore(%run_scoped3A_241 : memref<!tpu.dma_semaphore, #tpu.memory_space<semaphore_mem>>) src(%dma_wait3A_256 : memref<40xi32, #tpu.memory_space<hbm>>) dst(%dma_wait3A_255 : memref<40xi32, #tpu.memory_space<vmem>>)
      tpu.yield
    }) : () -> ()
    %add3A_26 = arith.constant 320000 : i32
    %add3A_27 = arith.addi %add3A_26, %mul3A_2 : i32
    %add3A_28 = arith.constant 160 : i32
    %add3A_29 = arith.addi %add3A_27, %add3A_28 : i32
    %run_scoped3A_30 = arith.constant 0 : i32
    %run_scoped3A_31 = arith.constant 4 : i32
    "tpu.region"() ({
      %run_scoped3A_241 = tpu.sem_alloc : memref<!tpu.dma_semaphore, #tpu.memory_space<semaphore_mem>>
      %dma_start3A_242 = arith.constant 0 : i32
      %dma_start3A_243 = tpu.memref_slice %arg6[%run_scoped3A_30, %run_scoped3A_31, %dma_start3A_242] : memref<3x5x40xi32, #tpu.memory_space<vmem>> -> memref<1x1x40xi32, #tpu.memory_space<vmem>>
      %dma_start3A_244 = tpu.memref_squeeze %dma_start3A_243 : memref<1x1x40xi32, #tpu.memory_space<vmem>> -> memref<40xi32, #tpu.memory_space<vmem>>
      %dma_start3A_245 = tpu.memref_slice %arg3[%add3A_29] : memref<640000xi32, #tpu.memory_space<hbm>> -> memref<40xi32, #tpu.memory_space<hbm>>
      %dma_start3A_246 = arith.constant 0 : i32
      %dma_start3A_247 = tpu.memref_slice %arg6[%run_scoped3A_30, %run_scoped3A_31, %dma_start3A_246] : memref<3x5x40xi32, #tpu.memory_space<vmem>> -> memref<1x1x40xi32, #tpu.memory_space<vmem>>
      %dma_start3A_248 = tpu.memref_squeeze %dma_start3A_247 : memref<1x1x40xi32, #tpu.memory_space<vmem>> -> memref<40xi32, #tpu.memory_space<vmem>>
      %dma_start3A_249 = tpu.memref_slice %arg3[%add3A_29] : memref<640000xi32, #tpu.memory_space<hbm>> -> memref<40xi32, #tpu.memory_space<hbm>>
      tpu.enqueue_dma source(%dma_start3A_249 : memref<40xi32, #tpu.memory_space<hbm>>) target(%dma_start3A_248 : memref<40xi32, #tpu.memory_space<vmem>>) target_semaphore(%run_scoped3A_241 : memref<!tpu.dma_semaphore, #tpu.memory_space<semaphore_mem>>)
      %dma_wait3A = arith.constant 0 : i32
      %dma_wait3A_250 = tpu.memref_slice %arg6[%run_scoped3A_30, %run_scoped3A_31, %dma_wait3A] : memref<3x5x40xi32, #tpu.memory_space<vmem>> -> memref<1x1x40xi32, #tpu.memory_space<vmem>>
      %dma_wait3A_251 = tpu.memref_squeeze %dma_wait3A_250 : memref<1x1x40xi32, #tpu.memory_space<vmem>> -> memref<40xi32, #tpu.memory_space<vmem>>
      %dma_wait3A_252 = tpu.memref_slice %arg3[%add3A_29] : memref<640000xi32, #tpu.memory_space<hbm>> -> memref<40xi32, #tpu.memory_space<hbm>>
      %dma_wait3A_253 = arith.constant 0 : i32
      %dma_wait3A_254 = tpu.memref_slice %arg6[%run_scoped3A_30, %run_scoped3A_31, %dma_wait3A_253] : memref<3x5x40xi32, #tpu.memory_space<vmem>> -> memref<1x1x40xi32, #tpu.memory_space<vmem>>
      %dma_wait3A_255 = tpu.memref_squeeze %dma_wait3A_254 : memref<1x1x40xi32, #tpu.memory_space<vmem>> -> memref<40xi32, #tpu.memory_space<vmem>>
      %dma_wait3A_256 = tpu.memref_slice %arg3[%add3A_29] : memref<640000xi32, #tpu.memory_space<hbm>> -> memref<40xi32, #tpu.memory_space<hbm>>
      tpu.wait_dma2 semaphore(%run_scoped3A_241 : memref<!tpu.dma_semaphore, #tpu.memory_space<semaphore_mem>>) src(%dma_wait3A_256 : memref<40xi32, #tpu.memory_space<hbm>>) dst(%dma_wait3A_255 : memref<40xi32, #tpu.memory_space<vmem>>)
      tpu.yield
    }) : () -> ()
    %rem3A = arith.constant 1 : i32
    %rem3A_32 = arith.constant 3 : i32
    %rem3A_33 = arith.remsi %rem3A, %rem3A_32 : i32
    %mul3A_34 = arith.constant 10000 : i32
    %mul3A_35 = arith.muli %add3A, %mul3A_34 : i32
    %add3A_36 = arith.constant 200 : i32
    %add3A_37 = arith.addi %mul3A_35, %add3A_36 : i32
    %mul3A_38 = arith.constant 200 : i32
    %mul3A_39 = arith.muli %rem3A_33, %mul3A_38 : i32
    %add3A_40 = arith.constant 320000 : i32
    %add3A_41 = arith.addi %add3A_40, %add3A_37 : i32
    %add3A_42 = arith.constant 0 : i32
    %add3A_43 = arith.addi %add3A_41, %add3A_42 : i32
    %add3A_44 = arith.constant 320000 : i32
    %add3A_45 = arith.addi %add3A_44, %add3A_37 : i32
    %add3A_46 = arith.constant 40 : i32
    %add3A_47 = arith.addi %add3A_45, %add3A_46 : i32
    %add3A_48 = arith.constant 320000 : i32
    %add3A_49 = arith.addi %add3A_48, %add3A_37 : i32
    %add3A_50 = arith.constant 80 : i32
    %add3A_51 = arith.addi %add3A_49, %add3A_50 : i32
    %add3A_52 = arith.constant 320000 : i32
    %add3A_53 = arith.addi %add3A_52, %add3A_37 : i32
    %add3A_54 = arith.constant 120 : i32
    %add3A_55 = arith.addi %add3A_53, %add3A_54 : i32
    %add3A_56 = arith.constant 320000 : i32
    %add3A_57 = arith.addi %add3A_56, %add3A_37 : i32
    %add3A_58 = arith.constant 160 : i32
    %add3A_59 = arith.addi %add3A_57, %add3A_58 : i32
    %dma_start3A = tpu.memref_slice %arg5[%mul3A_39] : memref<600xi32, #tpu.memory_space<vmem>> -> memref<200xi32, #tpu.memory_space<vmem>>
    %dma_start3A_60 = tpu.memref_slice %arg3[%add3A_37] : memref<640000xi32, #tpu.memory_space<hbm>> -> memref<200xi32, #tpu.memory_space<hbm>>
    %dma_start3A_61 = tpu.memref_slice %arg11[%rem3A_33] : memref<3x!tpu.dma_semaphore, #tpu.memory_space<semaphore_mem>> -> memref<1x!tpu.dma_semaphore, #tpu.memory_space<semaphore_mem>>
    %dma_start3A_62 = tpu.memref_squeeze %dma_start3A_61 : memref<1x!tpu.dma_semaphore, #tpu.memory_space<semaphore_mem>> -> memref<!tpu.dma_semaphore, #tpu.memory_space<semaphore_mem>>
    %dma_start3A_63 = tpu.memref_slice %arg5[%mul3A_39] : memref<600xi32, #tpu.memory_space<vmem>> -> memref<200xi32, #tpu.memory_space<vmem>>
    %dma_start3A_64 = tpu.memref_slice %arg3[%add3A_37] : memref<640000xi32, #tpu.memory_space<hbm>> -> memref<200xi32, #tpu.memory_space<hbm>>
    tpu.enqueue_dma source(%dma_start3A_64 : memref<200xi32, #tpu.memory_space<hbm>>) target(%dma_start3A_63 : memref<200xi32, #tpu.memory_space<vmem>>) target_semaphore(%dma_start3A_62 : memref<!tpu.dma_semaphore, #tpu.memory_space<semaphore_mem>>)
    %dma_start3A_65 = arith.constant 0 : i32
    %dma_start3A_66 = arith.constant 0 : i32
    %dma_start3A_67 = tpu.memref_slice %arg6[%rem3A_33, %dma_start3A_65, %dma_start3A_66] : memref<3x5x40xi32, #tpu.memory_space<vmem>> -> memref<1x1x40xi32, #tpu.memory_space<vmem>>
    %dma_start3A_68 = tpu.memref_squeeze %dma_start3A_67 : memref<1x1x40xi32, #tpu.memory_space<vmem>> -> memref<40xi32, #tpu.memory_space<vmem>>
    %dma_start3A_69 = tpu.memref_slice %arg3[%add3A_43] : memref<640000xi32, #tpu.memory_space<hbm>> -> memref<40xi32, #tpu.memory_space<hbm>>
    %dma_start3A_70 = tpu.memref_slice %arg11[%rem3A_33] : memref<3x!tpu.dma_semaphore, #tpu.memory_space<semaphore_mem>> -> memref<1x!tpu.dma_semaphore, #tpu.memory_space<semaphore_mem>>
    %dma_start3A_71 = tpu.memref_squeeze %dma_start3A_70 : memref<1x!tpu.dma_semaphore, #tpu.memory_space<semaphore_mem>> -> memref<!tpu.dma_semaphore, #tpu.memory_space<semaphore_mem>>
    %dma_start3A_72 = arith.constant 0 : i32
    %dma_start3A_73 = tpu.memref_slice %arg6[%rem3A_33, %dma_start3A_65, %dma_start3A_72] : memref<3x5x40xi32, #tpu.memory_space<vmem>> -> memref<1x1x40xi32, #tpu.memory_space<vmem>>
    %dma_start3A_74 = tpu.memref_squeeze %dma_start3A_73 : memref<1x1x40xi32, #tpu.memory_space<vmem>> -> memref<40xi32, #tpu.memory_space<vmem>>
    %dma_start3A_75 = tpu.memref_slice %arg3[%add3A_43] : memref<640000xi32, #tpu.memory_space<hbm>> -> memref<40xi32, #tpu.memory_space<hbm>>
    tpu.enqueue_dma source(%dma_start3A_75 : memref<40xi32, #tpu.memory_space<hbm>>) target(%dma_start3A_74 : memref<40xi32, #tpu.memory_space<vmem>>) target_semaphore(%dma_start3A_71 : memref<!tpu.dma_semaphore, #tpu.memory_space<semaphore_mem>>)
    %dma_start3A_76 = arith.constant 1 : i32
    %dma_start3A_77 = arith.constant 0 : i32
    %dma_start3A_78 = tpu.memref_slice %arg6[%rem3A_33, %dma_start3A_76, %dma_start3A_77] : memref<3x5x40xi32, #tpu.memory_space<vmem>> -> memref<1x1x40xi32, #tpu.memory_space<vmem>>
    %dma_start3A_79 = tpu.memref_squeeze %dma_start3A_78 : memref<1x1x40xi32, #tpu.memory_space<vmem>> -> memref<40xi32, #tpu.memory_space<vmem>>
    %dma_start3A_80 = tpu.memref_slice %arg3[%add3A_47] : memref<640000xi32, #tpu.memory_space<hbm>> -> memref<40xi32, #tpu.memory_space<hbm>>
    %dma_start3A_81 = tpu.memref_slice %arg11[%rem3A_33] : memref<3x!tpu.dma_semaphore, #tpu.memory_space<semaphore_mem>> -> memref<1x!tpu.dma_semaphore, #tpu.memory_space<semaphore_mem>>
    %dma_start3A_82 = tpu.memref_squeeze %dma_start3A_81 : memref<1x!tpu.dma_semaphore, #tpu.memory_space<semaphore_mem>> -> memref<!tpu.dma_semaphore, #tpu.memory_space<semaphore_mem>>
    %dma_start3A_83 = arith.constant 0 : i32
    %dma_start3A_84 = tpu.memref_slice %arg6[%rem3A_33, %dma_start3A_76, %dma_start3A_83] : memref<3x5x40xi32, #tpu.memory_space<vmem>> -> memref<1x1x40xi32, #tpu.memory_space<vmem>>
    %dma_start3A_85 = tpu.memref_squeeze %dma_start3A_84 : memref<1x1x40xi32, #tpu.memory_space<vmem>> -> memref<40xi32, #tpu.memory_space<vmem>>
    %dma_start3A_86 = tpu.memref_slice %arg3[%add3A_47] : memref<640000xi32, #tpu.memory_space<hbm>> -> memref<40xi32, #tpu.memory_space<hbm>>
    tpu.enqueue_dma source(%dma_start3A_86 : memref<40xi32, #tpu.memory_space<hbm>>) target(%dma_start3A_85 : memref<40xi32, #tpu.memory_space<vmem>>) target_semaphore(%dma_start3A_82 : memref<!tpu.dma_semaphore, #tpu.memory_space<semaphore_mem>>)
    %dma_start3A_87 = arith.constant 2 : i32
    %dma_start3A_88 = arith.constant 0 : i32
    %dma_start3A_89 = tpu.memref_slice %arg6[%rem3A_33, %dma_start3A_87, %dma_start3A_88] : memref<3x5x40xi32, #tpu.memory_space<vmem>> -> memref<1x1x40xi32, #tpu.memory_space<vmem>>
    %dma_start3A_90 = tpu.memref_squeeze %dma_start3A_89 : memref<1x1x40xi32, #tpu.memory_space<vmem>> -> memref<40xi32, #tpu.memory_space<vmem>>
    %dma_start3A_91 = tpu.memref_slice %arg3[%add3A_51] : memref<640000xi32, #tpu.memory_space<hbm>> -> memref<40xi32, #tpu.memory_space<hbm>>
    %dma_start3A_92 = tpu.memref_slice %arg11[%rem3A_33] : memref<3x!tpu.dma_semaphore, #tpu.memory_space<semaphore_mem>> -> memref<1x!tpu.dma_semaphore, #tpu.memory_space<semaphore_mem>>
    %dma_start3A_93 = tpu.memref_squeeze %dma_start3A_92 : memref<1x!tpu.dma_semaphore, #tpu.memory_space<semaphore_mem>> -> memref<!tpu.dma_semaphore, #tpu.memory_space<semaphore_mem>>
    %dma_start3A_94 = arith.constant 0 : i32
    %dma_start3A_95 = tpu.memref_slice %arg6[%rem3A_33, %dma_start3A_87, %dma_start3A_94] : memref<3x5x40xi32, #tpu.memory_space<vmem>> -> memref<1x1x40xi32, #tpu.memory_space<vmem>>
    %dma_start3A_96 = tpu.memref_squeeze %dma_start3A_95 : memref<1x1x40xi32, #tpu.memory_space<vmem>> -> memref<40xi32, #tpu.memory_space<vmem>>
    %dma_start3A_97 = tpu.memref_slice %arg3[%add3A_51] : memref<640000xi32, #tpu.memory_space<hbm>> -> memref<40xi32, #tpu.memory_space<hbm>>
    tpu.enqueue_dma source(%dma_start3A_97 : memref<40xi32, #tpu.memory_space<hbm>>) target(%dma_start3A_96 : memref<40xi32, #tpu.memory_space<vmem>>) target_semaphore(%dma_start3A_93 : memref<!tpu.dma_semaphore, #tpu.memory_space<semaphore_mem>>)
    %dma_start3A_98 = arith.constant 3 : i32
    %dma_start3A_99 = arith.constant 0 : i32
    %dma_start3A_100 = tpu.memref_slice %arg6[%rem3A_33, %dma_start3A_98, %dma_start3A_99] : memref<3x5x40xi32, #tpu.memory_space<vmem>> -> memref<1x1x40xi32, #tpu.memory_space<vmem>>
    %dma_start3A_101 = tpu.memref_squeeze %dma_start3A_100 : memref<1x1x40xi32, #tpu.memory_space<vmem>> -> memref<40xi32, #tpu.memory_space<vmem>>
    %dma_start3A_102 = tpu.memref_slice %arg3[%add3A_55] : memref<640000xi32, #tpu.memory_space<hbm>> -> memref<40xi32, #tpu.memory_space<hbm>>
    %dma_start3A_103 = tpu.memref_slice %arg11[%rem3A_33] : memref<3x!tpu.dma_semaphore, #tpu.memory_space<semaphore_mem>> -> memref<1x!tpu.dma_semaphore, #tpu.memory_space<semaphore_mem>>
    %dma_start3A_104 = tpu.memref_squeeze %dma_start3A_103 : memref<1x!tpu.dma_semaphore, #tpu.memory_space<semaphore_mem>> -> memref<!tpu.dma_semaphore, #tpu.memory_space<semaphore_mem>>
    %dma_start3A_105 = arith.constant 0 : i32
    %dma_start3A_106 = tpu.memref_slice %arg6[%rem3A_33, %dma_start3A_98, %dma_start3A_105] : memref<3x5x40xi32, #tpu.memory_space<vmem>> -> memref<1x1x40xi32, #tpu.memory_space<vmem>>
    %dma_start3A_107 = tpu.memref_squeeze %dma_start3A_106 : memref<1x1x40xi32, #tpu.memory_space<vmem>> -> memref<40xi32, #tpu.memory_space<vmem>>
    %dma_start3A_108 = tpu.memref_slice %arg3[%add3A_55] : memref<640000xi32, #tpu.memory_space<hbm>> -> memref<40xi32, #tpu.memory_space<hbm>>
    tpu.enqueue_dma source(%dma_start3A_108 : memref<40xi32, #tpu.memory_space<hbm>>) target(%dma_start3A_107 : memref<40xi32, #tpu.memory_space<vmem>>) target_semaphore(%dma_start3A_104 : memref<!tpu.dma_semaphore, #tpu.memory_space<semaphore_mem>>)
    %dma_start3A_109 = arith.constant 4 : i32
    %dma_start3A_110 = arith.constant 0 : i32
    %dma_start3A_111 = tpu.memref_slice %arg6[%rem3A_33, %dma_start3A_109, %dma_start3A_110] : memref<3x5x40xi32, #tpu.memory_space<vmem>> -> memref<1x1x40xi32, #tpu.memory_space<vmem>>
    %dma_start3A_112 = tpu.memref_squeeze %dma_start3A_111 : memref<1x1x40xi32, #tpu.memory_space<vmem>> -> memref<40xi32, #tpu.memory_space<vmem>>
    %dma_start3A_113 = tpu.memref_slice %arg3[%add3A_59] : memref<640000xi32, #tpu.memory_space<hbm>> -> memref<40xi32, #tpu.memory_space<hbm>>
    %dma_start3A_114 = tpu.memref_slice %arg11[%rem3A_33] : memref<3x!tpu.dma_semaphore, #tpu.memory_space<semaphore_mem>> -> memref<1x!tpu.dma_semaphore, #tpu.memory_space<semaphore_mem>>
    %dma_start3A_115 = tpu.memref_squeeze %dma_start3A_114 : memref<1x!tpu.dma_semaphore, #tpu.memory_space<semaphore_mem>> -> memref<!tpu.dma_semaphore, #tpu.memory_space<semaphore_mem>>
    %dma_start3A_116 = arith.constant 0 : i32
    %dma_start3A_117 = tpu.memref_slice %arg6[%rem3A_33, %dma_start3A_109, %dma_start3A_116] : memref<3x5x40xi32, #tpu.memory_space<vmem>> -> memref<1x1x40xi32, #tpu.memory_space<vmem>>
    %dma_start3A_118 = tpu.memref_squeeze %dma_start3A_117 : memref<1x1x40xi32, #tpu.memory_space<vmem>> -> memref<40xi32, #tpu.memory_space<vmem>>
    %dma_start3A_119 = tpu.memref_slice %arg3[%add3A_59] : memref<640000xi32, #tpu.memory_space<hbm>> -> memref<40xi32, #tpu.memory_space<hbm>>
    tpu.enqueue_dma source(%dma_start3A_119 : memref<40xi32, #tpu.memory_space<hbm>>) target(%dma_start3A_118 : memref<40xi32, #tpu.memory_space<vmem>>) target_semaphore(%dma_start3A_115 : memref<!tpu.dma_semaphore, #tpu.memory_space<semaphore_mem>>)
    %dma_start3A_120 = arith.constant 0 : i32
    %dma_start3A_121 = arith.constant 0 : i32
    %dma_start3A_122 = arith.constant 0 : i32
    %dma_start3A_123 = arith.constant 0 : i32
    %dma_start3A_124 = tpu.memref_slice %arg7[%dma_start3A_120, %dma_start3A_122, %dma_start3A_123] : memref<5x40x128xf32, #tpu.memory_space<vmem>> -> memref<1x40x128xf32, #tpu.memory_space<vmem>>
    %dma_start3A_125 = tpu.memref_squeeze %dma_start3A_124 : memref<1x40x128xf32, #tpu.memory_space<vmem>> -> memref<40x128xf32, #tpu.memory_space<vmem>>
    %dma_start3A_126 = arith.constant 0 : i32
    %dma_start3A_127 = tpu.memref_slice %arg5[%dma_start3A_126] : memref<600xi32, #tpu.memory_space<vmem>> -> memref<40xi32, #tpu.memory_space<vmem>>
    %dma_start3A_128 = arith.constant 0 : i32
    %dma_start3A_129 = arith.constant 0 : i32
    %dma_start3A_130 = tpu.memref_slice %arg2[%dma_start3A_128, %dma_start3A_129] : memref<10000x128xf32, #tpu.memory_space<hbm>> -> memref<10000x128xf32, #tpu.memory_space<hbm>>
    %dma_start3A_131 = tpu.memref_slice %arg10[%dma_start3A_121] : memref<5x!tpu.dma_semaphore, #tpu.memory_space<semaphore_mem>> -> memref<1x!tpu.dma_semaphore, #tpu.memory_space<semaphore_mem>>
    %dma_start3A_132 = tpu.memref_squeeze %dma_start3A_131 : memref<1x!tpu.dma_semaphore, #tpu.memory_space<semaphore_mem>> -> memref<!tpu.dma_semaphore, #tpu.memory_space<semaphore_mem>>
    tpu.enqueue_indirect_dma source(%dma_start3A_130 : memref<10000x128xf32, #tpu.memory_space<hbm>>) target(%dma_start3A_125 : memref<40x128xf32, #tpu.memory_space<vmem>>) offsets(%dma_start3A_127 : memref<40xi32, #tpu.memory_space<vmem>>) semaphore(%dma_start3A_132 : memref<!tpu.dma_semaphore, #tpu.memory_space<semaphore_mem>>)
    %dma_start3A_133 = arith.constant 1 : i32
    %dma_start3A_134 = arith.constant 1 : i32
    %dma_start3A_135 = arith.constant 0 : i32
    %dma_start3A_136 = arith.constant 0 : i32
    %dma_start3A_137 = tpu.memref_slice %arg7[%dma_start3A_133, %dma_start3A_135, %dma_start3A_136] : memref<5x40x128xf32, #tpu.memory_space<vmem>> -> memref<1x40x128xf32, #tpu.memory_space<vmem>>
    %dma_start3A_138 = tpu.memref_squeeze %dma_start3A_137 : memref<1x40x128xf32, #tpu.memory_space<vmem>> -> memref<40x128xf32, #tpu.memory_space<vmem>>
    %dma_start3A_139 = arith.constant 40 : i32
    %dma_start3A_140 = tpu.memref_slice %arg5[%dma_start3A_139] : memref<600xi32, #tpu.memory_space<vmem>> -> memref<40xi32, #tpu.memory_space<vmem>>
    %dma_start3A_141 = arith.constant 0 : i32
    %dma_start3A_142 = arith.constant 0 : i32
    %dma_start3A_143 = tpu.memref_slice %arg2[%dma_start3A_141, %dma_start3A_142] : memref<10000x128xf32, #tpu.memory_space<hbm>> -> memref<10000x128xf32, #tpu.memory_space<hbm>>
    %dma_start3A_144 = tpu.memref_slice %arg10[%dma_start3A_134] : memref<5x!tpu.dma_semaphore, #tpu.memory_space<semaphore_mem>> -> memref<1x!tpu.dma_semaphore, #tpu.memory_space<semaphore_mem>>
    %dma_start3A_145 = tpu.memref_squeeze %dma_start3A_144 : memref<1x!tpu.dma_semaphore, #tpu.memory_space<semaphore_mem>> -> memref<!tpu.dma_semaphore, #tpu.memory_space<semaphore_mem>>
    tpu.enqueue_indirect_dma source(%dma_start3A_143 : memref<10000x128xf32, #tpu.memory_space<hbm>>) target(%dma_start3A_138 : memref<40x128xf32, #tpu.memory_space<vmem>>) offsets(%dma_start3A_140 : memref<40xi32, #tpu.memory_space<vmem>>) semaphore(%dma_start3A_145 : memref<!tpu.dma_semaphore, #tpu.memory_space<semaphore_mem>>)
    %dma_start3A_146 = arith.constant 2 : i32
    %dma_start3A_147 = arith.constant 2 : i32
    %dma_start3A_148 = arith.constant 0 : i32
    %dma_start3A_149 = arith.constant 0 : i32
    %dma_start3A_150 = tpu.memref_slice %arg7[%dma_start3A_146, %dma_start3A_148, %dma_start3A_149] : memref<5x40x128xf32, #tpu.memory_space<vmem>> -> memref<1x40x128xf32, #tpu.memory_space<vmem>>
    %dma_start3A_151 = tpu.memref_squeeze %dma_start3A_150 : memref<1x40x128xf32, #tpu.memory_space<vmem>> -> memref<40x128xf32, #tpu.memory_space<vmem>>
    %dma_start3A_152 = arith.constant 80 : i32
    %dma_start3A_153 = tpu.memref_slice %arg5[%dma_start3A_152] : memref<600xi32, #tpu.memory_space<vmem>> -> memref<40xi32, #tpu.memory_space<vmem>>
    %dma_start3A_154 = arith.constant 0 : i32
    %dma_start3A_155 = arith.constant 0 : i32
    %dma_start3A_156 = tpu.memref_slice %arg2[%dma_start3A_154, %dma_start3A_155] : memref<10000x128xf32, #tpu.memory_space<hbm>> -> memref<10000x128xf32, #tpu.memory_space<hbm>>
    %dma_start3A_157 = tpu.memref_slice %arg10[%dma_start3A_147] : memref<5x!tpu.dma_semaphore, #tpu.memory_space<semaphore_mem>> -> memref<1x!tpu.dma_semaphore, #tpu.memory_space<semaphore_mem>>
    %dma_start3A_158 = tpu.memref_squeeze %dma_start3A_157 : memref<1x!tpu.dma_semaphore, #tpu.memory_space<semaphore_mem>> -> memref<!tpu.dma_semaphore, #tpu.memory_space<semaphore_mem>>
    tpu.enqueue_indirect_dma source(%dma_start3A_156 : memref<10000x128xf32, #tpu.memory_space<hbm>>) target(%dma_start3A_151 : memref<40x128xf32, #tpu.memory_space<vmem>>) offsets(%dma_start3A_153 : memref<40xi32, #tpu.memory_space<vmem>>) semaphore(%dma_start3A_158 : memref<!tpu.dma_semaphore, #tpu.memory_space<semaphore_mem>>)
    %dma_start3A_159 = arith.constant 3 : i32
    %dma_start3A_160 = arith.constant 3 : i32
    %dma_start3A_161 = arith.constant 0 : i32
    %dma_start3A_162 = arith.constant 0 : i32
    %dma_start3A_163 = tpu.memref_slice %arg7[%dma_start3A_159, %dma_start3A_161, %dma_start3A_162] : memref<5x40x128xf32, #tpu.memory_space<vmem>> -> memref<1x40x128xf32, #tpu.memory_space<vmem>>
    %dma_start3A_164 = tpu.memref_squeeze %dma_start3A_163 : memref<1x40x128xf32, #tpu.memory_space<vmem>> -> memref<40x128xf32, #tpu.memory_space<vmem>>
    %dma_start3A_165 = arith.constant 120 : i32
    %dma_start3A_166 = tpu.memref_slice %arg5[%dma_start3A_165] : memref<600xi32, #tpu.memory_space<vmem>> -> memref<40xi32, #tpu.memory_space<vmem>>
    %dma_start3A_167 = arith.constant 0 : i32
    %dma_start3A_168 = arith.constant 0 : i32
    %dma_start3A_169 = tpu.memref_slice %arg2[%dma_start3A_167, %dma_start3A_168] : memref<10000x128xf32, #tpu.memory_space<hbm>> -> memref<10000x128xf32, #tpu.memory_space<hbm>>
    %dma_start3A_170 = tpu.memref_slice %arg10[%dma_start3A_160] : memref<5x!tpu.dma_semaphore, #tpu.memory_space<semaphore_mem>> -> memref<1x!tpu.dma_semaphore, #tpu.memory_space<semaphore_mem>>
    %dma_start3A_171 = tpu.memref_squeeze %dma_start3A_170 : memref<1x!tpu.dma_semaphore, #tpu.memory_space<semaphore_mem>> -> memref<!tpu.dma_semaphore, #tpu.memory_space<semaphore_mem>>
    tpu.enqueue_indirect_dma source(%dma_start3A_169 : memref<10000x128xf32, #tpu.memory_space<hbm>>) target(%dma_start3A_164 : memref<40x128xf32, #tpu.memory_space<vmem>>) offsets(%dma_start3A_166 : memref<40xi32, #tpu.memory_space<vmem>>) semaphore(%dma_start3A_171 : memref<!tpu.dma_semaphore, #tpu.memory_space<semaphore_mem>>)
    %dma_start3A_172 = arith.constant 4 : i32
    %dma_start3A_173 = arith.constant 4 : i32
    %dma_start3A_174 = arith.constant 0 : i32
    %dma_start3A_175 = arith.constant 0 : i32
    %dma_start3A_176 = tpu.memref_slice %arg7[%dma_start3A_172, %dma_start3A_174, %dma_start3A_175] : memref<5x40x128xf32, #tpu.memory_space<vmem>> -> memref<1x40x128xf32, #tpu.memory_space<vmem>>
    %dma_start3A_177 = tpu.memref_squeeze %dma_start3A_176 : memref<1x40x128xf32, #tpu.memory_space<vmem>> -> memref<40x128xf32, #tpu.memory_space<vmem>>
    %dma_start3A_178 = arith.constant 160 : i32
    %dma_start3A_179 = tpu.memref_slice %arg5[%dma_start3A_178] : memref<600xi32, #tpu.memory_space<vmem>> -> memref<40xi32, #tpu.memory_space<vmem>>
    %dma_start3A_180 = arith.constant 0 : i32
    %dma_start3A_181 = arith.constant 0 : i32
    %dma_start3A_182 = tpu.memref_slice %arg2[%dma_start3A_180, %dma_start3A_181] : memref<10000x128xf32, #tpu.memory_space<hbm>> -> memref<10000x128xf32, #tpu.memory_space<hbm>>
    %dma_start3A_183 = tpu.memref_slice %arg10[%dma_start3A_173] : memref<5x!tpu.dma_semaphore, #tpu.memory_space<semaphore_mem>> -> memref<1x!tpu.dma_semaphore, #tpu.memory_space<semaphore_mem>>
    %dma_start3A_184 = tpu.memref_squeeze %dma_start3A_183 : memref<1x!tpu.dma_semaphore, #tpu.memory_space<semaphore_mem>> -> memref<!tpu.dma_semaphore, #tpu.memory_space<semaphore_mem>>
    tpu.enqueue_indirect_dma source(%dma_start3A_182 : memref<10000x128xf32, #tpu.memory_space<hbm>>) target(%dma_start3A_177 : memref<40x128xf32, #tpu.memory_space<vmem>>) offsets(%dma_start3A_179 : memref<40xi32, #tpu.memory_space<vmem>>) semaphore(%dma_start3A_184 : memref<!tpu.dma_semaphore, #tpu.memory_space<semaphore_mem>>)
    %scan3A = arith.constant 0 : i32
    %scan3A_185 = arith.constant 0 : i32
    %scan3A_186 = arith.constant 64 : i32
    %scan3A_187 = arith.addi %scan3A_185, %scan3A_186 : i32
    %scan3A_188 = arith.constant 1 : i32
    scf.for %scan3A_241 = %scan3A_185 to %scan3A_187 step %scan3A_188  : i32 {
      %broadcast_in_dim3A = arith.constant 0.000000e+00 : f32
      %broadcast_in_dim3A_242 = vector.broadcast %broadcast_in_dim3A : f32 to vector<16xf32>
      %swap3A = arith.index_cast %scan3A_241 : i32 to index
      %swap3A_243 = arith.constant 0 : index
      %swap3A_244 = tpu.vector_load %arg8[%swap3A, %swap3A_243] {strides = array<i32>} : memref<64x128xf32, #tpu.memory_space<vmem>>, vector<1x16xf32>,
      %swap3A_245 = vector.shape_cast %swap3A_244 : vector<1x16xf32> to vector<16xf32>
      %swap3A_246 = vector.shape_cast %broadcast_in_dim3A_242 : vector<16xf32> to vector<1x16xf32>
      tpu.vector_store %arg8[%swap3A, %swap3A_243], %swap3A_246 {strides = array<i32>} : memref<64x128xf32, #tpu.memory_space<vmem>>, vector<1x16xf32>,
      %broadcast_in_dim3A_247 = arith.constant 0.000000e+00 : f32
      %broadcast_in_dim3A_248 = vector.broadcast %broadcast_in_dim3A_247 : f32 to vector<16xf32>
      %swap3A_249 = arith.index_cast %scan3A_241 : i32 to index
      %swap3A_250 = arith.constant 16 : index
      %swap3A_251 = tpu.vector_load %arg8[%swap3A_249, %swap3A_250] {strides = array<i32>} : memref<64x128xf32, #tpu.memory_space<vmem>>, vector<1x16xf32>,
      %swap3A_252 = vector.shape_cast %swap3A_251 : vector<1x16xf32> to vector<16xf32>
      %swap3A_253 = vector.shape_cast %broadcast_in_dim3A_248 : vector<16xf32> to vector<1x16xf32>
      tpu.vector_store %arg8[%swap3A_249, %swap3A_250], %swap3A_253 {strides = array<i32>} : memref<64x128xf32, #tpu.memory_space<vmem>>, vector<1x16xf32>,
      %broadcast_in_dim3A_254 = arith.constant 0.000000e+00 : f32
      %broadcast_in_dim3A_255 = vector.broadcast %broadcast_in_dim3A_254 : f32 to vector<16xf32>
      %swap3A_256 = arith.index_cast %scan3A_241 : i32 to index
      %swap3A_257 = arith.constant 32 : index
      %swap3A_258 = tpu.vector_load %arg8[%swap3A_256, %swap3A_257] {strides = array<i32>} : memref<64x128xf32, #tpu.memory_space<vmem>>, vector<1x16xf32>,
      %swap3A_259 = vector.shape_cast %swap3A_258 : vector<1x16xf32> to vector<16xf32>
      %swap3A_260 = vector.shape_cast %broadcast_in_dim3A_255 : vector<16xf32> to vector<1x16xf32>
      tpu.vector_store %arg8[%swap3A_256, %swap3A_257], %swap3A_260 {strides = array<i32>} : memref<64x128xf32, #tpu.memory_space<vmem>>, vector<1x16xf32>,
      %broadcast_in_dim3A_261 = arith.constant 0.000000e+00 : f32
      %broadcast_in_dim3A_262 = vector.broadcast %broadcast_in_dim3A_261 : f32 to vector<16xf32>
      %swap3A_263 = arith.index_cast %scan3A_241 : i32 to index
      %swap3A_264 = arith.constant 48 : index
      %swap3A_265 = tpu.vector_load %arg8[%swap3A_263, %swap3A_264] {strides = array<i32>} : memref<64x128xf32, #tpu.memory_space<vmem>>, vector<1x16xf32>,
      %swap3A_266 = vector.shape_cast %swap3A_265 : vector<1x16xf32> to vector<16xf32>
      %swap3A_267 = vector.shape_cast %broadcast_in_dim3A_262 : vector<16xf32> to vector<1x16xf32>
      tpu.vector_store %arg8[%swap3A_263, %swap3A_264], %swap3A_267 {strides = array<i32>} : memref<64x128xf32, #tpu.memory_space<vmem>>, vector<1x16xf32>,
      %broadcast_in_dim3A_268 = arith.constant 0.000000e+00 : f32
      %broadcast_in_dim3A_269 = vector.broadcast %broadcast_in_dim3A_268 : f32 to vector<16xf32>
      %swap3A_270 = arith.index_cast %scan3A_241 : i32 to index
      %swap3A_271 = arith.constant 64 : index
      %swap3A_272 = tpu.vector_load %arg8[%swap3A_270, %swap3A_271] {strides = array<i32>} : memref<64x128xf32, #tpu.memory_space<vmem>>, vector<1x16xf32>,
      %swap3A_273 = vector.shape_cast %swap3A_272 : vector<1x16xf32> to vector<16xf32>
      %swap3A_274 = vector.shape_cast %broadcast_in_dim3A_269 : vector<16xf32> to vector<1x16xf32>
      tpu.vector_store %arg8[%swap3A_270, %swap3A_271], %swap3A_274 {strides = array<i32>} : memref<64x128xf32, #tpu.memory_space<vmem>>, vector<1x16xf32>,
      %broadcast_in_dim3A_275 = arith.constant 0.000000e+00 : f32
      %broadcast_in_dim3A_276 = vector.broadcast %broadcast_in_dim3A_275 : f32 to vector<16xf32>
      %swap3A_277 = arith.index_cast %scan3A_241 : i32 to index
      %swap3A_278 = arith.constant 80 : index
      %swap3A_279 = tpu.vector_load %arg8[%swap3A_277, %swap3A_278] {strides = array<i32>} : memref<64x128xf32, #tpu.memory_space<vmem>>, vector<1x16xf32>,
      %swap3A_280 = vector.shape_cast %swap3A_279 : vector<1x16xf32> to vector<16xf32>
      %swap3A_281 = vector.shape_cast %broadcast_in_dim3A_276 : vector<16xf32> to vector<1x16xf32>
      tpu.vector_store %arg8[%swap3A_277, %swap3A_278], %swap3A_281 {strides = array<i32>} : memref<64x128xf32, #tpu.memory_space<vmem>>, vector<1x16xf32>,
      %broadcast_in_dim3A_282 = arith.constant 0.000000e+00 : f32
      %broadcast_in_dim3A_283 = vector.broadcast %broadcast_in_dim3A_282 : f32 to vector<16xf32>
      %swap3A_284 = arith.index_cast %scan3A_241 : i32 to index
      %swap3A_285 = arith.constant 96 : index
      %swap3A_286 = tpu.vector_load %arg8[%swap3A_284, %swap3A_285] {strides = array<i32>} : memref<64x128xf32, #tpu.memory_space<vmem>>, vector<1x16xf32>,
      %swap3A_287 = vector.shape_cast %swap3A_286 : vector<1x16xf32> to vector<16xf32>
      %swap3A_288 = vector.shape_cast %broadcast_in_dim3A_283 : vector<16xf32> to vector<1x16xf32>
      tpu.vector_store %arg8[%swap3A_284, %swap3A_285], %swap3A_288 {strides = array<i32>} : memref<64x128xf32, #tpu.memory_space<vmem>>, vector<1x16xf32>,
      %broadcast_in_dim3A_289 = arith.constant 0.000000e+00 : f32
      %broadcast_in_dim3A_290 = vector.broadcast %broadcast_in_dim3A_289 : f32 to vector<16xf32>
      %swap3A_291 = arith.index_cast %scan3A_241 : i32 to index
      %swap3A_292 = arith.constant 112 : index
      %swap3A_293 = tpu.vector_load %arg8[%swap3A_291, %swap3A_292] {strides = array<i32>} : memref<64x128xf32, #tpu.memory_space<vmem>>, vector<1x16xf32>,
      %swap3A_294 = vector.shape_cast %swap3A_293 : vector<1x16xf32> to vector<16xf32>
      %swap3A_295 = vector.shape_cast %broadcast_in_dim3A_290 : vector<16xf32> to vector<1x16xf32>
      tpu.vector_store %arg8[%swap3A_291, %swap3A_292], %swap3A_295 {strides = array<i32>} : memref<64x128xf32, #tpu.memory_space<vmem>>, vector<1x16xf32>,
    }
    %scan3A_189 = arith.constant 64 : i32
    %mul3A_190 = arith.constant 640 : i32
    %mul3A_191 = arith.muli %arg1, %mul3A_190 : i32
    %add3A_192 = arith.constant 0 : i32
    %add3A_193 = arith.addi %mul3A_191, %add3A_192 : i32
    "tpu.region"() ({
      %run_scoped3A_241 = tpu.sem_alloc : memref<!tpu.dma_semaphore, #tpu.memory_space<semaphore_mem>>
      %dma_start3A_242 = arith.constant 0 : i32
      %dma_start3A_243 = tpu.memref_slice %arg9[%add3A_193, %dma_start3A_242] : memref<10240x128xf32, #tpu.memory_space<vmem_shared>> -> memref<64x128xf32, #tpu.memory_space<vmem_shared>>
      %dma_start3A_244 = arith.constant 0 : i32
      %dma_start3A_245 = tpu.memref_slice %arg9[%add3A_193, %dma_start3A_244] : memref<10240x128xf32, #tpu.memory_space<vmem_shared>> -> memref<64x128xf32, #tpu.memory_space<vmem_shared>>
      tpu.enqueue_dma source(%arg8 : memref<64x128xf32, #tpu.memory_space<vmem>>) target(%dma_start3A_245 : memref<64x128xf32, #tpu.memory_space<vmem_shared>>) target_semaphore(%run_scoped3A_241 : memref<!tpu.dma_semaphore, #tpu.memory_space<semaphore_mem>>)
      %dma_wait3A = arith.constant 0 : i32
      %dma_wait3A_246 = tpu.memref_slice %arg9[%add3A_193, %dma_wait3A] : memref<10240x128xf32, #tpu.memory_space<vmem_shared>> -> memref<64x128xf32, #tpu.memory_space<vmem_shared>>
      %dma_wait3A_247 = arith.constant 0 : i32
      %dma_wait3A_248 = tpu.memref_slice %arg9[%add3A_193, %dma_wait3A_247] : memref<10240x128xf32, #tpu.memory_space<vmem_shared>> -> memref<64x128xf32, #tpu.memory_space<vmem_shared>>
      tpu.wait_dma2 semaphore(%run_scoped3A_241 : memref<!tpu.dma_semaphore, #tpu.memory_space<semaphore_mem>>) src(%arg8 : memref<64x128xf32, #tpu.memory_space<vmem>>) dst(%dma_wait3A_248 : memref<64x128xf32, #tpu.memory_space<vmem_shared>>)
      tpu.yield
    }) : () -> ()
    %mul3A_194 = arith.constant 640 : i32
    %mul3A_195 = arith.muli %arg1, %mul3A_194 : i32
    %add3A_196 = arith.constant 64 : i32
    %add3A_197 = arith.addi %mul3A_195, %add3A_196 : i32
    "tpu.region"() ({
      %run_scoped3A_241 = tpu.sem_alloc : memref<!tpu.dma_semaphore, #tpu.memory_space<semaphore_mem>>
      %dma_start3A_242 = arith.constant 0 : i32
      %dma_start3A_243 = tpu.memref_slice %arg9[%add3A_197, %dma_start3A_242] : memref<10240x128xf32, #tpu.memory_space<vmem_shared>> -> memref<64x128xf32, #tpu.memory_space<vmem_shared>>
      %dma_start3A_244 = arith.constant 0 : i32
      %dma_start3A_245 = tpu.memref_slice %arg9[%add3A_197, %dma_start3A_244] : memref<10240x128xf32, #tpu.memory_space<vmem_shared>> -> memref<64x128xf32, #tpu.memory_space<vmem_shared>>
      tpu.enqueue_dma source(%arg8 : memref<64x128xf32, #tpu.memory_space<vmem>>) target(%dma_start3A_245 : memref<64x128xf32, #tpu.memory_space<vmem_shared>>) target_semaphore(%run_scoped3A_241 : memref<!tpu.dma_semaphore, #tpu.memory_space<semaphore_mem>>)
      %dma_wait3A = arith.constant 0 : i32
      %dma_wait3A_246 = tpu.memref_slice %arg9[%add3A_197, %dma_wait3A] : memref<10240x128xf32, #tpu.memory_space<vmem_shared>> -> memref<64x128xf32, #tpu.memory_space<vmem_shared>>
      %dma_wait3A_247 = arith.constant 0 : i32
      %dma_wait3A_248 = tpu.memref_slice %arg9[%add3A_197, %dma_wait3A_247] : memref<10240x128xf32, #tpu.memory_space<vmem_shared>> -> memref<64x128xf32, #tpu.memory_space<vmem_shared>>
      tpu.wait_dma2 semaphore(%run_scoped3A_241 : memref<!tpu.dma_semaphore, #tpu.memory_space<semaphore_mem>>) src(%arg8 : memref<64x128xf32, #tpu.memory_space<vmem>>) dst(%dma_wait3A_248 : memref<64x128xf32, #tpu.memory_space<vmem_shared>>)
      tpu.yield
    }) : () -> ()
    %mul3A_198 = arith.constant 640 : i32
    %mul3A_199 = arith.muli %arg1, %mul3A_198 : i32
    %add3A_200 = arith.constant 128 : i32
    %add3A_201 = arith.addi %mul3A_199, %add3A_200 : i32
    "tpu.region"() ({
      %run_scoped3A_241 = tpu.sem_alloc : memref<!tpu.dma_semaphore, #tpu.memory_space<semaphore_mem>>
      %dma_start3A_242 = arith.constant 0 : i32
      %dma_start3A_243 = tpu.memref_slice %arg9[%add3A_201, %dma_start3A_242] : memref<10240x128xf32, #tpu.memory_space<vmem_shared>> -> memref<64x128xf32, #tpu.memory_space<vmem_shared>>
      %dma_start3A_244 = arith.constant 0 : i32
      %dma_start3A_245 = tpu.memref_slice %arg9[%add3A_201, %dma_start3A_244] : memref<10240x128xf32, #tpu.memory_space<vmem_shared>> -> memref<64x128xf32, #tpu.memory_space<vmem_shared>>
      tpu.enqueue_dma source(%arg8 : memref<64x128xf32, #tpu.memory_space<vmem>>) target(%dma_start3A_245 : memref<64x128xf32, #tpu.memory_space<vmem_shared>>) target_semaphore(%run_scoped3A_241 : memref<!tpu.dma_semaphore, #tpu.memory_space<semaphore_mem>>)
      %dma_wait3A = arith.constant 0 : i32
      %dma_wait3A_246 = tpu.memref_slice %arg9[%add3A_201, %dma_wait3A] : memref<10240x128xf32, #tpu.memory_space<vmem_shared>> -> memref<64x128xf32, #tpu.memory_space<vmem_shared>>
      %dma_wait3A_247 = arith.constant 0 : i32
      %dma_wait3A_248 = tpu.memref_slice %arg9[%add3A_201, %dma_wait3A_247] : memref<10240x128xf32, #tpu.memory_space<vmem_shared>> -> memref<64x128xf32, #tpu.memory_space<vmem_shared>>
      tpu.wait_dma2 semaphore(%run_scoped3A_241 : memref<!tpu.dma_semaphore, #tpu.memory_space<semaphore_mem>>) src(%arg8 : memref<64x128xf32, #tpu.memory_space<vmem>>) dst(%dma_wait3A_248 : memref<64x128xf32, #tpu.memory_space<vmem_shared>>)
      tpu.yield
    }) : () -> ()
    %mul3A_202 = arith.constant 640 : i32
    %mul3A_203 = arith.muli %arg1, %mul3A_202 : i32
    %add3A_204 = arith.constant 192 : i32
    %add3A_205 = arith.addi %mul3A_203, %add3A_204 : i32
    "tpu.region"() ({
      %run_scoped3A_241 = tpu.sem_alloc : memref<!tpu.dma_semaphore, #tpu.memory_space<semaphore_mem>>
      %dma_start3A_242 = arith.constant 0 : i32
      %dma_start3A_243 = tpu.memref_slice %arg9[%add3A_205, %dma_start3A_242] : memref<10240x128xf32, #tpu.memory_space<vmem_shared>> -> memref<64x128xf32, #tpu.memory_space<vmem_shared>>
      %dma_start3A_244 = arith.constant 0 : i32
      %dma_start3A_245 = tpu.memref_slice %arg9[%add3A_205, %dma_start3A_244] : memref<10240x128xf32, #tpu.memory_space<vmem_shared>> -> memref<64x128xf32, #tpu.memory_space<vmem_shared>>
      tpu.enqueue_dma source(%arg8 : memref<64x128xf32, #tpu.memory_space<vmem>>) target(%dma_start3A_245 : memref<64x128xf32, #tpu.memory_space<vmem_shared>>) target_semaphore(%run_scoped3A_241 : memref<!tpu.dma_semaphore, #tpu.memory_space<semaphore_mem>>)
      %dma_wait3A = arith.constant 0 : i32
      %dma_wait3A_246 = tpu.memref_slice %arg9[%add3A_205, %dma_wait3A] : memref<10240x128xf32, #tpu.memory_space<vmem_shared>> -> memref<64x128xf32, #tpu.memory_space<vmem_shared>>
      %dma_wait3A_247 = arith.constant 0 : i32
      %dma_wait3A_248 = tpu.memref_slice %arg9[%add3A_205, %dma_wait3A_247] : memref<10240x128xf32, #tpu.memory_space<vmem_shared>> -> memref<64x128xf32, #tpu.memory_space<vmem_shared>>
      tpu.wait_dma2 semaphore(%run_scoped3A_241 : memref<!tpu.dma_semaphore, #tpu.memory_space<semaphore_mem>>) src(%arg8 : memref<64x128xf32, #tpu.memory_space<vmem>>) dst(%dma_wait3A_248 : memref<64x128xf32, #tpu.memory_space<vmem_shared>>)
      tpu.yield
    }) : () -> ()
    %mul3A_206 = arith.constant 640 : i32
    %mul3A_207 = arith.muli %arg1, %mul3A_206 : i32
    %add3A_208 = arith.constant 256 : i32
    %add3A_209 = arith.addi %mul3A_207, %add3A_208 : i32
    "tpu.region"() ({
      %run_scoped3A_241 = tpu.sem_alloc : memref<!tpu.dma_semaphore, #tpu.memory_space<semaphore_mem>>
      %dma_start3A_242 = arith.constant 0 : i32
      %dma_start3A_243 = tpu.memref_slice %arg9[%add3A_209, %dma_start3A_242] : memref<10240x128xf32, #tpu.memory_space<vmem_shared>> -> memref<64x128xf32, #tpu.memory_space<vmem_shared>>
      %dma_start3A_244 = arith.constant 0 : i32
      %dma_start3A_245 = tpu.memref_slice %arg9[%add3A_209, %dma_start3A_244] : memref<10240x128xf32, #tpu.memory_space<vmem_shared>> -> memref<64x128xf32, #tpu.memory_space<vmem_shared>>
      tpu.enqueue_dma source(%arg8 : memref<64x128xf32, #tpu.memory_space<vmem>>) target(%dma_start3A_245 : memref<64x128xf32, #tpu.memory_space<vmem_shared>>) target_semaphore(%run_scoped3A_241 : memref<!tpu.dma_semaphore, #tpu.memory_space<semaphore_mem>>)
      %dma_wait3A = arith.constant 0 : i32
      %dma_wait3A_246 = tpu.memref_slice %arg9[%add3A_209, %dma_wait3A] : memref<10240x128xf32, #tpu.memory_space<vmem_shared>> -> memref<64x128xf32, #tpu.memory_space<vmem_shared>>
      %dma_wait3A_247 = arith.constant 0 : i32
      %dma_wait3A_248 = tpu.memref_slice %arg9[%add3A_209, %dma_wait3A_247] : memref<10240x128xf32, #tpu.memory_space<vmem_shared>> -> memref<64x128xf32, #tpu.memory_space<vmem_shared>>
      tpu.wait_dma2 semaphore(%run_scoped3A_241 : memref<!tpu.dma_semaphore, #tpu.memory_space<semaphore_mem>>) src(%arg8 : memref<64x128xf32, #tpu.memory_space<vmem>>) dst(%dma_wait3A_248 : memref<64x128xf32, #tpu.memory_space<vmem_shared>>)
      tpu.yield
    }) : () -> ()
    %mul3A_210 = arith.constant 640 : i32
    %mul3A_211 = arith.muli %arg1, %mul3A_210 : i32
    %add3A_212 = arith.constant 320 : i32
    %add3A_213 = arith.addi %mul3A_211, %add3A_212 : i32
    "tpu.region"() ({
      %run_scoped3A_241 = tpu.sem_alloc : memref<!tpu.dma_semaphore, #tpu.memory_space<semaphore_mem>>
      %dma_start3A_242 = arith.constant 0 : i32
      %dma_start3A_243 = tpu.memref_slice %arg9[%add3A_213, %dma_start3A_242] : memref<10240x128xf32, #tpu.memory_space<vmem_shared>> -> memref<64x128xf32, #tpu.memory_space<vmem_shared>>
      %dma_start3A_244 = arith.constant 0 : i32
      %dma_start3A_245 = tpu.memref_slice %arg9[%add3A_213, %dma_start3A_244] : memref<10240x128xf32, #tpu.memory_space<vmem_shared>> -> memref<64x128xf32, #tpu.memory_space<vmem_shared>>
      tpu.enqueue_dma source(%arg8 : memref<64x128xf32, #tpu.memory_space<vmem>>) target(%dma_start3A_245 : memref<64x128xf32, #tpu.memory_space<vmem_shared>>) target_semaphore(%run_scoped3A_241 : memref<!tpu.dma_semaphore, #tpu.memory_space<semaphore_mem>>)
      %dma_wait3A = arith.constant 0 : i32
      %dma_wait3A_246 = tpu.memref_slice %arg9[%add3A_213, %dma_wait3A] : memref<10240x128xf32, #tpu.memory_space<vmem_shared>> -> memref<64x128xf32, #tpu.memory_space<vmem_shared>>
      %dma_wait3A_247 = arith.constant 0 : i32
      %dma_wait3A_248 = tpu.memref_slice %arg9[%add3A_213, %dma_wait3A_247] : memref<10240x128xf32, #tpu.memory_space<vmem_shared>> -> memref<64x128xf32, #tpu.memory_space<vmem_shared>>
      tpu.wait_dma2 semaphore(%run_scoped3A_241 : memref<!tpu.dma_semaphore, #tpu.memory_space<semaphore_mem>>) src(%arg8 : memref<64x128xf32, #tpu.memory_space<vmem>>) dst(%dma_wait3A_248 : memref<64x128xf32, #tpu.memory_space<vmem_shared>>)
      tpu.yield
    }) : () -> ()
    %mul3A_214 = arith.constant 640 : i32
    %mul3A_215 = arith.muli %arg1, %mul3A_214 : i32
    %add3A_216 = arith.constant 384 : i32
    %add3A_217 = arith.addi %mul3A_215, %add3A_216 : i32
    "tpu.region"() ({
      %run_scoped3A_241 = tpu.sem_alloc : memref<!tpu.dma_semaphore, #tpu.memory_space<semaphore_mem>>
      %dma_start3A_242 = arith.constant 0 : i32
      %dma_start3A_243 = tpu.memref_slice %arg9[%add3A_217, %dma_start3A_242] : memref<10240x128xf32, #tpu.memory_space<vmem_shared>> -> memref<64x128xf32, #tpu.memory_space<vmem_shared>>
      %dma_start3A_244 = arith.constant 0 : i32
      %dma_start3A_245 = tpu.memref_slice %arg9[%add3A_217, %dma_start3A_244] : memref<10240x128xf32, #tpu.memory_space<vmem_shared>> -> memref<64x128xf32, #tpu.memory_space<vmem_shared>>
      tpu.enqueue_dma source(%arg8 : memref<64x128xf32, #tpu.memory_space<vmem>>) target(%dma_start3A_245 : memref<64x128xf32, #tpu.memory_space<vmem_shared>>) target_semaphore(%run_scoped3A_241 : memref<!tpu.dma_semaphore, #tpu.memory_space<semaphore_mem>>)
      %dma_wait3A = arith.constant 0 : i32
      %dma_wait3A_246 = tpu.memref_slice %arg9[%add3A_217, %dma_wait3A] : memref<10240x128xf32, #tpu.memory_space<vmem_shared>> -> memref<64x128xf32, #tpu.memory_space<vmem_shared>>
      %dma_wait3A_247 = arith.constant 0 : i32
      %dma_wait3A_248 = tpu.memref_slice %arg9[%add3A_217, %dma_wait3A_247] : memref<10240x128xf32, #tpu.memory_space<vmem_shared>> -> memref<64x128xf32, #tpu.memory_space<vmem_shared>>
      tpu.wait_dma2 semaphore(%run_scoped3A_241 : memref<!tpu.dma_semaphore, #tpu.memory_space<semaphore_mem>>) src(%arg8 : memref<64x128xf32, #tpu.memory_space<vmem>>) dst(%dma_wait3A_248 : memref<64x128xf32, #tpu.memory_space<vmem_shared>>)
      tpu.yield
    }) : () -> ()
    %mul3A_218 = arith.constant 640 : i32
    %mul3A_219 = arith.muli %arg1, %mul3A_218 : i32
    %add3A_220 = arith.constant 448 : i32
    %add3A_221 = arith.addi %mul3A_219, %add3A_220 : i32
    "tpu.region"() ({
      %run_scoped3A_241 = tpu.sem_alloc : memref<!tpu.dma_semaphore, #tpu.memory_space<semaphore_mem>>
      %dma_start3A_242 = arith.constant 0 : i32
      %dma_start3A_243 = tpu.memref_slice %arg9[%add3A_221, %dma_start3A_242] : memref<10240x128xf32, #tpu.memory_space<vmem_shared>> -> memref<64x128xf32, #tpu.memory_space<vmem_shared>>
      %dma_start3A_244 = arith.constant 0 : i32
      %dma_start3A_245 = tpu.memref_slice %arg9[%add3A_221, %dma_start3A_244] : memref<10240x128xf32, #tpu.memory_space<vmem_shared>> -> memref<64x128xf32, #tpu.memory_space<vmem_shared>>
      tpu.enqueue_dma source(%arg8 : memref<64x128xf32, #tpu.memory_space<vmem>>) target(%dma_start3A_245 : memref<64x128xf32, #tpu.memory_space<vmem_shared>>) target_semaphore(%run_scoped3A_241 : memref<!tpu.dma_semaphore, #tpu.memory_space<semaphore_mem>>)
      %dma_wait3A = arith.constant 0 : i32
      %dma_wait3A_246 = tpu.memref_slice %arg9[%add3A_221, %dma_wait3A] : memref<10240x128xf32, #tpu.memory_space<vmem_shared>> -> memref<64x128xf32, #tpu.memory_space<vmem_shared>>
      %dma_wait3A_247 = arith.constant 0 : i32
      %dma_wait3A_248 = tpu.memref_slice %arg9[%add3A_221, %dma_wait3A_247] : memref<10240x128xf32, #tpu.memory_space<vmem_shared>> -> memref<64x128xf32, #tpu.memory_space<vmem_shared>>
      tpu.wait_dma2 semaphore(%run_scoped3A_241 : memref<!tpu.dma_semaphore, #tpu.memory_space<semaphore_mem>>) src(%arg8 : memref<64x128xf32, #tpu.memory_space<vmem>>) dst(%dma_wait3A_248 : memref<64x128xf32, #tpu.memory_space<vmem_shared>>)
      tpu.yield
    }) : () -> ()
    %mul3A_222 = arith.constant 640 : i32
    %mul3A_223 = arith.muli %arg1, %mul3A_222 : i32
    %add3A_224 = arith.constant 512 : i32
    %add3A_225 = arith.addi %mul3A_223, %add3A_224 : i32
    "tpu.region"() ({
      %run_scoped3A_241 = tpu.sem_alloc : memref<!tpu.dma_semaphore, #tpu.memory_space<semaphore_mem>>
      %dma_start3A_242 = arith.constant 0 : i32
      %dma_start3A_243 = tpu.memref_slice %arg9[%add3A_225, %dma_start3A_242] : memref<10240x128xf32, #tpu.memory_space<vmem_shared>> -> memref<64x128xf32, #tpu.memory_space<vmem_shared>>
      %dma_start3A_244 = arith.constant 0 : i32
      %dma_start3A_245 = tpu.memref_slice %arg9[%add3A_225, %dma_start3A_244] : memref<10240x128xf32, #tpu.memory_space<vmem_shared>> -> memref<64x128xf32, #tpu.memory_space<vmem_shared>>
      tpu.enqueue_dma source(%arg8 : memref<64x128xf32, #tpu.memory_space<vmem>>) target(%dma_start3A_245 : memref<64x128xf32, #tpu.memory_space<vmem_shared>>) target_semaphore(%run_scoped3A_241 : memref<!tpu.dma_semaphore, #tpu.memory_space<semaphore_mem>>)
      %dma_wait3A = arith.constant 0 : i32
      %dma_wait3A_246 = tpu.memref_slice %arg9[%add3A_225, %dma_wait3A] : memref<10240x128xf32, #tpu.memory_space<vmem_shared>> -> memref<64x128xf32, #tpu.memory_space<vmem_shared>>
      %dma_wait3A_247 = arith.constant 0 : i32
      %dma_wait3A_248 = tpu.memref_slice %arg9[%add3A_225, %dma_wait3A_247] : memref<10240x128xf32, #tpu.memory_space<vmem_shared>> -> memref<64x128xf32, #tpu.memory_space<vmem_shared>>
      tpu.wait_dma2 semaphore(%run_scoped3A_241 : memref<!tpu.dma_semaphore, #tpu.memory_space<semaphore_mem>>) src(%arg8 : memref<64x128xf32, #tpu.memory_space<vmem>>) dst(%dma_wait3A_248 : memref<64x128xf32, #tpu.memory_space<vmem_shared>>)
      tpu.yield
    }) : () -> ()
    %mul3A_226 = arith.constant 640 : i32
    %mul3A_227 = arith.muli %arg1, %mul3A_226 : i32
    %add3A_228 = arith.constant 576 : i32
    %add3A_229 = arith.addi %mul3A_227, %add3A_228 : i32
    "tpu.region"() ({
      %run_scoped3A_241 = tpu.sem_alloc : memref<!tpu.dma_semaphore, #tpu.memory_space<semaphore_mem>>
      %dma_start3A_242 = arith.constant 0 : i32
      %dma_start3A_243 = tpu.memref_slice %arg9[%add3A_229, %dma_start3A_242] : memref<10240x128xf32, #tpu.memory_space<vmem_shared>> -> memref<64x128xf32, #tpu.memory_space<vmem_shared>>
      %dma_start3A_244 = arith.constant 0 : i32
      %dma_start3A_245 = tpu.memref_slice %arg9[%add3A_229, %dma_start3A_244] : memref<10240x128xf32, #tpu.memory_space<vmem_shared>> -> memref<64x128xf32, #tpu.memory_space<vmem_shared>>
      tpu.enqueue_dma source(%arg8 : memref<64x128xf32, #tpu.memory_space<vmem>>) target(%dma_start3A_245 : memref<64x128xf32, #tpu.memory_space<vmem_shared>>) target_semaphore(%run_scoped3A_241 : memref<!tpu.dma_semaphore, #tpu.memory_space<semaphore_mem>>)
      %dma_wait3A = arith.constant 0 : i32
      %dma_wait3A_246 = tpu.memref_slice %arg9[%add3A_229, %dma_wait3A] : memref<10240x128xf32, #tpu.memory_space<vmem_shared>> -> memref<64x128xf32, #tpu.memory_space<vmem_shared>>
      %dma_wait3A_247 = arith.constant 0 : i32
      %dma_wait3A_248 = tpu.memref_slice %arg9[%add3A_229, %dma_wait3A_247] : memref<10240x128xf32, #tpu.memory_space<vmem_shared>> -> memref<64x128xf32, #tpu.memory_space<vmem_shared>>
      tpu.wait_dma2 semaphore(%run_scoped3A_241 : memref<!tpu.dma_semaphore, #tpu.memory_space<semaphore_mem>>) src(%arg8 : memref<64x128xf32, #tpu.memory_space<vmem>>) dst(%dma_wait3A_248 : memref<64x128xf32, #tpu.memory_space<vmem_shared>>)
      tpu.yield
    }) : () -> ()
    %barrier3A = arith.constant 0 : index
    tpu.barrier barrier_id(%barrier3A)
    %scan3A_230 = arith.constant 0 : i32
    %scan3A_231 = arith.constant 0 : i32
    %scan3A_232 = arith.constant 50 : i32
    %scan3A_233 = arith.addi %scan3A_231, %scan3A_232 : i32
    %scan3A_234 = arith.constant 1 : i32
    scf.for %scan3A_241 = %scan3A_231 to %scan3A_233 step %scan3A_234  : i32 {
      %rem3A_242 = arith.constant 3 : i32
      %rem3A_243 = arith.remsi %scan3A_241, %rem3A_242 : i32
      %add3A_244 = arith.constant 1 : i32
      %add3A_245 = arith.addi %scan3A_241, %add3A_244 : i32
      %rem3A_246 = arith.constant 3 : i32
      %rem3A_247 = arith.remsi %add3A_245, %rem3A_246 : i32
      %add3A_248 = arith.constant 1 : i32
      %add3A_249 = arith.addi %scan3A_241, %add3A_248 : i32
      %lt3A = arith.constant 50 : i32
      %lt3A_250 = arith.cmpi slt, %add3A_249, %lt3A : i32
      %convert_element_type3A = arith.extui %lt3A_250 : i1 to i32
      %cond3A = arith.constant 0 : i32
      %cond3A_251 = arith.cmpi ne, %convert_element_type3A, %cond3A : i32
      scf.if %cond3A_251 {
        %add3A_383 = arith.constant 1 : i32
        %add3A_384 = arith.addi %scan3A_241, %add3A_383 : i32
        %rem3A_385 = arith.constant 3 : i32
        %rem3A_386 = arith.remsi %add3A_384, %rem3A_385 : i32
        %mul3A_387 = arith.constant 10000 : i32
        %mul3A_388 = arith.muli %add3A, %mul3A_387 : i32
        %mul3A_389 = arith.constant 200 : i32
        %mul3A_390 = arith.muli %add3A_384, %mul3A_389 : i32
        %add3A_391 = arith.addi %mul3A_388, %mul3A_390 : i32
        %mul3A_392 = arith.constant 200 : i32
        %mul3A_393 = arith.muli %rem3A_386, %mul3A_392 : i32
        %add3A_394 = arith.constant 320000 : i32
        %add3A_395 = arith.addi %add3A_394, %add3A_391 : i32
        %add3A_396 = arith.constant 0 : i32
        %add3A_397 = arith.addi %add3A_395, %add3A_396 : i32
        %add3A_398 = arith.constant 320000 : i32
        %add3A_399 = arith.addi %add3A_398, %add3A_391 : i32
        %add3A_400 = arith.constant 40 : i32
        %add3A_401 = arith.addi %add3A_399, %add3A_400 : i32
        %add3A_402 = arith.constant 320000 : i32
        %add3A_403 = arith.addi %add3A_402, %add3A_391 : i32
        %add3A_404 = arith.constant 80 : i32
        %add3A_405 = arith.addi %add3A_403, %add3A_404 : i32
        %add3A_406 = arith.constant 320000 : i32
        %add3A_407 = arith.addi %add3A_406, %add3A_391 : i32
        %add3A_408 = arith.constant 120 : i32
        %add3A_409 = arith.addi %add3A_407, %add3A_408 : i32
        %add3A_410 = arith.constant 320000 : i32
        %add3A_411 = arith.addi %add3A_410, %add3A_391 : i32
        %add3A_412 = arith.constant 160 : i32
        %add3A_413 = arith.addi %add3A_411, %add3A_412 : i32
        %dma_wait3A_414 = tpu.memref_slice %arg5[%mul3A_393] : memref<600xi32, #tpu.memory_space<vmem>> -> memref<200xi32, #tpu.memory_space<vmem>>
        %dma_wait3A_415 = tpu.memref_slice %arg3[%add3A_391] : memref<640000xi32, #tpu.memory_space<hbm>> -> memref<200xi32, #tpu.memory_space<hbm>>
        %dma_wait3A_416 = tpu.memref_slice %arg11[%rem3A_386] : memref<3x!tpu.dma_semaphore, #tpu.memory_space<semaphore_mem>> -> memref<1x!tpu.dma_semaphore, #tpu.memory_space<semaphore_mem>>
        %dma_wait3A_417 = tpu.memref_squeeze %dma_wait3A_416 : memref<1x!tpu.dma_semaphore, #tpu.memory_space<semaphore_mem>> -> memref<!tpu.dma_semaphore, #tpu.memory_space<semaphore_mem>>
        %dma_wait3A_418 = tpu.memref_slice %arg5[%mul3A_393] : memref<600xi32, #tpu.memory_space<vmem>> -> memref<200xi32, #tpu.memory_space<vmem>>
        %dma_wait3A_419 = tpu.memref_slice %arg3[%add3A_391] : memref<640000xi32, #tpu.memory_space<hbm>> -> memref<200xi32, #tpu.memory_space<hbm>>
        tpu.wait_dma2 semaphore(%dma_wait3A_417 : memref<!tpu.dma_semaphore, #tpu.memory_space<semaphore_mem>>) src(%dma_wait3A_419 : memref<200xi32, #tpu.memory_space<hbm>>) dst(%dma_wait3A_418 : memref<200xi32, #tpu.memory_space<vmem>>)
        %dma_wait3A_420 = arith.constant 0 : i32
        %dma_wait3A_421 = arith.constant 0 : i32
        %dma_wait3A_422 = tpu.memref_slice %arg6[%rem3A_386, %dma_wait3A_420, %dma_wait3A_421] : memref<3x5x40xi32, #tpu.memory_space<vmem>> -> memref<1x1x40xi32, #tpu.memory_space<vmem>>
        %dma_wait3A_423 = tpu.memref_squeeze %dma_wait3A_422 : memref<1x1x40xi32, #tpu.memory_space<vmem>> -> memref<40xi32, #tpu.memory_space<vmem>>
        %dma_wait3A_424 = tpu.memref_slice %arg3[%add3A_397] : memref<640000xi32, #tpu.memory_space<hbm>> -> memref<40xi32, #tpu.memory_space<hbm>>
        %dma_wait3A_425 = tpu.memref_slice %arg11[%rem3A_386] : memref<3x!tpu.dma_semaphore, #tpu.memory_space<semaphore_mem>> -> memref<1x!tpu.dma_semaphore, #tpu.memory_space<semaphore_mem>>
        %dma_wait3A_426 = tpu.memref_squeeze %dma_wait3A_425 : memref<1x!tpu.dma_semaphore, #tpu.memory_space<semaphore_mem>> -> memref<!tpu.dma_semaphore, #tpu.memory_space<semaphore_mem>>
        %dma_wait3A_427 = arith.constant 0 : i32
        %dma_wait3A_428 = tpu.memref_slice %arg6[%rem3A_386, %dma_wait3A_420, %dma_wait3A_427] : memref<3x5x40xi32, #tpu.memory_space<vmem>> -> memref<1x1x40xi32, #tpu.memory_space<vmem>>
        %dma_wait3A_429 = tpu.memref_squeeze %dma_wait3A_428 : memref<1x1x40xi32, #tpu.memory_space<vmem>> -> memref<40xi32, #tpu.memory_space<vmem>>
        %dma_wait3A_430 = tpu.memref_slice %arg3[%add3A_397] : memref<640000xi32, #tpu.memory_space<hbm>> -> memref<40xi32, #tpu.memory_space<hbm>>
        tpu.wait_dma2 semaphore(%dma_wait3A_426 : memref<!tpu.dma_semaphore, #tpu.memory_space<semaphore_mem>>) src(%dma_wait3A_430 : memref<40xi32, #tpu.memory_space<hbm>>) dst(%dma_wait3A_429 : memref<40xi32, #tpu.memory_space<vmem>>)
        %dma_wait3A_431 = arith.constant 1 : i32
        %dma_wait3A_432 = arith.constant 0 : i32
        %dma_wait3A_433 = tpu.memref_slice %arg6[%rem3A_386, %dma_wait3A_431, %dma_wait3A_432] : memref<3x5x40xi32, #tpu.memory_space<vmem>> -> memref<1x1x40xi32, #tpu.memory_space<vmem>>
        %dma_wait3A_434 = tpu.memref_squeeze %dma_wait3A_433 : memref<1x1x40xi32, #tpu.memory_space<vmem>> -> memref<40xi32, #tpu.memory_space<vmem>>
        %dma_wait3A_435 = tpu.memref_slice %arg3[%add3A_401] : memref<640000xi32, #tpu.memory_space<hbm>> -> memref<40xi32, #tpu.memory_space<hbm>>
        %dma_wait3A_436 = tpu.memref_slice %arg11[%rem3A_386] : memref<3x!tpu.dma_semaphore, #tpu.memory_space<semaphore_mem>> -> memref<1x!tpu.dma_semaphore, #tpu.memory_space<semaphore_mem>>
        %dma_wait3A_437 = tpu.memref_squeeze %dma_wait3A_436 : memref<1x!tpu.dma_semaphore, #tpu.memory_space<semaphore_mem>> -> memref<!tpu.dma_semaphore, #tpu.memory_space<semaphore_mem>>
        %dma_wait3A_438 = arith.constant 0 : i32
        %dma_wait3A_439 = tpu.memref_slice %arg6[%rem3A_386, %dma_wait3A_431, %dma_wait3A_438] : memref<3x5x40xi32, #tpu.memory_space<vmem>> -> memref<1x1x40xi32, #tpu.memory_space<vmem>>
        %dma_wait3A_440 = tpu.memref_squeeze %dma_wait3A_439 : memref<1x1x40xi32, #tpu.memory_space<vmem>> -> memref<40xi32, #tpu.memory_space<vmem>>
        %dma_wait3A_441 = tpu.memref_slice %arg3[%add3A_401] : memref<640000xi32, #tpu.memory_space<hbm>> -> memref<40xi32, #tpu.memory_space<hbm>>
        tpu.wait_dma2 semaphore(%dma_wait3A_437 : memref<!tpu.dma_semaphore, #tpu.memory_space<semaphore_mem>>) src(%dma_wait3A_441 : memref<40xi32, #tpu.memory_space<hbm>>) dst(%dma_wait3A_440 : memref<40xi32, #tpu.memory_space<vmem>>)
        %dma_wait3A_442 = arith.constant 2 : i32
        %dma_wait3A_443 = arith.constant 0 : i32
        %dma_wait3A_444 = tpu.memref_slice %arg6[%rem3A_386, %dma_wait3A_442, %dma_wait3A_443] : memref<3x5x40xi32, #tpu.memory_space<vmem>> -> memref<1x1x40xi32, #tpu.memory_space<vmem>>
        %dma_wait3A_445 = tpu.memref_squeeze %dma_wait3A_444 : memref<1x1x40xi32, #tpu.memory_space<vmem>> -> memref<40xi32, #tpu.memory_space<vmem>>
        %dma_wait3A_446 = tpu.memref_slice %arg3[%add3A_405] : memref<640000xi32, #tpu.memory_space<hbm>> -> memref<40xi32, #tpu.memory_space<hbm>>
        %dma_wait3A_447 = tpu.memref_slice %arg11[%rem3A_386] : memref<3x!tpu.dma_semaphore, #tpu.memory_space<semaphore_mem>> -> memref<1x!tpu.dma_semaphore, #tpu.memory_space<semaphore_mem>>
        %dma_wait3A_448 = tpu.memref_squeeze %dma_wait3A_447 : memref<1x!tpu.dma_semaphore, #tpu.memory_space<semaphore_mem>> -> memref<!tpu.dma_semaphore, #tpu.memory_space<semaphore_mem>>
        %dma_wait3A_449 = arith.constant 0 : i32
        %dma_wait3A_450 = tpu.memref_slice %arg6[%rem3A_386, %dma_wait3A_442, %dma_wait3A_449] : memref<3x5x40xi32, #tpu.memory_space<vmem>> -> memref<1x1x40xi32, #tpu.memory_space<vmem>>
        %dma_wait3A_451 = tpu.memref_squeeze %dma_wait3A_450 : memref<1x1x40xi32, #tpu.memory_space<vmem>> -> memref<40xi32, #tpu.memory_space<vmem>>
        %dma_wait3A_452 = tpu.memref_slice %arg3[%add3A_405] : memref<640000xi32, #tpu.memory_space<hbm>> -> memref<40xi32, #tpu.memory_space<hbm>>
        tpu.wait_dma2 semaphore(%dma_wait3A_448 : memref<!tpu.dma_semaphore, #tpu.memory_space<semaphore_mem>>) src(%dma_wait3A_452 : memref<40xi32, #tpu.memory_space<hbm>>) dst(%dma_wait3A_451 : memref<40xi32, #tpu.memory_space<vmem>>)
        %dma_wait3A_453 = arith.constant 3 : i32
        %dma_wait3A_454 = arith.constant 0 : i32
        %dma_wait3A_455 = tpu.memref_slice %arg6[%rem3A_386, %dma_wait3A_453, %dma_wait3A_454] : memref<3x5x40xi32, #tpu.memory_space<vmem>> -> memref<1x1x40xi32, #tpu.memory_space<vmem>>
        %dma_wait3A_456 = tpu.memref_squeeze %dma_wait3A_455 : memref<1x1x40xi32, #tpu.memory_space<vmem>> -> memref<40xi32, #tpu.memory_space<vmem>>
        %dma_wait3A_457 = tpu.memref_slice %arg3[%add3A_409] : memref<640000xi32, #tpu.memory_space<hbm>> -> memref<40xi32, #tpu.memory_space<hbm>>
        %dma_wait3A_458 = tpu.memref_slice %arg11[%rem3A_386] : memref<3x!tpu.dma_semaphore, #tpu.memory_space<semaphore_mem>> -> memref<1x!tpu.dma_semaphore, #tpu.memory_space<semaphore_mem>>
        %dma_wait3A_459 = tpu.memref_squeeze %dma_wait3A_458 : memref<1x!tpu.dma_semaphore, #tpu.memory_space<semaphore_mem>> -> memref<!tpu.dma_semaphore, #tpu.memory_space<semaphore_mem>>
        %dma_wait3A_460 = arith.constant 0 : i32
        %dma_wait3A_461 = tpu.memref_slice %arg6[%rem3A_386, %dma_wait3A_453, %dma_wait3A_460] : memref<3x5x40xi32, #tpu.memory_space<vmem>> -> memref<1x1x40xi32, #tpu.memory_space<vmem>>
        %dma_wait3A_462 = tpu.memref_squeeze %dma_wait3A_461 : memref<1x1x40xi32, #tpu.memory_space<vmem>> -> memref<40xi32, #tpu.memory_space<vmem>>
        %dma_wait3A_463 = tpu.memref_slice %arg3[%add3A_409] : memref<640000xi32, #tpu.memory_space<hbm>> -> memref<40xi32, #tpu.memory_space<hbm>>
        tpu.wait_dma2 semaphore(%dma_wait3A_459 : memref<!tpu.dma_semaphore, #tpu.memory_space<semaphore_mem>>) src(%dma_wait3A_463 : memref<40xi32, #tpu.memory_space<hbm>>) dst(%dma_wait3A_462 : memref<40xi32, #tpu.memory_space<vmem>>)
        %dma_wait3A_464 = arith.constant 4 : i32
        %dma_wait3A_465 = arith.constant 0 : i32
        %dma_wait3A_466 = tpu.memref_slice %arg6[%rem3A_386, %dma_wait3A_464, %dma_wait3A_465] : memref<3x5x40xi32, #tpu.memory_space<vmem>> -> memref<1x1x40xi32, #tpu.memory_space<vmem>>
        %dma_wait3A_467 = tpu.memref_squeeze %dma_wait3A_466 : memref<1x1x40xi32, #tpu.memory_space<vmem>> -> memref<40xi32, #tpu.memory_space<vmem>>
        %dma_wait3A_468 = tpu.memref_slice %arg3[%add3A_413] : memref<640000xi32, #tpu.memory_space<hbm>> -> memref<40xi32, #tpu.memory_space<hbm>>
        %dma_wait3A_469 = tpu.memref_slice %arg11[%rem3A_386] : memref<3x!tpu.dma_semaphore, #tpu.memory_space<semaphore_mem>> -> memref<1x!tpu.dma_semaphore, #tpu.memory_space<semaphore_mem>>
        %dma_wait3A_470 = tpu.memref_squeeze %dma_wait3A_469 : memref<1x!tpu.dma_semaphore, #tpu.memory_space<semaphore_mem>> -> memref<!tpu.dma_semaphore, #tpu.memory_space<semaphore_mem>>
        %dma_wait3A_471 = arith.constant 0 : i32
        %dma_wait3A_472 = tpu.memref_slice %arg6[%rem3A_386, %dma_wait3A_464, %dma_wait3A_471] : memref<3x5x40xi32, #tpu.memory_space<vmem>> -> memref<1x1x40xi32, #tpu.memory_space<vmem>>
        %dma_wait3A_473 = tpu.memref_squeeze %dma_wait3A_472 : memref<1x1x40xi32, #tpu.memory_space<vmem>> -> memref<40xi32, #tpu.memory_space<vmem>>
        %dma_wait3A_474 = tpu.memref_slice %arg3[%add3A_413] : memref<640000xi32, #tpu.memory_space<hbm>> -> memref<40xi32, #tpu.memory_space<hbm>>
        tpu.wait_dma2 semaphore(%dma_wait3A_470 : memref<!tpu.dma_semaphore, #tpu.memory_space<semaphore_mem>>) src(%dma_wait3A_474 : memref<40xi32, #tpu.memory_space<hbm>>) dst(%dma_wait3A_473 : memref<40xi32, #tpu.memory_space<vmem>>)
      } else {
      }
      %add3A_252 = arith.constant 2 : i32
      %add3A_253 = arith.addi %scan3A_241, %add3A_252 : i32
      %lt3A_254 = arith.constant 50 : i32
      %lt3A_255 = arith.cmpi slt, %add3A_253, %lt3A_254 : i32
      %convert_element_type3A_256 = arith.extui %lt3A_255 : i1 to i32
      %cond3A_257 = arith.constant 0 : i32
      %cond3A_258 = arith.cmpi ne, %convert_element_type3A_256, %cond3A_257 : i32
      scf.if %cond3A_258 {
        %add3A_383 = arith.constant 2 : i32
        %add3A_384 = arith.addi %scan3A_241, %add3A_383 : i32
        %rem3A_385 = arith.constant 3 : i32
        %rem3A_386 = arith.remsi %add3A_384, %rem3A_385 : i32
        %mul3A_387 = arith.constant 10000 : i32
        %mul3A_388 = arith.muli %add3A, %mul3A_387 : i32
        %mul3A_389 = arith.constant 200 : i32
        %mul3A_390 = arith.muli %add3A_384, %mul3A_389 : i32
        %add3A_391 = arith.addi %mul3A_388, %mul3A_390 : i32
        %mul3A_392 = arith.constant 200 : i32
        %mul3A_393 = arith.muli %rem3A_386, %mul3A_392 : i32
        %add3A_394 = arith.constant 320000 : i32
        %add3A_395 = arith.addi %add3A_394, %add3A_391 : i32
        %add3A_396 = arith.constant 0 : i32
        %add3A_397 = arith.addi %add3A_395, %add3A_396 : i32
        %add3A_398 = arith.constant 320000 : i32
        %add3A_399 = arith.addi %add3A_398, %add3A_391 : i32
        %add3A_400 = arith.constant 40 : i32
        %add3A_401 = arith.addi %add3A_399, %add3A_400 : i32
        %add3A_402 = arith.constant 320000 : i32
        %add3A_403 = arith.addi %add3A_402, %add3A_391 : i32
        %add3A_404 = arith.constant 80 : i32
        %add3A_405 = arith.addi %add3A_403, %add3A_404 : i32
        %add3A_406 = arith.constant 320000 : i32
        %add3A_407 = arith.addi %add3A_406, %add3A_391 : i32
        %add3A_408 = arith.constant 120 : i32
        %add3A_409 = arith.addi %add3A_407, %add3A_408 : i32
        %add3A_410 = arith.constant 320000 : i32
        %add3A_411 = arith.addi %add3A_410, %add3A_391 : i32
        %add3A_412 = arith.constant 160 : i32
        %add3A_413 = arith.addi %add3A_411, %add3A_412 : i32
        %dma_start3A_414 = tpu.memref_slice %arg5[%mul3A_393] : memref<600xi32, #tpu.memory_space<vmem>> -> memref<200xi32, #tpu.memory_space<vmem>>
        %dma_start3A_415 = tpu.memref_slice %arg3[%add3A_391] : memref<640000xi32, #tpu.memory_space<hbm>> -> memref<200xi32, #tpu.memory_space<hbm>>
        %dma_start3A_416 = tpu.memref_slice %arg11[%rem3A_386] : memref<3x!tpu.dma_semaphore, #tpu.memory_space<semaphore_mem>> -> memref<1x!tpu.dma_semaphore, #tpu.memory_space<semaphore_mem>>
        %dma_start3A_417 = tpu.memref_squeeze %dma_start3A_416 : memref<1x!tpu.dma_semaphore, #tpu.memory_space<semaphore_mem>> -> memref<!tpu.dma_semaphore, #tpu.memory_space<semaphore_mem>>
        %dma_start3A_418 = tpu.memref_slice %arg5[%mul3A_393] : memref<600xi32, #tpu.memory_space<vmem>> -> memref<200xi32, #tpu.memory_space<vmem>>
        %dma_start3A_419 = tpu.memref_slice %arg3[%add3A_391] : memref<640000xi32, #tpu.memory_space<hbm>> -> memref<200xi32, #tpu.memory_space<hbm>>
        tpu.enqueue_dma source(%dma_start3A_419 : memref<200xi32, #tpu.memory_space<hbm>>) target(%dma_start3A_418 : memref<200xi32, #tpu.memory_space<vmem>>) target_semaphore(%dma_start3A_417 : memref<!tpu.dma_semaphore, #tpu.memory_space<semaphore_mem>>)
        %dma_start3A_420 = arith.constant 0 : i32
        %dma_start3A_421 = arith.constant 0 : i32
        %dma_start3A_422 = tpu.memref_slice %arg6[%rem3A_386, %dma_start3A_420, %dma_start3A_421] : memref<3x5x40xi32, #tpu.memory_space<vmem>> -> memref<1x1x40xi32, #tpu.memory_space<vmem>>
        %dma_start3A_423 = tpu.memref_squeeze %dma_start3A_422 : memref<1x1x40xi32, #tpu.memory_space<vmem>> -> memref<40xi32, #tpu.memory_space<vmem>>
        %dma_start3A_424 = tpu.memref_slice %arg3[%add3A_397] : memref<640000xi32, #tpu.memory_space<hbm>> -> memref<40xi32, #tpu.memory_space<hbm>>
        %dma_start3A_425 = tpu.memref_slice %arg11[%rem3A_386] : memref<3x!tpu.dma_semaphore, #tpu.memory_space<semaphore_mem>> -> memref<1x!tpu.dma_semaphore, #tpu.memory_space<semaphore_mem>>
        %dma_start3A_426 = tpu.memref_squeeze %dma_start3A_425 : memref<1x!tpu.dma_semaphore, #tpu.memory_space<semaphore_mem>> -> memref<!tpu.dma_semaphore, #tpu.memory_space<semaphore_mem>>
        %dma_start3A_427 = arith.constant 0 : i32
        %dma_start3A_428 = tpu.memref_slice %arg6[%rem3A_386, %dma_start3A_420, %dma_start3A_427] : memref<3x5x40xi32, #tpu.memory_space<vmem>> -> memref<1x1x40xi32, #tpu.memory_space<vmem>>
        %dma_start3A_429 = tpu.memref_squeeze %dma_start3A_428 : memref<1x1x40xi32, #tpu.memory_space<vmem>> -> memref<40xi32, #tpu.memory_space<vmem>>
        %dma_start3A_430 = tpu.memref_slice %arg3[%add3A_397] : memref<640000xi32, #tpu.memory_space<hbm>> -> memref<40xi32, #tpu.memory_space<hbm>>
        tpu.enqueue_dma source(%dma_start3A_430 : memref<40xi32, #tpu.memory_space<hbm>>) target(%dma_start3A_429 : memref<40xi32, #tpu.memory_space<vmem>>) target_semaphore(%dma_start3A_426 : memref<!tpu.dma_semaphore, #tpu.memory_space<semaphore_mem>>)
        %dma_start3A_431 = arith.constant 1 : i32
        %dma_start3A_432 = arith.constant 0 : i32
        %dma_start3A_433 = tpu.memref_slice %arg6[%rem3A_386, %dma_start3A_431, %dma_start3A_432] : memref<3x5x40xi32, #tpu.memory_space<vmem>> -> memref<1x1x40xi32, #tpu.memory_space<vmem>>
        %dma_start3A_434 = tpu.memref_squeeze %dma_start3A_433 : memref<1x1x40xi32, #tpu.memory_space<vmem>> -> memref<40xi32, #tpu.memory_space<vmem>>
        %dma_start3A_435 = tpu.memref_slice %arg3[%add3A_401] : memref<640000xi32, #tpu.memory_space<hbm>> -> memref<40xi32, #tpu.memory_space<hbm>>
        %dma_start3A_436 = tpu.memref_slice %arg11[%rem3A_386] : memref<3x!tpu.dma_semaphore, #tpu.memory_space<semaphore_mem>> -> memref<1x!tpu.dma_semaphore, #tpu.memory_space<semaphore_mem>>
        %dma_start3A_437 = tpu.memref_squeeze %dma_start3A_436 : memref<1x!tpu.dma_semaphore, #tpu.memory_space<semaphore_mem>> -> memref<!tpu.dma_semaphore, #tpu.memory_space<semaphore_mem>>
        %dma_start3A_438 = arith.constant 0 : i32
        %dma_start3A_439 = tpu.memref_slice %arg6[%rem3A_386, %dma_start3A_431, %dma_start3A_438] : memref<3x5x40xi32, #tpu.memory_space<vmem>> -> memref<1x1x40xi32, #tpu.memory_space<vmem>>
        %dma_start3A_440 = tpu.memref_squeeze %dma_start3A_439 : memref<1x1x40xi32, #tpu.memory_space<vmem>> -> memref<40xi32, #tpu.memory_space<vmem>>
        %dma_start3A_441 = tpu.memref_slice %arg3[%add3A_401] : memref<640000xi32, #tpu.memory_space<hbm>> -> memref<40xi32, #tpu.memory_space<hbm>>
        tpu.enqueue_dma source(%dma_start3A_441 : memref<40xi32, #tpu.memory_space<hbm>>) target(%dma_start3A_440 : memref<40xi32, #tpu.memory_space<vmem>>) target_semaphore(%dma_start3A_437 : memref<!tpu.dma_semaphore, #tpu.memory_space<semaphore_mem>>)
        %dma_start3A_442 = arith.constant 2 : i32
        %dma_start3A_443 = arith.constant 0 : i32
        %dma_start3A_444 = tpu.memref_slice %arg6[%rem3A_386, %dma_start3A_442, %dma_start3A_443] : memref<3x5x40xi32, #tpu.memory_space<vmem>> -> memref<1x1x40xi32, #tpu.memory_space<vmem>>
        %dma_start3A_445 = tpu.memref_squeeze %dma_start3A_444 : memref<1x1x40xi32, #tpu.memory_space<vmem>> -> memref<40xi32, #tpu.memory_space<vmem>>
        %dma_start3A_446 = tpu.memref_slice %arg3[%add3A_405] : memref<640000xi32, #tpu.memory_space<hbm>> -> memref<40xi32, #tpu.memory_space<hbm>>
        %dma_start3A_447 = tpu.memref_slice %arg11[%rem3A_386] : memref<3x!tpu.dma_semaphore, #tpu.memory_space<semaphore_mem>> -> memref<1x!tpu.dma_semaphore, #tpu.memory_space<semaphore_mem>>
        %dma_start3A_448 = tpu.memref_squeeze %dma_start3A_447 : memref<1x!tpu.dma_semaphore, #tpu.memory_space<semaphore_mem>> -> memref<!tpu.dma_semaphore, #tpu.memory_space<semaphore_mem>>
        %dma_start3A_449 = arith.constant 0 : i32
        %dma_start3A_450 = tpu.memref_slice %arg6[%rem3A_386, %dma_start3A_442, %dma_start3A_449] : memref<3x5x40xi32, #tpu.memory_space<vmem>> -> memref<1x1x40xi32, #tpu.memory_space<vmem>>
        %dma_start3A_451 = tpu.memref_squeeze %dma_start3A_450 : memref<1x1x40xi32, #tpu.memory_space<vmem>> -> memref<40xi32, #tpu.memory_space<vmem>>
        %dma_start3A_452 = tpu.memref_slice %arg3[%add3A_405] : memref<640000xi32, #tpu.memory_space<hbm>> -> memref<40xi32, #tpu.memory_space<hbm>>
        tpu.enqueue_dma source(%dma_start3A_452 : memref<40xi32, #tpu.memory_space<hbm>>) target(%dma_start3A_451 : memref<40xi32, #tpu.memory_space<vmem>>) target_semaphore(%dma_start3A_448 : memref<!tpu.dma_semaphore, #tpu.memory_space<semaphore_mem>>)
        %dma_start3A_453 = arith.constant 3 : i32
        %dma_start3A_454 = arith.constant 0 : i32
        %dma_start3A_455 = tpu.memref_slice %arg6[%rem3A_386, %dma_start3A_453, %dma_start3A_454] : memref<3x5x40xi32, #tpu.memory_space<vmem>> -> memref<1x1x40xi32, #tpu.memory_space<vmem>>
        %dma_start3A_456 = tpu.memref_squeeze %dma_start3A_455 : memref<1x1x40xi32, #tpu.memory_space<vmem>> -> memref<40xi32, #tpu.memory_space<vmem>>
        %dma_start3A_457 = tpu.memref_slice %arg3[%add3A_409] : memref<640000xi32, #tpu.memory_space<hbm>> -> memref<40xi32, #tpu.memory_space<hbm>>
        %dma_start3A_458 = tpu.memref_slice %arg11[%rem3A_386] : memref<3x!tpu.dma_semaphore, #tpu.memory_space<semaphore_mem>> -> memref<1x!tpu.dma_semaphore, #tpu.memory_space<semaphore_mem>>
        %dma_start3A_459 = tpu.memref_squeeze %dma_start3A_458 : memref<1x!tpu.dma_semaphore, #tpu.memory_space<semaphore_mem>> -> memref<!tpu.dma_semaphore, #tpu.memory_space<semaphore_mem>>
        %dma_start3A_460 = arith.constant 0 : i32
        %dma_start3A_461 = tpu.memref_slice %arg6[%rem3A_386, %dma_start3A_453, %dma_start3A_460] : memref<3x5x40xi32, #tpu.memory_space<vmem>> -> memref<1x1x40xi32, #tpu.memory_space<vmem>>
        %dma_start3A_462 = tpu.memref_squeeze %dma_start3A_461 : memref<1x1x40xi32, #tpu.memory_space<vmem>> -> memref<40xi32, #tpu.memory_space<vmem>>
        %dma_start3A_463 = tpu.memref_slice %arg3[%add3A_409] : memref<640000xi32, #tpu.memory_space<hbm>> -> memref<40xi32, #tpu.memory_space<hbm>>
        tpu.enqueue_dma source(%dma_start3A_463 : memref<40xi32, #tpu.memory_space<hbm>>) target(%dma_start3A_462 : memref<40xi32, #tpu.memory_space<vmem>>) target_semaphore(%dma_start3A_459 : memref<!tpu.dma_semaphore, #tpu.memory_space<semaphore_mem>>)
        %dma_start3A_464 = arith.constant 4 : i32
        %dma_start3A_465 = arith.constant 0 : i32
        %dma_start3A_466 = tpu.memref_slice %arg6[%rem3A_386, %dma_start3A_464, %dma_start3A_465] : memref<3x5x40xi32, #tpu.memory_space<vmem>> -> memref<1x1x40xi32, #tpu.memory_space<vmem>>
        %dma_start3A_467 = tpu.memref_squeeze %dma_start3A_466 : memref<1x1x40xi32, #tpu.memory_space<vmem>> -> memref<40xi32, #tpu.memory_space<vmem>>
        %dma_start3A_468 = tpu.memref_slice %arg3[%add3A_413] : memref<640000xi32, #tpu.memory_space<hbm>> -> memref<40xi32, #tpu.memory_space<hbm>>
        %dma_start3A_469 = tpu.memref_slice %arg11[%rem3A_386] : memref<3x!tpu.dma_semaphore, #tpu.memory_space<semaphore_mem>> -> memref<1x!tpu.dma_semaphore, #tpu.memory_space<semaphore_mem>>
        %dma_start3A_470 = tpu.memref_squeeze %dma_start3A_469 : memref<1x!tpu.dma_semaphore, #tpu.memory_space<semaphore_mem>> -> memref<!tpu.dma_semaphore, #tpu.memory_space<semaphore_mem>>
        %dma_start3A_471 = arith.constant 0 : i32
        %dma_start3A_472 = tpu.memref_slice %arg6[%rem3A_386, %dma_start3A_464, %dma_start3A_471] : memref<3x5x40xi32, #tpu.memory_space<vmem>> -> memref<1x1x40xi32, #tpu.memory_space<vmem>>
        %dma_start3A_473 = tpu.memref_squeeze %dma_start3A_472 : memref<1x1x40xi32, #tpu.memory_space<vmem>> -> memref<40xi32, #tpu.memory_space<vmem>>
        %dma_start3A_474 = tpu.memref_slice %arg3[%add3A_413] : memref<640000xi32, #tpu.memory_space<hbm>> -> memref<40xi32, #tpu.memory_space<hbm>>
        tpu.enqueue_dma source(%dma_start3A_474 : memref<40xi32, #tpu.memory_space<hbm>>) target(%dma_start3A_473 : memref<40xi32, #tpu.memory_space<vmem>>) target_semaphore(%dma_start3A_470 : memref<!tpu.dma_semaphore, #tpu.memory_space<semaphore_mem>>)
      } else {
      }
      %mul3A_259 = arith.constant 200 : i32
      %mul3A_260 = arith.muli %rem3A_243, %mul3A_259 : i32
      %add3A_261 = arith.constant 0 : i32
      %add3A_262 = arith.addi %mul3A_260, %add3A_261 : i32
      %dma_wait3A = arith.constant 0 : i32
      %dma_wait3A_263 = arith.constant 0 : i32
      %dma_wait3A_264 = arith.constant 0 : i32
      %dma_wait3A_265 = arith.constant 0 : i32
      %dma_wait3A_266 = tpu.memref_slice %arg7[%dma_wait3A, %dma_wait3A_264, %dma_wait3A_265] : memref<5x40x128xf32, #tpu.memory_space<vmem>> -> memref<1x40x128xf32, #tpu.memory_space<vmem>>
      %dma_wait3A_267 = tpu.memref_squeeze %dma_wait3A_266 : memref<1x40x128xf32, #tpu.memory_space<vmem>> -> memref<40x128xf32, #tpu.memory_space<vmem>>
      %dma_wait3A_268 = tpu.memref_slice %arg5[%add3A_262] : memref<600xi32, #tpu.memory_space<vmem>> -> memref<40xi32, #tpu.memory_space<vmem>>
      %dma_wait3A_269 = arith.constant 0 : i32
      %dma_wait3A_270 = arith.constant 0 : i32
      %dma_wait3A_271 = tpu.memref_slice %arg2[%dma_wait3A_269, %dma_wait3A_270] : memref<10000x128xf32, #tpu.memory_space<hbm>> -> memref<10000x128xf32, #tpu.memory_space<hbm>>
      %dma_wait3A_272 = tpu.memref_slice %arg10[%dma_wait3A_263] : memref<5x!tpu.dma_semaphore, #tpu.memory_space<semaphore_mem>> -> memref<1x!tpu.dma_semaphore, #tpu.memory_space<semaphore_mem>>
      %dma_wait3A_273 = tpu.memref_squeeze %dma_wait3A_272 : memref<1x!tpu.dma_semaphore, #tpu.memory_space<semaphore_mem>> -> memref<!tpu.dma_semaphore, #tpu.memory_space<semaphore_mem>>
      tpu.wait_indirect_dma semaphore(%dma_wait3A_273 : memref<!tpu.dma_semaphore, #tpu.memory_space<semaphore_mem>>) src(%dma_wait3A_271 : memref<10000x128xf32, #tpu.memory_space<hbm>>) dst(%dma_wait3A_267 : memref<40x128xf32, #tpu.memory_space<vmem>>)
      %run_scoped3A_274 = arith.constant 0 : i32
      %run_scoped3A_275 = arith.constant 0 : i32
      "tpu.region"() ({
        %run_scoped3A_383 = tpu.sem_alloc : memref<!tpu.dma_semaphore, #tpu.memory_space<semaphore_mem>>
        %dma_start3A_384 = arith.constant 0 : i32
        %dma_start3A_385 = arith.constant 0 : i32
        %dma_start3A_386 = tpu.memref_slice %arg7[%run_scoped3A_274, %dma_start3A_384, %dma_start3A_385] : memref<5x40x128xf32, #tpu.memory_space<vmem>> -> memref<1x40x128xf32, #tpu.memory_space<vmem>>
        %dma_start3A_387 = tpu.memref_squeeze %dma_start3A_386 : memref<1x40x128xf32, #tpu.memory_space<vmem>> -> memref<40x128xf32, #tpu.memory_space<vmem>>
        %dma_start3A_388 = arith.constant 0 : i32
        %dma_start3A_389 = tpu.memref_slice %arg6[%rem3A_243, %run_scoped3A_275, %dma_start3A_388] : memref<3x5x40xi32, #tpu.memory_space<vmem>> -> memref<1x1x40xi32, #tpu.memory_space<vmem>>
        %dma_start3A_390 = tpu.memref_squeeze %dma_start3A_389 : memref<1x1x40xi32, #tpu.memory_space<vmem>> -> memref<40xi32, #tpu.memory_space<vmem>>
        %dma_start3A_391 = arith.constant 0 : i32
        %dma_start3A_392 = arith.constant 0 : i32
        %dma_start3A_393 = tpu.memref_slice %arg9[%dma_start3A_391, %dma_start3A_392] : memref<10240x128xf32, #tpu.memory_space<vmem_shared>> -> memref<10240x128xf32, #tpu.memory_space<vmem_shared>>
        tpu.enqueue_indirect_dma source(%dma_start3A_387 : memref<40x128xf32, #tpu.memory_space<vmem>>) target(%dma_start3A_393 : memref<10240x128xf32, #tpu.memory_space<vmem_shared>>) offsets(%dma_start3A_390 : memref<40xi32, #tpu.memory_space<vmem>>) semaphore(%run_scoped3A_383 : memref<!tpu.dma_semaphore, #tpu.memory_space<semaphore_mem>>) {add = true}
        %dma_wait3A_394 = arith.constant 0 : i32
        %dma_wait3A_395 = arith.constant 0 : i32
        %dma_wait3A_396 = tpu.memref_slice %arg7[%run_scoped3A_274, %dma_wait3A_394, %dma_wait3A_395] : memref<5x40x128xf32, #tpu.memory_space<vmem>> -> memref<1x40x128xf32, #tpu.memory_space<vmem>>
        %dma_wait3A_397 = tpu.memref_squeeze %dma_wait3A_396 : memref<1x40x128xf32, #tpu.memory_space<vmem>> -> memref<40x128xf32, #tpu.memory_space<vmem>>
        %dma_wait3A_398 = arith.constant 0 : i32
        %dma_wait3A_399 = tpu.memref_slice %arg6[%rem3A_243, %run_scoped3A_275, %dma_wait3A_398] : memref<3x5x40xi32, #tpu.memory_space<vmem>> -> memref<1x1x40xi32, #tpu.memory_space<vmem>>
        %dma_wait3A_400 = tpu.memref_squeeze %dma_wait3A_399 : memref<1x1x40xi32, #tpu.memory_space<vmem>> -> memref<40xi32, #tpu.memory_space<vmem>>
        %dma_wait3A_401 = arith.constant 0 : i32
        %dma_wait3A_402 = arith.constant 0 : i32
        %dma_wait3A_403 = tpu.memref_slice %arg9[%dma_wait3A_401, %dma_wait3A_402] : memref<10240x128xf32, #tpu.memory_space<vmem_shared>> -> memref<10240x128xf32, #tpu.memory_space<vmem_shared>>
        tpu.wait_indirect_dma semaphore(%run_scoped3A_383 : memref<!tpu.dma_semaphore, #tpu.memory_space<semaphore_mem>>) src(%dma_wait3A_397 : memref<40x128xf32, #tpu.memory_space<vmem>>) dst(%dma_wait3A_403 : memref<10240x128xf32, #tpu.memory_space<vmem_shared>>)
        tpu.yield
      }) : () -> ()
      %add3A_276 = arith.constant 1 : i32
      %add3A_277 = arith.addi %scan3A_241, %add3A_276 : i32
      %lt3A_278 = arith.constant 50 : i32
      %lt3A_279 = arith.cmpi slt, %add3A_277, %lt3A_278 : i32
      %convert_element_type3A_280 = arith.extui %lt3A_279 : i1 to i32
      %cond3A_281 = arith.constant 0 : i32
      %cond3A_282 = arith.cmpi ne, %convert_element_type3A_280, %cond3A_281 : i32
      scf.if %cond3A_282 {
        %mul3A_383 = arith.constant 200 : i32
        %mul3A_384 = arith.muli %rem3A_247, %mul3A_383 : i32
        %add3A_385 = arith.constant 0 : i32
        %add3A_386 = arith.addi %mul3A_384, %add3A_385 : i32
        %dma_start3A_387 = arith.constant 0 : i32
        %dma_start3A_388 = arith.constant 0 : i32
        %dma_start3A_389 = arith.constant 0 : i32
        %dma_start3A_390 = arith.constant 0 : i32
        %dma_start3A_391 = tpu.memref_slice %arg7[%dma_start3A_387, %dma_start3A_389, %dma_start3A_390] : memref<5x40x128xf32, #tpu.memory_space<vmem>> -> memref<1x40x128xf32, #tpu.memory_space<vmem>>
        %dma_start3A_392 = tpu.memref_squeeze %dma_start3A_391 : memref<1x40x128xf32, #tpu.memory_space<vmem>> -> memref<40x128xf32, #tpu.memory_space<vmem>>
        %dma_start3A_393 = tpu.memref_slice %arg5[%add3A_386] : memref<600xi32, #tpu.memory_space<vmem>> -> memref<40xi32, #tpu.memory_space<vmem>>
        %dma_start3A_394 = arith.constant 0 : i32
        %dma_start3A_395 = arith.constant 0 : i32
        %dma_start3A_396 = tpu.memref_slice %arg2[%dma_start3A_394, %dma_start3A_395] : memref<10000x128xf32, #tpu.memory_space<hbm>> -> memref<10000x128xf32, #tpu.memory_space<hbm>>
        %dma_start3A_397 = tpu.memref_slice %arg10[%dma_start3A_388] : memref<5x!tpu.dma_semaphore, #tpu.memory_space<semaphore_mem>> -> memref<1x!tpu.dma_semaphore, #tpu.memory_space<semaphore_mem>>
        %dma_start3A_398 = tpu.memref_squeeze %dma_start3A_397 : memref<1x!tpu.dma_semaphore, #tpu.memory_space<semaphore_mem>> -> memref<!tpu.dma_semaphore, #tpu.memory_space<semaphore_mem>>
        tpu.enqueue_indirect_dma source(%dma_start3A_396 : memref<10000x128xf32, #tpu.memory_space<hbm>>) target(%dma_start3A_392 : memref<40x128xf32, #tpu.memory_space<vmem>>) offsets(%dma_start3A_393 : memref<40xi32, #tpu.memory_space<vmem>>) semaphore(%dma_start3A_398 : memref<!tpu.dma_semaphore, #tpu.memory_space<semaphore_mem>>)
      } else {
      }
      %mul3A_283 = arith.constant 200 : i32
      %mul3A_284 = arith.muli %rem3A_243, %mul3A_283 : i32
      %add3A_285 = arith.constant 40 : i32
      %add3A_286 = arith.addi %mul3A_284, %add3A_285 : i32
      %dma_wait3A_287 = arith.constant 1 : i32
      %dma_wait3A_288 = arith.constant 1 : i32
      %dma_wait3A_289 = arith.constant 0 : i32
      %dma_wait3A_290 = arith.constant 0 : i32
      %dma_wait3A_291 = tpu.memref_slice %arg7[%dma_wait3A_287, %dma_wait3A_289, %dma_wait3A_290] : memref<5x40x128xf32, #tpu.memory_space<vmem>> -> memref<1x40x128xf32, #tpu.memory_space<vmem>>
      %dma_wait3A_292 = tpu.memref_squeeze %dma_wait3A_291 : memref<1x40x128xf32, #tpu.memory_space<vmem>> -> memref<40x128xf32, #tpu.memory_space<vmem>>
      %dma_wait3A_293 = tpu.memref_slice %arg5[%add3A_286] : memref<600xi32, #tpu.memory_space<vmem>> -> memref<40xi32, #tpu.memory_space<vmem>>
      %dma_wait3A_294 = arith.constant 0 : i32
      %dma_wait3A_295 = arith.constant 0 : i32
      %dma_wait3A_296 = tpu.memref_slice %arg2[%dma_wait3A_294, %dma_wait3A_295] : memref<10000x128xf32, #tpu.memory_space<hbm>> -> memref<10000x128xf32, #tpu.memory_space<hbm>>
      %dma_wait3A_297 = tpu.memref_slice %arg10[%dma_wait3A_288] : memref<5x!tpu.dma_semaphore, #tpu.memory_space<semaphore_mem>> -> memref<1x!tpu.dma_semaphore, #tpu.memory_space<semaphore_mem>>
      %dma_wait3A_298 = tpu.memref_squeeze %dma_wait3A_297 : memref<1x!tpu.dma_semaphore, #tpu.memory_space<semaphore_mem>> -> memref<!tpu.dma_semaphore, #tpu.memory_space<semaphore_mem>>
      tpu.wait_indirect_dma semaphore(%dma_wait3A_298 : memref<!tpu.dma_semaphore, #tpu.memory_space<semaphore_mem>>) src(%dma_wait3A_296 : memref<10000x128xf32, #tpu.memory_space<hbm>>) dst(%dma_wait3A_292 : memref<40x128xf32, #tpu.memory_space<vmem>>)
      %run_scoped3A_299 = arith.constant 1 : i32
      %run_scoped3A_300 = arith.constant 1 : i32
      "tpu.region"() ({
        %run_scoped3A_383 = tpu.sem_alloc : memref<!tpu.dma_semaphore, #tpu.memory_space<semaphore_mem>>
        %dma_start3A_384 = arith.constant 0 : i32
        %dma_start3A_385 = arith.constant 0 : i32
        %dma_start3A_386 = tpu.memref_slice %arg7[%run_scoped3A_299, %dma_start3A_384, %dma_start3A_385] : memref<5x40x128xf32, #tpu.memory_space<vmem>> -> memref<1x40x128xf32, #tpu.memory_space<vmem>>
        %dma_start3A_387 = tpu.memref_squeeze %dma_start3A_386 : memref<1x40x128xf32, #tpu.memory_space<vmem>> -> memref<40x128xf32, #tpu.memory_space<vmem>>
        %dma_start3A_388 = arith.constant 0 : i32
        %dma_start3A_389 = tpu.memref_slice %arg6[%rem3A_243, %run_scoped3A_300, %dma_start3A_388] : memref<3x5x40xi32, #tpu.memory_space<vmem>> -> memref<1x1x40xi32, #tpu.memory_space<vmem>>
        %dma_start3A_390 = tpu.memref_squeeze %dma_start3A_389 : memref<1x1x40xi32, #tpu.memory_space<vmem>> -> memref<40xi32, #tpu.memory_space<vmem>>
        %dma_start3A_391 = arith.constant 0 : i32
        %dma_start3A_392 = arith.constant 0 : i32
        %dma_start3A_393 = tpu.memref_slice %arg9[%dma_start3A_391, %dma_start3A_392] : memref<10240x128xf32, #tpu.memory_space<vmem_shared>> -> memref<10240x128xf32, #tpu.memory_space<vmem_shared>>
        tpu.enqueue_indirect_dma source(%dma_start3A_387 : memref<40x128xf32, #tpu.memory_space<vmem>>) target(%dma_start3A_393 : memref<10240x128xf32, #tpu.memory_space<vmem_shared>>) offsets(%dma_start3A_390 : memref<40xi32, #tpu.memory_space<vmem>>) semaphore(%run_scoped3A_383 : memref<!tpu.dma_semaphore, #tpu.memory_space<semaphore_mem>>) {add = true}
        %dma_wait3A_394 = arith.constant 0 : i32
        %dma_wait3A_395 = arith.constant 0 : i32
        %dma_wait3A_396 = tpu.memref_slice %arg7[%run_scoped3A_299, %dma_wait3A_394, %dma_wait3A_395] : memref<5x40x128xf32, #tpu.memory_space<vmem>> -> memref<1x40x128xf32, #tpu.memory_space<vmem>>
        %dma_wait3A_397 = tpu.memref_squeeze %dma_wait3A_396 : memref<1x40x128xf32, #tpu.memory_space<vmem>> -> memref<40x128xf32, #tpu.memory_space<vmem>>
        %dma_wait3A_398 = arith.constant 0 : i32
        %dma_wait3A_399 = tpu.memref_slice %arg6[%rem3A_243, %run_scoped3A_300, %dma_wait3A_398] : memref<3x5x40xi32, #tpu.memory_space<vmem>> -> memref<1x1x40xi32, #tpu.memory_space<vmem>>
        %dma_wait3A_400 = tpu.memref_squeeze %dma_wait3A_399 : memref<1x1x40xi32, #tpu.memory_space<vmem>> -> memref<40xi32, #tpu.memory_space<vmem>>
        %dma_wait3A_401 = arith.constant 0 : i32
        %dma_wait3A_402 = arith.constant 0 : i32
        %dma_wait3A_403 = tpu.memref_slice %arg9[%dma_wait3A_401, %dma_wait3A_402] : memref<10240x128xf32, #tpu.memory_space<vmem_shared>> -> memref<10240x128xf32, #tpu.memory_space<vmem_shared>>
        tpu.wait_indirect_dma semaphore(%run_scoped3A_383 : memref<!tpu.dma_semaphore, #tpu.memory_space<semaphore_mem>>) src(%dma_wait3A_397 : memref<40x128xf32, #tpu.memory_space<vmem>>) dst(%dma_wait3A_403 : memref<10240x128xf32, #tpu.memory_space<vmem_shared>>)
        tpu.yield
      }) : () -> ()
      %add3A_301 = arith.constant 1 : i32
      %add3A_302 = arith.addi %scan3A_241, %add3A_301 : i32
      %lt3A_303 = arith.constant 50 : i32
      %lt3A_304 = arith.cmpi slt, %add3A_302, %lt3A_303 : i32
      %convert_element_type3A_305 = arith.extui %lt3A_304 : i1 to i32
      %cond3A_306 = arith.constant 0 : i32
      %cond3A_307 = arith.cmpi ne, %convert_element_type3A_305, %cond3A_306 : i32
      scf.if %cond3A_307 {
        %mul3A_383 = arith.constant 200 : i32
        %mul3A_384 = arith.muli %rem3A_247, %mul3A_383 : i32
        %add3A_385 = arith.constant 40 : i32
        %add3A_386 = arith.addi %mul3A_384, %add3A_385 : i32
        %dma_start3A_387 = arith.constant 1 : i32
        %dma_start3A_388 = arith.constant 1 : i32
        %dma_start3A_389 = arith.constant 0 : i32
        %dma_start3A_390 = arith.constant 0 : i32
        %dma_start3A_391 = tpu.memref_slice %arg7[%dma_start3A_387, %dma_start3A_389, %dma_start3A_390] : memref<5x40x128xf32, #tpu.memory_space<vmem>> -> memref<1x40x128xf32, #tpu.memory_space<vmem>>
        %dma_start3A_392 = tpu.memref_squeeze %dma_start3A_391 : memref<1x40x128xf32, #tpu.memory_space<vmem>> -> memref<40x128xf32, #tpu.memory_space<vmem>>
        %dma_start3A_393 = tpu.memref_slice %arg5[%add3A_386] : memref<600xi32, #tpu.memory_space<vmem>> -> memref<40xi32, #tpu.memory_space<vmem>>
        %dma_start3A_394 = arith.constant 0 : i32
        %dma_start3A_395 = arith.constant 0 : i32
        %dma_start3A_396 = tpu.memref_slice %arg2[%dma_start3A_394, %dma_start3A_395] : memref<10000x128xf32, #tpu.memory_space<hbm>> -> memref<10000x128xf32, #tpu.memory_space<hbm>>
        %dma_start3A_397 = tpu.memref_slice %arg10[%dma_start3A_388] : memref<5x!tpu.dma_semaphore, #tpu.memory_space<semaphore_mem>> -> memref<1x!tpu.dma_semaphore, #tpu.memory_space<semaphore_mem>>
        %dma_start3A_398 = tpu.memref_squeeze %dma_start3A_397 : memref<1x!tpu.dma_semaphore, #tpu.memory_space<semaphore_mem>> -> memref<!tpu.dma_semaphore, #tpu.memory_space<semaphore_mem>>
        tpu.enqueue_indirect_dma source(%dma_start3A_396 : memref<10000x128xf32, #tpu.memory_space<hbm>>) target(%dma_start3A_392 : memref<40x128xf32, #tpu.memory_space<vmem>>) offsets(%dma_start3A_393 : memref<40xi32, #tpu.memory_space<vmem>>) semaphore(%dma_start3A_398 : memref<!tpu.dma_semaphore, #tpu.memory_space<semaphore_mem>>)
      } else {
      }
      %mul3A_308 = arith.constant 200 : i32
      %mul3A_309 = arith.muli %rem3A_243, %mul3A_308 : i32
      %add3A_310 = arith.constant 80 : i32
      %add3A_311 = arith.addi %mul3A_309, %add3A_310 : i32
      %dma_wait3A_312 = arith.constant 2 : i32
      %dma_wait3A_313 = arith.constant 2 : i32
      %dma_wait3A_314 = arith.constant 0 : i32
      %dma_wait3A_315 = arith.constant 0 : i32
      %dma_wait3A_316 = tpu.memref_slice %arg7[%dma_wait3A_312, %dma_wait3A_314, %dma_wait3A_315] : memref<5x40x128xf32, #tpu.memory_space<vmem>> -> memref<1x40x128xf32, #tpu.memory_space<vmem>>
      %dma_wait3A_317 = tpu.memref_squeeze %dma_wait3A_316 : memref<1x40x128xf32, #tpu.memory_space<vmem>> -> memref<40x128xf32, #tpu.memory_space<vmem>>
      %dma_wait3A_318 = tpu.memref_slice %arg5[%add3A_311] : memref<600xi32, #tpu.memory_space<vmem>> -> memref<40xi32, #tpu.memory_space<vmem>>
      %dma_wait3A_319 = arith.constant 0 : i32
      %dma_wait3A_320 = arith.constant 0 : i32
      %dma_wait3A_321 = tpu.memref_slice %arg2[%dma_wait3A_319, %dma_wait3A_320] : memref<10000x128xf32, #tpu.memory_space<hbm>> -> memref<10000x128xf32, #tpu.memory_space<hbm>>
      %dma_wait3A_322 = tpu.memref_slice %arg10[%dma_wait3A_313] : memref<5x!tpu.dma_semaphore, #tpu.memory_space<semaphore_mem>> -> memref<1x!tpu.dma_semaphore, #tpu.memory_space<semaphore_mem>>
      %dma_wait3A_323 = tpu.memref_squeeze %dma_wait3A_322 : memref<1x!tpu.dma_semaphore, #tpu.memory_space<semaphore_mem>> -> memref<!tpu.dma_semaphore, #tpu.memory_space<semaphore_mem>>
      tpu.wait_indirect_dma semaphore(%dma_wait3A_323 : memref<!tpu.dma_semaphore, #tpu.memory_space<semaphore_mem>>) src(%dma_wait3A_321 : memref<10000x128xf32, #tpu.memory_space<hbm>>) dst(%dma_wait3A_317 : memref<40x128xf32, #tpu.memory_space<vmem>>)
      %run_scoped3A_324 = arith.constant 2 : i32
      %run_scoped3A_325 = arith.constant 2 : i32
      "tpu.region"() ({
        %run_scoped3A_383 = tpu.sem_alloc : memref<!tpu.dma_semaphore, #tpu.memory_space<semaphore_mem>>
        %dma_start3A_384 = arith.constant 0 : i32
        %dma_start3A_385 = arith.constant 0 : i32
        %dma_start3A_386 = tpu.memref_slice %arg7[%run_scoped3A_324, %dma_start3A_384, %dma_start3A_385] : memref<5x40x128xf32, #tpu.memory_space<vmem>> -> memref<1x40x128xf32, #tpu.memory_space<vmem>>
        %dma_start3A_387 = tpu.memref_squeeze %dma_start3A_386 : memref<1x40x128xf32, #tpu.memory_space<vmem>> -> memref<40x128xf32, #tpu.memory_space<vmem>>
        %dma_start3A_388 = arith.constant 0 : i32
        %dma_start3A_389 = tpu.memref_slice %arg6[%rem3A_243, %run_scoped3A_325, %dma_start3A_388] : memref<3x5x40xi32, #tpu.memory_space<vmem>> -> memref<1x1x40xi32, #tpu.memory_space<vmem>>
        %dma_start3A_390 = tpu.memref_squeeze %dma_start3A_389 : memref<1x1x40xi32, #tpu.memory_space<vmem>> -> memref<40xi32, #tpu.memory_space<vmem>>
        %dma_start3A_391 = arith.constant 0 : i32
        %dma_start3A_392 = arith.constant 0 : i32
        %dma_start3A_393 = tpu.memref_slice %arg9[%dma_start3A_391, %dma_start3A_392] : memref<10240x128xf32, #tpu.memory_space<vmem_shared>> -> memref<10240x128xf32, #tpu.memory_space<vmem_shared>>
        tpu.enqueue_indirect_dma source(%dma_start3A_387 : memref<40x128xf32, #tpu.memory_space<vmem>>) target(%dma_start3A_393 : memref<10240x128xf32, #tpu.memory_space<vmem_shared>>) offsets(%dma_start3A_390 : memref<40xi32, #tpu.memory_space<vmem>>) semaphore(%run_scoped3A_383 : memref<!tpu.dma_semaphore, #tpu.memory_space<semaphore_mem>>) {add = true}
        %dma_wait3A_394 = arith.constant 0 : i32
        %dma_wait3A_395 = arith.constant 0 : i32
        %dma_wait3A_396 = tpu.memref_slice %arg7[%run_scoped3A_324, %dma_wait3A_394, %dma_wait3A_395] : memref<5x40x128xf32, #tpu.memory_space<vmem>> -> memref<1x40x128xf32, #tpu.memory_space<vmem>>
        %dma_wait3A_397 = tpu.memref_squeeze %dma_wait3A_396 : memref<1x40x128xf32, #tpu.memory_space<vmem>> -> memref<40x128xf32, #tpu.memory_space<vmem>>
        %dma_wait3A_398 = arith.constant 0 : i32
        %dma_wait3A_399 = tpu.memref_slice %arg6[%rem3A_243, %run_scoped3A_325, %dma_wait3A_398] : memref<3x5x40xi32, #tpu.memory_space<vmem>> -> memref<1x1x40xi32, #tpu.memory_space<vmem>>
        %dma_wait3A_400 = tpu.memref_squeeze %dma_wait3A_399 : memref<1x1x40xi32, #tpu.memory_space<vmem>> -> memref<40xi32, #tpu.memory_space<vmem>>
        %dma_wait3A_401 = arith.constant 0 : i32
        %dma_wait3A_402 = arith.constant 0 : i32
        %dma_wait3A_403 = tpu.memref_slice %arg9[%dma_wait3A_401, %dma_wait3A_402] : memref<10240x128xf32, #tpu.memory_space<vmem_shared>> -> memref<10240x128xf32, #tpu.memory_space<vmem_shared>>
        tpu.wait_indirect_dma semaphore(%run_scoped3A_383 : memref<!tpu.dma_semaphore, #tpu.memory_space<semaphore_mem>>) src(%dma_wait3A_397 : memref<40x128xf32, #tpu.memory_space<vmem>>) dst(%dma_wait3A_403 : memref<10240x128xf32, #tpu.memory_space<vmem_shared>>)
        tpu.yield
      }) : () -> ()
      %add3A_326 = arith.constant 1 : i32
      %add3A_327 = arith.addi %scan3A_241, %add3A_326 : i32
      %lt3A_328 = arith.constant 50 : i32
      %lt3A_329 = arith.cmpi slt, %add3A_327, %lt3A_328 : i32
      %convert_element_type3A_330 = arith.extui %lt3A_329 : i1 to i32
      %cond3A_331 = arith.constant 0 : i32
      %cond3A_332 = arith.cmpi ne, %convert_element_type3A_330, %cond3A_331 : i32
      scf.if %cond3A_332 {
        %mul3A_383 = arith.constant 200 : i32
        %mul3A_384 = arith.muli %rem3A_247, %mul3A_383 : i32
        %add3A_385 = arith.constant 80 : i32
        %add3A_386 = arith.addi %mul3A_384, %add3A_385 : i32
        %dma_start3A_387 = arith.constant 2 : i32
        %dma_start3A_388 = arith.constant 2 : i32
        %dma_start3A_389 = arith.constant 0 : i32
        %dma_start3A_390 = arith.constant 0 : i32
        %dma_start3A_391 = tpu.memref_slice %arg7[%dma_start3A_387, %dma_start3A_389, %dma_start3A_390] : memref<5x40x128xf32, #tpu.memory_space<vmem>> -> memref<1x40x128xf32, #tpu.memory_space<vmem>>
        %dma_start3A_392 = tpu.memref_squeeze %dma_start3A_391 : memref<1x40x128xf32, #tpu.memory_space<vmem>> -> memref<40x128xf32, #tpu.memory_space<vmem>>
        %dma_start3A_393 = tpu.memref_slice %arg5[%add3A_386] : memref<600xi32, #tpu.memory_space<vmem>> -> memref<40xi32, #tpu.memory_space<vmem>>
        %dma_start3A_394 = arith.constant 0 : i32
        %dma_start3A_395 = arith.constant 0 : i32
        %dma_start3A_396 = tpu.memref_slice %arg2[%dma_start3A_394, %dma_start3A_395] : memref<10000x128xf32, #tpu.memory_space<hbm>> -> memref<10000x128xf32, #tpu.memory_space<hbm>>
        %dma_start3A_397 = tpu.memref_slice %arg10[%dma_start3A_388] : memref<5x!tpu.dma_semaphore, #tpu.memory_space<semaphore_mem>> -> memref<1x!tpu.dma_semaphore, #tpu.memory_space<semaphore_mem>>
        %dma_start3A_398 = tpu.memref_squeeze %dma_start3A_397 : memref<1x!tpu.dma_semaphore, #tpu.memory_space<semaphore_mem>> -> memref<!tpu.dma_semaphore, #tpu.memory_space<semaphore_mem>>
        tpu.enqueue_indirect_dma source(%dma_start3A_396 : memref<10000x128xf32, #tpu.memory_space<hbm>>) target(%dma_start3A_392 : memref<40x128xf32, #tpu.memory_space<vmem>>) offsets(%dma_start3A_393 : memref<40xi32, #tpu.memory_space<vmem>>) semaphore(%dma_start3A_398 : memref<!tpu.dma_semaphore, #tpu.memory_space<semaphore_mem>>)
      } else {
      }
      %mul3A_333 = arith.constant 200 : i32
      %mul3A_334 = arith.muli %rem3A_243, %mul3A_333 : i32
      %add3A_335 = arith.constant 120 : i32
      %add3A_336 = arith.addi %mul3A_334, %add3A_335 : i32
      %dma_wait3A_337 = arith.constant 3 : i32
      %dma_wait3A_338 = arith.constant 3 : i32
      %dma_wait3A_339 = arith.constant 0 : i32
      %dma_wait3A_340 = arith.constant 0 : i32
      %dma_wait3A_341 = tpu.memref_slice %arg7[%dma_wait3A_337, %dma_wait3A_339, %dma_wait3A_340] : memref<5x40x128xf32, #tpu.memory_space<vmem>> -> memref<1x40x128xf32, #tpu.memory_space<vmem>>
      %dma_wait3A_342 = tpu.memref_squeeze %dma_wait3A_341 : memref<1x40x128xf32, #tpu.memory_space<vmem>> -> memref<40x128xf32, #tpu.memory_space<vmem>>
      %dma_wait3A_343 = tpu.memref_slice %arg5[%add3A_336] : memref<600xi32, #tpu.memory_space<vmem>> -> memref<40xi32, #tpu.memory_space<vmem>>
      %dma_wait3A_344 = arith.constant 0 : i32
      %dma_wait3A_345 = arith.constant 0 : i32
      %dma_wait3A_346 = tpu.memref_slice %arg2[%dma_wait3A_344, %dma_wait3A_345] : memref<10000x128xf32, #tpu.memory_space<hbm>> -> memref<10000x128xf32, #tpu.memory_space<hbm>>
      %dma_wait3A_347 = tpu.memref_slice %arg10[%dma_wait3A_338] : memref<5x!tpu.dma_semaphore, #tpu.memory_space<semaphore_mem>> -> memref<1x!tpu.dma_semaphore, #tpu.memory_space<semaphore_mem>>
      %dma_wait3A_348 = tpu.memref_squeeze %dma_wait3A_347 : memref<1x!tpu.dma_semaphore, #tpu.memory_space<semaphore_mem>> -> memref<!tpu.dma_semaphore, #tpu.memory_space<semaphore_mem>>
      tpu.wait_indirect_dma semaphore(%dma_wait3A_348 : memref<!tpu.dma_semaphore, #tpu.memory_space<semaphore_mem>>) src(%dma_wait3A_346 : memref<10000x128xf32, #tpu.memory_space<hbm>>) dst(%dma_wait3A_342 : memref<40x128xf32, #tpu.memory_space<vmem>>)
      %run_scoped3A_349 = arith.constant 3 : i32
      %run_scoped3A_350 = arith.constant 3 : i32
      "tpu.region"() ({
        %run_scoped3A_383 = tpu.sem_alloc : memref<!tpu.dma_semaphore, #tpu.memory_space<semaphore_mem>>
        %dma_start3A_384 = arith.constant 0 : i32
        %dma_start3A_385 = arith.constant 0 : i32
        %dma_start3A_386 = tpu.memref_slice %arg7[%run_scoped3A_349, %dma_start3A_384, %dma_start3A_385] : memref<5x40x128xf32, #tpu.memory_space<vmem>> -> memref<1x40x128xf32, #tpu.memory_space<vmem>>
        %dma_start3A_387 = tpu.memref_squeeze %dma_start3A_386 : memref<1x40x128xf32, #tpu.memory_space<vmem>> -> memref<40x128xf32, #tpu.memory_space<vmem>>
        %dma_start3A_388 = arith.constant 0 : i32
        %dma_start3A_389 = tpu.memref_slice %arg6[%rem3A_243, %run_scoped3A_350, %dma_start3A_388] : memref<3x5x40xi32, #tpu.memory_space<vmem>> -> memref<1x1x40xi32, #tpu.memory_space<vmem>>
        %dma_start3A_390 = tpu.memref_squeeze %dma_start3A_389 : memref<1x1x40xi32, #tpu.memory_space<vmem>> -> memref<40xi32, #tpu.memory_space<vmem>>
        %dma_start3A_391 = arith.constant 0 : i32
        %dma_start3A_392 = arith.constant 0 : i32
        %dma_start3A_393 = tpu.memref_slice %arg9[%dma_start3A_391, %dma_start3A_392] : memref<10240x128xf32, #tpu.memory_space<vmem_shared>> -> memref<10240x128xf32, #tpu.memory_space<vmem_shared>>
        tpu.enqueue_indirect_dma source(%dma_start3A_387 : memref<40x128xf32, #tpu.memory_space<vmem>>) target(%dma_start3A_393 : memref<10240x128xf32, #tpu.memory_space<vmem_shared>>) offsets(%dma_start3A_390 : memref<40xi32, #tpu.memory_space<vmem>>) semaphore(%run_scoped3A_383 : memref<!tpu.dma_semaphore, #tpu.memory_space<semaphore_mem>>) {add = true}
        %dma_wait3A_394 = arith.constant 0 : i32
        %dma_wait3A_395 = arith.constant 0 : i32
        %dma_wait3A_396 = tpu.memref_slice %arg7[%run_scoped3A_349, %dma_wait3A_394, %dma_wait3A_395] : memref<5x40x128xf32, #tpu.memory_space<vmem>> -> memref<1x40x128xf32, #tpu.memory_space<vmem>>
        %dma_wait3A_397 = tpu.memref_squeeze %dma_wait3A_396 : memref<1x40x128xf32, #tpu.memory_space<vmem>> -> memref<40x128xf32, #tpu.memory_space<vmem>>
        %dma_wait3A_398 = arith.constant 0 : i32
        %dma_wait3A_399 = tpu.memref_slice %arg6[%rem3A_243, %run_scoped3A_350, %dma_wait3A_398] : memref<3x5x40xi32, #tpu.memory_space<vmem>> -> memref<1x1x40xi32, #tpu.memory_space<vmem>>
        %dma_wait3A_400 = tpu.memref_squeeze %dma_wait3A_399 : memref<1x1x40xi32, #tpu.memory_space<vmem>> -> memref<40xi32, #tpu.memory_space<vmem>>
        %dma_wait3A_401 = arith.constant 0 : i32
        %dma_wait3A_402 = arith.constant 0 : i32
        %dma_wait3A_403 = tpu.memref_slice %arg9[%dma_wait3A_401, %dma_wait3A_402] : memref<10240x128xf32, #tpu.memory_space<vmem_shared>> -> memref<10240x128xf32, #tpu.memory_space<vmem_shared>>
        tpu.wait_indirect_dma semaphore(%run_scoped3A_383 : memref<!tpu.dma_semaphore, #tpu.memory_space<semaphore_mem>>) src(%dma_wait3A_397 : memref<40x128xf32, #tpu.memory_space<vmem>>) dst(%dma_wait3A_403 : memref<10240x128xf32, #tpu.memory_space<vmem_shared>>)
        tpu.yield
      }) : () -> ()
      %add3A_351 = arith.constant 1 : i32
      %add3A_352 = arith.addi %scan3A_241, %add3A_351 : i32
      %lt3A_353 = arith.constant 50 : i32
      %lt3A_354 = arith.cmpi slt, %add3A_352, %lt3A_353 : i32
      %convert_element_type3A_355 = arith.extui %lt3A_354 : i1 to i32
      %cond3A_356 = arith.constant 0 : i32
      %cond3A_357 = arith.cmpi ne, %convert_element_type3A_355, %cond3A_356 : i32
      scf.if %cond3A_357 {
        %mul3A_383 = arith.constant 200 : i32
        %mul3A_384 = arith.muli %rem3A_247, %mul3A_383 : i32
        %add3A_385 = arith.constant 120 : i32
        %add3A_386 = arith.addi %mul3A_384, %add3A_385 : i32
        %dma_start3A_387 = arith.constant 3 : i32
        %dma_start3A_388 = arith.constant 3 : i32
        %dma_start3A_389 = arith.constant 0 : i32
        %dma_start3A_390 = arith.constant 0 : i32
        %dma_start3A_391 = tpu.memref_slice %arg7[%dma_start3A_387, %dma_start3A_389, %dma_start3A_390] : memref<5x40x128xf32, #tpu.memory_space<vmem>> -> memref<1x40x128xf32, #tpu.memory_space<vmem>>
        %dma_start3A_392 = tpu.memref_squeeze %dma_start3A_391 : memref<1x40x128xf32, #tpu.memory_space<vmem>> -> memref<40x128xf32, #tpu.memory_space<vmem>>
        %dma_start3A_393 = tpu.memref_slice %arg5[%add3A_386] : memref<600xi32, #tpu.memory_space<vmem>> -> memref<40xi32, #tpu.memory_space<vmem>>
        %dma_start3A_394 = arith.constant 0 : i32
        %dma_start3A_395 = arith.constant 0 : i32
        %dma_start3A_396 = tpu.memref_slice %arg2[%dma_start3A_394, %dma_start3A_395] : memref<10000x128xf32, #tpu.memory_space<hbm>> -> memref<10000x128xf32, #tpu.memory_space<hbm>>
        %dma_start3A_397 = tpu.memref_slice %arg10[%dma_start3A_388] : memref<5x!tpu.dma_semaphore, #tpu.memory_space<semaphore_mem>> -> memref<1x!tpu.dma_semaphore, #tpu.memory_space<semaphore_mem>>
        %dma_start3A_398 = tpu.memref_squeeze %dma_start3A_397 : memref<1x!tpu.dma_semaphore, #tpu.memory_space<semaphore_mem>> -> memref<!tpu.dma_semaphore, #tpu.memory_space<semaphore_mem>>
        tpu.enqueue_indirect_dma source(%dma_start3A_396 : memref<10000x128xf32, #tpu.memory_space<hbm>>) target(%dma_start3A_392 : memref<40x128xf32, #tpu.memory_space<vmem>>) offsets(%dma_start3A_393 : memref<40xi32, #tpu.memory_space<vmem>>) semaphore(%dma_start3A_398 : memref<!tpu.dma_semaphore, #tpu.memory_space<semaphore_mem>>)
      } else {
      }
      %mul3A_358 = arith.constant 200 : i32
      %mul3A_359 = arith.muli %rem3A_243, %mul3A_358 : i32
      %add3A_360 = arith.constant 160 : i32
      %add3A_361 = arith.addi %mul3A_359, %add3A_360 : i32
      %dma_wait3A_362 = arith.constant 4 : i32
      %dma_wait3A_363 = arith.constant 4 : i32
      %dma_wait3A_364 = arith.constant 0 : i32
      %dma_wait3A_365 = arith.constant 0 : i32
      %dma_wait3A_366 = tpu.memref_slice %arg7[%dma_wait3A_362, %dma_wait3A_364, %dma_wait3A_365] : memref<5x40x128xf32, #tpu.memory_space<vmem>> -> memref<1x40x128xf32, #tpu.memory_space<vmem>>
      %dma_wait3A_367 = tpu.memref_squeeze %dma_wait3A_366 : memref<1x40x128xf32, #tpu.memory_space<vmem>> -> memref<40x128xf32, #tpu.memory_space<vmem>>
      %dma_wait3A_368 = tpu.memref_slice %arg5[%add3A_361] : memref<600xi32, #tpu.memory_space<vmem>> -> memref<40xi32, #tpu.memory_space<vmem>>
      %dma_wait3A_369 = arith.constant 0 : i32
      %dma_wait3A_370 = arith.constant 0 : i32
      %dma_wait3A_371 = tpu.memref_slice %arg2[%dma_wait3A_369, %dma_wait3A_370] : memref<10000x128xf32, #tpu.memory_space<hbm>> -> memref<10000x128xf32, #tpu.memory_space<hbm>>
      %dma_wait3A_372 = tpu.memref_slice %arg10[%dma_wait3A_363] : memref<5x!tpu.dma_semaphore, #tpu.memory_space<semaphore_mem>> -> memref<1x!tpu.dma_semaphore, #tpu.memory_space<semaphore_mem>>
      %dma_wait3A_373 = tpu.memref_squeeze %dma_wait3A_372 : memref<1x!tpu.dma_semaphore, #tpu.memory_space<semaphore_mem>> -> memref<!tpu.dma_semaphore, #tpu.memory_space<semaphore_mem>>
      tpu.wait_indirect_dma semaphore(%dma_wait3A_373 : memref<!tpu.dma_semaphore, #tpu.memory_space<semaphore_mem>>) src(%dma_wait3A_371 : memref<10000x128xf32, #tpu.memory_space<hbm>>) dst(%dma_wait3A_367 : memref<40x128xf32, #tpu.memory_space<vmem>>)
      %run_scoped3A_374 = arith.constant 4 : i32
      %run_scoped3A_375 = arith.constant 4 : i32
      "tpu.region"() ({
        %run_scoped3A_383 = tpu.sem_alloc : memref<!tpu.dma_semaphore, #tpu.memory_space<semaphore_mem>>
        %dma_start3A_384 = arith.constant 0 : i32
        %dma_start3A_385 = arith.constant 0 : i32
        %dma_start3A_386 = tpu.memref_slice %arg7[%run_scoped3A_374, %dma_start3A_384, %dma_start3A_385] : memref<5x40x128xf32, #tpu.memory_space<vmem>> -> memref<1x40x128xf32, #tpu.memory_space<vmem>>
        %dma_start3A_387 = tpu.memref_squeeze %dma_start3A_386 : memref<1x40x128xf32, #tpu.memory_space<vmem>> -> memref<40x128xf32, #tpu.memory_space<vmem>>
        %dma_start3A_388 = arith.constant 0 : i32
        %dma_start3A_389 = tpu.memref_slice %arg6[%rem3A_243, %run_scoped3A_375, %dma_start3A_388] : memref<3x5x40xi32, #tpu.memory_space<vmem>> -> memref<1x1x40xi32, #tpu.memory_space<vmem>>
        %dma_start3A_390 = tpu.memref_squeeze %dma_start3A_389 : memref<1x1x40xi32, #tpu.memory_space<vmem>> -> memref<40xi32, #tpu.memory_space<vmem>>
        %dma_start3A_391 = arith.constant 0 : i32
        %dma_start3A_392 = arith.constant 0 : i32
        %dma_start3A_393 = tpu.memref_slice %arg9[%dma_start3A_391, %dma_start3A_392] : memref<10240x128xf32, #tpu.memory_space<vmem_shared>> -> memref<10240x128xf32, #tpu.memory_space<vmem_shared>>
        tpu.enqueue_indirect_dma source(%dma_start3A_387 : memref<40x128xf32, #tpu.memory_space<vmem>>) target(%dma_start3A_393 : memref<10240x128xf32, #tpu.memory_space<vmem_shared>>) offsets(%dma_start3A_390 : memref<40xi32, #tpu.memory_space<vmem>>) semaphore(%run_scoped3A_383 : memref<!tpu.dma_semaphore, #tpu.memory_space<semaphore_mem>>) {add = true}
        %dma_wait3A_394 = arith.constant 0 : i32
        %dma_wait3A_395 = arith.constant 0 : i32
        %dma_wait3A_396 = tpu.memref_slice %arg7[%run_scoped3A_374, %dma_wait3A_394, %dma_wait3A_395] : memref<5x40x128xf32, #tpu.memory_space<vmem>> -> memref<1x40x128xf32, #tpu.memory_space<vmem>>
        %dma_wait3A_397 = tpu.memref_squeeze %dma_wait3A_396 : memref<1x40x128xf32, #tpu.memory_space<vmem>> -> memref<40x128xf32, #tpu.memory_space<vmem>>
        %dma_wait3A_398 = arith.constant 0 : i32
        %dma_wait3A_399 = tpu.memref_slice %arg6[%rem3A_243, %run_scoped3A_375, %dma_wait3A_398] : memref<3x5x40xi32, #tpu.memory_space<vmem>> -> memref<1x1x40xi32, #tpu.memory_space<vmem>>
        %dma_wait3A_400 = tpu.memref_squeeze %dma_wait3A_399 : memref<1x1x40xi32, #tpu.memory_space<vmem>> -> memref<40xi32, #tpu.memory_space<vmem>>
        %dma_wait3A_401 = arith.constant 0 : i32
        %dma_wait3A_402 = arith.constant 0 : i32
        %dma_wait3A_403 = tpu.memref_slice %arg9[%dma_wait3A_401, %dma_wait3A_402] : memref<10240x128xf32, #tpu.memory_space<vmem_shared>> -> memref<10240x128xf32, #tpu.memory_space<vmem_shared>>
        tpu.wait_indirect_dma semaphore(%run_scoped3A_383 : memref<!tpu.dma_semaphore, #tpu.memory_space<semaphore_mem>>) src(%dma_wait3A_397 : memref<40x128xf32, #tpu.memory_space<vmem>>) dst(%dma_wait3A_403 : memref<10240x128xf32, #tpu.memory_space<vmem_shared>>)
        tpu.yield
      }) : () -> ()
      %add3A_376 = arith.constant 1 : i32
      %add3A_377 = arith.addi %scan3A_241, %add3A_376 : i32
      %lt3A_378 = arith.constant 50 : i32
      %lt3A_379 = arith.cmpi slt, %add3A_377, %lt3A_378 : i32
      %convert_element_type3A_380 = arith.extui %lt3A_379 : i1 to i32
      %cond3A_381 = arith.constant 0 : i32
      %cond3A_382 = arith.cmpi ne, %convert_element_type3A_380, %cond3A_381 : i32
      scf.if %cond3A_382 {
        %mul3A_383 = arith.constant 200 : i32
        %mul3A_384 = arith.muli %rem3A_247, %mul3A_383 : i32
        %add3A_385 = arith.constant 160 : i32
        %add3A_386 = arith.addi %mul3A_384, %add3A_385 : i32
        %dma_start3A_387 = arith.constant 4 : i32
        %dma_start3A_388 = arith.constant 4 : i32
        %dma_start3A_389 = arith.constant 0 : i32
        %dma_start3A_390 = arith.constant 0 : i32
        %dma_start3A_391 = tpu.memref_slice %arg7[%dma_start3A_387, %dma_start3A_389, %dma_start3A_390] : memref<5x40x128xf32, #tpu.memory_space<vmem>> -> memref<1x40x128xf32, #tpu.memory_space<vmem>>
        %dma_start3A_392 = tpu.memref_squeeze %dma_start3A_391 : memref<1x40x128xf32, #tpu.memory_space<vmem>> -> memref<40x128xf32, #tpu.memory_space<vmem>>
        %dma_start3A_393 = tpu.memref_slice %arg5[%add3A_386] : memref<600xi32, #tpu.memory_space<vmem>> -> memref<40xi32, #tpu.memory_space<vmem>>
        %dma_start3A_394 = arith.constant 0 : i32
        %dma_start3A_395 = arith.constant 0 : i32
        %dma_start3A_396 = tpu.memref_slice %arg2[%dma_start3A_394, %dma_start3A_395] : memref<10000x128xf32, #tpu.memory_space<hbm>> -> memref<10000x128xf32, #tpu.memory_space<hbm>>
        %dma_start3A_397 = tpu.memref_slice %arg10[%dma_start3A_388] : memref<5x!tpu.dma_semaphore, #tpu.memory_space<semaphore_mem>> -> memref<1x!tpu.dma_semaphore, #tpu.memory_space<semaphore_mem>>
        %dma_start3A_398 = tpu.memref_squeeze %dma_start3A_397 : memref<1x!tpu.dma_semaphore, #tpu.memory_space<semaphore_mem>> -> memref<!tpu.dma_semaphore, #tpu.memory_space<semaphore_mem>>
        tpu.enqueue_indirect_dma source(%dma_start3A_396 : memref<10000x128xf32, #tpu.memory_space<hbm>>) target(%dma_start3A_392 : memref<40x128xf32, #tpu.memory_space<vmem>>) offsets(%dma_start3A_393 : memref<40xi32, #tpu.memory_space<vmem>>) semaphore(%dma_start3A_398 : memref<!tpu.dma_semaphore, #tpu.memory_space<semaphore_mem>>)
      } else {
      }
    }
    %scan3A_235 = arith.constant 50 : i32
    %barrier3A_236 = arith.constant 0 : index
    tpu.barrier barrier_id(%barrier3A_236)
    %mul3A_237 = arith.constant 640 : i32
    %mul3A_238 = arith.muli %arg1, %mul3A_237 : i32
    %mul3A_239 = arith.constant 640 : i32
    %mul3A_240 = arith.muli %arg1, %mul3A_239 : i32
    "tpu.region"() ({
      %run_scoped3A_241 = tpu.sem_alloc : memref<!tpu.dma_semaphore, #tpu.memory_space<semaphore_mem>>
      %dma_start3A_242 = arith.constant 0 : i32
      %dma_start3A_243 = tpu.memref_slice %arg4[%arg0, %mul3A_240, %dma_start3A_242] : memref<2x10240x128xf32, #tpu.memory_space<hbm>> -> memref<1x640x128xf32, #tpu.memory_space<hbm>>
      %dma_start3A_244 = tpu.memref_squeeze %dma_start3A_243 : memref<1x640x128xf32, #tpu.memory_space<hbm>> -> memref<640x128xf32, #tpu.memory_space<hbm>>
      %dma_start3A_245 = arith.constant 0 : i32
      %dma_start3A_246 = tpu.memref_slice %arg9[%mul3A_238, %dma_start3A_245] : memref<10240x128xf32, #tpu.memory_space<vmem_shared>> -> memref<640x128xf32, #tpu.memory_space<vmem_shared>>
      tpu.enqueue_dma source(%dma_start3A_246 : memref<640x128xf32, #tpu.memory_space<vmem_shared>>) target(%dma_start3A_244 : memref<640x128xf32, #tpu.memory_space<hbm>>) target_semaphore(%run_scoped3A_241 : memref<!tpu.dma_semaphore, #tpu.memory_space<semaphore_mem>>)
      %dma_wait3A = arith.constant 0 : i32
      %dma_wait3A_247 = tpu.memref_slice %arg4[%arg0, %mul3A_240, %dma_wait3A] : memref<2x10240x128xf32, #tpu.memory_space<hbm>> -> memref<1x640x128xf32, #tpu.memory_space<hbm>>
      %dma_wait3A_248 = tpu.memref_squeeze %dma_wait3A_247 : memref<1x640x128xf32, #tpu.memory_space<hbm>> -> memref<640x128xf32, #tpu.memory_space<hbm>>
      %dma_wait3A_249 = arith.constant 0 : i32
      %dma_wait3A_250 = tpu.memref_slice %arg9[%mul3A_238, %dma_wait3A_249] : memref<10240x128xf32, #tpu.memory_space<vmem_shared>> -> memref<640x128xf32, #tpu.memory_space<vmem_shared>>
      tpu.wait_dma2 semaphore(%run_scoped3A_241 : memref<!tpu.dma_semaphore, #tpu.memory_space<semaphore_mem>>) src(%dma_wait3A_250 : memref<640x128xf32, #tpu.memory_space<vmem_shared>>) dst(%dma_wait3A_248 : memref<640x128xf32, #tpu.memory_space<hbm>>)
      tpu.yield
    }) : () -> ()
    return
  }
}

module attributes {stable_mosaic.version = 14 : i64} {
  func.func @_tc_head_body(%arg0: i32, %arg1: memref<2x1000x128xf32, #tpu.memory_space<vmem>>, %arg2: memref<128x128xf32, #tpu.memory_space<vmem>>, %arg3: memref<1x128xf32, #tpu.memory_space<vmem>>, %arg4: memref<128x128xf32, #tpu.memory_space<vmem>>, %arg5: memref<1x128xf32, #tpu.memory_space<vmem>>, %arg6: memref<128x10xf32, #tpu.memory_space<vmem>>, %arg7: memref<1x10xf32, #tpu.memory_space<vmem>>, %arg8: memref<1000x10xf32, #tpu.memory_space<vmem>>) attributes {dimension_semantics = [#tpu.dimension_semantics<arbitrary>], iteration_bounds = array<i64: 10>, scalar_prefetch = 0 : i64, scratch_operands = 0 : i64, tpu.core_type = #tpu.core_type<tc>, window_params = [{transform_indices = @transform_0, window_bounds = array<i64: 2, 1000, 128>}, {pipeline_mode = #tpu.pipeline_mode<synchronous>, transform_indices = @transform_1, window_bounds = array<i64: 128, 128>}, {pipeline_mode = #tpu.pipeline_mode<synchronous>, transform_indices = @transform_2, window_bounds = array<i64: 1, 128>}, {pipeline_mode = #tpu.pipeline_mode<synchronous>, transform_indices = @transform_3, window_bounds = array<i64: 128, 128>}, {pipeline_mode = #tpu.pipeline_mode<synchronous>, transform_indices = @transform_4, window_bounds = array<i64: 1, 128>}, {pipeline_mode = #tpu.pipeline_mode<synchronous>, transform_indices = @transform_5, window_bounds = array<i64: 128, 10>}, {pipeline_mode = #tpu.pipeline_mode<synchronous>, transform_indices = @transform_6, window_bounds = array<i64: 1, 10>}, {transform_indices = @transform_7, window_bounds = array<i64: 1000, 10>}]} {
    %get3A = arith.constant 0 : index
    %get3A_0 = arith.constant 0 : index
    %get3A_1 = arith.constant 0 : index
    %get3A_2 = vector.load %arg1[%get3A, %get3A_0, %get3A_1] : memref<2x1000x128xf32, #tpu.memory_space<vmem>>, vector<1x1000x128xf32>
    %get3A_3 = vector.shape_cast %get3A_2 : vector<1x1000x128xf32> to vector<1000x128xf32>
    %get3A_4 = arith.constant 1 : index
    %get3A_5 = arith.constant 0 : index
    %get3A_6 = arith.constant 0 : index
    %get3A_7 = vector.load %arg1[%get3A_4, %get3A_5, %get3A_6] : memref<2x1000x128xf32, #tpu.memory_space<vmem>>, vector<1x1000x128xf32>
    %get3A_8 = vector.shape_cast %get3A_7 : vector<1x1000x128xf32> to vector<1000x128xf32>
    %add3A = arith.addf %get3A_3, %get3A_8 : vector<1000x128xf32>
    %get3A_9 = arith.constant 0 : index
    %get3A_10 = arith.constant 0 : index
    %get3A_11 = vector.load %arg2[%get3A_9, %get3A_10] : memref<128x128xf32, #tpu.memory_space<vmem>>, vector<128x128xf32>
    %dot_general3A = arith.constant dense<0.000000e+00> : vector<1000x128xf32>
    %dot_general3A_12 = tpu.matmul %add3A, %get3A_11, %dot_general3A {dimension_numbers = #tpu.dot_dimension_numbers<[1], [0], [0], [1], [0, 0, 1, 1], [], []>, transpose_lhs_hint = false} : vector<1000x128xf32>, vector<128x128xf32>, vector<1000x128xf32> -> vector<1000x128xf32>
    %get3A_13 = arith.constant 0 : index
    %get3A_14 = arith.constant 0 : index
    %get3A_15 = vector.load %arg3[%get3A_13, %get3A_14] : memref<1x128xf32, #tpu.memory_space<vmem>>, vector<1x128xf32>
    %add3A_16 = vector.broadcast %get3A_15 : vector<1x128xf32> to vector<1000x128xf32>
    %add3A_17 = arith.addf %dot_general3A_12, %add3A_16 : vector<1000x128xf32>
    %max3A = arith.constant 0.000000e+00 : f32
    %max3A_18 = vector.broadcast %max3A : f32 to vector<1000x128xf32>
    %max3A_19 = arith.maximumf %add3A_17, %max3A_18 : vector<1000x128xf32>
    %get3A_20 = arith.constant 0 : index
    %get3A_21 = arith.constant 0 : index
    %get3A_22 = vector.load %arg4[%get3A_20, %get3A_21] : memref<128x128xf32, #tpu.memory_space<vmem>>, vector<128x128xf32>
    %dot_general3A_23 = arith.constant dense<0.000000e+00> : vector<1000x128xf32>
    %dot_general3A_24 = tpu.matmul %max3A_19, %get3A_22, %dot_general3A_23 {dimension_numbers = #tpu.dot_dimension_numbers<[1], [0], [0], [1], [0, 0, 1, 1], [], []>, transpose_lhs_hint = false} : vector<1000x128xf32>, vector<128x128xf32>, vector<1000x128xf32> -> vector<1000x128xf32>
    %get3A_25 = arith.constant 0 : index
    %get3A_26 = arith.constant 0 : index
    %get3A_27 = vector.load %arg5[%get3A_25, %get3A_26] : memref<1x128xf32, #tpu.memory_space<vmem>>, vector<1x128xf32>
    %add3A_28 = vector.broadcast %get3A_27 : vector<1x128xf32> to vector<1000x128xf32>
    %add3A_29 = arith.addf %dot_general3A_24, %add3A_28 : vector<1000x128xf32>
    %max3A_30 = arith.constant 0.000000e+00 : f32
    %max3A_31 = vector.broadcast %max3A_30 : f32 to vector<1000x128xf32>
    %max3A_32 = arith.maximumf %add3A_29, %max3A_31 : vector<1000x128xf32>
    %get3A_33 = arith.constant 0 : index
    %get3A_34 = arith.constant 0 : index
    %get3A_35 = vector.load %arg6[%get3A_33, %get3A_34] : memref<128x10xf32, #tpu.memory_space<vmem>>, vector<128x10xf32>
    %dot_general3A_36 = arith.constant dense<0.000000e+00> : vector<1000x10xf32>
    %dot_general3A_37 = tpu.matmul %max3A_32, %get3A_35, %dot_general3A_36 {dimension_numbers = #tpu.dot_dimension_numbers<[1], [0], [0], [1], [0, 0, 1, 1], [], []>, transpose_lhs_hint = false} : vector<1000x128xf32>, vector<128x10xf32>, vector<1000x10xf32> -> vector<1000x10xf32>
    %get3A_38 = arith.constant 0 : index
    %get3A_39 = arith.constant 0 : index
    %get3A_40 = vector.load %arg7[%get3A_38, %get3A_39] : memref<1x10xf32, #tpu.memory_space<vmem>>, vector<1x10xf32>
    %add3A_41 = vector.broadcast %get3A_40 : vector<1x10xf32> to vector<1000x10xf32>
    %add3A_42 = arith.addf %dot_general3A_37, %add3A_41 : vector<1000x10xf32>
    %swap3A = arith.constant 0 : index
    %swap3A_43 = arith.constant 0 : index
    %swap3A_44 = vector.load %arg8[%swap3A, %swap3A_43] : memref<1000x10xf32, #tpu.memory_space<vmem>>, vector<1000x10xf32>
    tpu.vector_store %arg8[%swap3A, %swap3A_43], %add3A_42 {strides = array<i32>} : memref<1000x10xf32, #tpu.memory_space<vmem>>, vector<1000x10xf32>,
    return
  }
  func.func @transform_0(%arg0: i32) -> (i32, i32, i32) {
    %c0_i32 = arith.constant 0 : i32
    %c0_i32_0 = arith.constant 0 : i32
    %c0_i32_1 = arith.constant 0 : i32
    return %c0_i32, %arg0, %c0_i32_0 : i32, i32, i32
  }
  func.func @transform_1(%arg0: i32) -> (i32, i32) {
    %c0_i32 = arith.constant 0 : i32
    %c0_i32_0 = arith.constant 0 : i32
    %c0_i32_1 = arith.constant 0 : i32
    return %c0_i32, %c0_i32_0 : i32, i32
  }
  func.func @transform_2(%arg0: i32) -> (i32, i32) {
    %c0_i32 = arith.constant 0 : i32
    %c0_i32_0 = arith.constant 0 : i32
    %c0_i32_1 = arith.constant 0 : i32
    return %c0_i32, %c0_i32_0 : i32, i32
  }
  func.func @transform_3(%arg0: i32) -> (i32, i32) {
    %c0_i32 = arith.constant 0 : i32
    %c0_i32_0 = arith.constant 0 : i32
    %c0_i32_1 = arith.constant 0 : i32
    return %c0_i32, %c0_i32_0 : i32, i32
  }
  func.func @transform_4(%arg0: i32) -> (i32, i32) {
    %c0_i32 = arith.constant 0 : i32
    %c0_i32_0 = arith.constant 0 : i32
    %c0_i32_1 = arith.constant 0 : i32
    return %c0_i32, %c0_i32_0 : i32, i32
  }
  func.func @transform_5(%arg0: i32) -> (i32, i32) {
    %c0_i32 = arith.constant 0 : i32
    %c0_i32_0 = arith.constant 0 : i32
    %c0_i32_1 = arith.constant 0 : i32
    return %c0_i32, %c0_i32_0 : i32, i32
  }
  func.func @transform_6(%arg0: i32) -> (i32, i32) {
    %c0_i32 = arith.constant 0 : i32
    %c0_i32_0 = arith.constant 0 : i32
    %c0_i32_1 = arith.constant 0 : i32
    return %c0_i32, %c0_i32_0 : i32, i32
  }
  func.func @transform_7(%arg0: i32) -> (i32, i32) {
    %c0_i32 = arith.constant 0 : i32
    %c0_i32_0 = arith.constant 0 : i32
    return %arg0, %c0_i32 : i32, i32
  }
}

module attributes {stable_mosaic.version = 14 : i64} {
  func.func @_tc_layer_body(%arg0: i32, %arg1: memref<2x1000x128xf32, #tpu.memory_space<vmem>>, %arg2: memref<128x128xf32, #tpu.memory_space<vmem>>, %arg3: memref<1x128xf32, #tpu.memory_space<vmem>>, %arg4: memref<1000x128xf32, #tpu.memory_space<vmem>>) attributes {dimension_semantics = [#tpu.dimension_semantics<arbitrary>], iteration_bounds = array<i64: 10>, scalar_prefetch = 0 : i64, scratch_operands = 0 : i64, tpu.core_type = #tpu.core_type<tc>, window_params = [{transform_indices = @transform_0, window_bounds = array<i64: 2, 1000, 128>}, {pipeline_mode = #tpu.pipeline_mode<synchronous>, transform_indices = @transform_1, window_bounds = array<i64: 128, 128>}, {pipeline_mode = #tpu.pipeline_mode<synchronous>, transform_indices = @transform_2, window_bounds = array<i64: 1, 128>}, {transform_indices = @transform_3, window_bounds = array<i64: 1000, 128>}]} {
    %get3A = arith.constant 0 : index
    %get3A_0 = arith.constant 0 : index
    %get3A_1 = arith.constant 0 : index
    %get3A_2 = vector.load %arg1[%get3A, %get3A_0, %get3A_1] : memref<2x1000x128xf32, #tpu.memory_space<vmem>>, vector<1x1000x128xf32>
    %get3A_3 = vector.shape_cast %get3A_2 : vector<1x1000x128xf32> to vector<1000x128xf32>
    %get3A_4 = arith.constant 1 : index
    %get3A_5 = arith.constant 0 : index
    %get3A_6 = arith.constant 0 : index
    %get3A_7 = vector.load %arg1[%get3A_4, %get3A_5, %get3A_6] : memref<2x1000x128xf32, #tpu.memory_space<vmem>>, vector<1x1000x128xf32>
    %get3A_8 = vector.shape_cast %get3A_7 : vector<1x1000x128xf32> to vector<1000x128xf32>
    %add3A = arith.addf %get3A_3, %get3A_8 : vector<1000x128xf32>
    %get3A_9 = arith.constant 0 : index
    %get3A_10 = arith.constant 0 : index
    %get3A_11 = vector.load %arg2[%get3A_9, %get3A_10] : memref<128x128xf32, #tpu.memory_space<vmem>>, vector<128x128xf32>
    %dot_general3A = arith.constant dense<0.000000e+00> : vector<1000x128xf32>
    %dot_general3A_12 = tpu.matmul %add3A, %get3A_11, %dot_general3A {dimension_numbers = #tpu.dot_dimension_numbers<[1], [0], [0], [1], [0, 0, 1, 1], [], []>, transpose_lhs_hint = false} : vector<1000x128xf32>, vector<128x128xf32>, vector<1000x128xf32> -> vector<1000x128xf32>
    %get3A_13 = arith.constant 0 : index
    %get3A_14 = arith.constant 0 : index
    %get3A_15 = vector.load %arg3[%get3A_13, %get3A_14] : memref<1x128xf32, #tpu.memory_space<vmem>>, vector<1x128xf32>
    %add3A_16 = vector.broadcast %get3A_15 : vector<1x128xf32> to vector<1000x128xf32>
    %add3A_17 = arith.addf %dot_general3A_12, %add3A_16 : vector<1000x128xf32>
    %max3A = arith.constant 0.000000e+00 : f32
    %max3A_18 = vector.broadcast %max3A : f32 to vector<1000x128xf32>
    %max3A_19 = arith.maximumf %add3A_17, %max3A_18 : vector<1000x128xf32>
    %swap3A = arith.constant 0 : index
    %swap3A_20 = arith.constant 0 : index
    %swap3A_21 = vector.load %arg4[%swap3A, %swap3A_20] : memref<1000x128xf32, #tpu.memory_space<vmem>>, vector<1000x128xf32>
    tpu.vector_store %arg4[%swap3A, %swap3A_20], %max3A_19 {strides = array<i32>} : memref<1000x128xf32, #tpu.memory_space<vmem>>, vector<1000x128xf32>,
    return
  }
  func.func @transform_0(%arg0: i32) -> (i32, i32, i32) {
    %c0_i32 = arith.constant 0 : i32
    %c0_i32_0 = arith.constant 0 : i32
    %c0_i32_1 = arith.constant 0 : i32
    return %c0_i32, %arg0, %c0_i32_0 : i32, i32, i32
  }
  func.func @transform_1(%arg0: i32) -> (i32, i32) {
    %c0_i32 = arith.constant 0 : i32
    %c0_i32_0 = arith.constant 0 : i32
    %c0_i32_1 = arith.constant 0 : i32
    return %c0_i32, %c0_i32_0 : i32, i32
  }
  func.func @transform_2(%arg0: i32) -> (i32, i32) {
    %c0_i32 = arith.constant 0 : i32
    %c0_i32_0 = arith.constant 0 : i32
    %c0_i32_1 = arith.constant 0 : i32
    return %c0_i32, %c0_i32_0 : i32, i32
  }
  func.func @transform_3(%arg0: i32) -> (i32, i32) {
    %c0_i32 = arith.constant 0 : i32
    %c0_i32_0 = arith.constant 0 : i32
    return %arg0, %c0_i32 : i32, i32
  }
}

</mosaic_0001>

<sc_bundles>
// kernel: kernel.6.cloned.1.call-start
scs
__scs_entry_jumppad:
0x0: {  	(pc) =	sbr.rel $0x88, $3  }
0x1: {  	(tag) =	ssettag $0x0;
	lr =	simm.s32 $0x1  }
0x2: {  	[smem:$0x3F97] =	sst lr;
	_ =	strace $0xD0000000  }
0x3: {  	_ = 	snop  }
0x4: {  	_ = 	snop  }
0x5: {  	_ = 	snop  }
0x6: {  	_ = 	snop  }
0x7: {  	_ = 	snop  }
__scs_overlays_trampoline_lowered:
0x8: {  	[smem:$0x3FA6] =	sst s0  }
0x9: {  	[smem:$0x3FA7] =	sst s1  }
0xa: {  	[smem:$0x3FA8] =	sst s2  }
0xb: {  	[smem:$0x3FA9] =	sst s3  }
0xc: {  	[smem:$0x3FAA] =	sst s4  }
0xd: {  	[smem:$0x3FAB] =	sst s5  }
0xe: {  	[smem:$0x3FAC] =	sst s6  }
0xf: {  	[smem:$0x3FAD] =	sst s7  }
0x10: {  	[smem:$0x3FAE] =	sst s8  }
0x11: {  	[smem:$0x3FAF] =	sst s9;
	s0 =	simm.s32 @!p0 $0x0  }
0x12: {  	s1 =	sld [smem:$0x3F95];
	s0 =	simm.s32 @p0 $0x1  }
0x13: {  	[smem:$0x3FB0] =	sst s0;
	s0 =	simm.s32 @!p1 $0x0  }
0x14: {  	s2 =	sld [smem:$0x3F94];
	s0 =	simm.s32 @p1 $0x1  }
0x15: {  	[smem:$0x3FB1] =	sst s0;
	s0 =	simm.s32 @!p2 $0x0  }
0x16: {  	s3 =	sld [smem:$0x3FDB];
	s0 =	simm.s32 @p2 $0x1  }
0x17: {  	s4 =	simm.s32 $0x1BF5;
	[smem:$0x3FB3] =	sst s0  }
0x18: {  	s0 =	sld [smem:$0x3F96];
	_ =	swait.ge [sflag:s4], $0x0  }
0x19: {  	s7 =	sld [smem:$0x3F97]  }
0x1a: {  	s8 =	sadd.s32 $0xFFFFE003, lr  }
0x1b: {  	s9 =	sadd.s32 $0xFFFFFEF7, lr;
	s5 =	simm.s32 $0xFFFFFFFF;
	p2 =	slt.u32 s8, $0xFFFFF086  }
0x1c: {  	p1 =	slt.u32 s9, $0xF7A;
	s5 =	simm.s32 @!p2 $0x0  }
0x1d: {  	s5 =	simm.s32 @p1 $0x1;
	p0 =	seq.s32 s7, s2  }
0x1e: {  	s7 =	smul.u32 @!p0 $0xF7A, s2;
	p2 =	seq.s32 @!p0 s5, $0x0  }
0x1f: {  	s9 =	smul.u32 $0xF7A, s1;
	s8 =	simm.s32 @!p0 $0x1BF5;
	p2 =	por !p2, p0  }
0x20: {  	[sflag:s8] =	ssyncset.s32 @!p0 $0xFFFFF086;
	s6 =	sadd.s32 @!p0 s3, s7;
	s7 =	simm.s32 @!p0 $0x108  }
0x21: {  	s3 =	sadd.s32 s3, s9;
	s6 =	sadd.s32 @!p0 $0x88, s6;
	s7 =	simm.s32 @p2 $0x1082  }
0x22: {  	[simem:s7], [sflag:s8] =	dma.local @!p0 [hbm:s6], $0xF7A  }
0x23: {  	s9 =	sor.u32 $0xD0000000, s2;
	s6 =	simm.s32 $0x108;
	_ =	swait.ge @!p0 [sflag:s8], $0x0  }
0x24: {  	s3 =	sadd.s32 $0x88, s3;
	s6 =	simm.s32 @!p1 $0x1082;
	[sflag:s4] =	ssyncset.s32 $0xFFFFF086  }
0x25: {  	[simem:s6], [sflag:s4] =	dma.local [hbm:s3], $0xF7A  }
0x26: {  	[smem:$0x3F97] =	sst s1;
	(tag) =	ssettag s2;
	_ =	strace s9  }
0x27: {  	s1 =	sld [smem:$0x3FA7]  }
0x28: {  	s2 =	sld [smem:$0x3FA8]  }
0x29: {  	s4 =	sld [smem:$0x3FAA]  }
0x2a: {  	p0 =	seq.s32 s5, $0x0;
	s5 =	sld [smem:$0x3FAB]  }
0x2b: {  	s6 =	sld [smem:$0x3FAC]  }
0x2c: {  	s7 =	sld [smem:$0x3FAD]  }
0x2d: {  	s3 =	simm.s32 $0x108;
	s8 =	sld [smem:$0x3FAE]  }
0x2e: {  	s3 =	simm.s32 @!p0 $0x1082;
	s9 =	sld [smem:$0x3FAF]  }
0x2f: {  	lr =	sadd.s32 s0, s3;
	s0 =	sld [smem:$0x3FA6]  }
0x30: {  	s3 =	sld [smem:$0x3FA9]  }
0x31: {  	[smem:$0x3FB2] =	sst s10  }
0x32: {  	s10 =	sld [smem:$0x3FB0];
	_ =	sdelay $0x3  }
0x33: {  	p0 =	seq.s32 s10, $0x1;
	s10 =	sld [smem:$0x3FB2];
	_ =	sdelay $0x3  }
0x34: {  	[smem:$0x3FB2] =	sst s10  }
0x35: {  	s10 =	sld [smem:$0x3FB1];
	_ =	sdelay $0x3  }
0x36: {  	p1 =	seq.s32 s10, $0x1;
	s10 =	sld [smem:$0x3FB2];
	_ =	sdelay $0x3  }
0x37: {  	[smem:$0x3FB2] =	sst s10  }
0x38: {  	s10 =	sld [smem:$0x3FB3]  }
0x39: {  	_ = 	snop;
	(pc) =	sbr.ind lr, $3  }
0x3a: {  	_ = 	snop  }
0x3b: {  	_ = 	snop  }
0x3c: {  	p2 =	seq.s32 s10, $0x1;
	s10 =	sld [smem:$0x3FB2]  }
0x3d: {  	_ =	shalt  }
0x3e: {  	_ =	shalt  }
0x3f: {  	_ =	shalt  }
0x40: {  	_ =	shalt  }
0x41: {  	_ =	shalt  }
0x42: {  	_ =	shalt  }
0x43: {  	_ =	shalt  }
0x44: {  	_ =	shalt  }
0x45: {  	_ =	shalt  }
0x46: {  	_ =	shalt  }
0x47: {  	_ =	shalt  }
0x48: {  	_ =	shalt  }
0x49: {  	_ =	shalt  }
0x4a: {  	_ =	shalt  }
0x4b: {  	_ =	shalt  }
0x4c: {  	_ =	shalt  }
0x4d: {  	_ =	shalt  }
0x4e: {  	_ =	shalt  }
0x4f: {  	_ =	shalt  }
0x50: {  	_ =	shalt  }
0x51: {  	_ =	shalt  }
0x52: {  	_ =	shalt  }
0x53: {  	_ =	shalt  }
0x54: {  	_ =	shalt  }
0x55: {  	_ =	shalt  }
0x56: {  	_ =	shalt  }
0x57: {  	_ =	shalt  }
0x58: {  	_ =	shalt  }
0x59: {  	_ =	shalt  }
0x5a: {  	_ =	shalt  }
0x5b: {  	_ =	shalt  }
0x5c: {  	_ =	shalt  }
0x5d: {  	_ =	shalt  }
0x5e: {  	_ =	shalt  }
0x5f: {  	_ =	shalt  }
0x60: {  	_ =	shalt  }
0x61: {  	_ =	shalt  }
0x62: {  	_ =	shalt  }
0x63: {  	_ =	shalt  }
0x64: {  	_ =	shalt  }
0x65: {  	_ =	shalt  }
0x66: {  	_ =	shalt  }
0x67: {  	_ =	shalt  }
0x68: {  	_ =	shalt  }
0x69: {  	_ =	shalt  }
0x6a: {  	_ =	shalt  }
0x6b: {  	_ =	shalt  }
0x6c: {  	_ =	shalt  }
0x6d: {  	_ =	shalt  }
0x6e: {  	_ =	shalt  }
0x6f: {  	_ =	shalt  }
0x70: {  	_ =	shalt  }
0x71: {  	_ =	shalt  }
0x72: {  	_ =	shalt  }
0x73: {  	_ =	shalt  }
0x74: {  	_ =	shalt  }
0x75: {  	_ =	shalt  }
0x76: {  	_ =	shalt  }
0x77: {  	_ =	shalt  }
0x78: {  	_ =	shalt  }
0x79: {  	_ =	shalt  }
0x7a: {  	_ =	shalt  }
0x7b: {  	_ =	shalt  }
0x7c: {  	_ =	shalt  }
0x7d: {  	_ =	shalt  }
0x7e: {  	_ =	shalt  }
0x7f: {  	_ =	shalt  }
0x80: {  	_ =	shalt  }
0x81: {  	_ =	shalt  }
0x82: {  	_ =	shalt  }
0x83: {  	_ =	shalt  }
0x84: {  	_ =	shalt  }
0x85: {  	_ =	shalt  }
0x86: {  	_ =	shalt  }
0x87: {  	_ =	shalt  }
.Lfunc_end0:
.L_simem_size_0:
called_computation_lowered:
.L_overlay_start_0:
0x88: {  	s2 =	sld [smem:$0x3FD9]  }
0x89: {  	s3 =	sld [smem:$0x3FFE];
	_ =	sdelay $0x1  }
0x8a: {  	s1 =	srdreg.scid  }
0x8b: {  	s0 =	sand.u32 $0x1, s1  }
0x8c: {  	s17 =	sshll.u32 s0, $0xA;
	s2 =	sadd.s32 s3, s2  }
0x8d: {  	s2 =	sadd.s32 s2, s17  }
0x8e: {  	[smem:$0x3FBE] =	sst s2  }
0x8f: {  	_ = 	snop  }
0x90: {  	s2 =	sld [smem:$0x3FC9];
	(tm) =	ssettm $0x1  }
0x91: {  	s18 =	sld [smem:$0x3FFB];
	_ =	sdelay $0x3  }
0x92: {  	_ =	strace s18  }
0x93: {  	s3 =	sld [smem:$0x3FFC];
	_ =	sdelay $0x3  }
0x94: {  	_ =	strace s3  }
0x95: {  	s3 =	sld [smem:$0x3FFD];
	_ =	sdelay $0x3  }
0x96: {  	_ =	strace s3  }
0x97: {  	_ =	strace $0x8FFFFFFF  }
0x98: {  	s19 =	sld [smem:$0x3FDB];
	_ =	sdelay $0x1  }
0x99: {  	s4 =	simm.s32 $_scs_section_size  }
0x9a: {  	s5 =	simm.s32 $_size__tile_overlayer_lowered;
	s6 =	simm.s32 $_tile_overlayer_lowered  }
0x9b: {  	s22 =	simm.s32 $0x1BFF;
	s21 =	sshll.u32 s6, $0x1;
	s3 =	sadd.s32 s4, s19  }
0x9c: {  	s7 =	simm.s32 $0x0;
	s20 =	sshll.u32 s5, $0x1;
	s5 =	sadd.s32 s21, s3  }
0x9d: {  	[timem:s7], [sflag:s22] =	dma.local [hbm:s5], s20  }
0x9e: {  	_ =	swait.ge [sflag:s22], s20  }
0x9f: {  	s4 =	ssub.s32 $0x0, s20;
	[sflag:s22] =	ssyncset.done $0x0  }
0xa0: {  	[sflag:s22] =	ssyncadd.s32 s4;
	_ =	sdelay $0x1  }
0xa1: {  	s23 =	simm.s32 $0x1B8B  }
0xa2: {  	_ =	swait.ge [sflag:s23], $0x1  }
0xa3: {  	[sflag:s23] =	ssyncset.done $0x0  }
0xa4: {  	s25 =	simm.s32 $0x1B8E;
	s24 =	sld [smem:$0x3FFE];
	[sflag:s23] =	ssyncadd.s32 $0xFFFFFFFF  }
0xa5: {  	s26 =	simm.s32 $execute0_lowered;
	[smem:$0x3FD2] =	sst s25  }
0xa6: {  	s5 =	sshll.u32 s26, $0x1;
	_ =	strace $0x80000046;
	[dreg:$0x1] =	wrdreg $0xFFFFFFFF  }
0xa7: {  	s28 =	simm.s32 $_size_execute0_lowered;
	s3 =	sadd.s32 s3, s5;
	[dreg:$0x0] =	wrdreg $0x0  }
0xa8: {  	s5 =	sshll.u32 s28, $0x1;
	[dreg:$0x2] =	wrdreg s3  }
0xa9: {  	[dreg:$0x3] =	wrdreg s5  }
0xaa: {  	[dreg:$0x4] =	wrdreg $0xC0  }
0xab: {  	_ =	task [dreg:s7], $0x5FFFF  }
0xac: {  	[dreg:$0x1] =	wrdreg $0xFFFFFFFF  }
0xad: {  	[dreg:$0x0] =	wrdreg $0x60  }
0xae: {  	[dreg:$0x2] =	wrdreg s2  }
0xaf: {  	[dreg:$0x3] =	wrdreg s24  }
0xb0: {  	[dreg:$0x4] =	wrdreg $0x92800  }
0xb1: {  	[dreg:$0x5] =	wrdreg $0x9  }
0xb2: {  	_ =	task.clear_ibuf [dreg:s7], $0x6FFFF;
	_ =	strace $0x90000046  }
0xb3: {  	s29 =	simm.s32 $0x9;
	_ =	strace $0x80000048  }
0xb4: {  	_ =	swait.ge [sflag:s29], $0x1  }
0xb5: {  	[sflag:s29] =	ssyncadd.s32 $0xFFFFFFFF  }
0xb6: {  	_ =	strace $0x90000048  }
0xb7: {  	_ =	sfence  }
0xb8: {  	s30 =	sld [smem:$0x0];
	_ =	sdelay $0x2  }
0xb9: {  	s31 =	sshll.u32 s1, $0xD;
	s1 =	sshrl.u32 s1, $0x2  }
0xba: {  	s3 =	sand.u32 $0x4000, s31;
	s1 =	sadd.s32 s1, s30  }
0xbb: {  	s0 =	sor.u32 s3, s0;
	s1 =	sshll.u32 s1, $0x11  }
0xbc: {  	s0 =	sor.u32 s1, s0  }
0xbd: {  	s0 =	sadd.s32 $0x8F2B, s0  }
0xbe: {  	[sflag:s0] =	ssyncadd.remote.s32 $0x1  }
0xbf: {  	_ =	sfence.sel $0xFFFF  }
0xc0: {  	[dreg:$0x0] =	wrdreg $0xFFFFFFFF;
	(pc) =	sbr.abs _section_cstart, $3  }
0xc1: {  	[dreg:$0x1] =	wrdreg $0xFFFFFFFF  }
0xc2: {  	_ =	task.clear_ibuf [dreg:s7], $0x2FFFF;
	_ =	strace $0x9FFFFFFF  }
0xc3: {  	(tm) =	ssettm $0x7FFFFFFF  }
tec
execute0_lowered:
.L_overlay_start_1:
0x0: {  	(tag) =	ssettag $0x1  }
0x1: {  	s0 =	rddreg [dreg:$0x0]  }
0x2: {  	s1 =	rddreg [dreg:$0x1];
	s13 =	stileid.u32  }
0x3: {  	s2 =	srdreg.scid;
	s6 =	smul.u32 $0x14000, s13  }
0x4: {  	s3 =	rddreg [dreg:$0x2];
	s4 =	simm.s32 $0x0;
	s12 =	smul.u32 $0x50000, s13  }
0x5: {  	s2 =	sand.u32 $0x1, s2;
	[smem:$0x7FF] =	sst s4;
	s26 =	smul.u32 $0x2710, s13  }
0x6: {  	s8 =	sadd.s32 $0x1E00, s1;
	s5 =	smul.u32 $0x140000, s2;
	s7 =	sshll.u32 s2, $0x4  }
0x7: {  	_ =	strace $0x80000047;
	s16 =	ssub.s32 $0x2, s2;
	s2 =	smul.u32 $0x27100, s2  }
0x8: {  	s15 =	sor.u32 s13, s7;
	s17 =	sshrl.u32 s16, $0x1;
	s29 =	sshrl.u32 s12, $0x2  }
0x9: {  	s5 =	sadd.s32 s6, s5;
	s6 =	smul.u32 $0x2710, s15;
	s2 =	sadd.s32 s26, s2  }
0xa: {  	s7 =	ssub.s32 s16, s17;
	s5 =	sshrl.u32 s5, $0x3;
	s30 =	sadd.s32 $0x190, s2  }
0xb: {  	s31 =	sadd.s32 $0x4E408, s2;
	s12 =	sadd.s32 $0x4E3E0, s2;
	s13 =	sadd.s32 $0x4E3B8, s2  }
0xc: {  	s15 =	smax.u32 s7, $0x1;
	s1 =	sadd.s32 s5, s1;
	s18 =	sshrl.u32 s6, $0x3  }
0xd: {  	s9 =	sadd.s32 $0x4E228, s6;
	s10 =	sadd.s32 $0x4E278, s6;
	s22 =	sadd.s32 $0x4E2C8, s6  }
0xe: {  	s23 =	sadd.s32 $0x4E318, s6;
	s24 =	sadd.s32 $0xC8, s6;
	s6 =	sadd.s32 $0x4E368, s6  }
0xf: {  	[dreg:$0x11] =	wrdreg s15;
	s15 =	simm.s32 $0x3;
	s5 =	sadd.s32 s8, s18  }
0x10: {  	s9 =	sshrl.u32 s9, $0x3;
	s19 =	sshrl.u32 s10, $0x3;
	s25 =	sshrl.u32 s23, $0x3  }
0x11: {  	s6 =	sshrl.u32 s6, $0x3;
	s10 =	sadd.s32 $0x4E430, s2;
	s2 =	sadd.s32 $0x4E390, s2  }
0x12: {  	s23 =	sadd.s32 s29, s3;
	s1 =	sadd.s32 $0x15800, s1;
	[dreg:$0x4] =	wrdreg s5  }
0x13: {  	s11 =	sadd.s32 $0x9C40, s5;
	s9 =	sadd.s32 s8, s9;
	[dreg:$0x10] =	wrdreg s1  }
0x14: {  	s20 =	sadd.s32 $0x9C4A, s5;
	s21 =	sadd.s32 $0x9C54, s5;
	[dreg:$0x5] =	wrdreg s11  }
0x15: {  	s28 =	sadd.s32 $0x9C5E, s5;
	s6 =	sadd.s32 s8, s6;
	[dreg:$0x6] =	wrdreg s9  }
0x16: {  	s10 =	sshrl.u32 s10, $0x3;
	s2 =	sshrl.u32 s2, $0x3;
	[dreg:$0x7] =	wrdreg s20  }
0x17: {  	s14 =	sadd.s32 $0x9C68, s5;
	s26 =	sadd.s32 $0x8000, s23;
	[dreg:$0x9] =	wrdreg s21  }
0x18: {  	s29 =	sadd.s32 $0xC000, s23;
	s7 =	sadd.s32 $0x12000, s23;
	[dreg:$0xc] =	wrdreg s28  }
0x19: {  	s9 =	sadd.s32 s8, s19;
	s11 =	sshrl.u32 s24, $0x3;
	[dreg:$0xe] =	wrdreg s6  }
0x1a: {  	s17 =	sadd.s32 s10, s8;
	s10 =	sshrl.u32 s13, $0x3;
	[dreg:$0xf] =	wrdreg s14  }
0x1b: {  	s21 =	sadd.s32 s2, s8;
	s24 =	sadd.s32 $0x4000, s23;
	[dreg:$0x15] =	wrdreg s26  }
0x1c: {  	s28 =	sadd.s32 $0xA000, s23;
	[dreg:$0x17] =	wrdreg s29;
	s13 =	simm.s32 $0x7280  }
0x1d: {  	s14 =	simm.s32 $0x1;
	[dreg:$0x8] =	wrdreg s9;
	s11 =	sadd.s32 s8, s11  }
0x1e: {  	s9 =	sshrl.u32 s22, $0x3;
	s20 =	sadd.s32 s10, s8;
	[dreg:$0x13] =	wrdreg s24  }
0x1f: {  	s22 =	sadd.s32 $0x2000, s23;
	[dreg:$0x16] =	wrdreg s28;
	s10 =	simm.s32 $0xE80  }
0x20: {  	s24 =	simm.s32 $0x0;
	[dreg:$0xa] =	wrdreg s11;
	s9 =	sadd.s32 s8, s9  }
0x21: {  	s11 =	sshrl.u32 s31, $0x3;
	[dreg:$0x12] =	wrdreg s22;
	s31 =	sadd.s32 $0x10000, s23  }
0x22: {  	s22 =	simm.s32 $0x5;
	[dreg:$0xb] =	wrdreg s9;
	s9 =	sadd.s32 s8, s25  }
0x23: {  	s18 =	sadd.s32 s11, s8;
	s25 =	sadd.s32 $0x6000, s23;
	[dreg:$0x19] =	wrdreg s31  }
0x24: {  	s11 =	simm.s32 $0x3680;
	[dreg:$0xd] =	wrdreg s9;
	s9 =	sshrl.u32 s30, $0x3  }
0x25: {  	[dreg:$0x14] =	wrdreg s25;
	s30 =	sadd.s32 $0xE000, s23;
	s16 =	sadd.s32 s9, s8  }
0x26: {  	s9 =	sshrl.u32 s12, $0x3;
	[dreg:$0x18] =	wrdreg s30;
	s12 =	simm.s32 $0x5E80  }
0x27: {  	v0 =	vimm.f32 $0.0e+00;
	s19 =	sadd.s32 s9, s8;
	s8 =	simm.s32 $0x9;
	s9 =	simm.s32 $0x28  }
.LBB2_1:
0x28: {  	s1 =	rddreg [dreg:$0x4]  }
0x29: {  	[tilespmem:s4], [sflag:$0x9] =	stream.linear.gather [hbm4b:s1+s4], $0xC8, $0x38;
	[tilespmem:$0x1D280] =	vst v63  }
0x2a: {  	_ =	swait.ge [sflag:s8], $0xC8  }
0x2b: {  	[sflag:s8] =	ssyncset.done $0x0  }
0x2c: {  	s2 =	simm.s32 $0x280;
	s31 =	rddreg [dreg:$0x5];
	[sflag:s8] =	ssyncadd.s32 $0xFFFFFF38  }
0x2d: {  	[tilespmem:s2], [sflag:$0x9] =	stream.linear.gather [hbm4b:s31+s4], $0x28, $0x38;
	[tilespmem:$0x1D280] =	vst v63  }
0x2e: {  	_ =	swait.ge [sflag:s8], $0x28  }
0x2f: {  	[sflag:s8] =	ssyncset.done $0x0  }
0x30: {  	s6 =	simm.s32 $0x300;
	s5 =	rddreg [dreg:$0x6];
	[sflag:s8] =	ssyncadd.s32 $0xFFFFFFD8  }
0x31: {  	[tilespmem:s6], [sflag:$0x9] =	stream.linear.gather [hbm4b:s5+s4], $0x28, $0x38;
	[tilespmem:$0x1D280] =	vst v63  }
0x32: {  	_ =	swait.ge [sflag:s8], $0x28  }
0x33: {  	[sflag:s8] =	ssyncset.done $0x0  }
0x34: {  	s26 =	simm.s32 $0x380;
	s25 =	rddreg [dreg:$0x7];
	[sflag:s8] =	ssyncadd.s32 $0xFFFFFFD8  }
0x35: {  	[tilespmem:s26], [sflag:$0x9] =	stream.linear.gather [hbm4b:s25+s4], $0x28, $0x38;
	[tilespmem:$0x1D280] =	vst v63  }
0x36: {  	_ =	swait.ge [sflag:s8], $0x28  }
0x37: {  	[sflag:s8] =	ssyncset.done $0x0  }
0x38: {  	s29 =	simm.s32 $0x400;
	s28 =	rddreg [dreg:$0x8];
	[sflag:s8] =	ssyncadd.s32 $0xFFFFFFD8  }
0x39: {  	[tilespmem:s29], [sflag:$0x9] =	stream.linear.gather [hbm4b:s28+s4], $0x28, $0x38;
	[tilespmem:$0x1D280] =	vst v63  }
0x3a: {  	_ =	swait.ge [sflag:s8], $0x28  }
0x3b: {  	[sflag:s8] =	ssyncset.done $0x0  }
0x3c: {  	s31 =	simm.s32 $0x480;
	s30 =	rddreg [dreg:$0x9];
	[sflag:s8] =	ssyncadd.s32 $0xFFFFFFD8  }
0x3d: {  	[tilespmem:s31], [sflag:$0x9] =	stream.linear.gather [hbm4b:s30+s4], $0x28, $0x38;
	[tilespmem:$0x1D280] =	vst v63  }
0x3e: {  	_ =	swait.ge [sflag:s8], $0x28  }
0x3f: {  	[sflag:s8] =	ssyncset.done $0x0  }
0x40: {  	s6 =	simm.s32 $0xC8;
	s5 =	rddreg [dreg:$0xa];
	[sflag:s8] =	ssyncadd.s32 $0xFFFFFFD8  }
0x41: {  	[tilespmem:s6], [sflag:$0x7] =	stream.linear.gather [hbm4b:s5+s4], $0xC8, $0x38;
	[tilespmem:$0x1D280] =	vst v63  }
0x42: {  	s26 =	simm.s32 $0x680;
	s25 =	rddreg [dreg:$0xb]  }
0x43: {  	[tilespmem:s26], [sflag:$0x7] =	stream.linear.gather [hbm4b:s25+s4], $0x28, $0x38;
	[tilespmem:$0x1D280] =	vst v63  }
0x44: {  	s29 =	simm.s32 $0x700;
	s28 =	rddreg [dreg:$0xc]  }
0x45: {  	[tilespmem:s29], [sflag:$0x7] =	stream.linear.gather [hbm4b:s28+s4], $0x28, $0x38;
	[tilespmem:$0x1D280] =	vst v63  }
0x46: {  	s31 =	simm.s32 $0x780;
	s30 =	rddreg [dreg:$0xd]  }
0x47: {  	[tilespmem:s31], [sflag:$0x7] =	stream.linear.gather [hbm4b:s30+s4], $0x28, $0x38;
	[tilespmem:$0x1D280] =	vst v63  }
0x48: {  	s2 =	rddreg [dreg:$0xf];
	s5 =	simm.s32 $0x800  }
0x49: {  	[tilespmem:s5], [sflag:$0x7] =	stream.linear.gather [hbm4b:s2+s4], $0x28, $0x38;
	[tilespmem:$0x1D280] =	vst v63  }
0x4a: {  	s6 =	rddreg [dreg:$0xe];
	s25 =	simm.s32 $0x880  }
0x4b: {  	[tilespmem:s25], [sflag:$0x7] =	stream.linear.gather [hbm4b:s6+s4], $0x28, $0x38;
	[tilespmem:$0x1D280] =	vst v63  }
0x4c: {  	_ = 	snop  }
0x4d: {  	[tilespmem:s10], [sflag:$0x1] =	stream.indirect.gather [hbm4b:s0+s9], $0x80, s4, s9, $0xb8;
	[tilespmem:$0x1D280] =	vst v63  }
0x4e: {  	s26 =	simm.s32 $0x2280  }
0x4f: {  	[tilespmem:s26], [sflag:$0x2] =	stream.indirect.gather [hbm4b:s0+s9], $0x80, s9, s9, $0xb8;
	[tilespmem:$0x1D280] =	vst v63  }
0x50: {  	s28 =	simm.s32 $0x50  }
0x51: {  	[tilespmem:s11], [sflag:$0x3] =	stream.indirect.gather [hbm4b:s0+s9], $0x80, s28, s9, $0xb8;
	[tilespmem:$0x1D280] =	vst v63  }
0x52: {  	s29 =	simm.s32 $0x78;
	s30 =	simm.s32 $0x4A80  }
0x53: {  	[tilespmem:s30], [sflag:$0x4] =	stream.indirect.gather [hbm4b:s0+s9], $0x80, s29, s9, $0xb8;
	[tilespmem:$0x1D280] =	vst v63  }
0x54: {  	s31 =	simm.s32 $0xA0;
	s25 =	simm.s32 $0x0;
	s26 =	simm.s32 $0x200  }
0x55: {  	[tilespmem:s12], [sflag:$0x5] =	stream.indirect.gather [hbm4b:s0+s9], $0x80, s31, s9, $0xb8;
	[tilespmem:$0x1D280] =	vst v63  }
.LBB2_2:
0x56: {  	p0 =	sne.s32 s26, $0x7E00;
	[tilespmem:s25+$0x72F0] =	vst v0  }
0x57: {  	[tilespmem:s25+$0x7280] =	vst v0  }
0x58: {  	[tilespmem:s25+$0x7290] =	vst v0  }
.Ltmp0:
0x59: {  	[tilespmem:s25+$0x72A0] =	vst v0;
	(pc) =	sbr.rel @p0 .LBB2_2-.Ltmp0, $4  }
0x5a: {  	[tilespmem:s25+$0x72B0] =	vst v0  }
0x5b: {  	[tilespmem:s25+$0x72C0] =	vst v0  }
0x5c: {  	[tilespmem:s25+$0x72D0] =	vst v0  }
0x5d: {  	[tilespmem:s25+$0x72E0] =	vst v0;
	s25 =	sshra.s32 s26, $0x2;
	s26 =	sadd.s32 $0x200, s26  }
0x5e: {  	[tilespmem:s25+$0x72F0] =	vst v0  }
0x5f: {  	[tilespmem:s25+$0x7280] =	vst v0  }
0x60: {  	[tilespmem:s25+$0x7290] =	vst v0  }
0x61: {  	[tilespmem:s25+$0x72A0] =	vst v0  }
0x62: {  	[tilespmem:s25+$0x72B0] =	vst v0  }
0x63: {  	[tilespmem:s25+$0x72C0] =	vst v0  }
0x64: {  	[tilespmem:s25+$0x72D0] =	vst v0  }
0x65: {  	[tilespmem:s25+$0x72E0] =	vst v0  }
0x66: {  	[spmem:s23] =	stream.linear.scatter [tilespmem:s13], [sflag:$0x9], $0x2000, $0x38;
	[tilespmem:$0x1D280] =	vst v63  }
0x67: {  	_ =	swait.ge [sflag:s8], $0x2000  }
0x68: {  	[sflag:s8] =	ssyncset.done $0x0  }
0x69: {  	s1 =	rddreg [dreg:$0x12];
	[sflag:s8] =	ssyncadd.s32 $0xFFFFE000  }
0x6a: {  	[spmem:s1] =	stream.linear.scatter [tilespmem:s13], [sflag:$0x9], $0x2000, $0x38;
	[tilespmem:$0x1D280] =	vst v63  }
0x6b: {  	_ =	swait.ge [sflag:s8], $0x2000  }
0x6c: {  	[sflag:s8] =	ssyncset.done $0x0  }
0x6d: {  	s6 =	rddreg [dreg:$0x13];
	[sflag:s8] =	ssyncadd.s32 $0xFFFFE000  }
0x6e: {  	[spmem:s6] =	stream.linear.scatter [tilespmem:s13], [sflag:$0x9], $0x2000, $0x38;
	[tilespmem:$0x1D280] =	vst v63  }
0x6f: {  	_ =	swait.ge [sflag:s8], $0x2000  }
0x70: {  	[sflag:s8] =	ssyncset.done $0x0  }
0x71: {  	s25 =	rddreg [dreg:$0x14];
	[sflag:s8] =	ssyncadd.s32 $0xFFFFE000  }
0x72: {  	[spmem:s25] =	stream.linear.scatter [tilespmem:s13], [sflag:$0x9], $0x2000, $0x38;
	[tilespmem:$0x1D280] =	vst v63  }
0x73: {  	_ =	swait.ge [sflag:s8], $0x2000  }
0x74: {  	[sflag:s8] =	ssyncset.done $0x0  }
0x75: {  	s26 =	rddreg [dreg:$0x15];
	[sflag:s8] =	ssyncadd.s32 $0xFFFFE000  }
0x76: {  	[spmem:s26] =	stream.linear.scatter [tilespmem:s13], [sflag:$0x9], $0x2000, $0x38;
	[tilespmem:$0x1D280] =	vst v63  }
0x77: {  	_ =	swait.ge [sflag:s8], $0x2000  }
0x78: {  	[sflag:s8] =	ssyncset.done $0x0  }
0x79: {  	s28 =	rddreg [dreg:$0x16];
	[sflag:s8] =	ssyncadd.s32 $0xFFFFE000  }
0x7a: {  	[spmem:s28] =	stream.linear.scatter [tilespmem:s13], [sflag:$0x9], $0x2000, $0x38;
	[tilespmem:$0x1D280] =	vst v63  }
0x7b: {  	_ =	swait.ge [sflag:s8], $0x2000  }
0x7c: {  	[sflag:s8] =	ssyncset.done $0x0  }
0x7d: {  	s29 =	rddreg [dreg:$0x17];
	[sflag:s8] =	ssyncadd.s32 $0xFFFFE000  }
0x7e: {  	[spmem:s29] =	stream.linear.scatter [tilespmem:s13], [sflag:$0x9], $0x2000, $0x38;
	[tilespmem:$0x1D280] =	vst v63  }
0x7f: {  	_ =	swait.ge [sflag:s8], $0x2000  }
0x80: {  	[sflag:s8] =	ssyncset.done $0x0  }
0x81: {  	s30 =	rddreg [dreg:$0x18];
	[sflag:s8] =	ssyncadd.s32 $0xFFFFE000  }
0x82: {  	[spmem:s30] =	stream.linear.scatter [tilespmem:s13], [sflag:$0x9], $0x2000, $0x38;
	[tilespmem:$0x1D280] =	vst v63  }
0x83: {  	_ =	swait.ge [sflag:s8], $0x2000  }
0x84: {  	[sflag:s8] =	ssyncset.done $0x0  }
0x85: {  	s31 =	rddreg [dreg:$0x19];
	[sflag:s8] =	ssyncadd.s32 $0xFFFFE000  }
0x86: {  	[spmem:s31] =	stream.linear.scatter [tilespmem:s13], [sflag:$0x9], $0x2000, $0x38;
	[tilespmem:$0x1D280] =	vst v63  }
0x87: {  	_ =	swait.ge [sflag:s8], $0x2000  }
0x88: {  	[sflag:s8] =	ssyncset.done $0x0  }
0x89: {  	[sflag:s8] =	ssyncadd.s32 $0xFFFFE000  }
0x8a: {  	[spmem:s7] =	stream.linear.scatter [tilespmem:s13], [sflag:$0x9], $0x2000, $0x38;
	[tilespmem:$0x1D280] =	vst v63  }
0x8b: {  	_ =	swait.ge [sflag:s8], $0x2000  }
0x8c: {  	[sflag:s8] =	ssyncset.done $0x0  }
0x8d: {  	[sflag:s8] =	ssyncadd.s32 $0xFFFFE000  }
0x8e: {  	s25 =	simm.s32 $0x2;
	s26 =	simm.s32 $0x0;
	[bflag:$0x0] =	sbarrier.arrive $0xFFFF  }
.LBB2_4:
0x8f: {  	s29 =	smul.u32 $0xAB, s25;
	_ =	sdelay $0x1  }
0x90: {  	s28 =	sadd.s32 $0xFFFFFF55, s29  }
0x91: {  	s28 =	sshrl.u32 s28, $0x9  }
0x92: {  	s28 =	sand.u32 $0x7F, s28  }
0x93: {  	s28 =	smul.u32 $0x3, s28;
	_ =	sdelay $0x1  }
0x94: {  	s28 =	sxor.u32 $0xFFFFFFFF, s28  }
0x95: {  	s28 =	sadd.s32 s25, s28  }
0x96: {  	p0 =	seq.s32 s26, $0x4C9;
	s28 =	sand.u32 $0xFF, s28  }
0x97: {  	s5 =	sadd.s32 @!p0 $0x6, s28  }
0x98: {  	_ =	swait.ge @!p0 [sflag:s5], $0xC8  }
0x99: {  	[sflag:s5] =	ssyncset.done @!p0 $0x0  }
0x9a: {  	[sflag:s5] =	ssyncadd.s32 @!p0 $0xFFFFFF38  }
0x9b: {  	_ =	swait.ge @!p0 [sflag:s5], $0x28  }
0x9c: {  	s30 =	sadd.s32 $0xFFFFFFFE, s25;
	[sflag:s5] =	ssyncset.done @!p0 $0x0  }
0x9d: {  	p1 =	sgt.u32 @!p0 s30, $0x2F;
	[sflag:s5] =	ssyncadd.s32 @!p0 $0xFFFFFFD8  }
0x9e: {  	p1 =	por p1, p0;
	_ =	swait.ge @!p0 [sflag:s5], $0x28  }
0x9f: {  	s31 =	smul.u32 @!p1 $0xAB, s25;
	[sflag:s5] =	ssyncset.done @!p0 $0x0  }
0xa0: {  	[sflag:s5] =	ssyncadd.s32 @!p0 $0xFFFFFFD8  }
0xa1: {  	s31 =	sshrl.u32 @!p1 s31, $0x9;
	_ =	swait.ge @!p0 [sflag:s5], $0x28  }
0xa2: {  	s31 =	sand.u32 @!p1 $0x7F, s31;
	[sflag:s5] =	ssyncset.done @!p0 $0x0  }
0xa3: {  	s31 =	smul.u32 @!p1 $0x3, s31;
	[sflag:s5] =	ssyncadd.s32 @!p0 $0xFFFFFFD8  }
0xa4: {  	_ =	swait.ge @!p0 [sflag:s5], $0x28  }
0xa5: {  	s31 =	ssub.s32 @!p1 s25, s31;
	[sflag:s5] =	ssyncset.done @!p0 $0x0  }
0xa6: {  	s31 =	sand.u32 @!p1 $0xFF, s31;
	[sflag:s5] =	ssyncadd.s32 @!p0 $0xFFFFFFD8  }
0xa7: {  	s1 =	smul.u32 @!p1 $0x320, s31;
	_ =	swait.ge @!p0 [sflag:s5], $0x28  }
0xa8: {  	s2 =	sadd.s32 @!p1 s26, s16;
	s6 =	simm.s32 @!p1 $0x0;
	[sflag:s5] =	ssyncset.done @!p0 $0x0  }
0xa9: {  	s1 =	sshrl.u32 @!p1 s1, $0x2;
	[sflag:s5] =	ssyncadd.s32 @!p0 $0xFFFFFFD8;
	s5 =	sadd.s32 @!p1 $0x6, s31  }
0xaa: {  	[tilespmem:s1], [sflag:s5] =	stream.linear.gather @!p1 [hbm4b:s2+s6], $0xC8, $0x38;
	[tilespmem:$0x1D280] =	vst v63  }
0xab: {  	s1 =	sshll.u32 @!p1 s31, $0xA  }
0xac: {  	s2 =	sadd.s32 $0xFFFFFEAA, s29;
	s31 =	sadd.s32 @!p1 s26, s21;
	s29 =	sor.u32 @!p1 $0x280, s1  }
0xad: {  	[tilespmem:s29], [sflag:s5] =	stream.linear.gather @!p1 [hbm4b:s31+s6], $0x28, $0x38;
	[tilespmem:$0x1D280] =	vst v63  }
0xae: {  	s2 =	sshrl.u32 s2, $0x9;
	s29 =	sor.u32 @!p1 $0x300, s1;
	s31 =	sadd.s32 @!p1 s26, s20  }
0xaf: {  	[tilespmem:s29], [sflag:s5] =	stream.linear.gather @!p1 [hbm4b:s31+s6], $0x28, $0x38;
	[tilespmem:$0x1D280] =	vst v63  }
0xb0: {  	s2 =	sand.u32 $0x7F, s2;
	s29 =	sor.u32 @!p1 $0x380, s1;
	s31 =	sadd.s32 @!p1 s26, s19  }
0xb1: {  	[tilespmem:s29], [sflag:s5] =	stream.linear.gather @!p1 [hbm4b:s31+s6], $0x28, $0x38;
	[tilespmem:$0x1D280] =	vst v63  }
0xb2: {  	s2 =	smul.u32 $0x3, s2;
	s29 =	sadd.s32 @!p1 $0x400, s1;
	s31 =	sadd.s32 @!p1 s26, s18  }
0xb3: {  	[tilespmem:s29], [sflag:s5] =	stream.linear.gather @!p1 [hbm4b:s31+s6], $0x28, $0x38;
	[tilespmem:$0x1D280] =	vst v63  }
0xb4: {  	s2 =	ssub.s32 s30, s2;
	s1 =	sadd.s32 @!p1 $0x480, s1;
	s29 =	sadd.s32 @!p1 s26, s17  }
0xb5: {  	[tilespmem:s1], [sflag:s5] =	stream.linear.gather @!p1 [hbm4b:s29+s6], $0x28, $0x38;
	[tilespmem:$0x1D280] =	vst v63  }
0xb6: {  	s30 =	sand.u32 $0xFF, s2;
	_ =	swait.ge [sflag:s14], $0x1400  }
0xb7: {  	s29 =	sshll.u32 s30, $0xA;
	[sflag:s14] =	ssyncset.done $0x0  }
0xb8: {  	s1 =	sor.u32 $0x280, s29;
	[sflag:s14] =	ssyncadd.s32 $0xFFFFEC00  }
0xb9: {  	[spmem:s3] =	stream.indirect.scatter.add.f32 [tilespmem:s10], [sflag:$0x9], $0x80, s1, s9, $0xb8;
	[tilespmem:$0x1D280] =	vst v63  }
0xba: {  	_ =	swait.ge [sflag:s8], $0x1400  }
0xbb: {  	[sflag:s8] =	ssyncset.done $0x0  }
0xbc: {  	s1 =	simm.s32 @p0 $0x2;
	[sflag:s8] =	ssyncadd.s32 $0xFFFFEC00  }
0xbd: {  	_ =	swait.ge @p0 [sflag:s1], $0x1400  }
0xbe: {  	s2 =	simm.s32 @p0 $0x28;
	[sflag:s1] =	ssyncset.done @p0 $0x0  }
0xbf: {  	s5 =	simm.s32 @p0 $0x2280;
	[sflag:s1] =	ssyncadd.s32 @p0 $0xFFFFEC00;
	s1 =	sadd.s32 @p0 $0x300, s29  }
0xc0: {  	[spmem:s3] =	stream.indirect.scatter.add.f32 @p0 [tilespmem:s5], [sflag:$0x9], $0x80, s1, s2, $0xb8;
	[tilespmem:$0x1D280] =	vst v63  }
0xc1: {  	s1 =	simm.s32 @p0 $0x9  }
0xc2: {  	s5 =	smul.u32 @!p0 $0x320, s28;
	_ =	swait.ge @p0 [sflag:s1], $0x1400  }
0xc3: {  	s6 =	simm.s32 @!p0 $0x28;
	[sflag:s1] =	ssyncset.done @p0 $0x0  }
0xc4: {  	s28 =	simm.s32 @!p0 $0xE80;
	s5 =	sshrl.u32 @!p0 s5, $0x2;
	[sflag:s1] =	ssyncadd.s32 @p0 $0xFFFFEC00  }
0xc5: {  	[tilespmem:s28], [sflag:$0x1] =	stream.indirect.gather @!p0 [hbm4b:s0+s6], $0x80, s5, s6, $0xb8;
	[tilespmem:$0x1D280] =	vst v63  }
0xc6: {  	s28 =	simm.s32 @!p0 $0x2  }
0xc7: {  	_ =	swait.ge @!p0 [sflag:s28], $0x1400  }
0xc8: {  	[sflag:s28] =	ssyncset.done @!p0 $0x0  }
0xc9: {  	s30 =	simm.s32 @!p0 $0x2280;
	[sflag:s28] =	ssyncadd.s32 @!p0 $0xFFFFEC00;
	s28 =	sadd.s32 @!p0 $0x300, s29  }
0xca: {  	[spmem:s3] =	stream.indirect.scatter.add.f32 @!p0 [tilespmem:s30], [sflag:$0x9], $0x80, s28, s6, $0xb8;
	[tilespmem:$0x1D280] =	vst v63  }
0xcb: {  	s28 =	simm.s32 @!p0 $0x9  }
0xcc: {  	_ =	swait.ge @!p0 [sflag:s28], $0x1400  }
0xcd: {  	[sflag:s28] =	ssyncset.done @!p0 $0x0  }
0xce: {  	s31 =	sadd.s32 @!p0 $0x28, s5;
	[sflag:s28] =	ssyncadd.s32 @!p0 $0xFFFFEC00  }
0xcf: {  	[tilespmem:s30], [sflag:$0x2] =	stream.indirect.gather @!p0 [hbm4b:s0+s6], $0x80, s31, s6, $0xb8;
	[tilespmem:$0x1D280] =	vst v63  }
0xd0: {  	_ =	swait.ge [sflag:s15], $0x1400  }
0xd1: {  	[sflag:s15] =	ssyncset.done $0x0  }
0xd2: {  	s31 =	sadd.s32 $0x380, s29;
	[sflag:s15] =	ssyncadd.s32 $0xFFFFEC00  }
0xd3: {  	[spmem:s3] =	stream.indirect.scatter.add.f32 [tilespmem:s11], [sflag:$0x9], $0x80, s31, s9, $0xb8;
	[tilespmem:$0x1D280] =	vst v63  }
0xd4: {  	_ =	swait.ge [sflag:s8], $0x1400  }
0xd5: {  	[sflag:s8] =	ssyncset.done $0x0  }
0xd6: {  	s30 =	simm.s32 @p0 $0x4;
	[sflag:s8] =	ssyncadd.s32 $0xFFFFEC00  }
0xd7: {  	_ =	swait.ge @p0 [sflag:s30], $0x1400  }
0xd8: {  	[sflag:s30] =	ssyncset.done @p0 $0x0  }
0xd9: {  	s31 =	simm.s32 @p0 $0x4A80;
	[sflag:s30] =	ssyncadd.s32 @p0 $0xFFFFEC00;
	s30 =	sadd.s32 @p0 $0x400, s29  }
0xda: {  	[spmem:s3] =	stream.indirect.scatter.add.f32 @p0 [tilespmem:s31], [sflag:$0x9], $0x80, s30, s2, $0xb8;
	[tilespmem:$0x1D280] =	vst v63  }
0xdb: {  	_ =	swait.ge @p0 [sflag:s1], $0x1400  }
0xdc: {  	[sflag:s1] =	ssyncset.done @p0 $0x0  }
0xdd: {  	s2 =	simm.s32 @!p0 $0x3680;
	[sflag:s1] =	ssyncadd.s32 @p0 $0xFFFFEC00;
	s1 =	sadd.s32 @!p0 $0x50, s5  }
0xde: {  	[tilespmem:s2], [sflag:$0x3] =	stream.indirect.gather @!p0 [hbm4b:s0+s6], $0x80, s1, s6, $0xb8;
	[tilespmem:$0x1D280] =	vst v63  }
0xdf: {  	s1 =	simm.s32 @!p0 $0x4  }
0xe0: {  	_ =	swait.ge @!p0 [sflag:s1], $0x1400  }
0xe1: {  	[sflag:s1] =	ssyncset.done @!p0 $0x0  }
0xe2: {  	s2 =	simm.s32 @!p0 $0x4A80;
	[sflag:s1] =	ssyncadd.s32 @!p0 $0xFFFFEC00;
	s1 =	sadd.s32 @!p0 $0x400, s29  }
0xe3: {  	[spmem:s3] =	stream.indirect.scatter.add.f32 @!p0 [tilespmem:s2], [sflag:$0x9], $0x80, s1, s6, $0xb8;
	[tilespmem:$0x1D280] =	vst v63  }
0xe4: {  	_ =	swait.ge @!p0 [sflag:s28], $0x1400  }
0xe5: {  	[sflag:s28] =	ssyncset.done @!p0 $0x0  }
0xe6: {  	s1 =	sadd.s32 @!p0 $0x78, s5;
	[sflag:s28] =	ssyncadd.s32 @!p0 $0xFFFFEC00  }
0xe7: {  	[tilespmem:s2], [sflag:$0x4] =	stream.indirect.gather @!p0 [hbm4b:s0+s6], $0x80, s1, s6, $0xb8;
	[tilespmem:$0x1D280] =	vst v63  }
0xe8: {  	s26 =	sadd.s32 @!p0 $0x19, s26;
	_ =	swait.ge [sflag:s22], $0x1400  }
0xe9: {  	p1 =	sne.s32 @!p0 s26, $0x4E2;
	[sflag:s22] =	ssyncset.done $0x0  }
0xea: {  	p1 =	por p0, !p1;
	s31 =	sadd.s32 $0x480, s29;
	[sflag:s22] =	ssyncadd.s32 $0xFFFFEC00  }
0xeb: {  	[spmem:s3] =	stream.indirect.scatter.add.f32 [tilespmem:s12], [sflag:$0x9], $0x80, s31, s9, $0xb8;
	[tilespmem:$0x1D280] =	vst v63  }
.Ltmp1:
0xec: {  	_ = 	snop;
	(pc) =	sbr.rel @!p1 .LBB2_4-.Ltmp1, $4  }
0xed: {  	_ =	swait.ge [sflag:s8], $0x1400  }
0xee: {  	s25 =	sadd.s32 @!p0 $0x1, s25;
	[sflag:s8] =	ssyncset.done $0x0  }
0xef: {  	s1 =	sadd.s32 @!p0 $0xA0, s5;
	s2 =	simm.s32 @!p0 $0x5E80;
	[sflag:s8] =	ssyncadd.s32 $0xFFFFEC00  }
0xf0: {  	[tilespmem:s2], [sflag:$0x5] =	stream.indirect.gather @!p0 [hbm4b:s0+s6], $0x80, s1, s6, $0xb8;
	[tilespmem:$0x1D280] =	vst v63  }
0xf1: {  	s1 =	stileid.u32  }
0xf2: {  	[bflag:$0x0] =	sbarrier.arrive $0xFFFF;
	s1 =	sshll.u32 s1, $0x6  }
0xf3: {  	s2 =	sshrl.u32 s23, $0x3;
	s5 =	rddreg [dreg:$0x10];
	s1 =	sor.u32 $0x1C09, s1  }
0xf4: {  	[hbm:s5], [sflag:s1] =	dma.local [spmem:s2], $0x2800  }
0xf5: {  	_ =	swait.ge [sflag:s8], $0x2800  }
0xf6: {  	s24 =	sadd.s32 $0x1, s24;
	s31 =	rddreg [dreg:$0x11]  }
0xf7: {  	p0 =	sne.s32 s24, s31  }
.Ltmp2:
0xf8: {  	_ = 	snop;
	(pc) =	sbr.rel @p0 .LBB2_1-.Ltmp2, $3  }
0xf9: {  	_ =	sdelay $0x1  }
0xfa: {  	[sflag:s8] =	ssyncset.done $0x0  }
0xfb: {  	[sflag:s8] =	ssyncadd.s32 $0xFFFFD800  }
0xfc: {  	_ =	sfence.sel $0x180000  }
0xfd: {  	[bflag:$0x0] =	sbarrier.arrive $0xFFFF  }
0xfe: {  	_ =	strace $0x90000047  }
0xff: {  	s0 =	stileid.u32;
	[bflag:$0x2] =	sbarrier.arrive $0xFFFF  }
0x100: {  	p0 =	sne.s32 s0, $0x0;
	s0 =	rddreg [dreg:$0x3]  }
0x101: {  	s0 =	sadd.s32 @!p0 $0x100000, s0  }
0x102: {  	[sflag:s0] =	ssyncadd.tile.s32 @!p0 $0x1;
	_ =	shalt  }
.Lfunc_end2:
_tile_overlayer_lowered:
.L_overlay_start_2:
0x103: {  	(tag) =	ssettag $0x2  }
0x104: {  	s0 =	rddreg [dreg:$0x0];
	s2 =	stileid.u32  }
0x105: {  	s1 =	rddreg [dreg:$0x1];
	p0 =	sne.s32 s2, $0x0  }
0x106: {  	s3 =	rddreg [dreg:$0x2];
	[bflag:$0x3] =	sbarrier.arrive $0xFFFF;
	s2 =	simm.s32 @!p0 $0x1C09  }
0x107: {  	[timem:s3], [sflag:s2] =	dma.local @!p0 [hbm:s0], s1  }
0x108: {  	s0 =	simm.s32 @!p0 $0x9  }
0x109: {  	_ =	swait.ge @!p0 [sflag:s0], s1  }
0x10a: {  	s1 =	ssub.s32 @!p0 $0x0, s1;
	[sflag:s0] =	ssyncset.done @!p0 $0x0  }
0x10b: {  	[sflag:s0] =	ssyncadd.s32 @!p0 s1  }
0x10c: {  	[bflag:$0x3] =	sbarrier.arrive $0xFFFF  }
0x10d: {  	_ =	shalt  }

// kernel: kernel.9.cloned.1.call-start
scs
__scs_entry_jumppad:
0x0: {  	(pc) =	sbr.rel $0x88, $3  }
0x1: {  	(tag) =	ssettag $0x0;
	lr =	simm.s32 $0x1  }
0x2: {  	[smem:$0x3F97] =	sst lr;
	_ =	strace $0xD0000000  }
0x3: {  	_ = 	snop  }
0x4: {  	_ = 	snop  }
0x5: {  	_ = 	snop  }
0x6: {  	_ = 	snop  }
0x7: {  	_ = 	snop  }
__scs_overlays_trampoline_lowered:
0x8: {  	[smem:$0x3FA6] =	sst s0  }
0x9: {  	[smem:$0x3FA7] =	sst s1  }
0xa: {  	[smem:$0x3FA8] =	sst s2  }
0xb: {  	[smem:$0x3FA9] =	sst s3  }
0xc: {  	[smem:$0x3FAA] =	sst s4  }
0xd: {  	[smem:$0x3FAB] =	sst s5  }
0xe: {  	[smem:$0x3FAC] =	sst s6  }
0xf: {  	[smem:$0x3FAD] =	sst s7  }
0x10: {  	[smem:$0x3FAE] =	sst s8  }
0x11: {  	[smem:$0x3FAF] =	sst s9;
	s0 =	simm.s32 @!p0 $0x0  }
0x12: {  	s1 =	sld [smem:$0x3F95];
	s0 =	simm.s32 @p0 $0x1  }
0x13: {  	[smem:$0x3FB0] =	sst s0;
	s0 =	simm.s32 @!p1 $0x0  }
0x14: {  	s2 =	sld [smem:$0x3F94];
	s0 =	simm.s32 @p1 $0x1  }
0x15: {  	[smem:$0x3FB1] =	sst s0;
	s0 =	simm.s32 @!p2 $0x0  }
0x16: {  	s3 =	sld [smem:$0x3FDB];
	s0 =	simm.s32 @p2 $0x1  }
0x17: {  	s4 =	simm.s32 $0x1BF5;
	[smem:$0x3FB3] =	sst s0  }
0x18: {  	s0 =	sld [smem:$0x3F96];
	_ =	swait.ge [sflag:s4], $0x0  }
0x19: {  	s7 =	sld [smem:$0x3F97]  }
0x1a: {  	s8 =	sadd.s32 $0xFFFFE003, lr  }
0x1b: {  	s9 =	sadd.s32 $0xFFFFFEF7, lr;
	s5 =	simm.s32 $0xFFFFFFFF;
	p2 =	slt.u32 s8, $0xFFFFF086  }
0x1c: {  	p1 =	slt.u32 s9, $0xF7A;
	s5 =	simm.s32 @!p2 $0x0  }
0x1d: {  	s5 =	simm.s32 @p1 $0x1;
	p0 =	seq.s32 s7, s2  }
0x1e: {  	s7 =	smul.u32 @!p0 $0xF7A, s2;
	p2 =	seq.s32 @!p0 s5, $0x0  }
0x1f: {  	s9 =	smul.u32 $0xF7A, s1;
	s8 =	simm.s32 @!p0 $0x1BF5;
	p2 =	por !p2, p0  }
0x20: {  	[sflag:s8] =	ssyncset.s32 @!p0 $0xFFFFF086;
	s6 =	sadd.s32 @!p0 s3, s7;
	s7 =	simm.s32 @!p0 $0x108  }
0x21: {  	s3 =	sadd.s32 s3, s9;
	s6 =	sadd.s32 @!p0 $0x88, s6;
	s7 =	simm.s32 @p2 $0x1082  }
0x22: {  	[simem:s7], [sflag:s8] =	dma.local @!p0 [hbm:s6], $0xF7A  }
0x23: {  	s9 =	sor.u32 $0xD0000000, s2;
	s6 =	simm.s32 $0x108;
	_ =	swait.ge @!p0 [sflag:s8], $0x0  }
0x24: {  	s3 =	sadd.s32 $0x88, s3;
	s6 =	simm.s32 @!p1 $0x1082;
	[sflag:s4] =	ssyncset.s32 $0xFFFFF086  }
0x25: {  	[simem:s6], [sflag:s4] =	dma.local [hbm:s3], $0xF7A  }
0x26: {  	[smem:$0x3F97] =	sst s1;
	(tag) =	ssettag s2;
	_ =	strace s9  }
0x27: {  	s1 =	sld [smem:$0x3FA7]  }
0x28: {  	s2 =	sld [smem:$0x3FA8]  }
0x29: {  	s4 =	sld [smem:$0x3FAA]  }
0x2a: {  	p0 =	seq.s32 s5, $0x0;
	s5 =	sld [smem:$0x3FAB]  }
0x2b: {  	s6 =	sld [smem:$0x3FAC]  }
0x2c: {  	s7 =	sld [smem:$0x3FAD]  }
0x2d: {  	s3 =	simm.s32 $0x108;
	s8 =	sld [smem:$0x3FAE]  }
0x2e: {  	s3 =	simm.s32 @!p0 $0x1082;
	s9 =	sld [smem:$0x3FAF]  }
0x2f: {  	lr =	sadd.s32 s0, s3;
	s0 =	sld [smem:$0x3FA6]  }
0x30: {  	s3 =	sld [smem:$0x3FA9]  }
0x31: {  	[smem:$0x3FB2] =	sst s10  }
0x32: {  	s10 =	sld [smem:$0x3FB0];
	_ =	sdelay $0x3  }
0x33: {  	p0 =	seq.s32 s10, $0x1;
	s10 =	sld [smem:$0x3FB2];
	_ =	sdelay $0x3  }
0x34: {  	[smem:$0x3FB2] =	sst s10  }
0x35: {  	s10 =	sld [smem:$0x3FB1];
	_ =	sdelay $0x3  }
0x36: {  	p1 =	seq.s32 s10, $0x1;
	s10 =	sld [smem:$0x3FB2];
	_ =	sdelay $0x3  }
0x37: {  	[smem:$0x3FB2] =	sst s10  }
0x38: {  	s10 =	sld [smem:$0x3FB3]  }
0x39: {  	_ = 	snop;
	(pc) =	sbr.ind lr, $3  }
0x3a: {  	_ = 	snop  }
0x3b: {  	_ = 	snop  }
0x3c: {  	p2 =	seq.s32 s10, $0x1;
	s10 =	sld [smem:$0x3FB2]  }
0x3d: {  	_ =	shalt  }
0x3e: {  	_ =	shalt  }
0x3f: {  	_ =	shalt  }
0x40: {  	_ =	shalt  }
0x41: {  	_ =	shalt  }
0x42: {  	_ =	shalt  }
0x43: {  	_ =	shalt  }
0x44: {  	_ =	shalt  }
0x45: {  	_ =	shalt  }
0x46: {  	_ =	shalt  }
0x47: {  	_ =	shalt  }
0x48: {  	_ =	shalt  }
0x49: {  	_ =	shalt  }
0x4a: {  	_ =	shalt  }
0x4b: {  	_ =	shalt  }
0x4c: {  	_ =	shalt  }
0x4d: {  	_ =	shalt  }
0x4e: {  	_ =	shalt  }
0x4f: {  	_ =	shalt  }
0x50: {  	_ =	shalt  }
0x51: {  	_ =	shalt  }
0x52: {  	_ =	shalt  }
0x53: {  	_ =	shalt  }
0x54: {  	_ =	shalt  }
0x55: {  	_ =	shalt  }
0x56: {  	_ =	shalt  }
0x57: {  	_ =	shalt  }
0x58: {  	_ =	shalt  }
0x59: {  	_ =	shalt  }
0x5a: {  	_ =	shalt  }
0x5b: {  	_ =	shalt  }
0x5c: {  	_ =	shalt  }
0x5d: {  	_ =	shalt  }
0x5e: {  	_ =	shalt  }
0x5f: {  	_ =	shalt  }
0x60: {  	_ =	shalt  }
0x61: {  	_ =	shalt  }
0x62: {  	_ =	shalt  }
0x63: {  	_ =	shalt  }
0x64: {  	_ =	shalt  }
0x65: {  	_ =	shalt  }
0x66: {  	_ =	shalt  }
0x67: {  	_ =	shalt  }
0x68: {  	_ =	shalt  }
0x69: {  	_ =	shalt  }
0x6a: {  	_ =	shalt  }
0x6b: {  	_ =	shalt  }
0x6c: {  	_ =	shalt  }
0x6d: {  	_ =	shalt  }
0x6e: {  	_ =	shalt  }
0x6f: {  	_ =	shalt  }
0x70: {  	_ =	shalt  }
0x71: {  	_ =	shalt  }
0x72: {  	_ =	shalt  }
0x73: {  	_ =	shalt  }
0x74: {  	_ =	shalt  }
0x75: {  	_ =	shalt  }
0x76: {  	_ =	shalt  }
0x77: {  	_ =	shalt  }
0x78: {  	_ =	shalt  }
0x79: {  	_ =	shalt  }
0x7a: {  	_ =	shalt  }
0x7b: {  	_ =	shalt  }
0x7c: {  	_ =	shalt  }
0x7d: {  	_ =	shalt  }
0x7e: {  	_ =	shalt  }
0x7f: {  	_ =	shalt  }
0x80: {  	_ =	shalt  }
0x81: {  	_ =	shalt  }
0x82: {  	_ =	shalt  }
0x83: {  	_ =	shalt  }
0x84: {  	_ =	shalt  }
0x85: {  	_ =	shalt  }
0x86: {  	_ =	shalt  }
0x87: {  	_ =	shalt  }
.Lfunc_end0:
.L_simem_size_0:
called_computation.1_lowered:
.L_overlay_start_0:
0x88: {  	s2 =	sld [smem:$0x3FD9]  }
0x89: {  	s3 =	sld [smem:$0x3FFE];
	_ =	sdelay $0x1  }
0x8a: {  	s1 =	srdreg.scid  }
0x8b: {  	s0 =	sand.u32 $0x1, s1  }
0x8c: {  	s16 =	sshll.u32 s0, $0xA;
	s2 =	sadd.s32 s3, s2  }
0x8d: {  	s2 =	sadd.s32 s2, s16  }
0x8e: {  	[smem:$0x3FBE] =	sst s2  }
0x8f: {  	_ = 	snop  }
0x90: {  	(tm) =	ssettm $0x1  }
0x91: {  	s17 =	sld [smem:$0x3FFB];
	_ =	sdelay $0x3  }
0x92: {  	_ =	strace s17  }
0x93: {  	s2 =	sld [smem:$0x3FFC];
	_ =	sdelay $0x3  }
0x94: {  	_ =	strace s2  }
0x95: {  	s2 =	sld [smem:$0x3FFD];
	_ =	sdelay $0x3  }
0x96: {  	_ =	strace s2  }
0x97: {  	_ =	strace $0x8FFFFFFF  }
0x98: {  	s18 =	sld [smem:$0x3FDB];
	_ =	sdelay $0x1  }
0x99: {  	s19 =	simm.s32 $_scs_section_size  }
0x9a: {  	s4 =	simm.s32 $_size__tile_overlayer_lowered;
	s5 =	simm.s32 $_tile_overlayer_lowered  }
0x9b: {  	s22 =	simm.s32 $0x1BFF;
	s21 =	sshll.u32 s5, $0x1;
	s2 =	sadd.s32 s19, s18  }
0x9c: {  	s6 =	simm.s32 $0x0;
	s20 =	sshll.u32 s4, $0x1;
	s4 =	sadd.s32 s21, s2  }
0x9d: {  	[timem:s6], [sflag:s22] =	dma.local [hbm:s4], s20  }
0x9e: {  	_ =	swait.ge [sflag:s22], s20  }
0x9f: {  	s3 =	ssub.s32 $0x0, s20;
	[sflag:s22] =	ssyncset.done $0x0  }
0xa0: {  	[sflag:s22] =	ssyncadd.s32 s3;
	_ =	sdelay $0x1  }
0xa1: {  	s23 =	simm.s32 $0x1B8B  }
0xa2: {  	_ =	swait.ge [sflag:s23], $0x1  }
0xa3: {  	[sflag:s23] =	ssyncset.done $0x0  }
0xa4: {  	s25 =	simm.s32 $0x1B8E;
	s24 =	sld [smem:$0x3FFE];
	[sflag:s23] =	ssyncadd.s32 $0xFFFFFFFF  }
0xa5: {  	s26 =	simm.s32 $execute0_lowered;
	[smem:$0x3FD2] =	sst s25  }
0xa6: {  	s4 =	sshll.u32 s26, $0x1;
	_ =	strace $0x80000049;
	[dreg:$0x1] =	wrdreg $0xFFFFFFFF  }
0xa7: {  	s28 =	simm.s32 $_size_execute0_lowered;
	s2 =	sadd.s32 s2, s4;
	[dreg:$0x0] =	wrdreg $0x0  }
0xa8: {  	s4 =	sshll.u32 s28, $0x1;
	[dreg:$0x2] =	wrdreg s2  }
0xa9: {  	[dreg:$0x3] =	wrdreg s4  }
0xaa: {  	[dreg:$0x4] =	wrdreg $0xC0  }
0xab: {  	_ =	task [dreg:s6], $0x5FFFF  }
0xac: {  	[dreg:$0x1] =	wrdreg $0xFFFFFFFF  }
0xad: {  	[dreg:$0x0] =	wrdreg $0x60  }
0xae: {  	[dreg:$0x2] =	wrdreg s24  }
0xaf: {  	[dreg:$0x3] =	wrdreg $0x92800  }
0xb0: {  	[dreg:$0x4] =	wrdreg $0x9  }
0xb1: {  	_ =	task.clear_ibuf [dreg:s6], $0x5FFFF;
	_ =	strace $0x90000049  }
0xb2: {  	s29 =	simm.s32 $0x9;
	_ =	strace $0x8000004B  }
0xb3: {  	_ =	swait.ge [sflag:s29], $0x1  }
0xb4: {  	[sflag:s29] =	ssyncadd.s32 $0xFFFFFFFF  }
0xb5: {  	_ =	strace $0x9000004B  }
0xb6: {  	_ =	sfence  }
0xb7: {  	s30 =	sld [smem:$0x0];
	_ =	sdelay $0x2  }
0xb8: {  	s31 =	sshll.u32 s1, $0xD;
	s1 =	sshrl.u32 s1, $0x2  }
0xb9: {  	s3 =	sand.u32 $0x4000, s31;
	s1 =	sadd.s32 s1, s30  }
0xba: {  	s0 =	sor.u32 s3, s0;
	s1 =	sshll.u32 s1, $0x11  }
0xbb: {  	s0 =	sor.u32 s1, s0  }
0xbc: {  	s0 =	sadd.s32 $0x8F2B, s0  }
0xbd: {  	[sflag:s0] =	ssyncadd.remote.s32 $0x1  }
0xbe: {  	_ =	sfence.sel $0xFFFF  }
0xbf: {  	[dreg:$0x0] =	wrdreg $0xFFFFFFFF;
	(pc) =	sbr.abs _section_cstart, $3  }
0xc0: {  	[dreg:$0x1] =	wrdreg $0xFFFFFFFF  }
0xc1: {  	_ =	task.clear_ibuf [dreg:s6], $0x2FFFF;
	_ =	strace $0x9FFFFFFF  }
0xc2: {  	(tm) =	ssettm $0x7FFFFFFF  }
0xc3: {  	_ =	shalt  }
tec
execute0_lowered:
.L_overlay_start_1:
0x0: {  	(tag) =	ssettag $0x1  }
0x1: {  	s0 =	rddreg [dreg:$0x0]  }
0x2: {  	s1 =	rddreg [dreg:$0x1];
	s13 =	stileid.u32  }
0x3: {  	s2 =	srdreg.scid;
	s6 =	smul.u32 $0x14000, s13  }
0x4: {  	s3 =	simm.s32 $0x0;
	s2 =	sand.u32 $0x1, s2;
	s12 =	smul.u32 $0x50000, s13  }
0x5: {  	[smem:$0x7FF] =	sst s3;
	s4 =	sadd.s32 $0x15800, s0;
	s26 =	smul.u32 $0x2710, s13  }
0x6: {  	s8 =	sadd.s32 $0x1E00, s0;
	s5 =	smul.u32 $0x140000, s2;
	_ =	strace $0x8000004A  }
0x7: {  	s7 =	sshll.u32 s2, $0x4;
	s16 =	ssub.s32 $0x2, s2;
	s2 =	smul.u32 $0x27100, s2  }
0x8: {  	s15 =	sor.u32 s13, s7;
	s17 =	sshrl.u32 s16, $0x1;
	s29 =	sshrl.u32 s12, $0x2  }
0x9: {  	s5 =	sadd.s32 s6, s5;
	s6 =	smul.u32 $0x2710, s15;
	s2 =	sadd.s32 s26, s2  }
0xa: {  	s7 =	ssub.s32 s16, s17;
	s5 =	sshrl.u32 s5, $0x3;
	s30 =	sadd.s32 $0x190, s2  }
0xb: {  	s31 =	sadd.s32 $0x4E408, s2;
	s12 =	sadd.s32 $0x4E3E0, s2;
	s13 =	sadd.s32 $0x4E3B8, s2  }
0xc: {  	s15 =	smax.u32 s7, $0x1;
	s0 =	sadd.s32 s5, s0;
	s18 =	sshrl.u32 s6, $0x3  }
0xd: {  	s9 =	sadd.s32 $0x4E228, s6;
	s10 =	sadd.s32 $0x4E278, s6;
	s22 =	sadd.s32 $0x4E2C8, s6  }
0xe: {  	s23 =	sadd.s32 $0x4E318, s6;
	s24 =	sadd.s32 $0xC8, s6;
	s6 =	sadd.s32 $0x4E368, s6  }
0xf: {  	[dreg:$0x10] =	wrdreg s15;
	s15 =	simm.s32 $0x3;
	s5 =	sadd.s32 s8, s18  }
0x10: {  	s9 =	sshrl.u32 s9, $0x3;
	s19 =	sshrl.u32 s10, $0x3;
	s25 =	sshrl.u32 s23, $0x3  }
0x11: {  	s6 =	sshrl.u32 s6, $0x3;
	s10 =	sadd.s32 $0x4E430, s2;
	s2 =	sadd.s32 $0x4E390, s2  }
0x12: {  	s23 =	sadd.s32 s29, s1;
	s0 =	sadd.s32 $0x3CA00, s0;
	[dreg:$0x3] =	wrdreg s5  }
0x13: {  	s11 =	sadd.s32 $0x9C40, s5;
	s9 =	sadd.s32 s8, s9;
	[dreg:$0xf] =	wrdreg s0  }
0x14: {  	s20 =	sadd.s32 $0x9C4A, s5;
	s21 =	sadd.s32 $0x9C54, s5;
	[dreg:$0x4] =	wrdreg s11  }
0x15: {  	s28 =	sadd.s32 $0x9C5E, s5;
	s6 =	sadd.s32 s8, s6;
	[dreg:$0x5] =	wrdreg s9  }
0x16: {  	s10 =	sshrl.u32 s10, $0x3;
	s2 =	sshrl.u32 s2, $0x3;
	[dreg:$0x6] =	wrdreg s20  }
0x17: {  	s14 =	sadd.s32 $0x9C68, s5;
	s26 =	sadd.s32 $0x8000, s23;
	[dreg:$0x8] =	wrdreg s21  }
0x18: {  	s29 =	sadd.s32 $0xC000, s23;
	s7 =	sadd.s32 $0x12000, s23;
	[dreg:$0xb] =	wrdreg s28  }
0x19: {  	s9 =	sadd.s32 s8, s19;
	s11 =	sshrl.u32 s24, $0x3;
	[dreg:$0xd] =	wrdreg s6  }
0x1a: {  	s17 =	sadd.s32 s10, s8;
	s10 =	sshrl.u32 s13, $0x3;
	[dreg:$0xe] =	wrdreg s14  }
0x1b: {  	s21 =	sadd.s32 s2, s8;
	s24 =	sadd.s32 $0x4000, s23;
	[dreg:$0x14] =	wrdreg s26  }
0x1c: {  	s28 =	sadd.s32 $0xA000, s23;
	[dreg:$0x16] =	wrdreg s29;
	s13 =	simm.s32 $0x7280  }
0x1d: {  	s14 =	simm.s32 $0x1;
	[dreg:$0x7] =	wrdreg s9;
	s11 =	sadd.s32 s8, s11  }
0x1e: {  	s9 =	sshrl.u32 s22, $0x3;
	s20 =	sadd.s32 s10, s8;
	[dreg:$0x12] =	wrdreg s24  }
0x1f: {  	s22 =	sadd.s32 $0x2000, s23;
	[dreg:$0x15] =	wrdreg s28;
	s10 =	simm.s32 $0xE80  }
0x20: {  	s24 =	simm.s32 $0x0;
	[dreg:$0x9] =	wrdreg s11;
	s9 =	sadd.s32 s8, s9  }
0x21: {  	s11 =	sshrl.u32 s31, $0x3;
	[dreg:$0x11] =	wrdreg s22;
	s31 =	sadd.s32 $0x10000, s23  }
0x22: {  	s22 =	simm.s32 $0x5;
	[dreg:$0xa] =	wrdreg s9;
	s9 =	sadd.s32 s8, s25  }
0x23: {  	s18 =	sadd.s32 s11, s8;
	s25 =	sadd.s32 $0x6000, s23;
	[dreg:$0x18] =	wrdreg s31  }
0x24: {  	s11 =	simm.s32 $0x3680;
	[dreg:$0xc] =	wrdreg s9;
	s9 =	sshrl.u32 s30, $0x3  }
0x25: {  	[dreg:$0x13] =	wrdreg s25;
	s30 =	sadd.s32 $0xE000, s23;
	s16 =	sadd.s32 s9, s8  }
0x26: {  	s9 =	sshrl.u32 s12, $0x3;
	[dreg:$0x17] =	wrdreg s30;
	s12 =	simm.s32 $0x5E80  }
0x27: {  	v0 =	vimm.f32 $0.0e+00;
	s19 =	sadd.s32 s9, s8;
	s8 =	simm.s32 $0x9;
	s9 =	simm.s32 $0x28  }
.LBB2_1:
0x28: {  	s0 =	rddreg [dreg:$0x3]  }
0x29: {  	[tilespmem:s3], [sflag:$0x9] =	stream.linear.gather [hbm4b:s0+s3], $0xC8, $0x38;
	[tilespmem:$0x1D280] =	vst v63  }
0x2a: {  	_ =	swait.ge [sflag:s8], $0xC8  }
0x2b: {  	[sflag:s8] =	ssyncset.done $0x0  }
0x2c: {  	s2 =	simm.s32 $0x280;
	s31 =	rddreg [dreg:$0x4];
	[sflag:s8] =	ssyncadd.s32 $0xFFFFFF38  }
0x2d: {  	[tilespmem:s2], [sflag:$0x9] =	stream.linear.gather [hbm4b:s31+s3], $0x28, $0x38;
	[tilespmem:$0x1D280] =	vst v63  }
0x2e: {  	_ =	swait.ge [sflag:s8], $0x28  }
0x2f: {  	[sflag:s8] =	ssyncset.done $0x0  }
0x30: {  	s6 =	simm.s32 $0x300;
	s5 =	rddreg [dreg:$0x5];
	[sflag:s8] =	ssyncadd.s32 $0xFFFFFFD8  }
0x31: {  	[tilespmem:s6], [sflag:$0x9] =	stream.linear.gather [hbm4b:s5+s3], $0x28, $0x38;
	[tilespmem:$0x1D280] =	vst v63  }
0x32: {  	_ =	swait.ge [sflag:s8], $0x28  }
0x33: {  	[sflag:s8] =	ssyncset.done $0x0  }
0x34: {  	s26 =	simm.s32 $0x380;
	s25 =	rddreg [dreg:$0x6];
	[sflag:s8] =	ssyncadd.s32 $0xFFFFFFD8  }
0x35: {  	[tilespmem:s26], [sflag:$0x9] =	stream.linear.gather [hbm4b:s25+s3], $0x28, $0x38;
	[tilespmem:$0x1D280] =	vst v63  }
0x36: {  	_ =	swait.ge [sflag:s8], $0x28  }
0x37: {  	[sflag:s8] =	ssyncset.done $0x0  }
0x38: {  	s29 =	simm.s32 $0x400;
	s28 =	rddreg [dreg:$0x7];
	[sflag:s8] =	ssyncadd.s32 $0xFFFFFFD8  }
0x39: {  	[tilespmem:s29], [sflag:$0x9] =	stream.linear.gather [hbm4b:s28+s3], $0x28, $0x38;
	[tilespmem:$0x1D280] =	vst v63  }
0x3a: {  	_ =	swait.ge [sflag:s8], $0x28  }
0x3b: {  	[sflag:s8] =	ssyncset.done $0x0  }
0x3c: {  	s31 =	simm.s32 $0x480;
	s30 =	rddreg [dreg:$0x8];
	[sflag:s8] =	ssyncadd.s32 $0xFFFFFFD8  }
0x3d: {  	[tilespmem:s31], [sflag:$0x9] =	stream.linear.gather [hbm4b:s30+s3], $0x28, $0x38;
	[tilespmem:$0x1D280] =	vst v63  }
0x3e: {  	_ =	swait.ge [sflag:s8], $0x28  }
0x3f: {  	[sflag:s8] =	ssyncset.done $0x0  }
0x40: {  	s6 =	simm.s32 $0xC8;
	s5 =	rddreg [dreg:$0x9];
	[sflag:s8] =	ssyncadd.s32 $0xFFFFFFD8  }
0x41: {  	[tilespmem:s6], [sflag:$0x7] =	stream.linear.gather [hbm4b:s5+s3], $0xC8, $0x38;
	[tilespmem:$0x1D280] =	vst v63  }
0x42: {  	s26 =	simm.s32 $0x680;
	s25 =	rddreg [dreg:$0xa]  }
0x43: {  	[tilespmem:s26], [sflag:$0x7] =	stream.linear.gather [hbm4b:s25+s3], $0x28, $0x38;
	[tilespmem:$0x1D280] =	vst v63  }
0x44: {  	s29 =	simm.s32 $0x700;
	s28 =	rddreg [dreg:$0xb]  }
0x45: {  	[tilespmem:s29], [sflag:$0x7] =	stream.linear.gather [hbm4b:s28+s3], $0x28, $0x38;
	[tilespmem:$0x1D280] =	vst v63  }
0x46: {  	s31 =	simm.s32 $0x780;
	s30 =	rddreg [dreg:$0xc]  }
0x47: {  	[tilespmem:s31], [sflag:$0x7] =	stream.linear.gather [hbm4b:s30+s3], $0x28, $0x38;
	[tilespmem:$0x1D280] =	vst v63  }
0x48: {  	s2 =	rddreg [dreg:$0xe];
	s5 =	simm.s32 $0x800  }
0x49: {  	[tilespmem:s5], [sflag:$0x7] =	stream.linear.gather [hbm4b:s2+s3], $0x28, $0x38;
	[tilespmem:$0x1D280] =	vst v63  }
0x4a: {  	s6 =	rddreg [dreg:$0xd];
	s25 =	simm.s32 $0x880  }
0x4b: {  	[tilespmem:s25], [sflag:$0x7] =	stream.linear.gather [hbm4b:s6+s3], $0x28, $0x38;
	[tilespmem:$0x1D280] =	vst v63  }
0x4c: {  	_ = 	snop  }
0x4d: {  	[tilespmem:s10], [sflag:$0x1] =	stream.indirect.gather [hbm4b:s4+s9], $0x80, s3, s9, $0xb8;
	[tilespmem:$0x1D280] =	vst v63  }
0x4e: {  	s26 =	simm.s32 $0x2280  }
0x4f: {  	[tilespmem:s26], [sflag:$0x2] =	stream.indirect.gather [hbm4b:s4+s9], $0x80, s9, s9, $0xb8;
	[tilespmem:$0x1D280] =	vst v63  }
0x50: {  	s28 =	simm.s32 $0x50  }
0x51: {  	[tilespmem:s11], [sflag:$0x3] =	stream.indirect.gather [hbm4b:s4+s9], $0x80, s28, s9, $0xb8;
	[tilespmem:$0x1D280] =	vst v63  }
0x52: {  	s29 =	simm.s32 $0x78;
	s30 =	simm.s32 $0x4A80  }
0x53: {  	[tilespmem:s30], [sflag:$0x4] =	stream.indirect.gather [hbm4b:s4+s9], $0x80, s29, s9, $0xb8;
	[tilespmem:$0x1D280] =	vst v63  }
0x54: {  	s31 =	simm.s32 $0xA0;
	s25 =	simm.s32 $0x0;
	s26 =	simm.s32 $0x200  }
0x55: {  	[tilespmem:s12], [sflag:$0x5] =	stream.indirect.gather [hbm4b:s4+s9], $0x80, s31, s9, $0xb8;
	[tilespmem:$0x1D280] =	vst v63  }
.LBB2_2:
0x56: {  	p0 =	sne.s32 s26, $0x7E00;
	[tilespmem:s25+$0x72F0] =	vst v0  }
0x57: {  	[tilespmem:s25+$0x7280] =	vst v0  }
0x58: {  	[tilespmem:s25+$0x7290] =	vst v0  }
.Ltmp0:
0x59: {  	[tilespmem:s25+$0x72A0] =	vst v0;
	(pc) =	sbr.rel @p0 .LBB2_2-.Ltmp0, $4  }
0x5a: {  	[tilespmem:s25+$0x72B0] =	vst v0  }
0x5b: {  	[tilespmem:s25+$0x72C0] =	vst v0  }
0x5c: {  	[tilespmem:s25+$0x72D0] =	vst v0  }
0x5d: {  	[tilespmem:s25+$0x72E0] =	vst v0;
	s25 =	sshra.s32 s26, $0x2;
	s26 =	sadd.s32 $0x200, s26  }
0x5e: {  	[tilespmem:s25+$0x72F0] =	vst v0  }
0x5f: {  	[tilespmem:s25+$0x7280] =	vst v0  }
0x60: {  	[tilespmem:s25+$0x7290] =	vst v0  }
0x61: {  	[tilespmem:s25+$0x72A0] =	vst v0  }
0x62: {  	[tilespmem:s25+$0x72B0] =	vst v0  }
0x63: {  	[tilespmem:s25+$0x72C0] =	vst v0  }
0x64: {  	[tilespmem:s25+$0x72D0] =	vst v0  }
0x65: {  	[tilespmem:s25+$0x72E0] =	vst v0  }
0x66: {  	[spmem:s23] =	stream.linear.scatter [tilespmem:s13], [sflag:$0x9], $0x2000, $0x38;
	[tilespmem:$0x1D280] =	vst v63  }
0x67: {  	_ =	swait.ge [sflag:s8], $0x2000  }
0x68: {  	[sflag:s8] =	ssyncset.done $0x0  }
0x69: {  	s0 =	rddreg [dreg:$0x11];
	[sflag:s8] =	ssyncadd.s32 $0xFFFFE000  }
0x6a: {  	[spmem:s0] =	stream.linear.scatter [tilespmem:s13], [sflag:$0x9], $0x2000, $0x38;
	[tilespmem:$0x1D280] =	vst v63  }
0x6b: {  	_ =	swait.ge [sflag:s8], $0x2000  }
0x6c: {  	[sflag:s8] =	ssyncset.done $0x0  }
0x6d: {  	s6 =	rddreg [dreg:$0x12];
	[sflag:s8] =	ssyncadd.s32 $0xFFFFE000  }
0x6e: {  	[spmem:s6] =	stream.linear.scatter [tilespmem:s13], [sflag:$0x9], $0x2000, $0x38;
	[tilespmem:$0x1D280] =	vst v63  }
0x6f: {  	_ =	swait.ge [sflag:s8], $0x2000  }
0x70: {  	[sflag:s8] =	ssyncset.done $0x0  }
0x71: {  	s25 =	rddreg [dreg:$0x13];
	[sflag:s8] =	ssyncadd.s32 $0xFFFFE000  }
0x72: {  	[spmem:s25] =	stream.linear.scatter [tilespmem:s13], [sflag:$0x9], $0x2000, $0x38;
	[tilespmem:$0x1D280] =	vst v63  }
0x73: {  	_ =	swait.ge [sflag:s8], $0x2000  }
0x74: {  	[sflag:s8] =	ssyncset.done $0x0  }
0x75: {  	s26 =	rddreg [dreg:$0x14];
	[sflag:s8] =	ssyncadd.s32 $0xFFFFE000  }
0x76: {  	[spmem:s26] =	stream.linear.scatter [tilespmem:s13], [sflag:$0x9], $0x2000, $0x38;
	[tilespmem:$0x1D280] =	vst v63  }
0x77: {  	_ =	swait.ge [sflag:s8], $0x2000  }
0x78: {  	[sflag:s8] =	ssyncset.done $0x0  }
0x79: {  	s28 =	rddreg [dreg:$0x15];
	[sflag:s8] =	ssyncadd.s32 $0xFFFFE000  }
0x7a: {  	[spmem:s28] =	stream.linear.scatter [tilespmem:s13], [sflag:$0x9], $0x2000, $0x38;
	[tilespmem:$0x1D280] =	vst v63  }
0x7b: {  	_ =	swait.ge [sflag:s8], $0x2000  }
0x7c: {  	[sflag:s8] =	ssyncset.done $0x0  }
0x7d: {  	s29 =	rddreg [dreg:$0x16];
	[sflag:s8] =	ssyncadd.s32 $0xFFFFE000  }
0x7e: {  	[spmem:s29] =	stream.linear.scatter [tilespmem:s13], [sflag:$0x9], $0x2000, $0x38;
	[tilespmem:$0x1D280] =	vst v63  }
0x7f: {  	_ =	swait.ge [sflag:s8], $0x2000  }
0x80: {  	[sflag:s8] =	ssyncset.done $0x0  }
0x81: {  	s30 =	rddreg [dreg:$0x17];
	[sflag:s8] =	ssyncadd.s32 $0xFFFFE000  }
0x82: {  	[spmem:s30] =	stream.linear.scatter [tilespmem:s13], [sflag:$0x9], $0x2000, $0x38;
	[tilespmem:$0x1D280] =	vst v63  }
0x83: {  	_ =	swait.ge [sflag:s8], $0x2000  }
0x84: {  	[sflag:s8] =	ssyncset.done $0x0  }
0x85: {  	s31 =	rddreg [dreg:$0x18];
	[sflag:s8] =	ssyncadd.s32 $0xFFFFE000  }
0x86: {  	[spmem:s31] =	stream.linear.scatter [tilespmem:s13], [sflag:$0x9], $0x2000, $0x38;
	[tilespmem:$0x1D280] =	vst v63  }
0x87: {  	_ =	swait.ge [sflag:s8], $0x2000  }
0x88: {  	[sflag:s8] =	ssyncset.done $0x0  }
0x89: {  	[sflag:s8] =	ssyncadd.s32 $0xFFFFE000  }
0x8a: {  	[spmem:s7] =	stream.linear.scatter [tilespmem:s13], [sflag:$0x9], $0x2000, $0x38;
	[tilespmem:$0x1D280] =	vst v63  }
0x8b: {  	_ =	swait.ge [sflag:s8], $0x2000  }
0x8c: {  	[sflag:s8] =	ssyncset.done $0x0  }
0x8d: {  	[sflag:s8] =	ssyncadd.s32 $0xFFFFE000  }
0x8e: {  	s25 =	simm.s32 $0x2;
	s26 =	simm.s32 $0x0;
	[bflag:$0x0] =	sbarrier.arrive $0xFFFF  }
.LBB2_4:
0x8f: {  	s29 =	smul.u32 $0xAB, s25;
	_ =	sdelay $0x1  }
0x90: {  	s28 =	sadd.s32 $0xFFFFFF55, s29  }
0x91: {  	s28 =	sshrl.u32 s28, $0x9  }
0x92: {  	s28 =	sand.u32 $0x7F, s28  }
0x93: {  	s28 =	smul.u32 $0x3, s28;
	_ =	sdelay $0x1  }
0x94: {  	s28 =	sxor.u32 $0xFFFFFFFF, s28  }
0x95: {  	s28 =	sadd.s32 s25, s28  }
0x96: {  	p0 =	seq.s32 s26, $0x4C9;
	s28 =	sand.u32 $0xFF, s28  }
0x97: {  	s5 =	sadd.s32 @!p0 $0x6, s28  }
0x98: {  	_ =	swait.ge @!p0 [sflag:s5], $0xC8  }
0x99: {  	[sflag:s5] =	ssyncset.done @!p0 $0x0  }
0x9a: {  	[sflag:s5] =	ssyncadd.s32 @!p0 $0xFFFFFF38  }
0x9b: {  	_ =	swait.ge @!p0 [sflag:s5], $0x28  }
0x9c: {  	s30 =	sadd.s32 $0xFFFFFFFE, s25;
	[sflag:s5] =	ssyncset.done @!p0 $0x0  }
0x9d: {  	p1 =	sgt.u32 @!p0 s30, $0x2F;
	[sflag:s5] =	ssyncadd.s32 @!p0 $0xFFFFFFD8  }
0x9e: {  	p1 =	por p1, p0;
	_ =	swait.ge @!p0 [sflag:s5], $0x28  }
0x9f: {  	s31 =	smul.u32 @!p1 $0xAB, s25;
	[sflag:s5] =	ssyncset.done @!p0 $0x0  }
0xa0: {  	[sflag:s5] =	ssyncadd.s32 @!p0 $0xFFFFFFD8  }
0xa1: {  	s31 =	sshrl.u32 @!p1 s31, $0x9;
	_ =	swait.ge @!p0 [sflag:s5], $0x28  }
0xa2: {  	s31 =	sand.u32 @!p1 $0x7F, s31;
	[sflag:s5] =	ssyncset.done @!p0 $0x0  }
0xa3: {  	s31 =	smul.u32 @!p1 $0x3, s31;
	[sflag:s5] =	ssyncadd.s32 @!p0 $0xFFFFFFD8  }
0xa4: {  	_ =	swait.ge @!p0 [sflag:s5], $0x28  }
0xa5: {  	s31 =	ssub.s32 @!p1 s25, s31;
	[sflag:s5] =	ssyncset.done @!p0 $0x0  }
0xa6: {  	s31 =	sand.u32 @!p1 $0xFF, s31;
	[sflag:s5] =	ssyncadd.s32 @!p0 $0xFFFFFFD8  }
0xa7: {  	s0 =	smul.u32 @!p1 $0x320, s31;
	_ =	swait.ge @!p0 [sflag:s5], $0x28  }
0xa8: {  	s2 =	sadd.s32 @!p1 s26, s16;
	s6 =	simm.s32 @!p1 $0x0;
	[sflag:s5] =	ssyncset.done @!p0 $0x0  }
0xa9: {  	s0 =	sshrl.u32 @!p1 s0, $0x2;
	[sflag:s5] =	ssyncadd.s32 @!p0 $0xFFFFFFD8;
	s5 =	sadd.s32 @!p1 $0x6, s31  }
0xaa: {  	[tilespmem:s0], [sflag:s5] =	stream.linear.gather @!p1 [hbm4b:s2+s6], $0xC8, $0x38;
	[tilespmem:$0x1D280] =	vst v63  }
0xab: {  	s0 =	sshll.u32 @!p1 s31, $0xA  }
0xac: {  	s2 =	sadd.s32 $0xFFFFFEAA, s29;
	s31 =	sadd.s32 @!p1 s26, s21;
	s29 =	sor.u32 @!p1 $0x280, s0  }
0xad: {  	[tilespmem:s29], [sflag:s5] =	stream.linear.gather @!p1 [hbm4b:s31+s6], $0x28, $0x38;
	[tilespmem:$0x1D280] =	vst v63  }
0xae: {  	s2 =	sshrl.u32 s2, $0x9;
	s29 =	sor.u32 @!p1 $0x300, s0;
	s31 =	sadd.s32 @!p1 s26, s20  }
0xaf: {  	[tilespmem:s29], [sflag:s5] =	stream.linear.gather @!p1 [hbm4b:s31+s6], $0x28, $0x38;
	[tilespmem:$0x1D280] =	vst v63  }
0xb0: {  	s2 =	sand.u32 $0x7F, s2;
	s29 =	sor.u32 @!p1 $0x380, s0;
	s31 =	sadd.s32 @!p1 s26, s19  }
0xb1: {  	[tilespmem:s29], [sflag:s5] =	stream.linear.gather @!p1 [hbm4b:s31+s6], $0x28, $0x38;
	[tilespmem:$0x1D280] =	vst v63  }
0xb2: {  	s2 =	smul.u32 $0x3, s2;
	s29 =	sadd.s32 @!p1 $0x400, s0;
	s31 =	sadd.s32 @!p1 s26, s18  }
0xb3: {  	[tilespmem:s29], [sflag:s5] =	stream.linear.gather @!p1 [hbm4b:s31+s6], $0x28, $0x38;
	[tilespmem:$0x1D280] =	vst v63  }
0xb4: {  	s2 =	ssub.s32 s30, s2;
	s0 =	sadd.s32 @!p1 $0x480, s0;
	s29 =	sadd.s32 @!p1 s26, s17  }
0xb5: {  	[tilespmem:s0], [sflag:s5] =	stream.linear.gather @!p1 [hbm4b:s29+s6], $0x28, $0x38;
	[tilespmem:$0x1D280] =	vst v63  }
0xb6: {  	s30 =	sand.u32 $0xFF, s2;
	_ =	swait.ge [sflag:s14], $0x1400  }
0xb7: {  	s29 =	sshll.u32 s30, $0xA;
	[sflag:s14] =	ssyncset.done $0x0  }
0xb8: {  	s0 =	sor.u32 $0x280, s29;
	[sflag:s14] =	ssyncadd.s32 $0xFFFFEC00  }
0xb9: {  	[spmem:s1] =	stream.indirect.scatter.add.f32 [tilespmem:s10], [sflag:$0x9], $0x80, s0, s9, $0xb8;
	[tilespmem:$0x1D280] =	vst v63  }
0xba: {  	_ =	swait.ge [sflag:s8], $0x1400  }
0xbb: {  	[sflag:s8] =	ssyncset.done $0x0  }
0xbc: {  	s0 =	simm.s32 @p0 $0x2;
	[sflag:s8] =	ssyncadd.s32 $0xFFFFEC00  }
0xbd: {  	_ =	swait.ge @p0 [sflag:s0], $0x1400  }
0xbe: {  	s2 =	simm.s32 @p0 $0x28;
	[sflag:s0] =	ssyncset.done @p0 $0x0  }
0xbf: {  	s5 =	simm.s32 @p0 $0x2280;
	[sflag:s0] =	ssyncadd.s32 @p0 $0xFFFFEC00;
	s0 =	sadd.s32 @p0 $0x300, s29  }
0xc0: {  	[spmem:s1] =	stream.indirect.scatter.add.f32 @p0 [tilespmem:s5], [sflag:$0x9], $0x80, s0, s2, $0xb8;
	[tilespmem:$0x1D280] =	vst v63  }
0xc1: {  	s0 =	simm.s32 @p0 $0x9  }
0xc2: {  	s5 =	smul.u32 @!p0 $0x320, s28;
	_ =	swait.ge @p0 [sflag:s0], $0x1400  }
0xc3: {  	s6 =	simm.s32 @!p0 $0x28;
	[sflag:s0] =	ssyncset.done @p0 $0x0  }
0xc4: {  	s28 =	simm.s32 @!p0 $0xE80;
	s5 =	sshrl.u32 @!p0 s5, $0x2;
	[sflag:s0] =	ssyncadd.s32 @p0 $0xFFFFEC00  }
0xc5: {  	[tilespmem:s28], [sflag:$0x1] =	stream.indirect.gather @!p0 [hbm4b:s4+s6], $0x80, s5, s6, $0xb8;
	[tilespmem:$0x1D280] =	vst v63  }
0xc6: {  	s28 =	simm.s32 @!p0 $0x2  }
0xc7: {  	_ =	swait.ge @!p0 [sflag:s28], $0x1400  }
0xc8: {  	[sflag:s28] =	ssyncset.done @!p0 $0x0  }
0xc9: {  	s30 =	simm.s32 @!p0 $0x2280;
	[sflag:s28] =	ssyncadd.s32 @!p0 $0xFFFFEC00;
	s28 =	sadd.s32 @!p0 $0x300, s29  }
0xca: {  	[spmem:s1] =	stream.indirect.scatter.add.f32 @!p0 [tilespmem:s30], [sflag:$0x9], $0x80, s28, s6, $0xb8;
	[tilespmem:$0x1D280] =	vst v63  }
0xcb: {  	s28 =	simm.s32 @!p0 $0x9  }
0xcc: {  	_ =	swait.ge @!p0 [sflag:s28], $0x1400  }
0xcd: {  	[sflag:s28] =	ssyncset.done @!p0 $0x0  }
0xce: {  	s31 =	sadd.s32 @!p0 $0x28, s5;
	[sflag:s28] =	ssyncadd.s32 @!p0 $0xFFFFEC00  }
0xcf: {  	[tilespmem:s30], [sflag:$0x2] =	stream.indirect.gather @!p0 [hbm4b:s4+s6], $0x80, s31, s6, $0xb8;
	[tilespmem:$0x1D280] =	vst v63  }
0xd0: {  	_ =	swait.ge [sflag:s15], $0x1400  }
0xd1: {  	[sflag:s15] =	ssyncset.done $0x0  }
0xd2: {  	s31 =	sadd.s32 $0x380, s29;
	[sflag:s15] =	ssyncadd.s32 $0xFFFFEC00  }
0xd3: {  	[spmem:s1] =	stream.indirect.scatter.add.f32 [tilespmem:s11], [sflag:$0x9], $0x80, s31, s9, $0xb8;
	[tilespmem:$0x1D280] =	vst v63  }
0xd4: {  	_ =	swait.ge [sflag:s8], $0x1400  }
0xd5: {  	[sflag:s8] =	ssyncset.done $0x0  }
0xd6: {  	s30 =	simm.s32 @p0 $0x4;
	[sflag:s8] =	ssyncadd.s32 $0xFFFFEC00  }
0xd7: {  	_ =	swait.ge @p0 [sflag:s30], $0x1400  }
0xd8: {  	[sflag:s30] =	ssyncset.done @p0 $0x0  }
0xd9: {  	s31 =	simm.s32 @p0 $0x4A80;
	[sflag:s30] =	ssyncadd.s32 @p0 $0xFFFFEC00;
	s30 =	sadd.s32 @p0 $0x400, s29  }
0xda: {  	[spmem:s1] =	stream.indirect.scatter.add.f32 @p0 [tilespmem:s31], [sflag:$0x9], $0x80, s30, s2, $0xb8;
	[tilespmem:$0x1D280] =	vst v63  }
0xdb: {  	_ =	swait.ge @p0 [sflag:s0], $0x1400  }
0xdc: {  	[sflag:s0] =	ssyncset.done @p0 $0x0  }
0xdd: {  	s2 =	simm.s32 @!p0 $0x3680;
	[sflag:s0] =	ssyncadd.s32 @p0 $0xFFFFEC00;
	s0 =	sadd.s32 @!p0 $0x50, s5  }
0xde: {  	[tilespmem:s2], [sflag:$0x3] =	stream.indirect.gather @!p0 [hbm4b:s4+s6], $0x80, s0, s6, $0xb8;
	[tilespmem:$0x1D280] =	vst v63  }
0xdf: {  	s0 =	simm.s32 @!p0 $0x4  }
0xe0: {  	_ =	swait.ge @!p0 [sflag:s0], $0x1400  }
0xe1: {  	[sflag:s0] =	ssyncset.done @!p0 $0x0  }
0xe2: {  	s2 =	simm.s32 @!p0 $0x4A80;
	[sflag:s0] =	ssyncadd.s32 @!p0 $0xFFFFEC00;
	s0 =	sadd.s32 @!p0 $0x400, s29  }
0xe3: {  	[spmem:s1] =	stream.indirect.scatter.add.f32 @!p0 [tilespmem:s2], [sflag:$0x9], $0x80, s0, s6, $0xb8;
	[tilespmem:$0x1D280] =	vst v63  }
0xe4: {  	_ =	swait.ge @!p0 [sflag:s28], $0x1400  }
0xe5: {  	[sflag:s28] =	ssyncset.done @!p0 $0x0  }
0xe6: {  	s0 =	sadd.s32 @!p0 $0x78, s5;
	[sflag:s28] =	ssyncadd.s32 @!p0 $0xFFFFEC00  }
0xe7: {  	[tilespmem:s2], [sflag:$0x4] =	stream.indirect.gather @!p0 [hbm4b:s4+s6], $0x80, s0, s6, $0xb8;
	[tilespmem:$0x1D280] =	vst v63  }
0xe8: {  	s26 =	sadd.s32 @!p0 $0x19, s26;
	_ =	swait.ge [sflag:s22], $0x1400  }
0xe9: {  	p1 =	sne.s32 @!p0 s26, $0x4E2;
	[sflag:s22] =	ssyncset.done $0x0  }
0xea: {  	p1 =	por p0, !p1;
	s31 =	sadd.s32 $0x480, s29;
	[sflag:s22] =	ssyncadd.s32 $0xFFFFEC00  }
0xeb: {  	[spmem:s1] =	stream.indirect.scatter.add.f32 [tilespmem:s12], [sflag:$0x9], $0x80, s31, s9, $0xb8;
	[tilespmem:$0x1D280] =	vst v63  }
.Ltmp1:
0xec: {  	_ = 	snop;
	(pc) =	sbr.rel @!p1 .LBB2_4-.Ltmp1, $4  }
0xed: {  	_ =	swait.ge [sflag:s8], $0x1400  }
0xee: {  	s25 =	sadd.s32 @!p0 $0x1, s25;
	[sflag:s8] =	ssyncset.done $0x0  }
0xef: {  	s0 =	sadd.s32 @!p0 $0xA0, s5;
	s2 =	simm.s32 @!p0 $0x5E80;
	[sflag:s8] =	ssyncadd.s32 $0xFFFFEC00  }
0xf0: {  	[tilespmem:s2], [sflag:$0x5] =	stream.indirect.gather @!p0 [hbm4b:s4+s6], $0x80, s0, s6, $0xb8;
	[tilespmem:$0x1D280] =	vst v63  }
0xf1: {  	s0 =	stileid.u32  }
0xf2: {  	[bflag:$0x0] =	sbarrier.arrive $0xFFFF;
	s0 =	sshll.u32 s0, $0x6  }
0xf3: {  	s2 =	sshrl.u32 s23, $0x3;
	s5 =	rddreg [dreg:$0xf];
	s0 =	sor.u32 $0x1C09, s0  }
0xf4: {  	[hbm:s5], [sflag:s0] =	dma.local [spmem:s2], $0x2800  }
0xf5: {  	_ =	swait.ge [sflag:s8], $0x2800  }
0xf6: {  	s24 =	sadd.s32 $0x1, s24;
	s31 =	rddreg [dreg:$0x10]  }
0xf7: {  	p0 =	sne.s32 s24, s31  }
.Ltmp2:
0xf8: {  	_ = 	snop;
	(pc) =	sbr.rel @p0 .LBB2_1-.Ltmp2, $3  }
0xf9: {  	_ =	sdelay $0x1  }
0xfa: {  	[sflag:s8] =	ssyncset.done $0x0  }
0xfb: {  	[sflag:s8] =	ssyncadd.s32 $0xFFFFD800  }
0xfc: {  	_ =	sfence.sel $0x180000  }
0xfd: {  	[bflag:$0x0] =	sbarrier.arrive $0xFFFF  }
0xfe: {  	_ =	strace $0x9000004A  }
0xff: {  	s0 =	stileid.u32;
	[bflag:$0x2] =	sbarrier.arrive $0xFFFF  }
0x100: {  	p0 =	sne.s32 s0, $0x0;
	s0 =	rddreg [dreg:$0x2]  }
0x101: {  	s0 =	sadd.s32 @!p0 $0x100000, s0  }
0x102: {  	[sflag:s0] =	ssyncadd.tile.s32 @!p0 $0x1;
	_ =	shalt  }
.Lfunc_end2:
_tile_overlayer_lowered:
.L_overlay_start_2:
0x103: {  	(tag) =	ssettag $0x2  }
0x104: {  	s0 =	rddreg [dreg:$0x0];
	s2 =	stileid.u32  }
0x105: {  	s1 =	rddreg [dreg:$0x1];
	p0 =	sne.s32 s2, $0x0  }
0x106: {  	s3 =	rddreg [dreg:$0x2];
	[bflag:$0x3] =	sbarrier.arrive $0xFFFF;
	s2 =	simm.s32 @!p0 $0x1C09  }
0x107: {  	[timem:s3], [sflag:s2] =	dma.local @!p0 [hbm:s0], s1  }
0x108: {  	s0 =	simm.s32 @!p0 $0x9  }
0x109: {  	_ =	swait.ge @!p0 [sflag:s0], s1  }
0x10a: {  	s1 =	ssub.s32 @!p0 $0x0, s1;
	[sflag:s0] =	ssyncset.done @!p0 $0x0  }
0x10b: {  	[sflag:s0] =	ssyncadd.s32 @!p0 s1  }
0x10c: {  	[bflag:$0x3] =	sbarrier.arrive $0xFFFF  }
0x10d: {  	_ =	shalt  }

</sc_bundles>
